<compile_context>
chip_gen: v7x
topology: tpu7x:2x2x1
jax: 0.10.2.dev20260603
libtpu: 0.0.44.dev20260713+nightly
codegen_flags: <defaults>
</compile_context>

<pallas_src>
import functools

import jax
import jax.numpy as jnp
from jax import lax
from jax.experimental import pallas as pl
from jax.experimental.pallas import tpu as pltpu
from jax.experimental.pallas import tpu_sc as plsc

_TEMPERATURE = 1.0

_NC = 2
_NS = 16
_NW = _NC * _NS
_L = 16

_NT = 42
_NPAIRS = 4
_TS = 2 * _NPAIRS * _NT
_TC_BLOCK = 2048


def _sc_partials(logits2d, targets_flat, n_rows, v):
  rows_per_w = n_rows // _NW
  groups_per_w = rows_per_w // 8
  mesh = plsc.VectorSubcoreMesh(
      core_axis_name="c", subcore_axis_name="s",
      num_cores=_NC, num_subcores=_NS)

  @functools.partial(
      pl.kernel,
      out_type=(
          jax.ShapeDtypeStruct((n_rows,), jnp.float32),
          jax.ShapeDtypeStruct((n_rows,), jnp.float32),
      ),
      mesh=mesh,
      scratch_types=[
          pltpu.VMEM((8, _NT * 128), jnp.float32),
          pltpu.VMEM((8, _NT * 128), jnp.float32),
          pltpu.VMEM((rows_per_w,), jnp.int32),
          pltpu.VMEM((rows_per_w,), jnp.float32),
          pltpu.VMEM((rows_per_w,), jnp.float32),
          pltpu.SemaphoreType.DMA,
          pltpu.SemaphoreType.DMA,
      ],
      compiler_params=pltpu.CompilerParams(needs_layout_passes=False),
  )
  def partials_kernel(logits_hbm, targets_hbm, maxd_hbm, tval_hbm,
                      buf0, buf1, tvec, maxv, tvalv, sem0, sem1):
    wid = lax.axis_index("s") * _NC + lax.axis_index("c")
    row0 = wid * rows_per_w
    pltpu.sync_copy(targets_hbm.at[pl.ds(row0, rows_per_w)], tvec)
    lane = lax.iota(jnp.int32, _L)
    valid8 = lane < 8
    r_vec = lane & 7
    neg_inf = jnp.full((_L,), -jnp.inf, jnp.float32)

    def chunk_src(tr, c0):
      return logits_hbm.at[pl.ds(tr * 8, 8), pl.ds(c0 * 128, _NT * 128)]

    def process(buf, tv, c0, carry):
      accs, tval = carry
      in_chunk = (tv >= c0 * 128) & (tv < (c0 + _NT) * 128) & valid8
      col = jnp.where(in_chunk, tv - c0 * 128, 0)
      g = plsc.load_gather(buf, [r_vec, col])
      tval = jnp.maximum(tval, jnp.where(in_chunk, g, neg_inf))
      plsc.store_scatter(buf, [r_vec, col], neg_inf, mask=in_chunk)

      def body(t, a):
        new = []
        for r in range(8):
          ar = a[r]
          for u in range(2):
            for j in range(8):
              ar = jnp.maximum(
                  ar, buf[r, pl.ds((2 * t + u) * 128 + j * _L, _L)])
          new.append(ar)
        return tuple(new)

      accs = lax.fori_loop(0, _NT // 2, body, accs)
      return accs, tval

    def group_body(gi, carry):
      tr = wid * groups_per_w + gi
      tv = plsc.load_gather(tvec, [gi * 8 + r_vec])
      state = ((neg_inf,) * 8, neg_inf)
      pltpu.async_copy(chunk_src(tr, 0), buf0, sem0)

      def pair_body(k, st):
        c0a = (2 * k) * _NT
        c0b = (2 * k + 1) * _NT
        pltpu.async_copy(chunk_src(tr, c0b), buf1, sem1)
        pltpu.make_async_copy(chunk_src(tr, c0a), buf0, sem0).wait()
        st = process(buf0, tv, c0a, st)

        @pl.when(k < _NPAIRS - 1)
        def _():
          pltpu.async_copy(chunk_src(tr, c0b + _NT), buf0, sem0)

        pltpu.make_async_copy(chunk_src(tr, c0b), buf1, sem1).wait()
        return process(buf1, tv, c0b, st)

      accs, tval = lax.fori_loop(0, _NPAIRS, pair_body, state)

      maxd_vec = neg_inf
      for r in range(8):
        m = jnp.max(accs[r])
        maxd_vec = jnp.where(lane == r, jnp.full((_L,), m, jnp.float32),
                             maxd_vec)
      plsc.store_scatter(maxv, [gi * 8 + r_vec], maxd_vec, mask=valid8)
      plsc.store_scatter(tvalv, [gi * 8 + r_vec], tval, mask=valid8)
      return carry

    lax.fori_loop(0, groups_per_w, group_body, 0)
    pltpu.sync_copy(maxv, maxd_hbm.at[pl.ds(row0, rows_per_w)])
    pltpu.sync_copy(tvalv, tval_hbm.at[pl.ds(row0, rows_per_w)])

  return partials_kernel(logits2d, targets_flat)


def _tc_tail_partials(logits2d, targets, col0, v):
  n = logits2d.shape[0]
  w = v - col0
  assert col0 % _TC_BLOCK == 0
  nblocks = (w + _TC_BLOCK - 1) // _TC_BLOCK
  blk0 = col0 // _TC_BLOCK

  def body(x_ref, tgt_ref, max_ref, tval_ref, amax, atval):
    j = pl.program_id(0)

    @pl.when(j == 0)
    def _():
      amax[...] = jnp.full((n, 1), -jnp.inf, jnp.float32)
      atval[...] = jnp.full((n, 1), -jnp.inf, jnp.float32)

    x = x_ref[...]
    cols = (col0 + j * _TC_BLOCK
            + lax.broadcasted_iota(jnp.int32, (n, _TC_BLOCK), 1))
    is_t = cols == tgt_ref[...]
    oob = cols >= v
    bmax = jnp.max(jnp.where(is_t | oob, -jnp.inf, x), axis=1,
                   keepdims=True)
    btval = jnp.max(jnp.where(is_t & ~oob, x, -jnp.inf), axis=1,
                    keepdims=True)
    amax[...] = jnp.maximum(amax[...], bmax)
    atval[...] = jnp.maximum(atval[...], btval)

    @pl.when(j == nblocks - 1)
    def _():
      max_ref[...] = jnp.reshape(amax[...], (n // 128, 128))
      tval_ref[...] = jnp.reshape(atval[...], (n // 128, 128))

  return pl.pallas_call(
      body,
      grid=(nblocks,),
      in_specs=[
          pl.BlockSpec((n, _TC_BLOCK), lambda j: (0, blk0 + j)),
          pl.BlockSpec((n, 1), lambda j: (0, 0)),
      ],
      out_specs=[
          pl.BlockSpec((n // 128, 128), lambda j: (0, 0)),
          pl.BlockSpec((n // 128, 128), lambda j: (0, 0)),
      ],
      out_shape=(
          jax.ShapeDtypeStruct((n // 128, 128), jnp.float32),
          jax.ShapeDtypeStruct((n // 128, 128), jnp.float32),
      ),
      scratch_shapes=[
          pltpu.VMEM((n, 1), jnp.float32),
          pltpu.VMEM((n, 1), jnp.float32),
      ],
      compiler_params=pltpu.CompilerParams(
          dimension_semantics=("arbitrary",)),
  )(logits2d, targets.reshape(n, 1))


def _tc_combine(sc_max, sc_tval, tc_max, tc_tval):
  n = sc_max.shape[0]

  def body(a_ref, b_ref, c_ref, d_ref, o_ref):
    maxd = jnp.maximum(a_ref[...], c_ref[...])
    tval = jnp.maximum(b_ref[...], d_ref[...])
    margin = (tval - maxd) / _TEMPERATURE
    loss = -jnp.mean(jax.nn.log_sigmoid(margin))
    o_ref[...] = jnp.full((1, 1), loss, jnp.float32)

  out = pl.pallas_call(
      body,
      out_shape=jax.ShapeDtypeStruct((1, 1), jnp.float32),
  )(sc_max.reshape(n // 128, 128), sc_tval.reshape(n // 128, 128),
    tc_max, tc_tval)
  return out[0, 0]


@jax.jit
def kernel(logits, target_positions):
  b, t, v = logits.shape
  k = target_positions.shape[1]
  n = b * k
  logits2d = logits[:, :k, :].reshape(n, v)
  tflat = target_positions.reshape(-1).astype(jnp.int32)
  sc_max, sc_tval = _sc_partials(logits2d, tflat, n, v)
  tc_max, tc_tval = _tc_tail_partials(logits2d, tflat, 128 * _TS, v)
  return _tc_combine(sc_max, sc_tval, tc_max, tc_tval)

# --- scband reference (transcript-rebuilt; emitter-appended) ---
"""Pipeline reference for scband-margin-maximization-loss-62328565400269 (READ-ONLY COPY).

The authoritative reference and input builder live on the scoring server;
editing this copy changes nothing except your own understanding.
"""

import jax, jax.numpy as jnp
import numpy as np

TEMPERATURE = 1.0
HARD_NEGATIVE_WEIGHT = 1.0


def setup_inputs(seed: int = 0) -> dict:
    key = jax.random.key(seed)
    k1, k2 = jax.random.split(key)
    logits = jax.random.normal(k1, (32, 32, 100000), dtype=jnp.float32)
    target_positions = jax.random.randint(k2, (32, 32), 0, 100000, dtype=jnp.int32)
    return {"logits": logits, "target_positions": target_positions}


def reference(logits, target_positions):
    # distractor_positions=None, return_margin=False path
    B, T, V = logits.shape
    k = target_positions.shape[1]
    logits_subset = logits[:, :k, :]
    # gather target logits: [B, k]
    target_logits = jnp.take_along_axis(
        logits_subset, target_positions[..., None], axis=-1
    )[..., 0]
    # mask out target positions (scatter-overwrite with -inf), then max over vocab
    rows = jnp.arange(B)[:, None]
    cols = jnp.arange(k)[None, :]
    masked_logits = logits_subset.at[rows, cols, target_positions].set(-jnp.inf)
    max_distractor = jnp.max(masked_logits, axis=-1)
    margin = (target_logits - max_distractor) / TEMPERATURE
    loss = -jnp.mean(jax.nn.log_sigmoid(margin))
    return loss

if __name__ == "__main__":
    import jax
    _d = setup_inputs()
    print(jax.jit(kernel)(*tuple(_d.values())))

</pallas_src>

<mosaic_0001>
#map = affine_map<(d0, d1) -> (0, 0)>
#map1 = affine_map<(d0, d1) -> (0)>
module attributes {stable_mosaic.version = 14 : i64} {
  func.func @partials_kernel(%arg0: i32, %arg1: i32, %arg2: memref<1024x100000xf32, #tpu.memory_space<hbm>>, %arg3: memref<1024xi32, #tpu.memory_space<hbm>>, %arg4: memref<1024xf32, #tpu.memory_space<hbm>>, %arg5: memref<1024xf32, #tpu.memory_space<hbm>>, %arg6: memref<8x5376xf32, #tpu.memory_space<vmem>>, %arg7: memref<8x5376xf32, #tpu.memory_space<vmem>>, %arg8: memref<32xi32, #tpu.memory_space<vmem>>, %arg9: memref<32xf32, #tpu.memory_space<vmem>>, %arg10: memref<32xf32, #tpu.memory_space<vmem>>, %arg11: memref<!tpu.dma_semaphore, #tpu.memory_space<semaphore_mem>>, %arg12: memref<!tpu.dma_semaphore, #tpu.memory_space<semaphore_mem>>) attributes {dimension_semantics = [#tpu.dimension_semantics<core_parallel>, #tpu.dimension_semantics<subcore_parallel>], iteration_bounds = array<i64: 2, 16>, scalar_prefetch = 0 : i64, scratch_operands = 7 : i64, tpu.core_type = #tpu.core_type<sc_vector_subcore>, window_params = [{transform_indices = #map}, {transform_indices = #map1}, {transform_indices = #map1}, {transform_indices = #map1}]} {
    %mul3A = arith.constant 2 : i32
    %mul3A_0 = arith.muli %arg1, %mul3A : i32
    %add3A = arith.addi %mul3A_0, %arg0 : i32
    %mul3A_1 = arith.constant 32 : i32
    %mul3A_2 = arith.muli %add3A, %mul3A_1 : i32
    "tpu.region"() ({
      %run_scoped3A = tpu.sem_alloc : memref<!tpu.dma_semaphore, #tpu.memory_space<semaphore_mem>>
      %dma_start3A = tpu.memref_slice %arg3[%mul3A_2] : memref<1024xi32, #tpu.memory_space<hbm>> -> memref<32xi32, #tpu.memory_space<hbm>>
      %dma_start3A_13 = tpu.memref_slice %arg3[%mul3A_2] : memref<1024xi32, #tpu.memory_space<hbm>> -> memref<32xi32, #tpu.memory_space<hbm>>
      tpu.enqueue_dma source(%dma_start3A_13 : memref<32xi32, #tpu.memory_space<hbm>>) target(%arg8 : memref<32xi32, #tpu.memory_space<vmem>>) target_semaphore(%run_scoped3A : memref<!tpu.dma_semaphore, #tpu.memory_space<semaphore_mem>>)
      %dma_wait3A = tpu.memref_slice %arg3[%mul3A_2] : memref<1024xi32, #tpu.memory_space<hbm>> -> memref<32xi32, #tpu.memory_space<hbm>>
      %dma_wait3A_14 = tpu.memref_slice %arg3[%mul3A_2] : memref<1024xi32, #tpu.memory_space<hbm>> -> memref<32xi32, #tpu.memory_space<hbm>>
      tpu.wait_dma2 semaphore(%run_scoped3A : memref<!tpu.dma_semaphore, #tpu.memory_space<semaphore_mem>>) src(%dma_wait3A_14 : memref<32xi32, #tpu.memory_space<hbm>>) dst(%arg8 : memref<32xi32, #tpu.memory_space<vmem>>)
      tpu.yield
    }) : () -> ()
    %iota3A = tpu.iota {dimensions = array<i32: 0>} : vector<16xi32>
    %lt3A = arith.constant 8 : i32
    %lt3A_3 = vector.broadcast %lt3A : i32 to vector<16xi32>
    %lt3A_4 = arith.cmpi slt, %iota3A, %lt3A_3 : vector<16xi32>
    %and3A = arith.constant 7 : i32
    %and3A_5 = vector.broadcast %and3A : i32 to vector<16xi32>
    %and3A_6 = arith.andi %iota3A, %and3A_5 : vector<16xi32>
    %broadcast_in_dim3A = arith.constant 0xFF800000 : f32
    %broadcast_in_dim3A_7 = vector.broadcast %broadcast_in_dim3A : f32 to vector<16xf32>
    %scan3A = arith.constant 0 : i32
    %scan3A_8 = arith.constant 0 : i32
    %scan3A_9 = arith.constant 4 : i32
    %scan3A_10 = arith.addi %scan3A_8, %scan3A_9 : i32
    %scan3A_11 = arith.constant 1 : i32
    scf.for %scan3A_13 = %scan3A_8 to %scan3A_10 step %scan3A_11  : i32 {
      %mul3A_14 = arith.constant 4 : i32
      %mul3A_15 = arith.muli %add3A, %mul3A_14 : i32
      %add3A_16 = arith.addi %mul3A_15, %scan3A_13 : i32
      %mul3A_17 = arith.constant 8 : i32
      %mul3A_18 = arith.muli %scan3A_13, %mul3A_17 : i32
      %add3A_19 = vector.broadcast %mul3A_18 : i32 to vector<16xi32>
      %add3A_20 = arith.addi %add3A_19, %and3A_6 : vector<16xi32>
      %gather3A = tpu.vector_load_idx %arg8[%add3A_20] : memref<32xi32, #tpu.memory_space<vmem>>[vector<16xi32>], vector<16xi32>,
      %mul3A_21 = arith.constant 8 : i32
      %mul3A_22 = arith.muli %add3A_16, %mul3A_21 : i32
      %dma_start3A = arith.constant 0 : i32
      %dma_start3A_23 = tpu.memref_slice %arg2[%mul3A_22, %dma_start3A] : memref<1024x100000xf32, #tpu.memory_space<hbm>> -> memref<8x5376xf32, #tpu.memory_space<hbm>>
      %dma_start3A_24 = arith.constant 0 : i32
      %dma_start3A_25 = tpu.memref_slice %arg2[%mul3A_22, %dma_start3A_24] : memref<1024x100000xf32, #tpu.memory_space<hbm>> -> memref<8x5376xf32, #tpu.memory_space<hbm>>
      tpu.enqueue_dma source(%dma_start3A_25 : memref<8x5376xf32, #tpu.memory_space<hbm>>) target(%arg6 : memref<8x5376xf32, #tpu.memory_space<vmem>>) target_semaphore(%arg11 : memref<!tpu.dma_semaphore, #tpu.memory_space<semaphore_mem>>)
      %scan3A_26 = arith.constant 0 : i32
      %scan3A_27 = arith.constant 4 : i32
      %scan3A_28 = arith.addi %scan3A_26, %scan3A_27 : i32
      %scan3A_29 = arith.constant 1 : i32
      %scan3A_30:9 = scf.for %scan3A_109 = %scan3A_26 to %scan3A_28 step %scan3A_29 iter_args(%scan3A_110 = %broadcast_in_dim3A_7, %scan3A_111 = %broadcast_in_dim3A_7, %scan3A_112 = %broadcast_in_dim3A_7, %scan3A_113 = %broadcast_in_dim3A_7, %scan3A_114 = %broadcast_in_dim3A_7, %scan3A_115 = %broadcast_in_dim3A_7, %scan3A_116 = %broadcast_in_dim3A_7, %scan3A_117 = %broadcast_in_dim3A_7, %scan3A_118 = %broadcast_in_dim3A_7) -> (vector<16xf32>, vector<16xf32>, vector<16xf32>, vector<16xf32>, vector<16xf32>, vector<16xf32>, vector<16xf32>, vector<16xf32>, vector<16xf32>)  : i32 {
        %mul3A_119 = arith.constant 2 : i32
        %mul3A_120 = arith.muli %mul3A_119, %scan3A_109 : i32
        %mul3A_121 = arith.constant 42 : i32
        %mul3A_122 = arith.muli %mul3A_120, %mul3A_121 : i32
        %mul3A_123 = arith.constant 2 : i32
        %mul3A_124 = arith.muli %mul3A_123, %scan3A_109 : i32
        %add3A_125 = arith.constant 1 : i32
        %add3A_126 = arith.addi %mul3A_124, %add3A_125 : i32
        %mul3A_127 = arith.constant 42 : i32
        %mul3A_128 = arith.muli %add3A_126, %mul3A_127 : i32
        %mul3A_129 = arith.constant 8 : i32
        %mul3A_130 = arith.muli %add3A_16, %mul3A_129 : i32
        %mul3A_131 = arith.constant 128 : i32
        %mul3A_132 = arith.muli %mul3A_128, %mul3A_131 : i32
        %dma_start3A_133 = tpu.memref_slice %arg2[%mul3A_130, %mul3A_132] : memref<1024x100000xf32, #tpu.memory_space<hbm>> -> memref<8x5376xf32, #tpu.memory_space<hbm>>
        %dma_start3A_134 = tpu.memref_slice %arg2[%mul3A_130, %mul3A_132] : memref<1024x100000xf32, #tpu.memory_space<hbm>> -> memref<8x5376xf32, #tpu.memory_space<hbm>>
        tpu.enqueue_dma source(%dma_start3A_134 : memref<8x5376xf32, #tpu.memory_space<hbm>>) target(%arg7 : memref<8x5376xf32, #tpu.memory_space<vmem>>) target_semaphore(%arg12 : memref<!tpu.dma_semaphore, #tpu.memory_space<semaphore_mem>>)
        %mul3A_135 = arith.constant 8 : i32
        %mul3A_136 = arith.muli %add3A_16, %mul3A_135 : i32
        %mul3A_137 = arith.constant 128 : i32
        %mul3A_138 = arith.muli %mul3A_122, %mul3A_137 : i32
        %dma_wait3A = tpu.memref_slice %arg2[%mul3A_136, %mul3A_138] : memref<1024x100000xf32, #tpu.memory_space<hbm>> -> memref<8x5376xf32, #tpu.memory_space<hbm>>
        %dma_wait3A_139 = tpu.memref_slice %arg2[%mul3A_136, %mul3A_138] : memref<1024x100000xf32, #tpu.memory_space<hbm>> -> memref<8x5376xf32, #tpu.memory_space<hbm>>
        tpu.wait_dma2 semaphore(%arg11 : memref<!tpu.dma_semaphore, #tpu.memory_space<semaphore_mem>>) src(%dma_wait3A_139 : memref<8x5376xf32, #tpu.memory_space<hbm>>) dst(%arg6 : memref<8x5376xf32, #tpu.memory_space<vmem>>)
        %mul3A_140 = arith.constant 128 : i32
        %mul3A_141 = arith.muli %mul3A_122, %mul3A_140 : i32
        %ge3A = vector.broadcast %mul3A_141 : i32 to vector<16xi32>
        %ge3A_142 = arith.cmpi sge, %gather3A, %ge3A : vector<16xi32>
        %add3A_143 = arith.constant 42 : i32
        %add3A_144 = arith.addi %mul3A_122, %add3A_143 : i32
        %mul3A_145 = arith.constant 128 : i32
        %mul3A_146 = arith.muli %add3A_144, %mul3A_145 : i32
        %lt3A_147 = vector.broadcast %mul3A_146 : i32 to vector<16xi32>
        %lt3A_148 = arith.cmpi slt, %gather3A, %lt3A_147 : vector<16xi32>
        %and3A_149 = arith.andi %ge3A_142, %lt3A_148 : vector<16xi1>
        %and3A_150 = arith.andi %and3A_149, %lt3A_4 : vector<16xi1>
        %mul3A_151 = arith.constant 128 : i32
        %mul3A_152 = arith.muli %mul3A_122, %mul3A_151 : i32
        %sub3A = vector.broadcast %mul3A_152 : i32 to vector<16xi32>
        %sub3A_153 = arith.subi %gather3A, %sub3A : vector<16xi32>
        %jit3A = arith.constant 0 : i32
        %broadcast_in_dim3A_154 = vector.broadcast %jit3A : i32 to vector<16xi32>
        %select_n3A_155 = arith.select %and3A_150, %sub3A_153, %broadcast_in_dim3A_154 : vector<16xi1>, vector<16xi32>
        %gather3A_156 = tpu.vector_load_idx %arg6[%and3A_6, %select_n3A_155] : memref<8x5376xf32, #tpu.memory_space<vmem>>[vector<16xi32>, vector<16xi32>], vector<16xf32>,
        %select_n3A_157 = arith.select %and3A_150, %gather3A_156, %broadcast_in_dim3A_7 : vector<16xi1>, vector<16xf32>
        %max3A = arith.maximumf %scan3A_118, %select_n3A_157 : vector<16xf32>
        tpu.vector_store_idx %arg6[%and3A_6, %select_n3A_155], %broadcast_in_dim3A_7 masked %and3A_150 : memref<8x5376xf32, #tpu.memory_space<vmem>>[vector<16xi32>, vector<16xi32>], vector<16xf32>, vector<16xi1>
        %scan3A_158 = arith.constant 0 : i32
        %scan3A_159 = arith.constant 21 : i32
        %scan3A_160 = arith.addi %scan3A_158, %scan3A_159 : i32
        %scan3A_161 = arith.constant 1 : i32
        %scan3A_162:8 = scf.for %scan3A_201 = %scan3A_158 to %scan3A_160 step %scan3A_161 iter_args(%scan3A_202 = %scan3A_110, %scan3A_203 = %scan3A_111, %scan3A_204 = %scan3A_112, %scan3A_205 = %scan3A_113, %scan3A_206 = %scan3A_114, %scan3A_207 = %scan3A_115, %scan3A_208 = %scan3A_116, %scan3A_209 = %scan3A_117) -> (vector<16xf32>, vector<16xf32>, vector<16xf32>, vector<16xf32>, vector<16xf32>, vector<16xf32>, vector<16xf32>, vector<16xf32>)  : i32 {
          %mul3A_210 = arith.constant 2 : i32
          %mul3A_211 = arith.muli %mul3A_210, %scan3A_201 : i32
          %add3A_212 = arith.constant 0 : i32
          %add3A_213 = arith.addi %mul3A_211, %add3A_212 : i32
          %mul3A_214 = arith.constant 128 : i32
          %mul3A_215 = arith.muli %add3A_213, %mul3A_214 : i32
          %add3A_216 = arith.constant 0 : i32
          %add3A_217 = arith.addi %mul3A_215, %add3A_216 : i32
          %get3A = arith.constant 0 : i32
          %get3A_218 = arith.index_cast %get3A : i32 to index
          %get3A_219 = arith.index_cast %add3A_217 : i32 to index
          %get3A_220 = tpu.vector_load %arg6[%get3A_218, %get3A_219] {strides = array<i32>} : memref<8x5376xf32, #tpu.memory_space<vmem>>, vector<16xf32>,
          %max3A_221 = arith.maximumf %scan3A_202, %get3A_220 : vector<16xf32>
          %mul3A_222 = arith.constant 2 : i32
          %mul3A_223 = arith.muli %mul3A_222, %scan3A_201 : i32
          %add3A_224 = arith.constant 0 : i32
          %add3A_225 = arith.addi %mul3A_223, %add3A_224 : i32
          %mul3A_226 = arith.constant 128 : i32
          %mul3A_227 = arith.muli %add3A_225, %mul3A_226 : i32
          %add3A_228 = arith.constant 16 : i32
          %add3A_229 = arith.addi %mul3A_227, %add3A_228 : i32
          %get3A_230 = arith.constant 0 : i32
          %get3A_231 = arith.index_cast %get3A_230 : i32 to index
          %get3A_232 = arith.index_cast %add3A_229 : i32 to index
          %get3A_233 = tpu.vector_load %arg6[%get3A_231, %get3A_232] {strides = array<i32>} : memref<8x5376xf32, #tpu.memory_space<vmem>>, vector<16xf32>,
          %max3A_234 = arith.maximumf %max3A_221, %get3A_233 : vector<16xf32>
          %mul3A_235 = arith.constant 2 : i32
          %mul3A_236 = arith.muli %mul3A_235, %scan3A_201 : i32
          %add3A_237 = arith.constant 0 : i32
          %add3A_238 = arith.addi %mul3A_236, %add3A_237 : i32
          %mul3A_239 = arith.constant 128 : i32
          %mul3A_240 = arith.muli %add3A_238, %mul3A_239 : i32
          %add3A_241 = arith.constant 32 : i32
          %add3A_242 = arith.addi %mul3A_240, %add3A_241 : i32
          %get3A_243 = arith.constant 0 : i32
          %get3A_244 = arith.index_cast %get3A_243 : i32 to index
          %get3A_245 = arith.index_cast %add3A_242 : i32 to index
          %get3A_246 = tpu.vector_load %arg6[%get3A_244, %get3A_245] {strides = array<i32>} : memref<8x5376xf32, #tpu.memory_space<vmem>>, vector<16xf32>,
          %max3A_247 = arith.maximumf %max3A_234, %get3A_246 : vector<16xf32>
          %mul3A_248 = arith.constant 2 : i32
          %mul3A_249 = arith.muli %mul3A_248, %scan3A_201 : i32
          %add3A_250 = arith.constant 0 : i32
          %add3A_251 = arith.addi %mul3A_249, %add3A_250 : i32
          %mul3A_252 = arith.constant 128 : i32
          %mul3A_253 = arith.muli %add3A_251, %mul3A_252 : i32
          %add3A_254 = arith.constant 48 : i32
          %add3A_255 = arith.addi %mul3A_253, %add3A_254 : i32
          %get3A_256 = arith.constant 0 : i32
          %get3A_257 = arith.index_cast %get3A_256 : i32 to index
          %get3A_258 = arith.index_cast %add3A_255 : i32 to index
          %get3A_259 = tpu.vector_load %arg6[%get3A_257, %get3A_258] {strides = array<i32>} : memref<8x5376xf32, #tpu.memory_space<vmem>>, vector<16xf32>,
          %max3A_260 = arith.maximumf %max3A_247, %get3A_259 : vector<16xf32>
          %mul3A_261 = arith.constant 2 : i32
          %mul3A_262 = arith.muli %mul3A_261, %scan3A_201 : i32
          %add3A_263 = arith.constant 0 : i32
          %add3A_264 = arith.addi %mul3A_262, %add3A_263 : i32
          %mul3A_265 = arith.constant 128 : i32
          %mul3A_266 = arith.muli %add3A_264, %mul3A_265 : i32
          %add3A_267 = arith.constant 64 : i32
          %add3A_268 = arith.addi %mul3A_266, %add3A_267 : i32
          %get3A_269 = arith.constant 0 : i32
          %get3A_270 = arith.index_cast %get3A_269 : i32 to index
          %get3A_271 = arith.index_cast %add3A_268 : i32 to index
          %get3A_272 = tpu.vector_load %arg6[%get3A_270, %get3A_271] {strides = array<i32>} : memref<8x5376xf32, #tpu.memory_space<vmem>>, vector<16xf32>,
          %max3A_273 = arith.maximumf %max3A_260, %get3A_272 : vector<16xf32>
          %mul3A_274 = arith.constant 2 : i32
          %mul3A_275 = arith.muli %mul3A_274, %scan3A_201 : i32
          %add3A_276 = arith.constant 0 : i32
          %add3A_277 = arith.addi %mul3A_275, %add3A_276 : i32
          %mul3A_278 = arith.constant 128 : i32
          %mul3A_279 = arith.muli %add3A_277, %mul3A_278 : i32
          %add3A_280 = arith.constant 80 : i32
          %add3A_281 = arith.addi %mul3A_279, %add3A_280 : i32
          %get3A_282 = arith.constant 0 : i32
          %get3A_283 = arith.index_cast %get3A_282 : i32 to index
          %get3A_284 = arith.index_cast %add3A_281 : i32 to index
          %get3A_285 = tpu.vector_load %arg6[%get3A_283, %get3A_284] {strides = array<i32>} : memref<8x5376xf32, #tpu.memory_space<vmem>>, vector<16xf32>,
          %max3A_286 = arith.maximumf %max3A_273, %get3A_285 : vector<16xf32>
          %mul3A_287 = arith.constant 2 : i32
          %mul3A_288 = arith.muli %mul3A_287, %scan3A_201 : i32
          %add3A_289 = arith.constant 0 : i32
          %add3A_290 = arith.addi %mul3A_288, %add3A_289 : i32
          %mul3A_291 = arith.constant 128 : i32
          %mul3A_292 = arith.muli %add3A_290, %mul3A_291 : i32
          %add3A_293 = arith.constant 96 : i32
          %add3A_294 = arith.addi %mul3A_292, %add3A_293 : i32
          %get3A_295 = arith.constant 0 : i32
          %get3A_296 = arith.index_cast %get3A_295 : i32 to index
          %get3A_297 = arith.index_cast %add3A_294 : i32 to index
          %get3A_298 = tpu.vector_load %arg6[%get3A_296, %get3A_297] {strides = array<i32>} : memref<8x5376xf32, #tpu.memory_space<vmem>>, vector<16xf32>,
          %max3A_299 = arith.maximumf %max3A_286, %get3A_298 : vector<16xf32>
          %mul3A_300 = arith.constant 2 : i32
          %mul3A_301 = arith.muli %mul3A_300, %scan3A_201 : i32
          %add3A_302 = arith.constant 0 : i32
          %add3A_303 = arith.addi %mul3A_301, %add3A_302 : i32
          %mul3A_304 = arith.constant 128 : i32
          %mul3A_305 = arith.muli %add3A_303, %mul3A_304 : i32
          %add3A_306 = arith.constant 112 : i32
          %add3A_307 = arith.addi %mul3A_305, %add3A_306 : i32
          %get3A_308 = arith.constant 0 : i32
          %get3A_309 = arith.index_cast %get3A_308 : i32 to index
          %get3A_310 = arith.index_cast %add3A_307 : i32 to index
          %get3A_311 = tpu.vector_load %arg6[%get3A_309, %get3A_310] {strides = array<i32>} : memref<8x5376xf32, #tpu.memory_space<vmem>>, vector<16xf32>,
          %max3A_312 = arith.maximumf %max3A_299, %get3A_311 : vector<16xf32>
          %mul3A_313 = arith.constant 2 : i32
          %mul3A_314 = arith.muli %mul3A_313, %scan3A_201 : i32
          %add3A_315 = arith.constant 1 : i32
          %add3A_316 = arith.addi %mul3A_314, %add3A_315 : i32
          %mul3A_317 = arith.constant 128 : i32
          %mul3A_318 = arith.muli %add3A_316, %mul3A_317 : i32
          %add3A_319 = arith.constant 0 : i32
          %add3A_320 = arith.addi %mul3A_318, %add3A_319 : i32
          %get3A_321 = arith.constant 0 : i32
          %get3A_322 = arith.index_cast %get3A_321 : i32 to index
          %get3A_323 = arith.index_cast %add3A_320 : i32 to index
          %get3A_324 = tpu.vector_load %arg6[%get3A_322, %get3A_323] {strides = array<i32>} : memref<8x5376xf32, #tpu.memory_space<vmem>>, vector<16xf32>,
          %max3A_325 = arith.maximumf %max3A_312, %get3A_324 : vector<16xf32>
          %mul3A_326 = arith.constant 2 : i32
          %mul3A_327 = arith.muli %mul3A_326, %scan3A_201 : i32
          %add3A_328 = arith.constant 1 : i32
          %add3A_329 = arith.addi %mul3A_327, %add3A_328 : i32
          %mul3A_330 = arith.constant 128 : i32
          %mul3A_331 = arith.muli %add3A_329, %mul3A_330 : i32
          %add3A_332 = arith.constant 16 : i32
          %add3A_333 = arith.addi %mul3A_331, %add3A_332 : i32
          %get3A_334 = arith.constant 0 : i32
          %get3A_335 = arith.index_cast %get3A_334 : i32 to index
          %get3A_336 = arith.index_cast %add3A_333 : i32 to index
          %get3A_337 = tpu.vector_load %arg6[%get3A_335, %get3A_336] {strides = array<i32>} : memref<8x5376xf32, #tpu.memory_space<vmem>>, vector<16xf32>,
          %max3A_338 = arith.maximumf %max3A_325, %get3A_337 : vector<16xf32>
          %mul3A_339 = arith.constant 2 : i32
          %mul3A_340 = arith.muli %mul3A_339, %scan3A_201 : i32
          %add3A_341 = arith.constant 1 : i32
          %add3A_342 = arith.addi %mul3A_340, %add3A_341 : i32
          %mul3A_343 = arith.constant 128 : i32
          %mul3A_344 = arith.muli %add3A_342, %mul3A_343 : i32
          %add3A_345 = arith.constant 32 : i32
          %add3A_346 = arith.addi %mul3A_344, %add3A_345 : i32
          %get3A_347 = arith.constant 0 : i32
          %get3A_348 = arith.index_cast %get3A_347 : i32 to index
          %get3A_349 = arith.index_cast %add3A_346 : i32 to index
          %get3A_350 = tpu.vector_load %arg6[%get3A_348, %get3A_349] {strides = array<i32>} : memref<8x5376xf32, #tpu.memory_space<vmem>>, vector<16xf32>,
          %max3A_351 = arith.maximumf %max3A_338, %get3A_350 : vector<16xf32>
          %mul3A_352 = arith.constant 2 : i32
          %mul3A_353 = arith.muli %mul3A_352, %scan3A_201 : i32
          %add3A_354 = arith.constant 1 : i32
          %add3A_355 = arith.addi %mul3A_353, %add3A_354 : i32
          %mul3A_356 = arith.constant 128 : i32
          %mul3A_357 = arith.muli %add3A_355, %mul3A_356 : i32
          %add3A_358 = arith.constant 48 : i32
          %add3A_359 = arith.addi %mul3A_357, %add3A_358 : i32
          %get3A_360 = arith.constant 0 : i32
          %get3A_361 = arith.index_cast %get3A_360 : i32 to index
          %get3A_362 = arith.index_cast %add3A_359 : i32 to index
          %get3A_363 = tpu.vector_load %arg6[%get3A_361, %get3A_362] {strides = array<i32>} : memref<8x5376xf32, #tpu.memory_space<vmem>>, vector<16xf32>,
          %max3A_364 = arith.maximumf %max3A_351, %get3A_363 : vector<16xf32>
          %mul3A_365 = arith.constant 2 : i32
          %mul3A_366 = arith.muli %mul3A_365, %scan3A_201 : i32
          %add3A_367 = arith.constant 1 : i32
          %add3A_368 = arith.addi %mul3A_366, %add3A_367 : i32
          %mul3A_369 = arith.constant 128 : i32
          %mul3A_370 = arith.muli %add3A_368, %mul3A_369 : i32
          %add3A_371 = arith.constant 64 : i32
          %add3A_372 = arith.addi %mul3A_370, %add3A_371 : i32
          %get3A_373 = arith.constant 0 : i32
          %get3A_374 = arith.index_cast %get3A_373 : i32 to index
          %get3A_375 = arith.index_cast %add3A_372 : i32 to index
          %get3A_376 = tpu.vector_load %arg6[%get3A_374, %get3A_375] {strides = array<i32>} : memref<8x5376xf32, #tpu.memory_space<vmem>>, vector<16xf32>,
          %max3A_377 = arith.maximumf %max3A_364, %get3A_376 : vector<16xf32>
          %mul3A_378 = arith.constant 2 : i32
          %mul3A_379 = arith.muli %mul3A_378, %scan3A_201 : i32
          %add3A_380 = arith.constant 1 : i32
          %add3A_381 = arith.addi %mul3A_379, %add3A_380 : i32
          %mul3A_382 = arith.constant 128 : i32
          %mul3A_383 = arith.muli %add3A_381, %mul3A_382 : i32
          %add3A_384 = arith.constant 80 : i32
          %add3A_385 = arith.addi %mul3A_383, %add3A_384 : i32
          %get3A_386 = arith.constant 0 : i32
          %get3A_387 = arith.index_cast %get3A_386 : i32 to index
          %get3A_388 = arith.index_cast %add3A_385 : i32 to index
          %get3A_389 = tpu.vector_load %arg6[%get3A_387, %get3A_388] {strides = array<i32>} : memref<8x5376xf32, #tpu.memory_space<vmem>>, vector<16xf32>,
          %max3A_390 = arith.maximumf %max3A_377, %get3A_389 : vector<16xf32>
          %mul3A_391 = arith.constant 2 : i32
          %mul3A_392 = arith.muli %mul3A_391, %scan3A_201 : i32
          %add3A_393 = arith.constant 1 : i32
          %add3A_394 = arith.addi %mul3A_392, %add3A_393 : i32
          %mul3A_395 = arith.constant 128 : i32
          %mul3A_396 = arith.muli %add3A_394, %mul3A_395 : i32
          %add3A_397 = arith.constant 96 : i32
          %add3A_398 = arith.addi %mul3A_396, %add3A_397 : i32
          %get3A_399 = arith.constant 0 : i32
          %get3A_400 = arith.index_cast %get3A_399 : i32 to index
          %get3A_401 = arith.index_cast %add3A_398 : i32 to index
          %get3A_402 = tpu.vector_load %arg6[%get3A_400, %get3A_401] {strides = array<i32>} : memref<8x5376xf32, #tpu.memory_space<vmem>>, vector<16xf32>,
          %max3A_403 = arith.maximumf %max3A_390, %get3A_402 : vector<16xf32>
          %mul3A_404 = arith.constant 2 : i32
          %mul3A_405 = arith.muli %mul3A_404, %scan3A_201 : i32
          %add3A_406 = arith.constant 1 : i32
          %add3A_407 = arith.addi %mul3A_405, %add3A_406 : i32
          %mul3A_408 = arith.constant 128 : i32
          %mul3A_409 = arith.muli %add3A_407, %mul3A_408 : i32
          %add3A_410 = arith.constant 112 : i32
          %add3A_411 = arith.addi %mul3A_409, %add3A_410 : i32
          %get3A_412 = arith.constant 0 : i32
          %get3A_413 = arith.index_cast %get3A_412 : i32 to index
          %get3A_414 = arith.index_cast %add3A_411 : i32 to index
          %get3A_415 = tpu.vector_load %arg6[%get3A_413, %get3A_414] {strides = array<i32>} : memref<8x5376xf32, #tpu.memory_space<vmem>>, vector<16xf32>,
          %max3A_416 = arith.maximumf %max3A_403, %get3A_415 : vector<16xf32>
          %mul3A_417 = arith.constant 2 : i32
          %mul3A_418 = arith.muli %mul3A_417, %scan3A_201 : i32
          %add3A_419 = arith.constant 0 : i32
          %add3A_420 = arith.addi %mul3A_418, %add3A_419 : i32
          %mul3A_421 = arith.constant 128 : i32
          %mul3A_422 = arith.muli %add3A_420, %mul3A_421 : i32
          %add3A_423 = arith.constant 0 : i32
          %add3A_424 = arith.addi %mul3A_422, %add3A_423 : i32
          %get3A_425 = arith.constant 1 : i32
          %get3A_426 = arith.index_cast %get3A_425 : i32 to index
          %get3A_427 = arith.index_cast %add3A_424 : i32 to index
          %get3A_428 = tpu.vector_load %arg6[%get3A_426, %get3A_427] {strides = array<i32>} : memref<8x5376xf32, #tpu.memory_space<vmem>>, vector<16xf32>,
          %max3A_429 = arith.maximumf %scan3A_203, %get3A_428 : vector<16xf32>
          %mul3A_430 = arith.constant 2 : i32
          %mul3A_431 = arith.muli %mul3A_430, %scan3A_201 : i32
          %add3A_432 = arith.constant 0 : i32
          %add3A_433 = arith.addi %mul3A_431, %add3A_432 : i32
          %mul3A_434 = arith.constant 128 : i32
          %mul3A_435 = arith.muli %add3A_433, %mul3A_434 : i32
          %add3A_436 = arith.constant 16 : i32
          %add3A_437 = arith.addi %mul3A_435, %add3A_436 : i32
          %get3A_438 = arith.constant 1 : i32
          %get3A_439 = arith.index_cast %get3A_438 : i32 to index
          %get3A_440 = arith.index_cast %add3A_437 : i32 to index
          %get3A_441 = tpu.vector_load %arg6[%get3A_439, %get3A_440] {strides = array<i32>} : memref<8x5376xf32, #tpu.memory_space<vmem>>, vector<16xf32>,
          %max3A_442 = arith.maximumf %max3A_429, %get3A_441 : vector<16xf32>
          %mul3A_443 = arith.constant 2 : i32
          %mul3A_444 = arith.muli %mul3A_443, %scan3A_201 : i32
          %add3A_445 = arith.constant 0 : i32
          %add3A_446 = arith.addi %mul3A_444, %add3A_445 : i32
          %mul3A_447 = arith.constant 128 : i32
          %mul3A_448 = arith.muli %add3A_446, %mul3A_447 : i32
          %add3A_449 = arith.constant 32 : i32
          %add3A_450 = arith.addi %mul3A_448, %add3A_449 : i32
          %get3A_451 = arith.constant 1 : i32
          %get3A_452 = arith.index_cast %get3A_451 : i32 to index
          %get3A_453 = arith.index_cast %add3A_450 : i32 to index
          %get3A_454 = tpu.vector_load %arg6[%get3A_452, %get3A_453] {strides = array<i32>} : memref<8x5376xf32, #tpu.memory_space<vmem>>, vector<16xf32>,
          %max3A_455 = arith.maximumf %max3A_442, %get3A_454 : vector<16xf32>
          %mul3A_456 = arith.constant 2 : i32
          %mul3A_457 = arith.muli %mul3A_456, %scan3A_201 : i32
          %add3A_458 = arith.constant 0 : i32
          %add3A_459 = arith.addi %mul3A_457, %add3A_458 : i32
          %mul3A_460 = arith.constant 128 : i32
          %mul3A_461 = arith.muli %add3A_459, %mul3A_460 : i32
          %add3A_462 = arith.constant 48 : i32
          %add3A_463 = arith.addi %mul3A_461, %add3A_462 : i32
          %get3A_464 = arith.constant 1 : i32
          %get3A_465 = arith.index_cast %get3A_464 : i32 to index
          %get3A_466 = arith.index_cast %add3A_463 : i32 to index
          %get3A_467 = tpu.vector_load %arg6[%get3A_465, %get3A_466] {strides = array<i32>} : memref<8x5376xf32, #tpu.memory_space<vmem>>, vector<16xf32>,
          %max3A_468 = arith.maximumf %max3A_455, %get3A_467 : vector<16xf32>
          %mul3A_469 = arith.constant 2 : i32
          %mul3A_470 = arith.muli %mul3A_469, %scan3A_201 : i32
          %add3A_471 = arith.constant 0 : i32
          %add3A_472 = arith.addi %mul3A_470, %add3A_471 : i32
          %mul3A_473 = arith.constant 128 : i32
          %mul3A_474 = arith.muli %add3A_472, %mul3A_473 : i32
          %add3A_475 = arith.constant 64 : i32
          %add3A_476 = arith.addi %mul3A_474, %add3A_475 : i32
          %get3A_477 = arith.constant 1 : i32
          %get3A_478 = arith.index_cast %get3A_477 : i32 to index
          %get3A_479 = arith.index_cast %add3A_476 : i32 to index
          %get3A_480 = tpu.vector_load %arg6[%get3A_478, %get3A_479] {strides = array<i32>} : memref<8x5376xf32, #tpu.memory_space<vmem>>, vector<16xf32>,
          %max3A_481 = arith.maximumf %max3A_468, %get3A_480 : vector<16xf32>
          %mul3A_482 = arith.constant 2 : i32
          %mul3A_483 = arith.muli %mul3A_482, %scan3A_201 : i32
          %add3A_484 = arith.constant 0 : i32
          %add3A_485 = arith.addi %mul3A_483, %add3A_484 : i32
          %mul3A_486 = arith.constant 128 : i32
          %mul3A_487 = arith.muli %add3A_485, %mul3A_486 : i32
          %add3A_488 = arith.constant 80 : i32
          %add3A_489 = arith.addi %mul3A_487, %add3A_488 : i32
          %get3A_490 = arith.constant 1 : i32
          %get3A_491 = arith.index_cast %get3A_490 : i32 to index
          %get3A_492 = arith.index_cast %add3A_489 : i32 to index
          %get3A_493 = tpu.vector_load %arg6[%get3A_491, %get3A_492] {strides = array<i32>} : memref<8x5376xf32, #tpu.memory_space<vmem>>, vector<16xf32>,
          %max3A_494 = arith.maximumf %max3A_481, %get3A_493 : vector<16xf32>
          %mul3A_495 = arith.constant 2 : i32
          %mul3A_496 = arith.muli %mul3A_495, %scan3A_201 : i32
          %add3A_497 = arith.constant 0 : i32
          %add3A_498 = arith.addi %mul3A_496, %add3A_497 : i32
          %mul3A_499 = arith.constant 128 : i32
          %mul3A_500 = arith.muli %add3A_498, %mul3A_499 : i32
          %add3A_501 = arith.constant 96 : i32
          %add3A_502 = arith.addi %mul3A_500, %add3A_501 : i32
          %get3A_503 = arith.constant 1 : i32
          %get3A_504 = arith.index_cast %get3A_503 : i32 to index
          %get3A_505 = arith.index_cast %add3A_502 : i32 to index
          %get3A_506 = tpu.vector_load %arg6[%get3A_504, %get3A_505] {strides = array<i32>} : memref<8x5376xf32, #tpu.memory_space<vmem>>, vector<16xf32>,
          %max3A_507 = arith.maximumf %max3A_494, %get3A_506 : vector<16xf32>
          %mul3A_508 = arith.constant 2 : i32
          %mul3A_509 = arith.muli %mul3A_508, %scan3A_201 : i32
          %add3A_510 = arith.constant 0 : i32
          %add3A_511 = arith.addi %mul3A_509, %add3A_510 : i32
          %mul3A_512 = arith.constant 128 : i32
          %mul3A_513 = arith.muli %add3A_511, %mul3A_512 : i32
          %add3A_514 = arith.constant 112 : i32
          %add3A_515 = arith.addi %mul3A_513, %add3A_514 : i32
          %get3A_516 = arith.constant 1 : i32
          %get3A_517 = arith.index_cast %get3A_516 : i32 to index
          %get3A_518 = arith.index_cast %add3A_515 : i32 to index
          %get3A_519 = tpu.vector_load %arg6[%get3A_517, %get3A_518] {strides = array<i32>} : memref<8x5376xf32, #tpu.memory_space<vmem>>, vector<16xf32>,
          %max3A_520 = arith.maximumf %max3A_507, %get3A_519 : vector<16xf32>
          %mul3A_521 = arith.constant 2 : i32
          %mul3A_522 = arith.muli %mul3A_521, %scan3A_201 : i32
          %add3A_523 = arith.constant 1 : i32
          %add3A_524 = arith.addi %mul3A_522, %add3A_523 : i32
          %mul3A_525 = arith.constant 128 : i32
          %mul3A_526 = arith.muli %add3A_524, %mul3A_525 : i32
          %add3A_527 = arith.constant 0 : i32
          %add3A_528 = arith.addi %mul3A_526, %add3A_527 : i32
          %get3A_529 = arith.constant 1 : i32
          %get3A_530 = arith.index_cast %get3A_529 : i32 to index
          %get3A_531 = arith.index_cast %add3A_528 : i32 to index
          %get3A_532 = tpu.vector_load %arg6[%get3A_530, %get3A_531] {strides = array<i32>} : memref<8x5376xf32, #tpu.memory_space<vmem>>, vector<16xf32>,
          %max3A_533 = arith.maximumf %max3A_520, %get3A_532 : vector<16xf32>
          %mul3A_534 = arith.constant 2 : i32
          %mul3A_535 = arith.muli %mul3A_534, %scan3A_201 : i32
          %add3A_536 = arith.constant 1 : i32
          %add3A_537 = arith.addi %mul3A_535, %add3A_536 : i32
          %mul3A_538 = arith.constant 128 : i32
          %mul3A_539 = arith.muli %add3A_537, %mul3A_538 : i32
          %add3A_540 = arith.constant 16 : i32
          %add3A_541 = arith.addi %mul3A_539, %add3A_540 : i32
          %get3A_542 = arith.constant 1 : i32
          %get3A_543 = arith.index_cast %get3A_542 : i32 to index
          %get3A_544 = arith.index_cast %add3A_541 : i32 to index
          %get3A_545 = tpu.vector_load %arg6[%get3A_543, %get3A_544] {strides = array<i32>} : memref<8x5376xf32, #tpu.memory_space<vmem>>, vector<16xf32>,
          %max3A_546 = arith.maximumf %max3A_533, %get3A_545 : vector<16xf32>
          %mul3A_547 = arith.constant 2 : i32
          %mul3A_548 = arith.muli %mul3A_547, %scan3A_201 : i32
          %add3A_549 = arith.constant 1 : i32
          %add3A_550 = arith.addi %mul3A_548, %add3A_549 : i32
          %mul3A_551 = arith.constant 128 : i32
          %mul3A_552 = arith.muli %add3A_550, %mul3A_551 : i32
          %add3A_553 = arith.constant 32 : i32
          %add3A_554 = arith.addi %mul3A_552, %add3A_553 : i32
          %get3A_555 = arith.constant 1 : i32
          %get3A_556 = arith.index_cast %get3A_555 : i32 to index
          %get3A_557 = arith.index_cast %add3A_554 : i32 to index
          %get3A_558 = tpu.vector_load %arg6[%get3A_556, %get3A_557] {strides = array<i32>} : memref<8x5376xf32, #tpu.memory_space<vmem>>, vector<16xf32>,
          %max3A_559 = arith.maximumf %max3A_546, %get3A_558 : vector<16xf32>
          %mul3A_560 = arith.constant 2 : i32
          %mul3A_561 = arith.muli %mul3A_560, %scan3A_201 : i32
          %add3A_562 = arith.constant 1 : i32
          %add3A_563 = arith.addi %mul3A_561, %add3A_562 : i32
          %mul3A_564 = arith.constant 128 : i32
          %mul3A_565 = arith.muli %add3A_563, %mul3A_564 : i32
          %add3A_566 = arith.constant 48 : i32
          %add3A_567 = arith.addi %mul3A_565, %add3A_566 : i32
          %get3A_568 = arith.constant 1 : i32
          %get3A_569 = arith.index_cast %get3A_568 : i32 to index
          %get3A_570 = arith.index_cast %add3A_567 : i32 to index
          %get3A_571 = tpu.vector_load %arg6[%get3A_569, %get3A_570] {strides = array<i32>} : memref<8x5376xf32, #tpu.memory_space<vmem>>, vector<16xf32>,
          %max3A_572 = arith.maximumf %max3A_559, %get3A_571 : vector<16xf32>
          %mul3A_573 = arith.constant 2 : i32
          %mul3A_574 = arith.muli %mul3A_573, %scan3A_201 : i32
          %add3A_575 = arith.constant 1 : i32
          %add3A_576 = arith.addi %mul3A_574, %add3A_575 : i32
          %mul3A_577 = arith.constant 128 : i32
          %mul3A_578 = arith.muli %add3A_576, %mul3A_577 : i32
          %add3A_579 = arith.constant 64 : i32
          %add3A_580 = arith.addi %mul3A_578, %add3A_579 : i32
          %get3A_581 = arith.constant 1 : i32
          %get3A_582 = arith.index_cast %get3A_581 : i32 to index
          %get3A_583 = arith.index_cast %add3A_580 : i32 to index
          %get3A_584 = tpu.vector_load %arg6[%get3A_582, %get3A_583] {strides = array<i32>} : memref<8x5376xf32, #tpu.memory_space<vmem>>, vector<16xf32>,
          %max3A_585 = arith.maximumf %max3A_572, %get3A_584 : vector<16xf32>
          %mul3A_586 = arith.constant 2 : i32
          %mul3A_587 = arith.muli %mul3A_586, %scan3A_201 : i32
          %add3A_588 = arith.constant 1 : i32
          %add3A_589 = arith.addi %mul3A_587, %add3A_588 : i32
          %mul3A_590 = arith.constant 128 : i32
          %mul3A_591 = arith.muli %add3A_589, %mul3A_590 : i32
          %add3A_592 = arith.constant 80 : i32
          %add3A_593 = arith.addi %mul3A_591, %add3A_592 : i32
          %get3A_594 = arith.constant 1 : i32
          %get3A_595 = arith.index_cast %get3A_594 : i32 to index
          %get3A_596 = arith.index_cast %add3A_593 : i32 to index
          %get3A_597 = tpu.vector_load %arg6[%get3A_595, %get3A_596] {strides = array<i32>} : memref<8x5376xf32, #tpu.memory_space<vmem>>, vector<16xf32>,
          %max3A_598 = arith.maximumf %max3A_585, %get3A_597 : vector<16xf32>
          %mul3A_599 = arith.constant 2 : i32
          %mul3A_600 = arith.muli %mul3A_599, %scan3A_201 : i32
          %add3A_601 = arith.constant 1 : i32
          %add3A_602 = arith.addi %mul3A_600, %add3A_601 : i32
          %mul3A_603 = arith.constant 128 : i32
          %mul3A_604 = arith.muli %add3A_602, %mul3A_603 : i32
          %add3A_605 = arith.constant 96 : i32
          %add3A_606 = arith.addi %mul3A_604, %add3A_605 : i32
          %get3A_607 = arith.constant 1 : i32
          %get3A_608 = arith.index_cast %get3A_607 : i32 to index
          %get3A_609 = arith.index_cast %add3A_606 : i32 to index
          %get3A_610 = tpu.vector_load %arg6[%get3A_608, %get3A_609] {strides = array<i32>} : memref<8x5376xf32, #tpu.memory_space<vmem>>, vector<16xf32>,
          %max3A_611 = arith.maximumf %max3A_598, %get3A_610 : vector<16xf32>
          %mul3A_612 = arith.constant 2 : i32
          %mul3A_613 = arith.muli %mul3A_612, %scan3A_201 : i32
          %add3A_614 = arith.constant 1 : i32
          %add3A_615 = arith.addi %mul3A_613, %add3A_614 : i32
          %mul3A_616 = arith.constant 128 : i32
          %mul3A_617 = arith.muli %add3A_615, %mul3A_616 : i32
          %add3A_618 = arith.constant 112 : i32
          %add3A_619 = arith.addi %mul3A_617, %add3A_618 : i32
          %get3A_620 = arith.constant 1 : i32
          %get3A_621 = arith.index_cast %get3A_620 : i32 to index
          %get3A_622 = arith.index_cast %add3A_619 : i32 to index
          %get3A_623 = tpu.vector_load %arg6[%get3A_621, %get3A_622] {strides = array<i32>} : memref<8x5376xf32, #tpu.memory_space<vmem>>, vector<16xf32>,
          %max3A_624 = arith.maximumf %max3A_611, %get3A_623 : vector<16xf32>
          %mul3A_625 = arith.constant 2 : i32
          %mul3A_626 = arith.muli %mul3A_625, %scan3A_201 : i32
          %add3A_627 = arith.constant 0 : i32
          %add3A_628 = arith.addi %mul3A_626, %add3A_627 : i32
          %mul3A_629 = arith.constant 128 : i32
          %mul3A_630 = arith.muli %add3A_628, %mul3A_629 : i32
          %add3A_631 = arith.constant 0 : i32
          %add3A_632 = arith.addi %mul3A_630, %add3A_631 : i32
          %get3A_633 = arith.constant 2 : i32
          %get3A_634 = arith.index_cast %get3A_633 : i32 to index
          %get3A_635 = arith.index_cast %add3A_632 : i32 to index
          %get3A_636 = tpu.vector_load %arg6[%get3A_634, %get3A_635] {strides = array<i32>} : memref<8x5376xf32, #tpu.memory_space<vmem>>, vector<16xf32>,
          %max3A_637 = arith.maximumf %scan3A_204, %get3A_636 : vector<16xf32>
          %mul3A_638 = arith.constant 2 : i32
          %mul3A_639 = arith.muli %mul3A_638, %scan3A_201 : i32
          %add3A_640 = arith.constant 0 : i32
          %add3A_641 = arith.addi %mul3A_639, %add3A_640 : i32
          %mul3A_642 = arith.constant 128 : i32
          %mul3A_643 = arith.muli %add3A_641, %mul3A_642 : i32
          %add3A_644 = arith.constant 16 : i32
          %add3A_645 = arith.addi %mul3A_643, %add3A_644 : i32
          %get3A_646 = arith.constant 2 : i32
          %get3A_647 = arith.index_cast %get3A_646 : i32 to index
          %get3A_648 = arith.index_cast %add3A_645 : i32 to index
          %get3A_649 = tpu.vector_load %arg6[%get3A_647, %get3A_648] {strides = array<i32>} : memref<8x5376xf32, #tpu.memory_space<vmem>>, vector<16xf32>,
          %max3A_650 = arith.maximumf %max3A_637, %get3A_649 : vector<16xf32>
          %mul3A_651 = arith.constant 2 : i32
          %mul3A_652 = arith.muli %mul3A_651, %scan3A_201 : i32
          %add3A_653 = arith.constant 0 : i32
          %add3A_654 = arith.addi %mul3A_652, %add3A_653 : i32
          %mul3A_655 = arith.constant 128 : i32
          %mul3A_656 = arith.muli %add3A_654, %mul3A_655 : i32
          %add3A_657 = arith.constant 32 : i32
          %add3A_658 = arith.addi %mul3A_656, %add3A_657 : i32
          %get3A_659 = arith.constant 2 : i32
          %get3A_660 = arith.index_cast %get3A_659 : i32 to index
          %get3A_661 = arith.index_cast %add3A_658 : i32 to index
          %get3A_662 = tpu.vector_load %arg6[%get3A_660, %get3A_661] {strides = array<i32>} : memref<8x5376xf32, #tpu.memory_space<vmem>>, vector<16xf32>,
          %max3A_663 = arith.maximumf %max3A_650, %get3A_662 : vector<16xf32>
          %mul3A_664 = arith.constant 2 : i32
          %mul3A_665 = arith.muli %mul3A_664, %scan3A_201 : i32
          %add3A_666 = arith.constant 0 : i32
          %add3A_667 = arith.addi %mul3A_665, %add3A_666 : i32
          %mul3A_668 = arith.constant 128 : i32
          %mul3A_669 = arith.muli %add3A_667, %mul3A_668 : i32
          %add3A_670 = arith.constant 48 : i32
          %add3A_671 = arith.addi %mul3A_669, %add3A_670 : i32
          %get3A_672 = arith.constant 2 : i32
          %get3A_673 = arith.index_cast %get3A_672 : i32 to index
          %get3A_674 = arith.index_cast %add3A_671 : i32 to index
          %get3A_675 = tpu.vector_load %arg6[%get3A_673, %get3A_674] {strides = array<i32>} : memref<8x5376xf32, #tpu.memory_space<vmem>>, vector<16xf32>,
          %max3A_676 = arith.maximumf %max3A_663, %get3A_675 : vector<16xf32>
          %mul3A_677 = arith.constant 2 : i32
          %mul3A_678 = arith.muli %mul3A_677, %scan3A_201 : i32
          %add3A_679 = arith.constant 0 : i32
          %add3A_680 = arith.addi %mul3A_678, %add3A_679 : i32
          %mul3A_681 = arith.constant 128 : i32
          %mul3A_682 = arith.muli %add3A_680, %mul3A_681 : i32
          %add3A_683 = arith.constant 64 : i32
          %add3A_684 = arith.addi %mul3A_682, %add3A_683 : i32
          %get3A_685 = arith.constant 2 : i32
          %get3A_686 = arith.index_cast %get3A_685 : i32 to index
          %get3A_687 = arith.index_cast %add3A_684 : i32 to index
          %get3A_688 = tpu.vector_load %arg6[%get3A_686, %get3A_687] {strides = array<i32>} : memref<8x5376xf32, #tpu.memory_space<vmem>>, vector<16xf32>,
          %max3A_689 = arith.maximumf %max3A_676, %get3A_688 : vector<16xf32>
          %mul3A_690 = arith.constant 2 : i32
          %mul3A_691 = arith.muli %mul3A_690, %scan3A_201 : i32
          %add3A_692 = arith.constant 0 : i32
          %add3A_693 = arith.addi %mul3A_691, %add3A_692 : i32
          %mul3A_694 = arith.constant 128 : i32
          %mul3A_695 = arith.muli %add3A_693, %mul3A_694 : i32
          %add3A_696 = arith.constant 80 : i32
          %add3A_697 = arith.addi %mul3A_695, %add3A_696 : i32
          %get3A_698 = arith.constant 2 : i32
          %get3A_699 = arith.index_cast %get3A_698 : i32 to index
          %get3A_700 = arith.index_cast %add3A_697 : i32 to index
          %get3A_701 = tpu.vector_load %arg6[%get3A_699, %get3A_700] {strides = array<i32>} : memref<8x5376xf32, #tpu.memory_space<vmem>>, vector<16xf32>,
          %max3A_702 = arith.maximumf %max3A_689, %get3A_701 : vector<16xf32>
          %mul3A_703 = arith.constant 2 : i32
          %mul3A_704 = arith.muli %mul3A_703, %scan3A_201 : i32
          %add3A_705 = arith.constant 0 : i32
          %add3A_706 = arith.addi %mul3A_704, %add3A_705 : i32
          %mul3A_707 = arith.constant 128 : i32
          %mul3A_708 = arith.muli %add3A_706, %mul3A_707 : i32
          %add3A_709 = arith.constant 96 : i32
          %add3A_710 = arith.addi %mul3A_708, %add3A_709 : i32
          %get3A_711 = arith.constant 2 : i32
          %get3A_712 = arith.index_cast %get3A_711 : i32 to index
          %get3A_713 = arith.index_cast %add3A_710 : i32 to index
          %get3A_714 = tpu.vector_load %arg6[%get3A_712, %get3A_713] {strides = array<i32>} : memref<8x5376xf32, #tpu.memory_space<vmem>>, vector<16xf32>,
          %max3A_715 = arith.maximumf %max3A_702, %get3A_714 : vector<16xf32>
          %mul3A_716 = arith.constant 2 : i32
          %mul3A_717 = arith.muli %mul3A_716, %scan3A_201 : i32
          %add3A_718 = arith.constant 0 : i32
          %add3A_719 = arith.addi %mul3A_717, %add3A_718 : i32
          %mul3A_720 = arith.constant 128 : i32
          %mul3A_721 = arith.muli %add3A_719, %mul3A_720 : i32
          %add3A_722 = arith.constant 112 : i32
          %add3A_723 = arith.addi %mul3A_721, %add3A_722 : i32
          %get3A_724 = arith.constant 2 : i32
          %get3A_725 = arith.index_cast %get3A_724 : i32 to index
          %get3A_726 = arith.index_cast %add3A_723 : i32 to index
          %get3A_727 = tpu.vector_load %arg6[%get3A_725, %get3A_726] {strides = array<i32>} : memref<8x5376xf32, #tpu.memory_space<vmem>>, vector<16xf32>,
          %max3A_728 = arith.maximumf %max3A_715, %get3A_727 : vector<16xf32>
          %mul3A_729 = arith.constant 2 : i32
          %mul3A_730 = arith.muli %mul3A_729, %scan3A_201 : i32
          %add3A_731 = arith.constant 1 : i32
          %add3A_732 = arith.addi %mul3A_730, %add3A_731 : i32
          %mul3A_733 = arith.constant 128 : i32
          %mul3A_734 = arith.muli %add3A_732, %mul3A_733 : i32
          %add3A_735 = arith.constant 0 : i32
          %add3A_736 = arith.addi %mul3A_734, %add3A_735 : i32
          %get3A_737 = arith.constant 2 : i32
          %get3A_738 = arith.index_cast %get3A_737 : i32 to index
          %get3A_739 = arith.index_cast %add3A_736 : i32 to index
          %get3A_740 = tpu.vector_load %arg6[%get3A_738, %get3A_739] {strides = array<i32>} : memref<8x5376xf32, #tpu.memory_space<vmem>>, vector<16xf32>,
          %max3A_741 = arith.maximumf %max3A_728, %get3A_740 : vector<16xf32>
          %mul3A_742 = arith.constant 2 : i32
          %mul3A_743 = arith.muli %mul3A_742, %scan3A_201 : i32
          %add3A_744 = arith.constant 1 : i32
          %add3A_745 = arith.addi %mul3A_743, %add3A_744 : i32
          %mul3A_746 = arith.constant 128 : i32
          %mul3A_747 = arith.muli %add3A_745, %mul3A_746 : i32
          %add3A_748 = arith.constant 16 : i32
          %add3A_749 = arith.addi %mul3A_747, %add3A_748 : i32
          %get3A_750 = arith.constant 2 : i32
          %get3A_751 = arith.index_cast %get3A_750 : i32 to index
          %get3A_752 = arith.index_cast %add3A_749 : i32 to index
          %get3A_753 = tpu.vector_load %arg6[%get3A_751, %get3A_752] {strides = array<i32>} : memref<8x5376xf32, #tpu.memory_space<vmem>>, vector<16xf32>,
          %max3A_754 = arith.maximumf %max3A_741, %get3A_753 : vector<16xf32>
          %mul3A_755 = arith.constant 2 : i32
          %mul3A_756 = arith.muli %mul3A_755, %scan3A_201 : i32
          %add3A_757 = arith.constant 1 : i32
          %add3A_758 = arith.addi %mul3A_756, %add3A_757 : i32
          %mul3A_759 = arith.constant 128 : i32
          %mul3A_760 = arith.muli %add3A_758, %mul3A_759 : i32
          %add3A_761 = arith.constant 32 : i32
          %add3A_762 = arith.addi %mul3A_760, %add3A_761 : i32
          %get3A_763 = arith.constant 2 : i32
          %get3A_764 = arith.index_cast %get3A_763 : i32 to index
          %get3A_765 = arith.index_cast %add3A_762 : i32 to index
          %get3A_766 = tpu.vector_load %arg6[%get3A_764, %get3A_765] {strides = array<i32>} : memref<8x5376xf32, #tpu.memory_space<vmem>>, vector<16xf32>,
          %max3A_767 = arith.maximumf %max3A_754, %get3A_766 : vector<16xf32>
          %mul3A_768 = arith.constant 2 : i32
          %mul3A_769 = arith.muli %mul3A_768, %scan3A_201 : i32
          %add3A_770 = arith.constant 1 : i32
          %add3A_771 = arith.addi %mul3A_769, %add3A_770 : i32
          %mul3A_772 = arith.constant 128 : i32
          %mul3A_773 = arith.muli %add3A_771, %mul3A_772 : i32
          %add3A_774 = arith.constant 48 : i32
          %add3A_775 = arith.addi %mul3A_773, %add3A_774 : i32
          %get3A_776 = arith.constant 2 : i32
          %get3A_777 = arith.index_cast %get3A_776 : i32 to index
          %get3A_778 = arith.index_cast %add3A_775 : i32 to index
          %get3A_779 = tpu.vector_load %arg6[%get3A_777, %get3A_778] {strides = array<i32>} : memref<8x5376xf32, #tpu.memory_space<vmem>>, vector<16xf32>,
          %max3A_780 = arith.maximumf %max3A_767, %get3A_779 : vector<16xf32>
          %mul3A_781 = arith.constant 2 : i32
          %mul3A_782 = arith.muli %mul3A_781, %scan3A_201 : i32
          %add3A_783 = arith.constant 1 : i32
          %add3A_784 = arith.addi %mul3A_782, %add3A_783 : i32
          %mul3A_785 = arith.constant 128 : i32
          %mul3A_786 = arith.muli %add3A_784, %mul3A_785 : i32
          %add3A_787 = arith.constant 64 : i32
          %add3A_788 = arith.addi %mul3A_786, %add3A_787 : i32
          %get3A_789 = arith.constant 2 : i32
          %get3A_790 = arith.index_cast %get3A_789 : i32 to index
          %get3A_791 = arith.index_cast %add3A_788 : i32 to index
          %get3A_792 = tpu.vector_load %arg6[%get3A_790, %get3A_791] {strides = array<i32>} : memref<8x5376xf32, #tpu.memory_space<vmem>>, vector<16xf32>,
          %max3A_793 = arith.maximumf %max3A_780, %get3A_792 : vector<16xf32>
          %mul3A_794 = arith.constant 2 : i32
          %mul3A_795 = arith.muli %mul3A_794, %scan3A_201 : i32
          %add3A_796 = arith.constant 1 : i32
          %add3A_797 = arith.addi %mul3A_795, %add3A_796 : i32
          %mul3A_798 = arith.constant 128 : i32
          %mul3A_799 = arith.muli %add3A_797, %mul3A_798 : i32
          %add3A_800 = arith.constant 80 : i32
          %add3A_801 = arith.addi %mul3A_799, %add3A_800 : i32
          %get3A_802 = arith.constant 2 : i32
          %get3A_803 = arith.index_cast %get3A_802 : i32 to index
          %get3A_804 = arith.index_cast %add3A_801 : i32 to index
          %get3A_805 = tpu.vector_load %arg6[%get3A_803, %get3A_804] {strides = array<i32>} : memref<8x5376xf32, #tpu.memory_space<vmem>>, vector<16xf32>,
          %max3A_806 = arith.maximumf %max3A_793, %get3A_805 : vector<16xf32>
          %mul3A_807 = arith.constant 2 : i32
          %mul3A_808 = arith.muli %mul3A_807, %scan3A_201 : i32
          %add3A_809 = arith.constant 1 : i32
          %add3A_810 = arith.addi %mul3A_808, %add3A_809 : i32
          %mul3A_811 = arith.constant 128 : i32
          %mul3A_812 = arith.muli %add3A_810, %mul3A_811 : i32
          %add3A_813 = arith.constant 96 : i32
          %add3A_814 = arith.addi %mul3A_812, %add3A_813 : i32
          %get3A_815 = arith.constant 2 : i32
          %get3A_816 = arith.index_cast %get3A_815 : i32 to index
          %get3A_817 = arith.index_cast %add3A_814 : i32 to index
          %get3A_818 = tpu.vector_load %arg6[%get3A_816, %get3A_817] {strides = array<i32>} : memref<8x5376xf32, #tpu.memory_space<vmem>>, vector<16xf32>,
          %max3A_819 = arith.maximumf %max3A_806, %get3A_818 : vector<16xf32>
          %mul3A_820 = arith.constant 2 : i32
          %mul3A_821 = arith.muli %mul3A_820, %scan3A_201 : i32
          %add3A_822 = arith.constant 1 : i32
          %add3A_823 = arith.addi %mul3A_821, %add3A_822 : i32
          %mul3A_824 = arith.constant 128 : i32
          %mul3A_825 = arith.muli %add3A_823, %mul3A_824 : i32
          %add3A_826 = arith.constant 112 : i32
          %add3A_827 = arith.addi %mul3A_825, %add3A_826 : i32
          %get3A_828 = arith.constant 2 : i32
          %get3A_829 = arith.index_cast %get3A_828 : i32 to index
          %get3A_830 = arith.index_cast %add3A_827 : i32 to index
          %get3A_831 = tpu.vector_load %arg6[%get3A_829, %get3A_830] {strides = array<i32>} : memref<8x5376xf32, #tpu.memory_space<vmem>>, vector<16xf32>,
          %max3A_832 = arith.maximumf %max3A_819, %get3A_831 : vector<16xf32>
          %mul3A_833 = arith.constant 2 : i32
          %mul3A_834 = arith.muli %mul3A_833, %scan3A_201 : i32
          %add3A_835 = arith.constant 0 : i32
          %add3A_836 = arith.addi %mul3A_834, %add3A_835 : i32
          %mul3A_837 = arith.constant 128 : i32
          %mul3A_838 = arith.muli %add3A_836, %mul3A_837 : i32
          %add3A_839 = arith.constant 0 : i32
          %add3A_840 = arith.addi %mul3A_838, %add3A_839 : i32
          %get3A_841 = arith.constant 3 : i32
          %get3A_842 = arith.index_cast %get3A_841 : i32 to index
          %get3A_843 = arith.index_cast %add3A_840 : i32 to index
          %get3A_844 = tpu.vector_load %arg6[%get3A_842, %get3A_843] {strides = array<i32>} : memref<8x5376xf32, #tpu.memory_space<vmem>>, vector<16xf32>,
          %max3A_845 = arith.maximumf %scan3A_205, %get3A_844 : vector<16xf32>
          %mul3A_846 = arith.constant 2 : i32
          %mul3A_847 = arith.muli %mul3A_846, %scan3A_201 : i32
          %add3A_848 = arith.constant 0 : i32
          %add3A_849 = arith.addi %mul3A_847, %add3A_848 : i32
          %mul3A_850 = arith.constant 128 : i32
          %mul3A_851 = arith.muli %add3A_849, %mul3A_850 : i32
          %add3A_852 = arith.constant 16 : i32
          %add3A_853 = arith.addi %mul3A_851, %add3A_852 : i32
          %get3A_854 = arith.constant 3 : i32
          %get3A_855 = arith.index_cast %get3A_854 : i32 to index
          %get3A_856 = arith.index_cast %add3A_853 : i32 to index
          %get3A_857 = tpu.vector_load %arg6[%get3A_855, %get3A_856] {strides = array<i32>} : memref<8x5376xf32, #tpu.memory_space<vmem>>, vector<16xf32>,
          %max3A_858 = arith.maximumf %max3A_845, %get3A_857 : vector<16xf32>
          %mul3A_859 = arith.constant 2 : i32
          %mul3A_860 = arith.muli %mul3A_859, %scan3A_201 : i32
          %add3A_861 = arith.constant 0 : i32
          %add3A_862 = arith.addi %mul3A_860, %add3A_861 : i32
          %mul3A_863 = arith.constant 128 : i32
          %mul3A_864 = arith.muli %add3A_862, %mul3A_863 : i32
          %add3A_865 = arith.constant 32 : i32
          %add3A_866 = arith.addi %mul3A_864, %add3A_865 : i32
          %get3A_867 = arith.constant 3 : i32
          %get3A_868 = arith.index_cast %get3A_867 : i32 to index
          %get3A_869 = arith.index_cast %add3A_866 : i32 to index
          %get3A_870 = tpu.vector_load %arg6[%get3A_868, %get3A_869] {strides = array<i32>} : memref<8x5376xf32, #tpu.memory_space<vmem>>, vector<16xf32>,
          %max3A_871 = arith.maximumf %max3A_858, %get3A_870 : vector<16xf32>
          %mul3A_872 = arith.constant 2 : i32
          %mul3A_873 = arith.muli %mul3A_872, %scan3A_201 : i32
          %add3A_874 = arith.constant 0 : i32
          %add3A_875 = arith.addi %mul3A_873, %add3A_874 : i32
          %mul3A_876 = arith.constant 128 : i32
          %mul3A_877 = arith.muli %add3A_875, %mul3A_876 : i32
          %add3A_878 = arith.constant 48 : i32
          %add3A_879 = arith.addi %mul3A_877, %add3A_878 : i32
          %get3A_880 = arith.constant 3 : i32
          %get3A_881 = arith.index_cast %get3A_880 : i32 to index
          %get3A_882 = arith.index_cast %add3A_879 : i32 to index
          %get3A_883 = tpu.vector_load %arg6[%get3A_881, %get3A_882] {strides = array<i32>} : memref<8x5376xf32, #tpu.memory_space<vmem>>, vector<16xf32>,
          %max3A_884 = arith.maximumf %max3A_871, %get3A_883 : vector<16xf32>
          %mul3A_885 = arith.constant 2 : i32
          %mul3A_886 = arith.muli %mul3A_885, %scan3A_201 : i32
          %add3A_887 = arith.constant 0 : i32
          %add3A_888 = arith.addi %mul3A_886, %add3A_887 : i32
          %mul3A_889 = arith.constant 128 : i32
          %mul3A_890 = arith.muli %add3A_888, %mul3A_889 : i32
          %add3A_891 = arith.constant 64 : i32
          %add3A_892 = arith.addi %mul3A_890, %add3A_891 : i32
          %get3A_893 = arith.constant 3 : i32
          %get3A_894 = arith.index_cast %get3A_893 : i32 to index
          %get3A_895 = arith.index_cast %add3A_892 : i32 to index
          %get3A_896 = tpu.vector_load %arg6[%get3A_894, %get3A_895] {strides = array<i32>} : memref<8x5376xf32, #tpu.memory_space<vmem>>, vector<16xf32>,
          %max3A_897 = arith.maximumf %max3A_884, %get3A_896 : vector<16xf32>
          %mul3A_898 = arith.constant 2 : i32
          %mul3A_899 = arith.muli %mul3A_898, %scan3A_201 : i32
          %add3A_900 = arith.constant 0 : i32
          %add3A_901 = arith.addi %mul3A_899, %add3A_900 : i32
          %mul3A_902 = arith.constant 128 : i32
          %mul3A_903 = arith.muli %add3A_901, %mul3A_902 : i32
          %add3A_904 = arith.constant 80 : i32
          %add3A_905 = arith.addi %mul3A_903, %add3A_904 : i32
          %get3A_906 = arith.constant 3 : i32
          %get3A_907 = arith.index_cast %get3A_906 : i32 to index
          %get3A_908 = arith.index_cast %add3A_905 : i32 to index
          %get3A_909 = tpu.vector_load %arg6[%get3A_907, %get3A_908] {strides = array<i32>} : memref<8x5376xf32, #tpu.memory_space<vmem>>, vector<16xf32>,
          %max3A_910 = arith.maximumf %max3A_897, %get3A_909 : vector<16xf32>
          %mul3A_911 = arith.constant 2 : i32
          %mul3A_912 = arith.muli %mul3A_911, %scan3A_201 : i32
          %add3A_913 = arith.constant 0 : i32
          %add3A_914 = arith.addi %mul3A_912, %add3A_913 : i32
          %mul3A_915 = arith.constant 128 : i32
          %mul3A_916 = arith.muli %add3A_914, %mul3A_915 : i32
          %add3A_917 = arith.constant 96 : i32
          %add3A_918 = arith.addi %mul3A_916, %add3A_917 : i32
          %get3A_919 = arith.constant 3 : i32
          %get3A_920 = arith.index_cast %get3A_919 : i32 to index
          %get3A_921 = arith.index_cast %add3A_918 : i32 to index
          %get3A_922 = tpu.vector_load %arg6[%get3A_920, %get3A_921] {strides = array<i32>} : memref<8x5376xf32, #tpu.memory_space<vmem>>, vector<16xf32>,
          %max3A_923 = arith.maximumf %max3A_910, %get3A_922 : vector<16xf32>
          %mul3A_924 = arith.constant 2 : i32
          %mul3A_925 = arith.muli %mul3A_924, %scan3A_201 : i32
          %add3A_926 = arith.constant 0 : i32
          %add3A_927 = arith.addi %mul3A_925, %add3A_926 : i32
          %mul3A_928 = arith.constant 128 : i32
          %mul3A_929 = arith.muli %add3A_927, %mul3A_928 : i32
          %add3A_930 = arith.constant 112 : i32
          %add3A_931 = arith.addi %mul3A_929, %add3A_930 : i32
          %get3A_932 = arith.constant 3 : i32
          %get3A_933 = arith.index_cast %get3A_932 : i32 to index
          %get3A_934 = arith.index_cast %add3A_931 : i32 to index
          %get3A_935 = tpu.vector_load %arg6[%get3A_933, %get3A_934] {strides = array<i32>} : memref<8x5376xf32, #tpu.memory_space<vmem>>, vector<16xf32>,
          %max3A_936 = arith.maximumf %max3A_923, %get3A_935 : vector<16xf32>
          %mul3A_937 = arith.constant 2 : i32
          %mul3A_938 = arith.muli %mul3A_937, %scan3A_201 : i32
          %add3A_939 = arith.constant 1 : i32
          %add3A_940 = arith.addi %mul3A_938, %add3A_939 : i32
          %mul3A_941 = arith.constant 128 : i32
          %mul3A_942 = arith.muli %add3A_940, %mul3A_941 : i32
          %add3A_943 = arith.constant 0 : i32
          %add3A_944 = arith.addi %mul3A_942, %add3A_943 : i32
          %get3A_945 = arith.constant 3 : i32
          %get3A_946 = arith.index_cast %get3A_945 : i32 to index
          %get3A_947 = arith.index_cast %add3A_944 : i32 to index
          %get3A_948 = tpu.vector_load %arg6[%get3A_946, %get3A_947] {strides = array<i32>} : memref<8x5376xf32, #tpu.memory_space<vmem>>, vector<16xf32>,
          %max3A_949 = arith.maximumf %max3A_936, %get3A_948 : vector<16xf32>
          %mul3A_950 = arith.constant 2 : i32
          %mul3A_951 = arith.muli %mul3A_950, %scan3A_201 : i32
          %add3A_952 = arith.constant 1 : i32
          %add3A_953 = arith.addi %mul3A_951, %add3A_952 : i32
          %mul3A_954 = arith.constant 128 : i32
          %mul3A_955 = arith.muli %add3A_953, %mul3A_954 : i32
          %add3A_956 = arith.constant 16 : i32
          %add3A_957 = arith.addi %mul3A_955, %add3A_956 : i32
          %get3A_958 = arith.constant 3 : i32
          %get3A_959 = arith.index_cast %get3A_958 : i32 to index
          %get3A_960 = arith.index_cast %add3A_957 : i32 to index
          %get3A_961 = tpu.vector_load %arg6[%get3A_959, %get3A_960] {strides = array<i32>} : memref<8x5376xf32, #tpu.memory_space<vmem>>, vector<16xf32>,
          %max3A_962 = arith.maximumf %max3A_949, %get3A_961 : vector<16xf32>
          %mul3A_963 = arith.constant 2 : i32
          %mul3A_964 = arith.muli %mul3A_963, %scan3A_201 : i32
          %add3A_965 = arith.constant 1 : i32
          %add3A_966 = arith.addi %mul3A_964, %add3A_965 : i32
          %mul3A_967 = arith.constant 128 : i32
          %mul3A_968 = arith.muli %add3A_966, %mul3A_967 : i32
          %add3A_969 = arith.constant 32 : i32
          %add3A_970 = arith.addi %mul3A_968, %add3A_969 : i32
          %get3A_971 = arith.constant 3 : i32
          %get3A_972 = arith.index_cast %get3A_971 : i32 to index
          %get3A_973 = arith.index_cast %add3A_970 : i32 to index
          %get3A_974 = tpu.vector_load %arg6[%get3A_972, %get3A_973] {strides = array<i32>} : memref<8x5376xf32, #tpu.memory_space<vmem>>, vector<16xf32>,
          %max3A_975 = arith.maximumf %max3A_962, %get3A_974 : vector<16xf32>
          %mul3A_976 = arith.constant 2 : i32
          %mul3A_977 = arith.muli %mul3A_976, %scan3A_201 : i32
          %add3A_978 = arith.constant 1 : i32
          %add3A_979 = arith.addi %mul3A_977, %add3A_978 : i32
          %mul3A_980 = arith.constant 128 : i32
          %mul3A_981 = arith.muli %add3A_979, %mul3A_980 : i32
          %add3A_982 = arith.constant 48 : i32
          %add3A_983 = arith.addi %mul3A_981, %add3A_982 : i32
          %get3A_984 = arith.constant 3 : i32
          %get3A_985 = arith.index_cast %get3A_984 : i32 to index
          %get3A_986 = arith.index_cast %add3A_983 : i32 to index
          %get3A_987 = tpu.vector_load %arg6[%get3A_985, %get3A_986] {strides = array<i32>} : memref<8x5376xf32, #tpu.memory_space<vmem>>, vector<16xf32>,
          %max3A_988 = arith.maximumf %max3A_975, %get3A_987 : vector<16xf32>
          %mul3A_989 = arith.constant 2 : i32
          %mul3A_990 = arith.muli %mul3A_989, %scan3A_201 : i32
          %add3A_991 = arith.constant 1 : i32
          %add3A_992 = arith.addi %mul3A_990, %add3A_991 : i32
          %mul3A_993 = arith.constant 128 : i32
          %mul3A_994 = arith.muli %add3A_992, %mul3A_993 : i32
          %add3A_995 = arith.constant 64 : i32
          %add3A_996 = arith.addi %mul3A_994, %add3A_995 : i32
          %get3A_997 = arith.constant 3 : i32
          %get3A_998 = arith.index_cast %get3A_997 : i32 to index
          %get3A_999 = arith.index_cast %add3A_996 : i32 to index
          %get3A_1000 = tpu.vector_load %arg6[%get3A_998, %get3A_999] {strides = array<i32>} : memref<8x5376xf32, #tpu.memory_space<vmem>>, vector<16xf32>,
          %max3A_1001 = arith.maximumf %max3A_988, %get3A_1000 : vector<16xf32>
          %mul3A_1002 = arith.constant 2 : i32
          %mul3A_1003 = arith.muli %mul3A_1002, %scan3A_201 : i32
          %add3A_1004 = arith.constant 1 : i32
          %add3A_1005 = arith.addi %mul3A_1003, %add3A_1004 : i32
          %mul3A_1006 = arith.constant 128 : i32
          %mul3A_1007 = arith.muli %add3A_1005, %mul3A_1006 : i32
          %add3A_1008 = arith.constant 80 : i32
          %add3A_1009 = arith.addi %mul3A_1007, %add3A_1008 : i32
          %get3A_1010 = arith.constant 3 : i32
          %get3A_1011 = arith.index_cast %get3A_1010 : i32 to index
          %get3A_1012 = arith.index_cast %add3A_1009 : i32 to index
          %get3A_1013 = tpu.vector_load %arg6[%get3A_1011, %get3A_1012] {strides = array<i32>} : memref<8x5376xf32, #tpu.memory_space<vmem>>, vector<16xf32>,
          %max3A_1014 = arith.maximumf %max3A_1001, %get3A_1013 : vector<16xf32>
          %mul3A_1015 = arith.constant 2 : i32
          %mul3A_1016 = arith.muli %mul3A_1015, %scan3A_201 : i32
          %add3A_1017 = arith.constant 1 : i32
          %add3A_1018 = arith.addi %mul3A_1016, %add3A_1017 : i32
          %mul3A_1019 = arith.constant 128 : i32
          %mul3A_1020 = arith.muli %add3A_1018, %mul3A_1019 : i32
          %add3A_1021 = arith.constant 96 : i32
          %add3A_1022 = arith.addi %mul3A_1020, %add3A_1021 : i32
          %get3A_1023 = arith.constant 3 : i32
          %get3A_1024 = arith.index_cast %get3A_1023 : i32 to index
          %get3A_1025 = arith.index_cast %add3A_1022 : i32 to index
          %get3A_1026 = tpu.vector_load %arg6[%get3A_1024, %get3A_1025] {strides = array<i32>} : memref<8x5376xf32, #tpu.memory_space<vmem>>, vector<16xf32>,
          %max3A_1027 = arith.maximumf %max3A_1014, %get3A_1026 : vector<16xf32>
          %mul3A_1028 = arith.constant 2 : i32
          %mul3A_1029 = arith.muli %mul3A_1028, %scan3A_201 : i32
          %add3A_1030 = arith.constant 1 : i32
          %add3A_1031 = arith.addi %mul3A_1029, %add3A_1030 : i32
          %mul3A_1032 = arith.constant 128 : i32
          %mul3A_1033 = arith.muli %add3A_1031, %mul3A_1032 : i32
          %add3A_1034 = arith.constant 112 : i32
          %add3A_1035 = arith.addi %mul3A_1033, %add3A_1034 : i32
          %get3A_1036 = arith.constant 3 : i32
          %get3A_1037 = arith.index_cast %get3A_1036 : i32 to index
          %get3A_1038 = arith.index_cast %add3A_1035 : i32 to index
          %get3A_1039 = tpu.vector_load %arg6[%get3A_1037, %get3A_1038] {strides = array<i32>} : memref<8x5376xf32, #tpu.memory_space<vmem>>, vector<16xf32>,
          %max3A_1040 = arith.maximumf %max3A_1027, %get3A_1039 : vector<16xf32>
          %mul3A_1041 = arith.constant 2 : i32
          %mul3A_1042 = arith.muli %mul3A_1041, %scan3A_201 : i32
          %add3A_1043 = arith.constant 0 : i32
          %add3A_1044 = arith.addi %mul3A_1042, %add3A_1043 : i32
          %mul3A_1045 = arith.constant 128 : i32
          %mul3A_1046 = arith.muli %add3A_1044, %mul3A_1045 : i32
          %add3A_1047 = arith.constant 0 : i32
          %add3A_1048 = arith.addi %mul3A_1046, %add3A_1047 : i32
          %get3A_1049 = arith.constant 4 : i32
          %get3A_1050 = arith.index_cast %get3A_1049 : i32 to index
          %get3A_1051 = arith.index_cast %add3A_1048 : i32 to index
          %get3A_1052 = tpu.vector_load %arg6[%get3A_1050, %get3A_1051] {strides = array<i32>} : memref<8x5376xf32, #tpu.memory_space<vmem>>, vector<16xf32>,
          %max3A_1053 = arith.maximumf %scan3A_206, %get3A_1052 : vector<16xf32>
          %mul3A_1054 = arith.constant 2 : i32
          %mul3A_1055 = arith.muli %mul3A_1054, %scan3A_201 : i32
          %add3A_1056 = arith.constant 0 : i32
          %add3A_1057 = arith.addi %mul3A_1055, %add3A_1056 : i32
          %mul3A_1058 = arith.constant 128 : i32
          %mul3A_1059 = arith.muli %add3A_1057, %mul3A_1058 : i32
          %add3A_1060 = arith.constant 16 : i32
          %add3A_1061 = arith.addi %mul3A_1059, %add3A_1060 : i32
          %get3A_1062 = arith.constant 4 : i32
          %get3A_1063 = arith.index_cast %get3A_1062 : i32 to index
          %get3A_1064 = arith.index_cast %add3A_1061 : i32 to index
          %get3A_1065 = tpu.vector_load %arg6[%get3A_1063, %get3A_1064] {strides = array<i32>} : memref<8x5376xf32, #tpu.memory_space<vmem>>, vector<16xf32>,
          %max3A_1066 = arith.maximumf %max3A_1053, %get3A_1065 : vector<16xf32>
          %mul3A_1067 = arith.constant 2 : i32
          %mul3A_1068 = arith.muli %mul3A_1067, %scan3A_201 : i32
          %add3A_1069 = arith.constant 0 : i32
          %add3A_1070 = arith.addi %mul3A_1068, %add3A_1069 : i32
          %mul3A_1071 = arith.constant 128 : i32
          %mul3A_1072 = arith.muli %add3A_1070, %mul3A_1071 : i32
          %add3A_1073 = arith.constant 32 : i32
          %add3A_1074 = arith.addi %mul3A_1072, %add3A_1073 : i32
          %get3A_1075 = arith.constant 4 : i32
          %get3A_1076 = arith.index_cast %get3A_1075 : i32 to index
          %get3A_1077 = arith.index_cast %add3A_1074 : i32 to index
          %get3A_1078 = tpu.vector_load %arg6[%get3A_1076, %get3A_1077] {strides = array<i32>} : memref<8x5376xf32, #tpu.memory_space<vmem>>, vector<16xf32>,
          %max3A_1079 = arith.maximumf %max3A_1066, %get3A_1078 : vector<16xf32>
          %mul3A_1080 = arith.constant 2 : i32
          %mul3A_1081 = arith.muli %mul3A_1080, %scan3A_201 : i32
          %add3A_1082 = arith.constant 0 : i32
          %add3A_1083 = arith.addi %mul3A_1081, %add3A_1082 : i32
          %mul3A_1084 = arith.constant 128 : i32
          %mul3A_1085 = arith.muli %add3A_1083, %mul3A_1084 : i32
          %add3A_1086 = arith.constant 48 : i32
          %add3A_1087 = arith.addi %mul3A_1085, %add3A_1086 : i32
          %get3A_1088 = arith.constant 4 : i32
          %get3A_1089 = arith.index_cast %get3A_1088 : i32 to index
          %get3A_1090 = arith.index_cast %add3A_1087 : i32 to index
          %get3A_1091 = tpu.vector_load %arg6[%get3A_1089, %get3A_1090] {strides = array<i32>} : memref<8x5376xf32, #tpu.memory_space<vmem>>, vector<16xf32>,
          %max3A_1092 = arith.maximumf %max3A_1079, %get3A_1091 : vector<16xf32>
          %mul3A_1093 = arith.constant 2 : i32
          %mul3A_1094 = arith.muli %mul3A_1093, %scan3A_201 : i32
          %add3A_1095 = arith.constant 0 : i32
          %add3A_1096 = arith.addi %mul3A_1094, %add3A_1095 : i32
          %mul3A_1097 = arith.constant 128 : i32
          %mul3A_1098 = arith.muli %add3A_1096, %mul3A_1097 : i32
          %add3A_1099 = arith.constant 64 : i32
          %add3A_1100 = arith.addi %mul3A_1098, %add3A_1099 : i32
          %get3A_1101 = arith.constant 4 : i32
          %get3A_1102 = arith.index_cast %get3A_1101 : i32 to index
          %get3A_1103 = arith.index_cast %add3A_1100 : i32 to index
          %get3A_1104 = tpu.vector_load %arg6[%get3A_1102, %get3A_1103] {strides = array<i32>} : memref<8x5376xf32, #tpu.memory_space<vmem>>, vector<16xf32>,
          %max3A_1105 = arith.maximumf %max3A_1092, %get3A_1104 : vector<16xf32>
          %mul3A_1106 = arith.constant 2 : i32
          %mul3A_1107 = arith.muli %mul3A_1106, %scan3A_201 : i32
          %add3A_1108 = arith.constant 0 : i32
          %add3A_1109 = arith.addi %mul3A_1107, %add3A_1108 : i32
          %mul3A_1110 = arith.constant 128 : i32
          %mul3A_1111 = arith.muli %add3A_1109, %mul3A_1110 : i32
          %add3A_1112 = arith.constant 80 : i32
          %add3A_1113 = arith.addi %mul3A_1111, %add3A_1112 : i32
          %get3A_1114 = arith.constant 4 : i32
          %get3A_1115 = arith.index_cast %get3A_1114 : i32 to index
          %get3A_1116 = arith.index_cast %add3A_1113 : i32 to index
          %get3A_1117 = tpu.vector_load %arg6[%get3A_1115, %get3A_1116] {strides = array<i32>} : memref<8x5376xf32, #tpu.memory_space<vmem>>, vector<16xf32>,
          %max3A_1118 = arith.maximumf %max3A_1105, %get3A_1117 : vector<16xf32>
          %mul3A_1119 = arith.constant 2 : i32
          %mul3A_1120 = arith.muli %mul3A_1119, %scan3A_201 : i32
          %add3A_1121 = arith.constant 0 : i32
          %add3A_1122 = arith.addi %mul3A_1120, %add3A_1121 : i32
          %mul3A_1123 = arith.constant 128 : i32
          %mul3A_1124 = arith.muli %add3A_1122, %mul3A_1123 : i32
          %add3A_1125 = arith.constant 96 : i32
          %add3A_1126 = arith.addi %mul3A_1124, %add3A_1125 : i32
          %get3A_1127 = arith.constant 4 : i32
          %get3A_1128 = arith.index_cast %get3A_1127 : i32 to index
          %get3A_1129 = arith.index_cast %add3A_1126 : i32 to index
          %get3A_1130 = tpu.vector_load %arg6[%get3A_1128, %get3A_1129] {strides = array<i32>} : memref<8x5376xf32, #tpu.memory_space<vmem>>, vector<16xf32>,
          %max3A_1131 = arith.maximumf %max3A_1118, %get3A_1130 : vector<16xf32>
          %mul3A_1132 = arith.constant 2 : i32
          %mul3A_1133 = arith.muli %mul3A_1132, %scan3A_201 : i32
          %add3A_1134 = arith.constant 0 : i32
          %add3A_1135 = arith.addi %mul3A_1133, %add3A_1134 : i32
          %mul3A_1136 = arith.constant 128 : i32
          %mul3A_1137 = arith.muli %add3A_1135, %mul3A_1136 : i32
          %add3A_1138 = arith.constant 112 : i32
          %add3A_1139 = arith.addi %mul3A_1137, %add3A_1138 : i32
          %get3A_1140 = arith.constant 4 : i32
          %get3A_1141 = arith.index_cast %get3A_1140 : i32 to index
          %get3A_1142 = arith.index_cast %add3A_1139 : i32 to index
          %get3A_1143 = tpu.vector_load %arg6[%get3A_1141, %get3A_1142] {strides = array<i32>} : memref<8x5376xf32, #tpu.memory_space<vmem>>, vector<16xf32>,
          %max3A_1144 = arith.maximumf %max3A_1131, %get3A_1143 : vector<16xf32>
          %mul3A_1145 = arith.constant 2 : i32
          %mul3A_1146 = arith.muli %mul3A_1145, %scan3A_201 : i32
          %add3A_1147 = arith.constant 1 : i32
          %add3A_1148 = arith.addi %mul3A_1146, %add3A_1147 : i32
          %mul3A_1149 = arith.constant 128 : i32
          %mul3A_1150 = arith.muli %add3A_1148, %mul3A_1149 : i32
          %add3A_1151 = arith.constant 0 : i32
          %add3A_1152 = arith.addi %mul3A_1150, %add3A_1151 : i32
          %get3A_1153 = arith.constant 4 : i32
          %get3A_1154 = arith.index_cast %get3A_1153 : i32 to index
          %get3A_1155 = arith.index_cast %add3A_1152 : i32 to index
          %get3A_1156 = tpu.vector_load %arg6[%get3A_1154, %get3A_1155] {strides = array<i32>} : memref<8x5376xf32, #tpu.memory_space<vmem>>, vector<16xf32>,
          %max3A_1157 = arith.maximumf %max3A_1144, %get3A_1156 : vector<16xf32>
          %mul3A_1158 = arith.constant 2 : i32
          %mul3A_1159 = arith.muli %mul3A_1158, %scan3A_201 : i32
          %add3A_1160 = arith.constant 1 : i32
          %add3A_1161 = arith.addi %mul3A_1159, %add3A_1160 : i32
          %mul3A_1162 = arith.constant 128 : i32
          %mul3A_1163 = arith.muli %add3A_1161, %mul3A_1162 : i32
          %add3A_1164 = arith.constant 16 : i32
          %add3A_1165 = arith.addi %mul3A_1163, %add3A_1164 : i32
          %get3A_1166 = arith.constant 4 : i32
          %get3A_1167 = arith.index_cast %get3A_1166 : i32 to index
          %get3A_1168 = arith.index_cast %add3A_1165 : i32 to index
          %get3A_1169 = tpu.vector_load %arg6[%get3A_1167, %get3A_1168] {strides = array<i32>} : memref<8x5376xf32, #tpu.memory_space<vmem>>, vector<16xf32>,
          %max3A_1170 = arith.maximumf %max3A_1157, %get3A_1169 : vector<16xf32>
          %mul3A_1171 = arith.constant 2 : i32
          %mul3A_1172 = arith.muli %mul3A_1171, %scan3A_201 : i32
          %add3A_1173 = arith.constant 1 : i32
          %add3A_1174 = arith.addi %mul3A_1172, %add3A_1173 : i32
          %mul3A_1175 = arith.constant 128 : i32
          %mul3A_1176 = arith.muli %add3A_1174, %mul3A_1175 : i32
          %add3A_1177 = arith.constant 32 : i32
          %add3A_1178 = arith.addi %mul3A_1176, %add3A_1177 : i32
          %get3A_1179 = arith.constant 4 : i32
          %get3A_1180 = arith.index_cast %get3A_1179 : i32 to index
          %get3A_1181 = arith.index_cast %add3A_1178 : i32 to index
          %get3A_1182 = tpu.vector_load %arg6[%get3A_1180, %get3A_1181] {strides = array<i32>} : memref<8x5376xf32, #tpu.memory_space<vmem>>, vector<16xf32>,
          %max3A_1183 = arith.maximumf %max3A_1170, %get3A_1182 : vector<16xf32>
          %mul3A_1184 = arith.constant 2 : i32
          %mul3A_1185 = arith.muli %mul3A_1184, %scan3A_201 : i32
          %add3A_1186 = arith.constant 1 : i32
          %add3A_1187 = arith.addi %mul3A_1185, %add3A_1186 : i32
          %mul3A_1188 = arith.constant 128 : i32
          %mul3A_1189 = arith.muli %add3A_1187, %mul3A_1188 : i32
          %add3A_1190 = arith.constant 48 : i32
          %add3A_1191 = arith.addi %mul3A_1189, %add3A_1190 : i32
          %get3A_1192 = arith.constant 4 : i32
          %get3A_1193 = arith.index_cast %get3A_1192 : i32 to index
          %get3A_1194 = arith.index_cast %add3A_1191 : i32 to index
          %get3A_1195 = tpu.vector_load %arg6[%get3A_1193, %get3A_1194] {strides = array<i32>} : memref<8x5376xf32, #tpu.memory_space<vmem>>, vector<16xf32>,
          %max3A_1196 = arith.maximumf %max3A_1183, %get3A_1195 : vector<16xf32>
          %mul3A_1197 = arith.constant 2 : i32
          %mul3A_1198 = arith.muli %mul3A_1197, %scan3A_201 : i32
          %add3A_1199 = arith.constant 1 : i32
          %add3A_1200 = arith.addi %mul3A_1198, %add3A_1199 : i32
          %mul3A_1201 = arith.constant 128 : i32
          %mul3A_1202 = arith.muli %add3A_1200, %mul3A_1201 : i32
          %add3A_1203 = arith.constant 64 : i32
          %add3A_1204 = arith.addi %mul3A_1202, %add3A_1203 : i32
          %get3A_1205 = arith.constant 4 : i32
          %get3A_1206 = arith.index_cast %get3A_1205 : i32 to index
          %get3A_1207 = arith.index_cast %add3A_1204 : i32 to index
          %get3A_1208 = tpu.vector_load %arg6[%get3A_1206, %get3A_1207] {strides = array<i32>} : memref<8x5376xf32, #tpu.memory_space<vmem>>, vector<16xf32>,
          %max3A_1209 = arith.maximumf %max3A_1196, %get3A_1208 : vector<16xf32>
          %mul3A_1210 = arith.constant 2 : i32
          %mul3A_1211 = arith.muli %mul3A_1210, %scan3A_201 : i32
          %add3A_1212 = arith.constant 1 : i32
          %add3A_1213 = arith.addi %mul3A_1211, %add3A_1212 : i32
          %mul3A_1214 = arith.constant 128 : i32
          %mul3A_1215 = arith.muli %add3A_1213, %mul3A_1214 : i32
          %add3A_1216 = arith.constant 80 : i32
          %add3A_1217 = arith.addi %mul3A_1215, %add3A_1216 : i32
          %get3A_1218 = arith.constant 4 : i32
          %get3A_1219 = arith.index_cast %get3A_1218 : i32 to index
          %get3A_1220 = arith.index_cast %add3A_1217 : i32 to index
          %get3A_1221 = tpu.vector_load %arg6[%get3A_1219, %get3A_1220] {strides = array<i32>} : memref<8x5376xf32, #tpu.memory_space<vmem>>, vector<16xf32>,
          %max3A_1222 = arith.maximumf %max3A_1209, %get3A_1221 : vector<16xf32>
          %mul3A_1223 = arith.constant 2 : i32
          %mul3A_1224 = arith.muli %mul3A_1223, %scan3A_201 : i32
          %add3A_1225 = arith.constant 1 : i32
          %add3A_1226 = arith.addi %mul3A_1224, %add3A_1225 : i32
          %mul3A_1227 = arith.constant 128 : i32
          %mul3A_1228 = arith.muli %add3A_1226, %mul3A_1227 : i32
          %add3A_1229 = arith.constant 96 : i32
          %add3A_1230 = arith.addi %mul3A_1228, %add3A_1229 : i32
          %get3A_1231 = arith.constant 4 : i32
          %get3A_1232 = arith.index_cast %get3A_1231 : i32 to index
          %get3A_1233 = arith.index_cast %add3A_1230 : i32 to index
          %get3A_1234 = tpu.vector_load %arg6[%get3A_1232, %get3A_1233] {strides = array<i32>} : memref<8x5376xf32, #tpu.memory_space<vmem>>, vector<16xf32>,
          %max3A_1235 = arith.maximumf %max3A_1222, %get3A_1234 : vector<16xf32>
          %mul3A_1236 = arith.constant 2 : i32
          %mul3A_1237 = arith.muli %mul3A_1236, %scan3A_201 : i32
          %add3A_1238 = arith.constant 1 : i32
          %add3A_1239 = arith.addi %mul3A_1237, %add3A_1238 : i32
          %mul3A_1240 = arith.constant 128 : i32
          %mul3A_1241 = arith.muli %add3A_1239, %mul3A_1240 : i32
          %add3A_1242 = arith.constant 112 : i32
          %add3A_1243 = arith.addi %mul3A_1241, %add3A_1242 : i32
          %get3A_1244 = arith.constant 4 : i32
          %get3A_1245 = arith.index_cast %get3A_1244 : i32 to index
          %get3A_1246 = arith.index_cast %add3A_1243 : i32 to index
          %get3A_1247 = tpu.vector_load %arg6[%get3A_1245, %get3A_1246] {strides = array<i32>} : memref<8x5376xf32, #tpu.memory_space<vmem>>, vector<16xf32>,
          %max3A_1248 = arith.maximumf %max3A_1235, %get3A_1247 : vector<16xf32>
          %mul3A_1249 = arith.constant 2 : i32
          %mul3A_1250 = arith.muli %mul3A_1249, %scan3A_201 : i32
          %add3A_1251 = arith.constant 0 : i32
          %add3A_1252 = arith.addi %mul3A_1250, %add3A_1251 : i32
          %mul3A_1253 = arith.constant 128 : i32
          %mul3A_1254 = arith.muli %add3A_1252, %mul3A_1253 : i32
          %add3A_1255 = arith.constant 0 : i32
          %add3A_1256 = arith.addi %mul3A_1254, %add3A_1255 : i32
          %get3A_1257 = arith.constant 5 : i32
          %get3A_1258 = arith.index_cast %get3A_1257 : i32 to index
          %get3A_1259 = arith.index_cast %add3A_1256 : i32 to index
          %get3A_1260 = tpu.vector_load %arg6[%get3A_1258, %get3A_1259] {strides = array<i32>} : memref<8x5376xf32, #tpu.memory_space<vmem>>, vector<16xf32>,
          %max3A_1261 = arith.maximumf %scan3A_207, %get3A_1260 : vector<16xf32>
          %mul3A_1262 = arith.constant 2 : i32
          %mul3A_1263 = arith.muli %mul3A_1262, %scan3A_201 : i32
          %add3A_1264 = arith.constant 0 : i32
          %add3A_1265 = arith.addi %mul3A_1263, %add3A_1264 : i32
          %mul3A_1266 = arith.constant 128 : i32
          %mul3A_1267 = arith.muli %add3A_1265, %mul3A_1266 : i32
          %add3A_1268 = arith.constant 16 : i32
          %add3A_1269 = arith.addi %mul3A_1267, %add3A_1268 : i32
          %get3A_1270 = arith.constant 5 : i32
          %get3A_1271 = arith.index_cast %get3A_1270 : i32 to index
          %get3A_1272 = arith.index_cast %add3A_1269 : i32 to index
          %get3A_1273 = tpu.vector_load %arg6[%get3A_1271, %get3A_1272] {strides = array<i32>} : memref<8x5376xf32, #tpu.memory_space<vmem>>, vector<16xf32>,
          %max3A_1274 = arith.maximumf %max3A_1261, %get3A_1273 : vector<16xf32>
          %mul3A_1275 = arith.constant 2 : i32
          %mul3A_1276 = arith.muli %mul3A_1275, %scan3A_201 : i32
          %add3A_1277 = arith.constant 0 : i32
          %add3A_1278 = arith.addi %mul3A_1276, %add3A_1277 : i32
          %mul3A_1279 = arith.constant 128 : i32
          %mul3A_1280 = arith.muli %add3A_1278, %mul3A_1279 : i32
          %add3A_1281 = arith.constant 32 : i32
          %add3A_1282 = arith.addi %mul3A_1280, %add3A_1281 : i32
          %get3A_1283 = arith.constant 5 : i32
          %get3A_1284 = arith.index_cast %get3A_1283 : i32 to index
          %get3A_1285 = arith.index_cast %add3A_1282 : i32 to index
          %get3A_1286 = tpu.vector_load %arg6[%get3A_1284, %get3A_1285] {strides = array<i32>} : memref<8x5376xf32, #tpu.memory_space<vmem>>, vector<16xf32>,
          %max3A_1287 = arith.maximumf %max3A_1274, %get3A_1286 : vector<16xf32>
          %mul3A_1288 = arith.constant 2 : i32
          %mul3A_1289 = arith.muli %mul3A_1288, %scan3A_201 : i32
          %add3A_1290 = arith.constant 0 : i32
          %add3A_1291 = arith.addi %mul3A_1289, %add3A_1290 : i32
          %mul3A_1292 = arith.constant 128 : i32
          %mul3A_1293 = arith.muli %add3A_1291, %mul3A_1292 : i32
          %add3A_1294 = arith.constant 48 : i32
          %add3A_1295 = arith.addi %mul3A_1293, %add3A_1294 : i32
          %get3A_1296 = arith.constant 5 : i32
          %get3A_1297 = arith.index_cast %get3A_1296 : i32 to index
          %get3A_1298 = arith.index_cast %add3A_1295 : i32 to index
          %get3A_1299 = tpu.vector_load %arg6[%get3A_1297, %get3A_1298] {strides = array<i32>} : memref<8x5376xf32, #tpu.memory_space<vmem>>, vector<16xf32>,
          %max3A_1300 = arith.maximumf %max3A_1287, %get3A_1299 : vector<16xf32>
          %mul3A_1301 = arith.constant 2 : i32
          %mul3A_1302 = arith.muli %mul3A_1301, %scan3A_201 : i32
          %add3A_1303 = arith.constant 0 : i32
          %add3A_1304 = arith.addi %mul3A_1302, %add3A_1303 : i32
          %mul3A_1305 = arith.constant 128 : i32
          %mul3A_1306 = arith.muli %add3A_1304, %mul3A_1305 : i32
          %add3A_1307 = arith.constant 64 : i32
          %add3A_1308 = arith.addi %mul3A_1306, %add3A_1307 : i32
          %get3A_1309 = arith.constant 5 : i32
          %get3A_1310 = arith.index_cast %get3A_1309 : i32 to index
          %get3A_1311 = arith.index_cast %add3A_1308 : i32 to index
          %get3A_1312 = tpu.vector_load %arg6[%get3A_1310, %get3A_1311] {strides = array<i32>} : memref<8x5376xf32, #tpu.memory_space<vmem>>, vector<16xf32>,
          %max3A_1313 = arith.maximumf %max3A_1300, %get3A_1312 : vector<16xf32>
          %mul3A_1314 = arith.constant 2 : i32
          %mul3A_1315 = arith.muli %mul3A_1314, %scan3A_201 : i32
          %add3A_1316 = arith.constant 0 : i32
          %add3A_1317 = arith.addi %mul3A_1315, %add3A_1316 : i32
          %mul3A_1318 = arith.constant 128 : i32
          %mul3A_1319 = arith.muli %add3A_1317, %mul3A_1318 : i32
          %add3A_1320 = arith.constant 80 : i32
          %add3A_1321 = arith.addi %mul3A_1319, %add3A_1320 : i32
          %get3A_1322 = arith.constant 5 : i32
          %get3A_1323 = arith.index_cast %get3A_1322 : i32 to index
          %get3A_1324 = arith.index_cast %add3A_1321 : i32 to index
          %get3A_1325 = tpu.vector_load %arg6[%get3A_1323, %get3A_1324] {strides = array<i32>} : memref<8x5376xf32, #tpu.memory_space<vmem>>, vector<16xf32>,
          %max3A_1326 = arith.maximumf %max3A_1313, %get3A_1325 : vector<16xf32>
          %mul3A_1327 = arith.constant 2 : i32
          %mul3A_1328 = arith.muli %mul3A_1327, %scan3A_201 : i32
          %add3A_1329 = arith.constant 0 : i32
          %add3A_1330 = arith.addi %mul3A_1328, %add3A_1329 : i32
          %mul3A_1331 = arith.constant 128 : i32
          %mul3A_1332 = arith.muli %add3A_1330, %mul3A_1331 : i32
          %add3A_1333 = arith.constant 96 : i32
          %add3A_1334 = arith.addi %mul3A_1332, %add3A_1333 : i32
          %get3A_1335 = arith.constant 5 : i32
          %get3A_1336 = arith.index_cast %get3A_1335 : i32 to index
          %get3A_1337 = arith.index_cast %add3A_1334 : i32 to index
          %get3A_1338 = tpu.vector_load %arg6[%get3A_1336, %get3A_1337] {strides = array<i32>} : memref<8x5376xf32, #tpu.memory_space<vmem>>, vector<16xf32>,
          %max3A_1339 = arith.maximumf %max3A_1326, %get3A_1338 : vector<16xf32>
          %mul3A_1340 = arith.constant 2 : i32
          %mul3A_1341 = arith.muli %mul3A_1340, %scan3A_201 : i32
          %add3A_1342 = arith.constant 0 : i32
          %add3A_1343 = arith.addi %mul3A_1341, %add3A_1342 : i32
          %mul3A_1344 = arith.constant 128 : i32
          %mul3A_1345 = arith.muli %add3A_1343, %mul3A_1344 : i32
          %add3A_1346 = arith.constant 112 : i32
          %add3A_1347 = arith.addi %mul3A_1345, %add3A_1346 : i32
          %get3A_1348 = arith.constant 5 : i32
          %get3A_1349 = arith.index_cast %get3A_1348 : i32 to index
          %get3A_1350 = arith.index_cast %add3A_1347 : i32 to index
          %get3A_1351 = tpu.vector_load %arg6[%get3A_1349, %get3A_1350] {strides = array<i32>} : memref<8x5376xf32, #tpu.memory_space<vmem>>, vector<16xf32>,
          %max3A_1352 = arith.maximumf %max3A_1339, %get3A_1351 : vector<16xf32>
          %mul3A_1353 = arith.constant 2 : i32
          %mul3A_1354 = arith.muli %mul3A_1353, %scan3A_201 : i32
          %add3A_1355 = arith.constant 1 : i32
          %add3A_1356 = arith.addi %mul3A_1354, %add3A_1355 : i32
          %mul3A_1357 = arith.constant 128 : i32
          %mul3A_1358 = arith.muli %add3A_1356, %mul3A_1357 : i32
          %add3A_1359 = arith.constant 0 : i32
          %add3A_1360 = arith.addi %mul3A_1358, %add3A_1359 : i32
          %get3A_1361 = arith.constant 5 : i32
          %get3A_1362 = arith.index_cast %get3A_1361 : i32 to index
          %get3A_1363 = arith.index_cast %add3A_1360 : i32 to index
          %get3A_1364 = tpu.vector_load %arg6[%get3A_1362, %get3A_1363] {strides = array<i32>} : memref<8x5376xf32, #tpu.memory_space<vmem>>, vector<16xf32>,
          %max3A_1365 = arith.maximumf %max3A_1352, %get3A_1364 : vector<16xf32>
          %mul3A_1366 = arith.constant 2 : i32
          %mul3A_1367 = arith.muli %mul3A_1366, %scan3A_201 : i32
          %add3A_1368 = arith.constant 1 : i32
          %add3A_1369 = arith.addi %mul3A_1367, %add3A_1368 : i32
          %mul3A_1370 = arith.constant 128 : i32
          %mul3A_1371 = arith.muli %add3A_1369, %mul3A_1370 : i32
          %add3A_1372 = arith.constant 16 : i32
          %add3A_1373 = arith.addi %mul3A_1371, %add3A_1372 : i32
          %get3A_1374 = arith.constant 5 : i32
          %get3A_1375 = arith.index_cast %get3A_1374 : i32 to index
          %get3A_1376 = arith.index_cast %add3A_1373 : i32 to index
          %get3A_1377 = tpu.vector_load %arg6[%get3A_1375, %get3A_1376] {strides = array<i32>} : memref<8x5376xf32, #tpu.memory_space<vmem>>, vector<16xf32>,
          %max3A_1378 = arith.maximumf %max3A_1365, %get3A_1377 : vector<16xf32>
          %mul3A_1379 = arith.constant 2 : i32
          %mul3A_1380 = arith.muli %mul3A_1379, %scan3A_201 : i32
          %add3A_1381 = arith.constant 1 : i32
          %add3A_1382 = arith.addi %mul3A_1380, %add3A_1381 : i32
          %mul3A_1383 = arith.constant 128 : i32
          %mul3A_1384 = arith.muli %add3A_1382, %mul3A_1383 : i32
          %add3A_1385 = arith.constant 32 : i32
          %add3A_1386 = arith.addi %mul3A_1384, %add3A_1385 : i32
          %get3A_1387 = arith.constant 5 : i32
          %get3A_1388 = arith.index_cast %get3A_1387 : i32 to index
          %get3A_1389 = arith.index_cast %add3A_1386 : i32 to index
          %get3A_1390 = tpu.vector_load %arg6[%get3A_1388, %get3A_1389] {strides = array<i32>} : memref<8x5376xf32, #tpu.memory_space<vmem>>, vector<16xf32>,
          %max3A_1391 = arith.maximumf %max3A_1378, %get3A_1390 : vector<16xf32>
          %mul3A_1392 = arith.constant 2 : i32
          %mul3A_1393 = arith.muli %mul3A_1392, %scan3A_201 : i32
          %add3A_1394 = arith.constant 1 : i32
          %add3A_1395 = arith.addi %mul3A_1393, %add3A_1394 : i32
          %mul3A_1396 = arith.constant 128 : i32
          %mul3A_1397 = arith.muli %add3A_1395, %mul3A_1396 : i32
          %add3A_1398 = arith.constant 48 : i32
          %add3A_1399 = arith.addi %mul3A_1397, %add3A_1398 : i32
          %get3A_1400 = arith.constant 5 : i32
          %get3A_1401 = arith.index_cast %get3A_1400 : i32 to index
          %get3A_1402 = arith.index_cast %add3A_1399 : i32 to index
          %get3A_1403 = tpu.vector_load %arg6[%get3A_1401, %get3A_1402] {strides = array<i32>} : memref<8x5376xf32, #tpu.memory_space<vmem>>, vector<16xf32>,
          %max3A_1404 = arith.maximumf %max3A_1391, %get3A_1403 : vector<16xf32>
          %mul3A_1405 = arith.constant 2 : i32
          %mul3A_1406 = arith.muli %mul3A_1405, %scan3A_201 : i32
          %add3A_1407 = arith.constant 1 : i32
          %add3A_1408 = arith.addi %mul3A_1406, %add3A_1407 : i32
          %mul3A_1409 = arith.constant 128 : i32
          %mul3A_1410 = arith.muli %add3A_1408, %mul3A_1409 : i32
          %add3A_1411 = arith.constant 64 : i32
          %add3A_1412 = arith.addi %mul3A_1410, %add3A_1411 : i32
          %get3A_1413 = arith.constant 5 : i32
          %get3A_1414 = arith.index_cast %get3A_1413 : i32 to index
          %get3A_1415 = arith.index_cast %add3A_1412 : i32 to index
          %get3A_1416 = tpu.vector_load %arg6[%get3A_1414, %get3A_1415] {strides = array<i32>} : memref<8x5376xf32, #tpu.memory_space<vmem>>, vector<16xf32>,
          %max3A_1417 = arith.maximumf %max3A_1404, %get3A_1416 : vector<16xf32>
          %mul3A_1418 = arith.constant 2 : i32
          %mul3A_1419 = arith.muli %mul3A_1418, %scan3A_201 : i32
          %add3A_1420 = arith.constant 1 : i32
          %add3A_1421 = arith.addi %mul3A_1419, %add3A_1420 : i32
          %mul3A_1422 = arith.constant 128 : i32
          %mul3A_1423 = arith.muli %add3A_1421, %mul3A_1422 : i32
          %add3A_1424 = arith.constant 80 : i32
          %add3A_1425 = arith.addi %mul3A_1423, %add3A_1424 : i32
          %get3A_1426 = arith.constant 5 : i32
          %get3A_1427 = arith.index_cast %get3A_1426 : i32 to index
          %get3A_1428 = arith.index_cast %add3A_1425 : i32 to index
          %get3A_1429 = tpu.vector_load %arg6[%get3A_1427, %get3A_1428] {strides = array<i32>} : memref<8x5376xf32, #tpu.memory_space<vmem>>, vector<16xf32>,
          %max3A_1430 = arith.maximumf %max3A_1417, %get3A_1429 : vector<16xf32>
          %mul3A_1431 = arith.constant 2 : i32
          %mul3A_1432 = arith.muli %mul3A_1431, %scan3A_201 : i32
          %add3A_1433 = arith.constant 1 : i32
          %add3A_1434 = arith.addi %mul3A_1432, %add3A_1433 : i32
          %mul3A_1435 = arith.constant 128 : i32
          %mul3A_1436 = arith.muli %add3A_1434, %mul3A_1435 : i32
          %add3A_1437 = arith.constant 96 : i32
          %add3A_1438 = arith.addi %mul3A_1436, %add3A_1437 : i32
          %get3A_1439 = arith.constant 5 : i32
          %get3A_1440 = arith.index_cast %get3A_1439 : i32 to index
          %get3A_1441 = arith.index_cast %add3A_1438 : i32 to index
          %get3A_1442 = tpu.vector_load %arg6[%get3A_1440, %get3A_1441] {strides = array<i32>} : memref<8x5376xf32, #tpu.memory_space<vmem>>, vector<16xf32>,
          %max3A_1443 = arith.maximumf %max3A_1430, %get3A_1442 : vector<16xf32>
          %mul3A_1444 = arith.constant 2 : i32
          %mul3A_1445 = arith.muli %mul3A_1444, %scan3A_201 : i32
          %add3A_1446 = arith.constant 1 : i32
          %add3A_1447 = arith.addi %mul3A_1445, %add3A_1446 : i32
          %mul3A_1448 = arith.constant 128 : i32
          %mul3A_1449 = arith.muli %add3A_1447, %mul3A_1448 : i32
          %add3A_1450 = arith.constant 112 : i32
          %add3A_1451 = arith.addi %mul3A_1449, %add3A_1450 : i32
          %get3A_1452 = arith.constant 5 : i32
          %get3A_1453 = arith.index_cast %get3A_1452 : i32 to index
          %get3A_1454 = arith.index_cast %add3A_1451 : i32 to index
          %get3A_1455 = tpu.vector_load %arg6[%get3A_1453, %get3A_1454] {strides = array<i32>} : memref<8x5376xf32, #tpu.memory_space<vmem>>, vector<16xf32>,
          %max3A_1456 = arith.maximumf %max3A_1443, %get3A_1455 : vector<16xf32>
          %mul3A_1457 = arith.constant 2 : i32
          %mul3A_1458 = arith.muli %mul3A_1457, %scan3A_201 : i32
          %add3A_1459 = arith.constant 0 : i32
          %add3A_1460 = arith.addi %mul3A_1458, %add3A_1459 : i32
          %mul3A_1461 = arith.constant 128 : i32
          %mul3A_1462 = arith.muli %add3A_1460, %mul3A_1461 : i32
          %add3A_1463 = arith.constant 0 : i32
          %add3A_1464 = arith.addi %mul3A_1462, %add3A_1463 : i32
          %get3A_1465 = arith.constant 6 : i32
          %get3A_1466 = arith.index_cast %get3A_1465 : i32 to index
          %get3A_1467 = arith.index_cast %add3A_1464 : i32 to index
          %get3A_1468 = tpu.vector_load %arg6[%get3A_1466, %get3A_1467] {strides = array<i32>} : memref<8x5376xf32, #tpu.memory_space<vmem>>, vector<16xf32>,
          %max3A_1469 = arith.maximumf %scan3A_208, %get3A_1468 : vector<16xf32>
          %mul3A_1470 = arith.constant 2 : i32
          %mul3A_1471 = arith.muli %mul3A_1470, %scan3A_201 : i32
          %add3A_1472 = arith.constant 0 : i32
          %add3A_1473 = arith.addi %mul3A_1471, %add3A_1472 : i32
          %mul3A_1474 = arith.constant 128 : i32
          %mul3A_1475 = arith.muli %add3A_1473, %mul3A_1474 : i32
          %add3A_1476 = arith.constant 16 : i32
          %add3A_1477 = arith.addi %mul3A_1475, %add3A_1476 : i32
          %get3A_1478 = arith.constant 6 : i32
          %get3A_1479 = arith.index_cast %get3A_1478 : i32 to index
          %get3A_1480 = arith.index_cast %add3A_1477 : i32 to index
          %get3A_1481 = tpu.vector_load %arg6[%get3A_1479, %get3A_1480] {strides = array<i32>} : memref<8x5376xf32, #tpu.memory_space<vmem>>, vector<16xf32>,
          %max3A_1482 = arith.maximumf %max3A_1469, %get3A_1481 : vector<16xf32>
          %mul3A_1483 = arith.constant 2 : i32
          %mul3A_1484 = arith.muli %mul3A_1483, %scan3A_201 : i32
          %add3A_1485 = arith.constant 0 : i32
          %add3A_1486 = arith.addi %mul3A_1484, %add3A_1485 : i32
          %mul3A_1487 = arith.constant 128 : i32
          %mul3A_1488 = arith.muli %add3A_1486, %mul3A_1487 : i32
          %add3A_1489 = arith.constant 32 : i32
          %add3A_1490 = arith.addi %mul3A_1488, %add3A_1489 : i32
          %get3A_1491 = arith.constant 6 : i32
          %get3A_1492 = arith.index_cast %get3A_1491 : i32 to index
          %get3A_1493 = arith.index_cast %add3A_1490 : i32 to index
          %get3A_1494 = tpu.vector_load %arg6[%get3A_1492, %get3A_1493] {strides = array<i32>} : memref<8x5376xf32, #tpu.memory_space<vmem>>, vector<16xf32>,
          %max3A_1495 = arith.maximumf %max3A_1482, %get3A_1494 : vector<16xf32>
          %mul3A_1496 = arith.constant 2 : i32
          %mul3A_1497 = arith.muli %mul3A_1496, %scan3A_201 : i32
          %add3A_1498 = arith.constant 0 : i32
          %add3A_1499 = arith.addi %mul3A_1497, %add3A_1498 : i32
          %mul3A_1500 = arith.constant 128 : i32
          %mul3A_1501 = arith.muli %add3A_1499, %mul3A_1500 : i32
          %add3A_1502 = arith.constant 48 : i32
          %add3A_1503 = arith.addi %mul3A_1501, %add3A_1502 : i32
          %get3A_1504 = arith.constant 6 : i32
          %get3A_1505 = arith.index_cast %get3A_1504 : i32 to index
          %get3A_1506 = arith.index_cast %add3A_1503 : i32 to index
          %get3A_1507 = tpu.vector_load %arg6[%get3A_1505, %get3A_1506] {strides = array<i32>} : memref<8x5376xf32, #tpu.memory_space<vmem>>, vector<16xf32>,
          %max3A_1508 = arith.maximumf %max3A_1495, %get3A_1507 : vector<16xf32>
          %mul3A_1509 = arith.constant 2 : i32
          %mul3A_1510 = arith.muli %mul3A_1509, %scan3A_201 : i32
          %add3A_1511 = arith.constant 0 : i32
          %add3A_1512 = arith.addi %mul3A_1510, %add3A_1511 : i32
          %mul3A_1513 = arith.constant 128 : i32
          %mul3A_1514 = arith.muli %add3A_1512, %mul3A_1513 : i32
          %add3A_1515 = arith.constant 64 : i32
          %add3A_1516 = arith.addi %mul3A_1514, %add3A_1515 : i32
          %get3A_1517 = arith.constant 6 : i32
          %get3A_1518 = arith.index_cast %get3A_1517 : i32 to index
          %get3A_1519 = arith.index_cast %add3A_1516 : i32 to index
          %get3A_1520 = tpu.vector_load %arg6[%get3A_1518, %get3A_1519] {strides = array<i32>} : memref<8x5376xf32, #tpu.memory_space<vmem>>, vector<16xf32>,
          %max3A_1521 = arith.maximumf %max3A_1508, %get3A_1520 : vector<16xf32>
          %mul3A_1522 = arith.constant 2 : i32
          %mul3A_1523 = arith.muli %mul3A_1522, %scan3A_201 : i32
          %add3A_1524 = arith.constant 0 : i32
          %add3A_1525 = arith.addi %mul3A_1523, %add3A_1524 : i32
          %mul3A_1526 = arith.constant 128 : i32
          %mul3A_1527 = arith.muli %add3A_1525, %mul3A_1526 : i32
          %add3A_1528 = arith.constant 80 : i32
          %add3A_1529 = arith.addi %mul3A_1527, %add3A_1528 : i32
          %get3A_1530 = arith.constant 6 : i32
          %get3A_1531 = arith.index_cast %get3A_1530 : i32 to index
          %get3A_1532 = arith.index_cast %add3A_1529 : i32 to index
          %get3A_1533 = tpu.vector_load %arg6[%get3A_1531, %get3A_1532] {strides = array<i32>} : memref<8x5376xf32, #tpu.memory_space<vmem>>, vector<16xf32>,
          %max3A_1534 = arith.maximumf %max3A_1521, %get3A_1533 : vector<16xf32>
          %mul3A_1535 = arith.constant 2 : i32
          %mul3A_1536 = arith.muli %mul3A_1535, %scan3A_201 : i32
          %add3A_1537 = arith.constant 0 : i32
          %add3A_1538 = arith.addi %mul3A_1536, %add3A_1537 : i32
          %mul3A_1539 = arith.constant 128 : i32
          %mul3A_1540 = arith.muli %add3A_1538, %mul3A_1539 : i32
          %add3A_1541 = arith.constant 96 : i32
          %add3A_1542 = arith.addi %mul3A_1540, %add3A_1541 : i32
          %get3A_1543 = arith.constant 6 : i32
          %get3A_1544 = arith.index_cast %get3A_1543 : i32 to index
          %get3A_1545 = arith.index_cast %add3A_1542 : i32 to index
          %get3A_1546 = tpu.vector_load %arg6[%get3A_1544, %get3A_1545] {strides = array<i32>} : memref<8x5376xf32, #tpu.memory_space<vmem>>, vector<16xf32>,
          %max3A_1547 = arith.maximumf %max3A_1534, %get3A_1546 : vector<16xf32>
          %mul3A_1548 = arith.constant 2 : i32
          %mul3A_1549 = arith.muli %mul3A_1548, %scan3A_201 : i32
          %add3A_1550 = arith.constant 0 : i32
          %add3A_1551 = arith.addi %mul3A_1549, %add3A_1550 : i32
          %mul3A_1552 = arith.constant 128 : i32
          %mul3A_1553 = arith.muli %add3A_1551, %mul3A_1552 : i32
          %add3A_1554 = arith.constant 112 : i32
          %add3A_1555 = arith.addi %mul3A_1553, %add3A_1554 : i32
          %get3A_1556 = arith.constant 6 : i32
          %get3A_1557 = arith.index_cast %get3A_1556 : i32 to index
          %get3A_1558 = arith.index_cast %add3A_1555 : i32 to index
          %get3A_1559 = tpu.vector_load %arg6[%get3A_1557, %get3A_1558] {strides = array<i32>} : memref<8x5376xf32, #tpu.memory_space<vmem>>, vector<16xf32>,
          %max3A_1560 = arith.maximumf %max3A_1547, %get3A_1559 : vector<16xf32>
          %mul3A_1561 = arith.constant 2 : i32
          %mul3A_1562 = arith.muli %mul3A_1561, %scan3A_201 : i32
          %add3A_1563 = arith.constant 1 : i32
          %add3A_1564 = arith.addi %mul3A_1562, %add3A_1563 : i32
          %mul3A_1565 = arith.constant 128 : i32
          %mul3A_1566 = arith.muli %add3A_1564, %mul3A_1565 : i32
          %add3A_1567 = arith.constant 0 : i32
          %add3A_1568 = arith.addi %mul3A_1566, %add3A_1567 : i32
          %get3A_1569 = arith.constant 6 : i32
          %get3A_1570 = arith.index_cast %get3A_1569 : i32 to index
          %get3A_1571 = arith.index_cast %add3A_1568 : i32 to index
          %get3A_1572 = tpu.vector_load %arg6[%get3A_1570, %get3A_1571] {strides = array<i32>} : memref<8x5376xf32, #tpu.memory_space<vmem>>, vector<16xf32>,
          %max3A_1573 = arith.maximumf %max3A_1560, %get3A_1572 : vector<16xf32>
          %mul3A_1574 = arith.constant 2 : i32
          %mul3A_1575 = arith.muli %mul3A_1574, %scan3A_201 : i32
          %add3A_1576 = arith.constant 1 : i32
          %add3A_1577 = arith.addi %mul3A_1575, %add3A_1576 : i32
          %mul3A_1578 = arith.constant 128 : i32
          %mul3A_1579 = arith.muli %add3A_1577, %mul3A_1578 : i32
          %add3A_1580 = arith.constant 16 : i32
          %add3A_1581 = arith.addi %mul3A_1579, %add3A_1580 : i32
          %get3A_1582 = arith.constant 6 : i32
          %get3A_1583 = arith.index_cast %get3A_1582 : i32 to index
          %get3A_1584 = arith.index_cast %add3A_1581 : i32 to index
          %get3A_1585 = tpu.vector_load %arg6[%get3A_1583, %get3A_1584] {strides = array<i32>} : memref<8x5376xf32, #tpu.memory_space<vmem>>, vector<16xf32>,
          %max3A_1586 = arith.maximumf %max3A_1573, %get3A_1585 : vector<16xf32>
          %mul3A_1587 = arith.constant 2 : i32
          %mul3A_1588 = arith.muli %mul3A_1587, %scan3A_201 : i32
          %add3A_1589 = arith.constant 1 : i32
          %add3A_1590 = arith.addi %mul3A_1588, %add3A_1589 : i32
          %mul3A_1591 = arith.constant 128 : i32
          %mul3A_1592 = arith.muli %add3A_1590, %mul3A_1591 : i32
          %add3A_1593 = arith.constant 32 : i32
          %add3A_1594 = arith.addi %mul3A_1592, %add3A_1593 : i32
          %get3A_1595 = arith.constant 6 : i32
          %get3A_1596 = arith.index_cast %get3A_1595 : i32 to index
          %get3A_1597 = arith.index_cast %add3A_1594 : i32 to index
          %get3A_1598 = tpu.vector_load %arg6[%get3A_1596, %get3A_1597] {strides = array<i32>} : memref<8x5376xf32, #tpu.memory_space<vmem>>, vector<16xf32>,
          %max3A_1599 = arith.maximumf %max3A_1586, %get3A_1598 : vector<16xf32>
          %mul3A_1600 = arith.constant 2 : i32
          %mul3A_1601 = arith.muli %mul3A_1600, %scan3A_201 : i32
          %add3A_1602 = arith.constant 1 : i32
          %add3A_1603 = arith.addi %mul3A_1601, %add3A_1602 : i32
          %mul3A_1604 = arith.constant 128 : i32
          %mul3A_1605 = arith.muli %add3A_1603, %mul3A_1604 : i32
          %add3A_1606 = arith.constant 48 : i32
          %add3A_1607 = arith.addi %mul3A_1605, %add3A_1606 : i32
          %get3A_1608 = arith.constant 6 : i32
          %get3A_1609 = arith.index_cast %get3A_1608 : i32 to index
          %get3A_1610 = arith.index_cast %add3A_1607 : i32 to index
          %get3A_1611 = tpu.vector_load %arg6[%get3A_1609, %get3A_1610] {strides = array<i32>} : memref<8x5376xf32, #tpu.memory_space<vmem>>, vector<16xf32>,
          %max3A_1612 = arith.maximumf %max3A_1599, %get3A_1611 : vector<16xf32>
          %mul3A_1613 = arith.constant 2 : i32
          %mul3A_1614 = arith.muli %mul3A_1613, %scan3A_201 : i32
          %add3A_1615 = arith.constant 1 : i32
          %add3A_1616 = arith.addi %mul3A_1614, %add3A_1615 : i32
          %mul3A_1617 = arith.constant 128 : i32
          %mul3A_1618 = arith.muli %add3A_1616, %mul3A_1617 : i32
          %add3A_1619 = arith.constant 64 : i32
          %add3A_1620 = arith.addi %mul3A_1618, %add3A_1619 : i32
          %get3A_1621 = arith.constant 6 : i32
          %get3A_1622 = arith.index_cast %get3A_1621 : i32 to index
          %get3A_1623 = arith.index_cast %add3A_1620 : i32 to index
          %get3A_1624 = tpu.vector_load %arg6[%get3A_1622, %get3A_1623] {strides = array<i32>} : memref<8x5376xf32, #tpu.memory_space<vmem>>, vector<16xf32>,
          %max3A_1625 = arith.maximumf %max3A_1612, %get3A_1624 : vector<16xf32>
          %mul3A_1626 = arith.constant 2 : i32
          %mul3A_1627 = arith.muli %mul3A_1626, %scan3A_201 : i32
          %add3A_1628 = arith.constant 1 : i32
          %add3A_1629 = arith.addi %mul3A_1627, %add3A_1628 : i32
          %mul3A_1630 = arith.constant 128 : i32
          %mul3A_1631 = arith.muli %add3A_1629, %mul3A_1630 : i32
          %add3A_1632 = arith.constant 80 : i32
          %add3A_1633 = arith.addi %mul3A_1631, %add3A_1632 : i32
          %get3A_1634 = arith.constant 6 : i32
          %get3A_1635 = arith.index_cast %get3A_1634 : i32 to index
          %get3A_1636 = arith.index_cast %add3A_1633 : i32 to index
          %get3A_1637 = tpu.vector_load %arg6[%get3A_1635, %get3A_1636] {strides = array<i32>} : memref<8x5376xf32, #tpu.memory_space<vmem>>, vector<16xf32>,
          %max3A_1638 = arith.maximumf %max3A_1625, %get3A_1637 : vector<16xf32>
          %mul3A_1639 = arith.constant 2 : i32
          %mul3A_1640 = arith.muli %mul3A_1639, %scan3A_201 : i32
          %add3A_1641 = arith.constant 1 : i32
          %add3A_1642 = arith.addi %mul3A_1640, %add3A_1641 : i32
          %mul3A_1643 = arith.constant 128 : i32
          %mul3A_1644 = arith.muli %add3A_1642, %mul3A_1643 : i32
          %add3A_1645 = arith.constant 96 : i32
          %add3A_1646 = arith.addi %mul3A_1644, %add3A_1645 : i32
          %get3A_1647 = arith.constant 6 : i32
          %get3A_1648 = arith.index_cast %get3A_1647 : i32 to index
          %get3A_1649 = arith.index_cast %add3A_1646 : i32 to index
          %get3A_1650 = tpu.vector_load %arg6[%get3A_1648, %get3A_1649] {strides = array<i32>} : memref<8x5376xf32, #tpu.memory_space<vmem>>, vector<16xf32>,
          %max3A_1651 = arith.maximumf %max3A_1638, %get3A_1650 : vector<16xf32>
          %mul3A_1652 = arith.constant 2 : i32
          %mul3A_1653 = arith.muli %mul3A_1652, %scan3A_201 : i32
          %add3A_1654 = arith.constant 1 : i32
          %add3A_1655 = arith.addi %mul3A_1653, %add3A_1654 : i32
          %mul3A_1656 = arith.constant 128 : i32
          %mul3A_1657 = arith.muli %add3A_1655, %mul3A_1656 : i32
          %add3A_1658 = arith.constant 112 : i32
          %add3A_1659 = arith.addi %mul3A_1657, %add3A_1658 : i32
          %get3A_1660 = arith.constant 6 : i32
          %get3A_1661 = arith.index_cast %get3A_1660 : i32 to index
          %get3A_1662 = arith.index_cast %add3A_1659 : i32 to index
          %get3A_1663 = tpu.vector_load %arg6[%get3A_1661, %get3A_1662] {strides = array<i32>} : memref<8x5376xf32, #tpu.memory_space<vmem>>, vector<16xf32>,
          %max3A_1664 = arith.maximumf %max3A_1651, %get3A_1663 : vector<16xf32>
          %mul3A_1665 = arith.constant 2 : i32
          %mul3A_1666 = arith.muli %mul3A_1665, %scan3A_201 : i32
          %add3A_1667 = arith.constant 0 : i32
          %add3A_1668 = arith.addi %mul3A_1666, %add3A_1667 : i32
          %mul3A_1669 = arith.constant 128 : i32
          %mul3A_1670 = arith.muli %add3A_1668, %mul3A_1669 : i32
          %add3A_1671 = arith.constant 0 : i32
          %add3A_1672 = arith.addi %mul3A_1670, %add3A_1671 : i32
          %get3A_1673 = arith.constant 7 : i32
          %get3A_1674 = arith.index_cast %get3A_1673 : i32 to index
          %get3A_1675 = arith.index_cast %add3A_1672 : i32 to index
          %get3A_1676 = tpu.vector_load %arg6[%get3A_1674, %get3A_1675] {strides = array<i32>} : memref<8x5376xf32, #tpu.memory_space<vmem>>, vector<16xf32>,
          %max3A_1677 = arith.maximumf %scan3A_209, %get3A_1676 : vector<16xf32>
          %mul3A_1678 = arith.constant 2 : i32
          %mul3A_1679 = arith.muli %mul3A_1678, %scan3A_201 : i32
          %add3A_1680 = arith.constant 0 : i32
          %add3A_1681 = arith.addi %mul3A_1679, %add3A_1680 : i32
          %mul3A_1682 = arith.constant 128 : i32
          %mul3A_1683 = arith.muli %add3A_1681, %mul3A_1682 : i32
          %add3A_1684 = arith.constant 16 : i32
          %add3A_1685 = arith.addi %mul3A_1683, %add3A_1684 : i32
          %get3A_1686 = arith.constant 7 : i32
          %get3A_1687 = arith.index_cast %get3A_1686 : i32 to index
          %get3A_1688 = arith.index_cast %add3A_1685 : i32 to index
          %get3A_1689 = tpu.vector_load %arg6[%get3A_1687, %get3A_1688] {strides = array<i32>} : memref<8x5376xf32, #tpu.memory_space<vmem>>, vector<16xf32>,
          %max3A_1690 = arith.maximumf %max3A_1677, %get3A_1689 : vector<16xf32>
          %mul3A_1691 = arith.constant 2 : i32
          %mul3A_1692 = arith.muli %mul3A_1691, %scan3A_201 : i32
          %add3A_1693 = arith.constant 0 : i32
          %add3A_1694 = arith.addi %mul3A_1692, %add3A_1693 : i32
          %mul3A_1695 = arith.constant 128 : i32
          %mul3A_1696 = arith.muli %add3A_1694, %mul3A_1695 : i32
          %add3A_1697 = arith.constant 32 : i32
          %add3A_1698 = arith.addi %mul3A_1696, %add3A_1697 : i32
          %get3A_1699 = arith.constant 7 : i32
          %get3A_1700 = arith.index_cast %get3A_1699 : i32 to index
          %get3A_1701 = arith.index_cast %add3A_1698 : i32 to index
          %get3A_1702 = tpu.vector_load %arg6[%get3A_1700, %get3A_1701] {strides = array<i32>} : memref<8x5376xf32, #tpu.memory_space<vmem>>, vector<16xf32>,
          %max3A_1703 = arith.maximumf %max3A_1690, %get3A_1702 : vector<16xf32>
          %mul3A_1704 = arith.constant 2 : i32
          %mul3A_1705 = arith.muli %mul3A_1704, %scan3A_201 : i32
          %add3A_1706 = arith.constant 0 : i32
          %add3A_1707 = arith.addi %mul3A_1705, %add3A_1706 : i32
          %mul3A_1708 = arith.constant 128 : i32
          %mul3A_1709 = arith.muli %add3A_1707, %mul3A_1708 : i32
          %add3A_1710 = arith.constant 48 : i32
          %add3A_1711 = arith.addi %mul3A_1709, %add3A_1710 : i32
          %get3A_1712 = arith.constant 7 : i32
          %get3A_1713 = arith.index_cast %get3A_1712 : i32 to index
          %get3A_1714 = arith.index_cast %add3A_1711 : i32 to index
          %get3A_1715 = tpu.vector_load %arg6[%get3A_1713, %get3A_1714] {strides = array<i32>} : memref<8x5376xf32, #tpu.memory_space<vmem>>, vector<16xf32>,
          %max3A_1716 = arith.maximumf %max3A_1703, %get3A_1715 : vector<16xf32>
          %mul3A_1717 = arith.constant 2 : i32
          %mul3A_1718 = arith.muli %mul3A_1717, %scan3A_201 : i32
          %add3A_1719 = arith.constant 0 : i32
          %add3A_1720 = arith.addi %mul3A_1718, %add3A_1719 : i32
          %mul3A_1721 = arith.constant 128 : i32
          %mul3A_1722 = arith.muli %add3A_1720, %mul3A_1721 : i32
          %add3A_1723 = arith.constant 64 : i32
          %add3A_1724 = arith.addi %mul3A_1722, %add3A_1723 : i32
          %get3A_1725 = arith.constant 7 : i32
          %get3A_1726 = arith.index_cast %get3A_1725 : i32 to index
          %get3A_1727 = arith.index_cast %add3A_1724 : i32 to index
          %get3A_1728 = tpu.vector_load %arg6[%get3A_1726, %get3A_1727] {strides = array<i32>} : memref<8x5376xf32, #tpu.memory_space<vmem>>, vector<16xf32>,
          %max3A_1729 = arith.maximumf %max3A_1716, %get3A_1728 : vector<16xf32>
          %mul3A_1730 = arith.constant 2 : i32
          %mul3A_1731 = arith.muli %mul3A_1730, %scan3A_201 : i32
          %add3A_1732 = arith.constant 0 : i32
          %add3A_1733 = arith.addi %mul3A_1731, %add3A_1732 : i32
          %mul3A_1734 = arith.constant 128 : i32
          %mul3A_1735 = arith.muli %add3A_1733, %mul3A_1734 : i32
          %add3A_1736 = arith.constant 80 : i32
          %add3A_1737 = arith.addi %mul3A_1735, %add3A_1736 : i32
          %get3A_1738 = arith.constant 7 : i32
          %get3A_1739 = arith.index_cast %get3A_1738 : i32 to index
          %get3A_1740 = arith.index_cast %add3A_1737 : i32 to index
          %get3A_1741 = tpu.vector_load %arg6[%get3A_1739, %get3A_1740] {strides = array<i32>} : memref<8x5376xf32, #tpu.memory_space<vmem>>, vector<16xf32>,
          %max3A_1742 = arith.maximumf %max3A_1729, %get3A_1741 : vector<16xf32>
          %mul3A_1743 = arith.constant 2 : i32
          %mul3A_1744 = arith.muli %mul3A_1743, %scan3A_201 : i32
          %add3A_1745 = arith.constant 0 : i32
          %add3A_1746 = arith.addi %mul3A_1744, %add3A_1745 : i32
          %mul3A_1747 = arith.constant 128 : i32
          %mul3A_1748 = arith.muli %add3A_1746, %mul3A_1747 : i32
          %add3A_1749 = arith.constant 96 : i32
          %add3A_1750 = arith.addi %mul3A_1748, %add3A_1749 : i32
          %get3A_1751 = arith.constant 7 : i32
          %get3A_1752 = arith.index_cast %get3A_1751 : i32 to index
          %get3A_1753 = arith.index_cast %add3A_1750 : i32 to index
          %get3A_1754 = tpu.vector_load %arg6[%get3A_1752, %get3A_1753] {strides = array<i32>} : memref<8x5376xf32, #tpu.memory_space<vmem>>, vector<16xf32>,
          %max3A_1755 = arith.maximumf %max3A_1742, %get3A_1754 : vector<16xf32>
          %mul3A_1756 = arith.constant 2 : i32
          %mul3A_1757 = arith.muli %mul3A_1756, %scan3A_201 : i32
          %add3A_1758 = arith.constant 0 : i32
          %add3A_1759 = arith.addi %mul3A_1757, %add3A_1758 : i32
          %mul3A_1760 = arith.constant 128 : i32
          %mul3A_1761 = arith.muli %add3A_1759, %mul3A_1760 : i32
          %add3A_1762 = arith.constant 112 : i32
          %add3A_1763 = arith.addi %mul3A_1761, %add3A_1762 : i32
          %get3A_1764 = arith.constant 7 : i32
          %get3A_1765 = arith.index_cast %get3A_1764 : i32 to index
          %get3A_1766 = arith.index_cast %add3A_1763 : i32 to index
          %get3A_1767 = tpu.vector_load %arg6[%get3A_1765, %get3A_1766] {strides = array<i32>} : memref<8x5376xf32, #tpu.memory_space<vmem>>, vector<16xf32>,
          %max3A_1768 = arith.maximumf %max3A_1755, %get3A_1767 : vector<16xf32>
          %mul3A_1769 = arith.constant 2 : i32
          %mul3A_1770 = arith.muli %mul3A_1769, %scan3A_201 : i32
          %add3A_1771 = arith.constant 1 : i32
          %add3A_1772 = arith.addi %mul3A_1770, %add3A_1771 : i32
          %mul3A_1773 = arith.constant 128 : i32
          %mul3A_1774 = arith.muli %add3A_1772, %mul3A_1773 : i32
          %add3A_1775 = arith.constant 0 : i32
          %add3A_1776 = arith.addi %mul3A_1774, %add3A_1775 : i32
          %get3A_1777 = arith.constant 7 : i32
          %get3A_1778 = arith.index_cast %get3A_1777 : i32 to index
          %get3A_1779 = arith.index_cast %add3A_1776 : i32 to index
          %get3A_1780 = tpu.vector_load %arg6[%get3A_1778, %get3A_1779] {strides = array<i32>} : memref<8x5376xf32, #tpu.memory_space<vmem>>, vector<16xf32>,
          %max3A_1781 = arith.maximumf %max3A_1768, %get3A_1780 : vector<16xf32>
          %mul3A_1782 = arith.constant 2 : i32
          %mul3A_1783 = arith.muli %mul3A_1782, %scan3A_201 : i32
          %add3A_1784 = arith.constant 1 : i32
          %add3A_1785 = arith.addi %mul3A_1783, %add3A_1784 : i32
          %mul3A_1786 = arith.constant 128 : i32
          %mul3A_1787 = arith.muli %add3A_1785, %mul3A_1786 : i32
          %add3A_1788 = arith.constant 16 : i32
          %add3A_1789 = arith.addi %mul3A_1787, %add3A_1788 : i32
          %get3A_1790 = arith.constant 7 : i32
          %get3A_1791 = arith.index_cast %get3A_1790 : i32 to index
          %get3A_1792 = arith.index_cast %add3A_1789 : i32 to index
          %get3A_1793 = tpu.vector_load %arg6[%get3A_1791, %get3A_1792] {strides = array<i32>} : memref<8x5376xf32, #tpu.memory_space<vmem>>, vector<16xf32>,
          %max3A_1794 = arith.maximumf %max3A_1781, %get3A_1793 : vector<16xf32>
          %mul3A_1795 = arith.constant 2 : i32
          %mul3A_1796 = arith.muli %mul3A_1795, %scan3A_201 : i32
          %add3A_1797 = arith.constant 1 : i32
          %add3A_1798 = arith.addi %mul3A_1796, %add3A_1797 : i32
          %mul3A_1799 = arith.constant 128 : i32
          %mul3A_1800 = arith.muli %add3A_1798, %mul3A_1799 : i32
          %add3A_1801 = arith.constant 32 : i32
          %add3A_1802 = arith.addi %mul3A_1800, %add3A_1801 : i32
          %get3A_1803 = arith.constant 7 : i32
          %get3A_1804 = arith.index_cast %get3A_1803 : i32 to index
          %get3A_1805 = arith.index_cast %add3A_1802 : i32 to index
          %get3A_1806 = tpu.vector_load %arg6[%get3A_1804, %get3A_1805] {strides = array<i32>} : memref<8x5376xf32, #tpu.memory_space<vmem>>, vector<16xf32>,
          %max3A_1807 = arith.maximumf %max3A_1794, %get3A_1806 : vector<16xf32>
          %mul3A_1808 = arith.constant 2 : i32
          %mul3A_1809 = arith.muli %mul3A_1808, %scan3A_201 : i32
          %add3A_1810 = arith.constant 1 : i32
          %add3A_1811 = arith.addi %mul3A_1809, %add3A_1810 : i32
          %mul3A_1812 = arith.constant 128 : i32
          %mul3A_1813 = arith.muli %add3A_1811, %mul3A_1812 : i32
          %add3A_1814 = arith.constant 48 : i32
          %add3A_1815 = arith.addi %mul3A_1813, %add3A_1814 : i32
          %get3A_1816 = arith.constant 7 : i32
          %get3A_1817 = arith.index_cast %get3A_1816 : i32 to index
          %get3A_1818 = arith.index_cast %add3A_1815 : i32 to index
          %get3A_1819 = tpu.vector_load %arg6[%get3A_1817, %get3A_1818] {strides = array<i32>} : memref<8x5376xf32, #tpu.memory_space<vmem>>, vector<16xf32>,
          %max3A_1820 = arith.maximumf %max3A_1807, %get3A_1819 : vector<16xf32>
          %mul3A_1821 = arith.constant 2 : i32
          %mul3A_1822 = arith.muli %mul3A_1821, %scan3A_201 : i32
          %add3A_1823 = arith.constant 1 : i32
          %add3A_1824 = arith.addi %mul3A_1822, %add3A_1823 : i32
          %mul3A_1825 = arith.constant 128 : i32
          %mul3A_1826 = arith.muli %add3A_1824, %mul3A_1825 : i32
          %add3A_1827 = arith.constant 64 : i32
          %add3A_1828 = arith.addi %mul3A_1826, %add3A_1827 : i32
          %get3A_1829 = arith.constant 7 : i32
          %get3A_1830 = arith.index_cast %get3A_1829 : i32 to index
          %get3A_1831 = arith.index_cast %add3A_1828 : i32 to index
          %get3A_1832 = tpu.vector_load %arg6[%get3A_1830, %get3A_1831] {strides = array<i32>} : memref<8x5376xf32, #tpu.memory_space<vmem>>, vector<16xf32>,
          %max3A_1833 = arith.maximumf %max3A_1820, %get3A_1832 : vector<16xf32>
          %mul3A_1834 = arith.constant 2 : i32
          %mul3A_1835 = arith.muli %mul3A_1834, %scan3A_201 : i32
          %add3A_1836 = arith.constant 1 : i32
          %add3A_1837 = arith.addi %mul3A_1835, %add3A_1836 : i32
          %mul3A_1838 = arith.constant 128 : i32
          %mul3A_1839 = arith.muli %add3A_1837, %mul3A_1838 : i32
          %add3A_1840 = arith.constant 80 : i32
          %add3A_1841 = arith.addi %mul3A_1839, %add3A_1840 : i32
          %get3A_1842 = arith.constant 7 : i32
          %get3A_1843 = arith.index_cast %get3A_1842 : i32 to index
          %get3A_1844 = arith.index_cast %add3A_1841 : i32 to index
          %get3A_1845 = tpu.vector_load %arg6[%get3A_1843, %get3A_1844] {strides = array<i32>} : memref<8x5376xf32, #tpu.memory_space<vmem>>, vector<16xf32>,
          %max3A_1846 = arith.maximumf %max3A_1833, %get3A_1845 : vector<16xf32>
          %mul3A_1847 = arith.constant 2 : i32
          %mul3A_1848 = arith.muli %mul3A_1847, %scan3A_201 : i32
          %add3A_1849 = arith.constant 1 : i32
          %add3A_1850 = arith.addi %mul3A_1848, %add3A_1849 : i32
          %mul3A_1851 = arith.constant 128 : i32
          %mul3A_1852 = arith.muli %add3A_1850, %mul3A_1851 : i32
          %add3A_1853 = arith.constant 96 : i32
          %add3A_1854 = arith.addi %mul3A_1852, %add3A_1853 : i32
          %get3A_1855 = arith.constant 7 : i32
          %get3A_1856 = arith.index_cast %get3A_1855 : i32 to index
          %get3A_1857 = arith.index_cast %add3A_1854 : i32 to index
          %get3A_1858 = tpu.vector_load %arg6[%get3A_1856, %get3A_1857] {strides = array<i32>} : memref<8x5376xf32, #tpu.memory_space<vmem>>, vector<16xf32>,
          %max3A_1859 = arith.maximumf %max3A_1846, %get3A_1858 : vector<16xf32>
          %mul3A_1860 = arith.constant 2 : i32
          %mul3A_1861 = arith.muli %mul3A_1860, %scan3A_201 : i32
          %add3A_1862 = arith.constant 1 : i32
          %add3A_1863 = arith.addi %mul3A_1861, %add3A_1862 : i32
          %mul3A_1864 = arith.constant 128 : i32
          %mul3A_1865 = arith.muli %add3A_1863, %mul3A_1864 : i32
          %add3A_1866 = arith.constant 112 : i32
          %add3A_1867 = arith.addi %mul3A_1865, %add3A_1866 : i32
          %get3A_1868 = arith.constant 7 : i32
          %get3A_1869 = arith.index_cast %get3A_1868 : i32 to index
          %get3A_1870 = arith.index_cast %add3A_1867 : i32 to index
          %get3A_1871 = tpu.vector_load %arg6[%get3A_1869, %get3A_1870] {strides = array<i32>} : memref<8x5376xf32, #tpu.memory_space<vmem>>, vector<16xf32>,
          %max3A_1872 = arith.maximumf %max3A_1859, %get3A_1871 : vector<16xf32>
          scf.yield %max3A_416, %max3A_624, %max3A_832, %max3A_1040, %max3A_1248, %max3A_1456, %max3A_1664, %max3A_1872 : vector<16xf32>, vector<16xf32>, vector<16xf32>, vector<16xf32>, vector<16xf32>, vector<16xf32>, vector<16xf32>, vector<16xf32>
        }
        %scan3A_163 = arith.constant 21 : i32
        %lt3A_164 = arith.constant 3 : i32
        %lt3A_165 = arith.cmpi slt, %scan3A_109, %lt3A_164 : i32
        %convert_element_type3A = arith.extui %lt3A_165 : i1 to i32
        %cond3A = arith.constant 0 : i32
        %cond3A_166 = arith.cmpi ne, %convert_element_type3A, %cond3A : i32
        scf.if %cond3A_166 {
          %add3A_201 = arith.constant 42 : i32
          %add3A_202 = arith.addi %mul3A_128, %add3A_201 : i32
          %mul3A_203 = arith.constant 8 : i32
          %mul3A_204 = arith.muli %add3A_16, %mul3A_203 : i32
          %mul3A_205 = arith.constant 128 : i32
          %mul3A_206 = arith.muli %add3A_202, %mul3A_205 : i32
          %dma_start3A_207 = tpu.memref_slice %arg2[%mul3A_204, %mul3A_206] : memref<1024x100000xf32, #tpu.memory_space<hbm>> -> memref<8x5376xf32, #tpu.memory_space<hbm>>
          %dma_start3A_208 = tpu.memref_slice %arg2[%mul3A_204, %mul3A_206] : memref<1024x100000xf32, #tpu.memory_space<hbm>> -> memref<8x5376xf32, #tpu.memory_space<hbm>>
          tpu.enqueue_dma source(%dma_start3A_208 : memref<8x5376xf32, #tpu.memory_space<hbm>>) target(%arg6 : memref<8x5376xf32, #tpu.memory_space<vmem>>) target_semaphore(%arg11 : memref<!tpu.dma_semaphore, #tpu.memory_space<semaphore_mem>>)
        } else {
        }
        %mul3A_167 = arith.constant 8 : i32
        %mul3A_168 = arith.muli %add3A_16, %mul3A_167 : i32
        %mul3A_169 = arith.constant 128 : i32
        %mul3A_170 = arith.muli %mul3A_128, %mul3A_169 : i32
        %dma_wait3A_171 = tpu.memref_slice %arg2[%mul3A_168, %mul3A_170] : memref<1024x100000xf32, #tpu.memory_space<hbm>> -> memref<8x5376xf32, #tpu.memory_space<hbm>>
        %dma_wait3A_172 = tpu.memref_slice %arg2[%mul3A_168, %mul3A_170] : memref<1024x100000xf32, #tpu.memory_space<hbm>> -> memref<8x5376xf32, #tpu.memory_space<hbm>>
        tpu.wait_dma2 semaphore(%arg12 : memref<!tpu.dma_semaphore, #tpu.memory_space<semaphore_mem>>) src(%dma_wait3A_172 : memref<8x5376xf32, #tpu.memory_space<hbm>>) dst(%arg7 : memref<8x5376xf32, #tpu.memory_space<vmem>>)
        %mul3A_173 = arith.constant 128 : i32
        %mul3A_174 = arith.muli %mul3A_128, %mul3A_173 : i32
        %ge3A_175 = vector.broadcast %mul3A_174 : i32 to vector<16xi32>
        %ge3A_176 = arith.cmpi sge, %gather3A, %ge3A_175 : vector<16xi32>
        %add3A_177 = arith.constant 42 : i32
        %add3A_178 = arith.addi %mul3A_128, %add3A_177 : i32
        %mul3A_179 = arith.constant 128 : i32
        %mul3A_180 = arith.muli %add3A_178, %mul3A_179 : i32
        %lt3A_181 = vector.broadcast %mul3A_180 : i32 to vector<16xi32>
        %lt3A_182 = arith.cmpi slt, %gather3A, %lt3A_181 : vector<16xi32>
        %and3A_183 = arith.andi %ge3A_176, %lt3A_182 : vector<16xi1>
        %and3A_184 = arith.andi %and3A_183, %lt3A_4 : vector<16xi1>
        %mul3A_185 = arith.constant 128 : i32
        %mul3A_186 = arith.muli %mul3A_128, %mul3A_185 : i32
        %sub3A_187 = vector.broadcast %mul3A_186 : i32 to vector<16xi32>
        %sub3A_188 = arith.subi %gather3A, %sub3A_187 : vector<16xi32>
        %jit3A_189 = arith.constant 0 : i32
        %broadcast_in_dim3A_190 = vector.broadcast %jit3A_189 : i32 to vector<16xi32>
        %select_n3A_191 = arith.select %and3A_184, %sub3A_188, %broadcast_in_dim3A_190 : vector<16xi1>, vector<16xi32>
        %gather3A_192 = tpu.vector_load_idx %arg7[%and3A_6, %select_n3A_191] : memref<8x5376xf32, #tpu.memory_space<vmem>>[vector<16xi32>, vector<16xi32>], vector<16xf32>,
        %select_n3A_193 = arith.select %and3A_184, %gather3A_192, %broadcast_in_dim3A_7 : vector<16xi1>, vector<16xf32>
        %max3A_194 = arith.maximumf %max3A, %select_n3A_193 : vector<16xf32>
        tpu.vector_store_idx %arg7[%and3A_6, %select_n3A_191], %broadcast_in_dim3A_7 masked %and3A_184 : memref<8x5376xf32, #tpu.memory_space<vmem>>[vector<16xi32>, vector<16xi32>], vector<16xf32>, vector<16xi1>
        %scan3A_195 = arith.constant 0 : i32
        %scan3A_196 = arith.constant 21 : i32
        %scan3A_197 = arith.addi %scan3A_195, %scan3A_196 : i32
        %scan3A_198 = arith.constant 1 : i32
        %scan3A_199:8 = scf.for %scan3A_201 = %scan3A_195 to %scan3A_197 step %scan3A_198 iter_args(%scan3A_202 = %scan3A_162#0, %scan3A_203 = %scan3A_162#1, %scan3A_204 = %scan3A_162#2, %scan3A_205 = %scan3A_162#3, %scan3A_206 = %scan3A_162#4, %scan3A_207 = %scan3A_162#5, %scan3A_208 = %scan3A_162#6, %scan3A_209 = %scan3A_162#7) -> (vector<16xf32>, vector<16xf32>, vector<16xf32>, vector<16xf32>, vector<16xf32>, vector<16xf32>, vector<16xf32>, vector<16xf32>)  : i32 {
          %mul3A_210 = arith.constant 2 : i32
          %mul3A_211 = arith.muli %mul3A_210, %scan3A_201 : i32
          %add3A_212 = arith.constant 0 : i32
          %add3A_213 = arith.addi %mul3A_211, %add3A_212 : i32
          %mul3A_214 = arith.constant 128 : i32
          %mul3A_215 = arith.muli %add3A_213, %mul3A_214 : i32
          %add3A_216 = arith.constant 0 : i32
          %add3A_217 = arith.addi %mul3A_215, %add3A_216 : i32
          %get3A = arith.constant 0 : i32
          %get3A_218 = arith.index_cast %get3A : i32 to index
          %get3A_219 = arith.index_cast %add3A_217 : i32 to index
          %get3A_220 = tpu.vector_load %arg7[%get3A_218, %get3A_219] {strides = array<i32>} : memref<8x5376xf32, #tpu.memory_space<vmem>>, vector<16xf32>,
          %max3A_221 = arith.maximumf %scan3A_202, %get3A_220 : vector<16xf32>
          %mul3A_222 = arith.constant 2 : i32
          %mul3A_223 = arith.muli %mul3A_222, %scan3A_201 : i32
          %add3A_224 = arith.constant 0 : i32
          %add3A_225 = arith.addi %mul3A_223, %add3A_224 : i32
          %mul3A_226 = arith.constant 128 : i32
          %mul3A_227 = arith.muli %add3A_225, %mul3A_226 : i32
          %add3A_228 = arith.constant 16 : i32
          %add3A_229 = arith.addi %mul3A_227, %add3A_228 : i32
          %get3A_230 = arith.constant 0 : i32
          %get3A_231 = arith.index_cast %get3A_230 : i32 to index
          %get3A_232 = arith.index_cast %add3A_229 : i32 to index
          %get3A_233 = tpu.vector_load %arg7[%get3A_231, %get3A_232] {strides = array<i32>} : memref<8x5376xf32, #tpu.memory_space<vmem>>, vector<16xf32>,
          %max3A_234 = arith.maximumf %max3A_221, %get3A_233 : vector<16xf32>
          %mul3A_235 = arith.constant 2 : i32
          %mul3A_236 = arith.muli %mul3A_235, %scan3A_201 : i32
          %add3A_237 = arith.constant 0 : i32
          %add3A_238 = arith.addi %mul3A_236, %add3A_237 : i32
          %mul3A_239 = arith.constant 128 : i32
          %mul3A_240 = arith.muli %add3A_238, %mul3A_239 : i32
          %add3A_241 = arith.constant 32 : i32
          %add3A_242 = arith.addi %mul3A_240, %add3A_241 : i32
          %get3A_243 = arith.constant 0 : i32
          %get3A_244 = arith.index_cast %get3A_243 : i32 to index
          %get3A_245 = arith.index_cast %add3A_242 : i32 to index
          %get3A_246 = tpu.vector_load %arg7[%get3A_244, %get3A_245] {strides = array<i32>} : memref<8x5376xf32, #tpu.memory_space<vmem>>, vector<16xf32>,
          %max3A_247 = arith.maximumf %max3A_234, %get3A_246 : vector<16xf32>
          %mul3A_248 = arith.constant 2 : i32
          %mul3A_249 = arith.muli %mul3A_248, %scan3A_201 : i32
          %add3A_250 = arith.constant 0 : i32
          %add3A_251 = arith.addi %mul3A_249, %add3A_250 : i32
          %mul3A_252 = arith.constant 128 : i32
          %mul3A_253 = arith.muli %add3A_251, %mul3A_252 : i32
          %add3A_254 = arith.constant 48 : i32
          %add3A_255 = arith.addi %mul3A_253, %add3A_254 : i32
          %get3A_256 = arith.constant 0 : i32
          %get3A_257 = arith.index_cast %get3A_256 : i32 to index
          %get3A_258 = arith.index_cast %add3A_255 : i32 to index
          %get3A_259 = tpu.vector_load %arg7[%get3A_257, %get3A_258] {strides = array<i32>} : memref<8x5376xf32, #tpu.memory_space<vmem>>, vector<16xf32>,
          %max3A_260 = arith.maximumf %max3A_247, %get3A_259 : vector<16xf32>
          %mul3A_261 = arith.constant 2 : i32
          %mul3A_262 = arith.muli %mul3A_261, %scan3A_201 : i32
          %add3A_263 = arith.constant 0 : i32
          %add3A_264 = arith.addi %mul3A_262, %add3A_263 : i32
          %mul3A_265 = arith.constant 128 : i32
          %mul3A_266 = arith.muli %add3A_264, %mul3A_265 : i32
          %add3A_267 = arith.constant 64 : i32
          %add3A_268 = arith.addi %mul3A_266, %add3A_267 : i32
          %get3A_269 = arith.constant 0 : i32
          %get3A_270 = arith.index_cast %get3A_269 : i32 to index
          %get3A_271 = arith.index_cast %add3A_268 : i32 to index
          %get3A_272 = tpu.vector_load %arg7[%get3A_270, %get3A_271] {strides = array<i32>} : memref<8x5376xf32, #tpu.memory_space<vmem>>, vector<16xf32>,
          %max3A_273 = arith.maximumf %max3A_260, %get3A_272 : vector<16xf32>
          %mul3A_274 = arith.constant 2 : i32
          %mul3A_275 = arith.muli %mul3A_274, %scan3A_201 : i32
          %add3A_276 = arith.constant 0 : i32
          %add3A_277 = arith.addi %mul3A_275, %add3A_276 : i32
          %mul3A_278 = arith.constant 128 : i32
          %mul3A_279 = arith.muli %add3A_277, %mul3A_278 : i32
          %add3A_280 = arith.constant 80 : i32
          %add3A_281 = arith.addi %mul3A_279, %add3A_280 : i32
          %get3A_282 = arith.constant 0 : i32
          %get3A_283 = arith.index_cast %get3A_282 : i32 to index
          %get3A_284 = arith.index_cast %add3A_281 : i32 to index
          %get3A_285 = tpu.vector_load %arg7[%get3A_283, %get3A_284] {strides = array<i32>} : memref<8x5376xf32, #tpu.memory_space<vmem>>, vector<16xf32>,
          %max3A_286 = arith.maximumf %max3A_273, %get3A_285 : vector<16xf32>
          %mul3A_287 = arith.constant 2 : i32
          %mul3A_288 = arith.muli %mul3A_287, %scan3A_201 : i32
          %add3A_289 = arith.constant 0 : i32
          %add3A_290 = arith.addi %mul3A_288, %add3A_289 : i32
          %mul3A_291 = arith.constant 128 : i32
          %mul3A_292 = arith.muli %add3A_290, %mul3A_291 : i32
          %add3A_293 = arith.constant 96 : i32
          %add3A_294 = arith.addi %mul3A_292, %add3A_293 : i32
          %get3A_295 = arith.constant 0 : i32
          %get3A_296 = arith.index_cast %get3A_295 : i32 to index
          %get3A_297 = arith.index_cast %add3A_294 : i32 to index
          %get3A_298 = tpu.vector_load %arg7[%get3A_296, %get3A_297] {strides = array<i32>} : memref<8x5376xf32, #tpu.memory_space<vmem>>, vector<16xf32>,
          %max3A_299 = arith.maximumf %max3A_286, %get3A_298 : vector<16xf32>
          %mul3A_300 = arith.constant 2 : i32
          %mul3A_301 = arith.muli %mul3A_300, %scan3A_201 : i32
          %add3A_302 = arith.constant 0 : i32
          %add3A_303 = arith.addi %mul3A_301, %add3A_302 : i32
          %mul3A_304 = arith.constant 128 : i32
          %mul3A_305 = arith.muli %add3A_303, %mul3A_304 : i32
          %add3A_306 = arith.constant 112 : i32
          %add3A_307 = arith.addi %mul3A_305, %add3A_306 : i32
          %get3A_308 = arith.constant 0 : i32
          %get3A_309 = arith.index_cast %get3A_308 : i32 to index
          %get3A_310 = arith.index_cast %add3A_307 : i32 to index
          %get3A_311 = tpu.vector_load %arg7[%get3A_309, %get3A_310] {strides = array<i32>} : memref<8x5376xf32, #tpu.memory_space<vmem>>, vector<16xf32>,
          %max3A_312 = arith.maximumf %max3A_299, %get3A_311 : vector<16xf32>
          %mul3A_313 = arith.constant 2 : i32
          %mul3A_314 = arith.muli %mul3A_313, %scan3A_201 : i32
          %add3A_315 = arith.constant 1 : i32
          %add3A_316 = arith.addi %mul3A_314, %add3A_315 : i32
          %mul3A_317 = arith.constant 128 : i32
          %mul3A_318 = arith.muli %add3A_316, %mul3A_317 : i32
          %add3A_319 = arith.constant 0 : i32
          %add3A_320 = arith.addi %mul3A_318, %add3A_319 : i32
          %get3A_321 = arith.constant 0 : i32
          %get3A_322 = arith.index_cast %get3A_321 : i32 to index
          %get3A_323 = arith.index_cast %add3A_320 : i32 to index
          %get3A_324 = tpu.vector_load %arg7[%get3A_322, %get3A_323] {strides = array<i32>} : memref<8x5376xf32, #tpu.memory_space<vmem>>, vector<16xf32>,
          %max3A_325 = arith.maximumf %max3A_312, %get3A_324 : vector<16xf32>
          %mul3A_326 = arith.constant 2 : i32
          %mul3A_327 = arith.muli %mul3A_326, %scan3A_201 : i32
          %add3A_328 = arith.constant 1 : i32
          %add3A_329 = arith.addi %mul3A_327, %add3A_328 : i32
          %mul3A_330 = arith.constant 128 : i32
          %mul3A_331 = arith.muli %add3A_329, %mul3A_330 : i32
          %add3A_332 = arith.constant 16 : i32
          %add3A_333 = arith.addi %mul3A_331, %add3A_332 : i32
          %get3A_334 = arith.constant 0 : i32
          %get3A_335 = arith.index_cast %get3A_334 : i32 to index
          %get3A_336 = arith.index_cast %add3A_333 : i32 to index
          %get3A_337 = tpu.vector_load %arg7[%get3A_335, %get3A_336] {strides = array<i32>} : memref<8x5376xf32, #tpu.memory_space<vmem>>, vector<16xf32>,
          %max3A_338 = arith.maximumf %max3A_325, %get3A_337 : vector<16xf32>
          %mul3A_339 = arith.constant 2 : i32
          %mul3A_340 = arith.muli %mul3A_339, %scan3A_201 : i32
          %add3A_341 = arith.constant 1 : i32
          %add3A_342 = arith.addi %mul3A_340, %add3A_341 : i32
          %mul3A_343 = arith.constant 128 : i32
          %mul3A_344 = arith.muli %add3A_342, %mul3A_343 : i32
          %add3A_345 = arith.constant 32 : i32
          %add3A_346 = arith.addi %mul3A_344, %add3A_345 : i32
          %get3A_347 = arith.constant 0 : i32
          %get3A_348 = arith.index_cast %get3A_347 : i32 to index
          %get3A_349 = arith.index_cast %add3A_346 : i32 to index
          %get3A_350 = tpu.vector_load %arg7[%get3A_348, %get3A_349] {strides = array<i32>} : memref<8x5376xf32, #tpu.memory_space<vmem>>, vector<16xf32>,
          %max3A_351 = arith.maximumf %max3A_338, %get3A_350 : vector<16xf32>
          %mul3A_352 = arith.constant 2 : i32
          %mul3A_353 = arith.muli %mul3A_352, %scan3A_201 : i32
          %add3A_354 = arith.constant 1 : i32
          %add3A_355 = arith.addi %mul3A_353, %add3A_354 : i32
          %mul3A_356 = arith.constant 128 : i32
          %mul3A_357 = arith.muli %add3A_355, %mul3A_356 : i32
          %add3A_358 = arith.constant 48 : i32
          %add3A_359 = arith.addi %mul3A_357, %add3A_358 : i32
          %get3A_360 = arith.constant 0 : i32
          %get3A_361 = arith.index_cast %get3A_360 : i32 to index
          %get3A_362 = arith.index_cast %add3A_359 : i32 to index
          %get3A_363 = tpu.vector_load %arg7[%get3A_361, %get3A_362] {strides = array<i32>} : memref<8x5376xf32, #tpu.memory_space<vmem>>, vector<16xf32>,
          %max3A_364 = arith.maximumf %max3A_351, %get3A_363 : vector<16xf32>
          %mul3A_365 = arith.constant 2 : i32
          %mul3A_366 = arith.muli %mul3A_365, %scan3A_201 : i32
          %add3A_367 = arith.constant 1 : i32
          %add3A_368 = arith.addi %mul3A_366, %add3A_367 : i32
          %mul3A_369 = arith.constant 128 : i32
          %mul3A_370 = arith.muli %add3A_368, %mul3A_369 : i32
          %add3A_371 = arith.constant 64 : i32
          %add3A_372 = arith.addi %mul3A_370, %add3A_371 : i32
          %get3A_373 = arith.constant 0 : i32
          %get3A_374 = arith.index_cast %get3A_373 : i32 to index
          %get3A_375 = arith.index_cast %add3A_372 : i32 to index
          %get3A_376 = tpu.vector_load %arg7[%get3A_374, %get3A_375] {strides = array<i32>} : memref<8x5376xf32, #tpu.memory_space<vmem>>, vector<16xf32>,
          %max3A_377 = arith.maximumf %max3A_364, %get3A_376 : vector<16xf32>
          %mul3A_378 = arith.constant 2 : i32
          %mul3A_379 = arith.muli %mul3A_378, %scan3A_201 : i32
          %add3A_380 = arith.constant 1 : i32
          %add3A_381 = arith.addi %mul3A_379, %add3A_380 : i32
          %mul3A_382 = arith.constant 128 : i32
          %mul3A_383 = arith.muli %add3A_381, %mul3A_382 : i32
          %add3A_384 = arith.constant 80 : i32
          %add3A_385 = arith.addi %mul3A_383, %add3A_384 : i32
          %get3A_386 = arith.constant 0 : i32
          %get3A_387 = arith.index_cast %get3A_386 : i32 to index
          %get3A_388 = arith.index_cast %add3A_385 : i32 to index
          %get3A_389 = tpu.vector_load %arg7[%get3A_387, %get3A_388] {strides = array<i32>} : memref<8x5376xf32, #tpu.memory_space<vmem>>, vector<16xf32>,
          %max3A_390 = arith.maximumf %max3A_377, %get3A_389 : vector<16xf32>
          %mul3A_391 = arith.constant 2 : i32
          %mul3A_392 = arith.muli %mul3A_391, %scan3A_201 : i32
          %add3A_393 = arith.constant 1 : i32
          %add3A_394 = arith.addi %mul3A_392, %add3A_393 : i32
          %mul3A_395 = arith.constant 128 : i32
          %mul3A_396 = arith.muli %add3A_394, %mul3A_395 : i32
          %add3A_397 = arith.constant 96 : i32
          %add3A_398 = arith.addi %mul3A_396, %add3A_397 : i32
          %get3A_399 = arith.constant 0 : i32
          %get3A_400 = arith.index_cast %get3A_399 : i32 to index
          %get3A_401 = arith.index_cast %add3A_398 : i32 to index
          %get3A_402 = tpu.vector_load %arg7[%get3A_400, %get3A_401] {strides = array<i32>} : memref<8x5376xf32, #tpu.memory_space<vmem>>, vector<16xf32>,
          %max3A_403 = arith.maximumf %max3A_390, %get3A_402 : vector<16xf32>
          %mul3A_404 = arith.constant 2 : i32
          %mul3A_405 = arith.muli %mul3A_404, %scan3A_201 : i32
          %add3A_406 = arith.constant 1 : i32
          %add3A_407 = arith.addi %mul3A_405, %add3A_406 : i32
          %mul3A_408 = arith.constant 128 : i32
          %mul3A_409 = arith.muli %add3A_407, %mul3A_408 : i32
          %add3A_410 = arith.constant 112 : i32
          %add3A_411 = arith.addi %mul3A_409, %add3A_410 : i32
          %get3A_412 = arith.constant 0 : i32
          %get3A_413 = arith.index_cast %get3A_412 : i32 to index
          %get3A_414 = arith.index_cast %add3A_411 : i32 to index
          %get3A_415 = tpu.vector_load %arg7[%get3A_413, %get3A_414] {strides = array<i32>} : memref<8x5376xf32, #tpu.memory_space<vmem>>, vector<16xf32>,
          %max3A_416 = arith.maximumf %max3A_403, %get3A_415 : vector<16xf32>
          %mul3A_417 = arith.constant 2 : i32
          %mul3A_418 = arith.muli %mul3A_417, %scan3A_201 : i32
          %add3A_419 = arith.constant 0 : i32
          %add3A_420 = arith.addi %mul3A_418, %add3A_419 : i32
          %mul3A_421 = arith.constant 128 : i32
          %mul3A_422 = arith.muli %add3A_420, %mul3A_421 : i32
          %add3A_423 = arith.constant 0 : i32
          %add3A_424 = arith.addi %mul3A_422, %add3A_423 : i32
          %get3A_425 = arith.constant 1 : i32
          %get3A_426 = arith.index_cast %get3A_425 : i32 to index
          %get3A_427 = arith.index_cast %add3A_424 : i32 to index
          %get3A_428 = tpu.vector_load %arg7[%get3A_426, %get3A_427] {strides = array<i32>} : memref<8x5376xf32, #tpu.memory_space<vmem>>, vector<16xf32>,
          %max3A_429 = arith.maximumf %scan3A_203, %get3A_428 : vector<16xf32>
          %mul3A_430 = arith.constant 2 : i32
          %mul3A_431 = arith.muli %mul3A_430, %scan3A_201 : i32
          %add3A_432 = arith.constant 0 : i32
          %add3A_433 = arith.addi %mul3A_431, %add3A_432 : i32
          %mul3A_434 = arith.constant 128 : i32
          %mul3A_435 = arith.muli %add3A_433, %mul3A_434 : i32
          %add3A_436 = arith.constant 16 : i32
          %add3A_437 = arith.addi %mul3A_435, %add3A_436 : i32
          %get3A_438 = arith.constant 1 : i32
          %get3A_439 = arith.index_cast %get3A_438 : i32 to index
          %get3A_440 = arith.index_cast %add3A_437 : i32 to index
          %get3A_441 = tpu.vector_load %arg7[%get3A_439, %get3A_440] {strides = array<i32>} : memref<8x5376xf32, #tpu.memory_space<vmem>>, vector<16xf32>,
          %max3A_442 = arith.maximumf %max3A_429, %get3A_441 : vector<16xf32>
          %mul3A_443 = arith.constant 2 : i32
          %mul3A_444 = arith.muli %mul3A_443, %scan3A_201 : i32
          %add3A_445 = arith.constant 0 : i32
          %add3A_446 = arith.addi %mul3A_444, %add3A_445 : i32
          %mul3A_447 = arith.constant 128 : i32
          %mul3A_448 = arith.muli %add3A_446, %mul3A_447 : i32
          %add3A_449 = arith.constant 32 : i32
          %add3A_450 = arith.addi %mul3A_448, %add3A_449 : i32
          %get3A_451 = arith.constant 1 : i32
          %get3A_452 = arith.index_cast %get3A_451 : i32 to index
          %get3A_453 = arith.index_cast %add3A_450 : i32 to index
          %get3A_454 = tpu.vector_load %arg7[%get3A_452, %get3A_453] {strides = array<i32>} : memref<8x5376xf32, #tpu.memory_space<vmem>>, vector<16xf32>,
          %max3A_455 = arith.maximumf %max3A_442, %get3A_454 : vector<16xf32>
          %mul3A_456 = arith.constant 2 : i32
          %mul3A_457 = arith.muli %mul3A_456, %scan3A_201 : i32
          %add3A_458 = arith.constant 0 : i32
          %add3A_459 = arith.addi %mul3A_457, %add3A_458 : i32
          %mul3A_460 = arith.constant 128 : i32
          %mul3A_461 = arith.muli %add3A_459, %mul3A_460 : i32
          %add3A_462 = arith.constant 48 : i32
          %add3A_463 = arith.addi %mul3A_461, %add3A_462 : i32
          %get3A_464 = arith.constant 1 : i32
          %get3A_465 = arith.index_cast %get3A_464 : i32 to index
          %get3A_466 = arith.index_cast %add3A_463 : i32 to index
          %get3A_467 = tpu.vector_load %arg7[%get3A_465, %get3A_466] {strides = array<i32>} : memref<8x5376xf32, #tpu.memory_space<vmem>>, vector<16xf32>,
          %max3A_468 = arith.maximumf %max3A_455, %get3A_467 : vector<16xf32>
          %mul3A_469 = arith.constant 2 : i32
          %mul3A_470 = arith.muli %mul3A_469, %scan3A_201 : i32
          %add3A_471 = arith.constant 0 : i32
          %add3A_472 = arith.addi %mul3A_470, %add3A_471 : i32
          %mul3A_473 = arith.constant 128 : i32
          %mul3A_474 = arith.muli %add3A_472, %mul3A_473 : i32
          %add3A_475 = arith.constant 64 : i32
          %add3A_476 = arith.addi %mul3A_474, %add3A_475 : i32
          %get3A_477 = arith.constant 1 : i32
          %get3A_478 = arith.index_cast %get3A_477 : i32 to index
          %get3A_479 = arith.index_cast %add3A_476 : i32 to index
          %get3A_480 = tpu.vector_load %arg7[%get3A_478, %get3A_479] {strides = array<i32>} : memref<8x5376xf32, #tpu.memory_space<vmem>>, vector<16xf32>,
          %max3A_481 = arith.maximumf %max3A_468, %get3A_480 : vector<16xf32>
          %mul3A_482 = arith.constant 2 : i32
          %mul3A_483 = arith.muli %mul3A_482, %scan3A_201 : i32
          %add3A_484 = arith.constant 0 : i32
          %add3A_485 = arith.addi %mul3A_483, %add3A_484 : i32
          %mul3A_486 = arith.constant 128 : i32
          %mul3A_487 = arith.muli %add3A_485, %mul3A_486 : i32
          %add3A_488 = arith.constant 80 : i32
          %add3A_489 = arith.addi %mul3A_487, %add3A_488 : i32
          %get3A_490 = arith.constant 1 : i32
          %get3A_491 = arith.index_cast %get3A_490 : i32 to index
          %get3A_492 = arith.index_cast %add3A_489 : i32 to index
          %get3A_493 = tpu.vector_load %arg7[%get3A_491, %get3A_492] {strides = array<i32>} : memref<8x5376xf32, #tpu.memory_space<vmem>>, vector<16xf32>,
          %max3A_494 = arith.maximumf %max3A_481, %get3A_493 : vector<16xf32>
          %mul3A_495 = arith.constant 2 : i32
          %mul3A_496 = arith.muli %mul3A_495, %scan3A_201 : i32
          %add3A_497 = arith.constant 0 : i32
          %add3A_498 = arith.addi %mul3A_496, %add3A_497 : i32
          %mul3A_499 = arith.constant 128 : i32
          %mul3A_500 = arith.muli %add3A_498, %mul3A_499 : i32
          %add3A_501 = arith.constant 96 : i32
          %add3A_502 = arith.addi %mul3A_500, %add3A_501 : i32
          %get3A_503 = arith.constant 1 : i32
          %get3A_504 = arith.index_cast %get3A_503 : i32 to index
          %get3A_505 = arith.index_cast %add3A_502 : i32 to index
          %get3A_506 = tpu.vector_load %arg7[%get3A_504, %get3A_505] {strides = array<i32>} : memref<8x5376xf32, #tpu.memory_space<vmem>>, vector<16xf32>,
          %max3A_507 = arith.maximumf %max3A_494, %get3A_506 : vector<16xf32>
          %mul3A_508 = arith.constant 2 : i32
          %mul3A_509 = arith.muli %mul3A_508, %scan3A_201 : i32
          %add3A_510 = arith.constant 0 : i32
          %add3A_511 = arith.addi %mul3A_509, %add3A_510 : i32
          %mul3A_512 = arith.constant 128 : i32
          %mul3A_513 = arith.muli %add3A_511, %mul3A_512 : i32
          %add3A_514 = arith.constant 112 : i32
          %add3A_515 = arith.addi %mul3A_513, %add3A_514 : i32
          %get3A_516 = arith.constant 1 : i32
          %get3A_517 = arith.index_cast %get3A_516 : i32 to index
          %get3A_518 = arith.index_cast %add3A_515 : i32 to index
          %get3A_519 = tpu.vector_load %arg7[%get3A_517, %get3A_518] {strides = array<i32>} : memref<8x5376xf32, #tpu.memory_space<vmem>>, vector<16xf32>,
          %max3A_520 = arith.maximumf %max3A_507, %get3A_519 : vector<16xf32>
          %mul3A_521 = arith.constant 2 : i32
          %mul3A_522 = arith.muli %mul3A_521, %scan3A_201 : i32
          %add3A_523 = arith.constant 1 : i32
          %add3A_524 = arith.addi %mul3A_522, %add3A_523 : i32
          %mul3A_525 = arith.constant 128 : i32
          %mul3A_526 = arith.muli %add3A_524, %mul3A_525 : i32
          %add3A_527 = arith.constant 0 : i32
          %add3A_528 = arith.addi %mul3A_526, %add3A_527 : i32
          %get3A_529 = arith.constant 1 : i32
          %get3A_530 = arith.index_cast %get3A_529 : i32 to index
          %get3A_531 = arith.index_cast %add3A_528 : i32 to index
          %get3A_532 = tpu.vector_load %arg7[%get3A_530, %get3A_531] {strides = array<i32>} : memref<8x5376xf32, #tpu.memory_space<vmem>>, vector<16xf32>,
          %max3A_533 = arith.maximumf %max3A_520, %get3A_532 : vector<16xf32>
          %mul3A_534 = arith.constant 2 : i32
          %mul3A_535 = arith.muli %mul3A_534, %scan3A_201 : i32
          %add3A_536 = arith.constant 1 : i32
          %add3A_537 = arith.addi %mul3A_535, %add3A_536 : i32
          %mul3A_538 = arith.constant 128 : i32
          %mul3A_539 = arith.muli %add3A_537, %mul3A_538 : i32
          %add3A_540 = arith.constant 16 : i32
          %add3A_541 = arith.addi %mul3A_539, %add3A_540 : i32
          %get3A_542 = arith.constant 1 : i32
          %get3A_543 = arith.index_cast %get3A_542 : i32 to index
          %get3A_544 = arith.index_cast %add3A_541 : i32 to index
          %get3A_545 = tpu.vector_load %arg7[%get3A_543, %get3A_544] {strides = array<i32>} : memref<8x5376xf32, #tpu.memory_space<vmem>>, vector<16xf32>,
          %max3A_546 = arith.maximumf %max3A_533, %get3A_545 : vector<16xf32>
          %mul3A_547 = arith.constant 2 : i32
          %mul3A_548 = arith.muli %mul3A_547, %scan3A_201 : i32
          %add3A_549 = arith.constant 1 : i32
          %add3A_550 = arith.addi %mul3A_548, %add3A_549 : i32
          %mul3A_551 = arith.constant 128 : i32
          %mul3A_552 = arith.muli %add3A_550, %mul3A_551 : i32
          %add3A_553 = arith.constant 32 : i32
          %add3A_554 = arith.addi %mul3A_552, %add3A_553 : i32
          %get3A_555 = arith.constant 1 : i32
          %get3A_556 = arith.index_cast %get3A_555 : i32 to index
          %get3A_557 = arith.index_cast %add3A_554 : i32 to index
          %get3A_558 = tpu.vector_load %arg7[%get3A_556, %get3A_557] {strides = array<i32>} : memref<8x5376xf32, #tpu.memory_space<vmem>>, vector<16xf32>,
          %max3A_559 = arith.maximumf %max3A_546, %get3A_558 : vector<16xf32>
          %mul3A_560 = arith.constant 2 : i32
          %mul3A_561 = arith.muli %mul3A_560, %scan3A_201 : i32
          %add3A_562 = arith.constant 1 : i32
          %add3A_563 = arith.addi %mul3A_561, %add3A_562 : i32
          %mul3A_564 = arith.constant 128 : i32
          %mul3A_565 = arith.muli %add3A_563, %mul3A_564 : i32
          %add3A_566 = arith.constant 48 : i32
          %add3A_567 = arith.addi %mul3A_565, %add3A_566 : i32
          %get3A_568 = arith.constant 1 : i32
          %get3A_569 = arith.index_cast %get3A_568 : i32 to index
          %get3A_570 = arith.index_cast %add3A_567 : i32 to index
          %get3A_571 = tpu.vector_load %arg7[%get3A_569, %get3A_570] {strides = array<i32>} : memref<8x5376xf32, #tpu.memory_space<vmem>>, vector<16xf32>,
          %max3A_572 = arith.maximumf %max3A_559, %get3A_571 : vector<16xf32>
          %mul3A_573 = arith.constant 2 : i32
          %mul3A_574 = arith.muli %mul3A_573, %scan3A_201 : i32
          %add3A_575 = arith.constant 1 : i32
          %add3A_576 = arith.addi %mul3A_574, %add3A_575 : i32
          %mul3A_577 = arith.constant 128 : i32
          %mul3A_578 = arith.muli %add3A_576, %mul3A_577 : i32
          %add3A_579 = arith.constant 64 : i32
          %add3A_580 = arith.addi %mul3A_578, %add3A_579 : i32
          %get3A_581 = arith.constant 1 : i32
          %get3A_582 = arith.index_cast %get3A_581 : i32 to index
          %get3A_583 = arith.index_cast %add3A_580 : i32 to index
          %get3A_584 = tpu.vector_load %arg7[%get3A_582, %get3A_583] {strides = array<i32>} : memref<8x5376xf32, #tpu.memory_space<vmem>>, vector<16xf32>,
          %max3A_585 = arith.maximumf %max3A_572, %get3A_584 : vector<16xf32>
          %mul3A_586 = arith.constant 2 : i32
          %mul3A_587 = arith.muli %mul3A_586, %scan3A_201 : i32
          %add3A_588 = arith.constant 1 : i32
          %add3A_589 = arith.addi %mul3A_587, %add3A_588 : i32
          %mul3A_590 = arith.constant 128 : i32
          %mul3A_591 = arith.muli %add3A_589, %mul3A_590 : i32
          %add3A_592 = arith.constant 80 : i32
          %add3A_593 = arith.addi %mul3A_591, %add3A_592 : i32
          %get3A_594 = arith.constant 1 : i32
          %get3A_595 = arith.index_cast %get3A_594 : i32 to index
          %get3A_596 = arith.index_cast %add3A_593 : i32 to index
          %get3A_597 = tpu.vector_load %arg7[%get3A_595, %get3A_596] {strides = array<i32>} : memref<8x5376xf32, #tpu.memory_space<vmem>>, vector<16xf32>,
          %max3A_598 = arith.maximumf %max3A_585, %get3A_597 : vector<16xf32>
          %mul3A_599 = arith.constant 2 : i32
          %mul3A_600 = arith.muli %mul3A_599, %scan3A_201 : i32
          %add3A_601 = arith.constant 1 : i32
          %add3A_602 = arith.addi %mul3A_600, %add3A_601 : i32
          %mul3A_603 = arith.constant 128 : i32
          %mul3A_604 = arith.muli %add3A_602, %mul3A_603 : i32
          %add3A_605 = arith.constant 96 : i32
          %add3A_606 = arith.addi %mul3A_604, %add3A_605 : i32
          %get3A_607 = arith.constant 1 : i32
          %get3A_608 = arith.index_cast %get3A_607 : i32 to index
          %get3A_609 = arith.index_cast %add3A_606 : i32 to index
          %get3A_610 = tpu.vector_load %arg7[%get3A_608, %get3A_609] {strides = array<i32>} : memref<8x5376xf32, #tpu.memory_space<vmem>>, vector<16xf32>,
          %max3A_611 = arith.maximumf %max3A_598, %get3A_610 : vector<16xf32>
          %mul3A_612 = arith.constant 2 : i32
          %mul3A_613 = arith.muli %mul3A_612, %scan3A_201 : i32
          %add3A_614 = arith.constant 1 : i32
          %add3A_615 = arith.addi %mul3A_613, %add3A_614 : i32
          %mul3A_616 = arith.constant 128 : i32
          %mul3A_617 = arith.muli %add3A_615, %mul3A_616 : i32
          %add3A_618 = arith.constant 112 : i32
          %add3A_619 = arith.addi %mul3A_617, %add3A_618 : i32
          %get3A_620 = arith.constant 1 : i32
          %get3A_621 = arith.index_cast %get3A_620 : i32 to index
          %get3A_622 = arith.index_cast %add3A_619 : i32 to index
          %get3A_623 = tpu.vector_load %arg7[%get3A_621, %get3A_622] {strides = array<i32>} : memref<8x5376xf32, #tpu.memory_space<vmem>>, vector<16xf32>,
          %max3A_624 = arith.maximumf %max3A_611, %get3A_623 : vector<16xf32>
          %mul3A_625 = arith.constant 2 : i32
          %mul3A_626 = arith.muli %mul3A_625, %scan3A_201 : i32
          %add3A_627 = arith.constant 0 : i32
          %add3A_628 = arith.addi %mul3A_626, %add3A_627 : i32
          %mul3A_629 = arith.constant 128 : i32
          %mul3A_630 = arith.muli %add3A_628, %mul3A_629 : i32
          %add3A_631 = arith.constant 0 : i32
          %add3A_632 = arith.addi %mul3A_630, %add3A_631 : i32
          %get3A_633 = arith.constant 2 : i32
          %get3A_634 = arith.index_cast %get3A_633 : i32 to index
          %get3A_635 = arith.index_cast %add3A_632 : i32 to index
          %get3A_636 = tpu.vector_load %arg7[%get3A_634, %get3A_635] {strides = array<i32>} : memref<8x5376xf32, #tpu.memory_space<vmem>>, vector<16xf32>,
          %max3A_637 = arith.maximumf %scan3A_204, %get3A_636 : vector<16xf32>
          %mul3A_638 = arith.constant 2 : i32
          %mul3A_639 = arith.muli %mul3A_638, %scan3A_201 : i32
          %add3A_640 = arith.constant 0 : i32
          %add3A_641 = arith.addi %mul3A_639, %add3A_640 : i32
          %mul3A_642 = arith.constant 128 : i32
          %mul3A_643 = arith.muli %add3A_641, %mul3A_642 : i32
          %add3A_644 = arith.constant 16 : i32
          %add3A_645 = arith.addi %mul3A_643, %add3A_644 : i32
          %get3A_646 = arith.constant 2 : i32
          %get3A_647 = arith.index_cast %get3A_646 : i32 to index
          %get3A_648 = arith.index_cast %add3A_645 : i32 to index
          %get3A_649 = tpu.vector_load %arg7[%get3A_647, %get3A_648] {strides = array<i32>} : memref<8x5376xf32, #tpu.memory_space<vmem>>, vector<16xf32>,
          %max3A_650 = arith.maximumf %max3A_637, %get3A_649 : vector<16xf32>
          %mul3A_651 = arith.constant 2 : i32
          %mul3A_652 = arith.muli %mul3A_651, %scan3A_201 : i32
          %add3A_653 = arith.constant 0 : i32
          %add3A_654 = arith.addi %mul3A_652, %add3A_653 : i32
          %mul3A_655 = arith.constant 128 : i32
          %mul3A_656 = arith.muli %add3A_654, %mul3A_655 : i32
          %add3A_657 = arith.constant 32 : i32
          %add3A_658 = arith.addi %mul3A_656, %add3A_657 : i32
          %get3A_659 = arith.constant 2 : i32
          %get3A_660 = arith.index_cast %get3A_659 : i32 to index
          %get3A_661 = arith.index_cast %add3A_658 : i32 to index
          %get3A_662 = tpu.vector_load %arg7[%get3A_660, %get3A_661] {strides = array<i32>} : memref<8x5376xf32, #tpu.memory_space<vmem>>, vector<16xf32>,
          %max3A_663 = arith.maximumf %max3A_650, %get3A_662 : vector<16xf32>
          %mul3A_664 = arith.constant 2 : i32
          %mul3A_665 = arith.muli %mul3A_664, %scan3A_201 : i32
          %add3A_666 = arith.constant 0 : i32
          %add3A_667 = arith.addi %mul3A_665, %add3A_666 : i32
          %mul3A_668 = arith.constant 128 : i32
          %mul3A_669 = arith.muli %add3A_667, %mul3A_668 : i32
          %add3A_670 = arith.constant 48 : i32
          %add3A_671 = arith.addi %mul3A_669, %add3A_670 : i32
          %get3A_672 = arith.constant 2 : i32
          %get3A_673 = arith.index_cast %get3A_672 : i32 to index
          %get3A_674 = arith.index_cast %add3A_671 : i32 to index
          %get3A_675 = tpu.vector_load %arg7[%get3A_673, %get3A_674] {strides = array<i32>} : memref<8x5376xf32, #tpu.memory_space<vmem>>, vector<16xf32>,
          %max3A_676 = arith.maximumf %max3A_663, %get3A_675 : vector<16xf32>
          %mul3A_677 = arith.constant 2 : i32
          %mul3A_678 = arith.muli %mul3A_677, %scan3A_201 : i32
          %add3A_679 = arith.constant 0 : i32
          %add3A_680 = arith.addi %mul3A_678, %add3A_679 : i32
          %mul3A_681 = arith.constant 128 : i32
          %mul3A_682 = arith.muli %add3A_680, %mul3A_681 : i32
          %add3A_683 = arith.constant 64 : i32
          %add3A_684 = arith.addi %mul3A_682, %add3A_683 : i32
          %get3A_685 = arith.constant 2 : i32
          %get3A_686 = arith.index_cast %get3A_685 : i32 to index
          %get3A_687 = arith.index_cast %add3A_684 : i32 to index
          %get3A_688 = tpu.vector_load %arg7[%get3A_686, %get3A_687] {strides = array<i32>} : memref<8x5376xf32, #tpu.memory_space<vmem>>, vector<16xf32>,
          %max3A_689 = arith.maximumf %max3A_676, %get3A_688 : vector<16xf32>
          %mul3A_690 = arith.constant 2 : i32
          %mul3A_691 = arith.muli %mul3A_690, %scan3A_201 : i32
          %add3A_692 = arith.constant 0 : i32
          %add3A_693 = arith.addi %mul3A_691, %add3A_692 : i32
          %mul3A_694 = arith.constant 128 : i32
          %mul3A_695 = arith.muli %add3A_693, %mul3A_694 : i32
          %add3A_696 = arith.constant 80 : i32
          %add3A_697 = arith.addi %mul3A_695, %add3A_696 : i32
          %get3A_698 = arith.constant 2 : i32
          %get3A_699 = arith.index_cast %get3A_698 : i32 to index
          %get3A_700 = arith.index_cast %add3A_697 : i32 to index
          %get3A_701 = tpu.vector_load %arg7[%get3A_699, %get3A_700] {strides = array<i32>} : memref<8x5376xf32, #tpu.memory_space<vmem>>, vector<16xf32>,
          %max3A_702 = arith.maximumf %max3A_689, %get3A_701 : vector<16xf32>
          %mul3A_703 = arith.constant 2 : i32
          %mul3A_704 = arith.muli %mul3A_703, %scan3A_201 : i32
          %add3A_705 = arith.constant 0 : i32
          %add3A_706 = arith.addi %mul3A_704, %add3A_705 : i32
          %mul3A_707 = arith.constant 128 : i32
          %mul3A_708 = arith.muli %add3A_706, %mul3A_707 : i32
          %add3A_709 = arith.constant 96 : i32
          %add3A_710 = arith.addi %mul3A_708, %add3A_709 : i32
          %get3A_711 = arith.constant 2 : i32
          %get3A_712 = arith.index_cast %get3A_711 : i32 to index
          %get3A_713 = arith.index_cast %add3A_710 : i32 to index
          %get3A_714 = tpu.vector_load %arg7[%get3A_712, %get3A_713] {strides = array<i32>} : memref<8x5376xf32, #tpu.memory_space<vmem>>, vector<16xf32>,
          %max3A_715 = arith.maximumf %max3A_702, %get3A_714 : vector<16xf32>
          %mul3A_716 = arith.constant 2 : i32
          %mul3A_717 = arith.muli %mul3A_716, %scan3A_201 : i32
          %add3A_718 = arith.constant 0 : i32
          %add3A_719 = arith.addi %mul3A_717, %add3A_718 : i32
          %mul3A_720 = arith.constant 128 : i32
          %mul3A_721 = arith.muli %add3A_719, %mul3A_720 : i32
          %add3A_722 = arith.constant 112 : i32
          %add3A_723 = arith.addi %mul3A_721, %add3A_722 : i32
          %get3A_724 = arith.constant 2 : i32
          %get3A_725 = arith.index_cast %get3A_724 : i32 to index
          %get3A_726 = arith.index_cast %add3A_723 : i32 to index
          %get3A_727 = tpu.vector_load %arg7[%get3A_725, %get3A_726] {strides = array<i32>} : memref<8x5376xf32, #tpu.memory_space<vmem>>, vector<16xf32>,
          %max3A_728 = arith.maximumf %max3A_715, %get3A_727 : vector<16xf32>
          %mul3A_729 = arith.constant 2 : i32
          %mul3A_730 = arith.muli %mul3A_729, %scan3A_201 : i32
          %add3A_731 = arith.constant 1 : i32
          %add3A_732 = arith.addi %mul3A_730, %add3A_731 : i32
          %mul3A_733 = arith.constant 128 : i32
          %mul3A_734 = arith.muli %add3A_732, %mul3A_733 : i32
          %add3A_735 = arith.constant 0 : i32
          %add3A_736 = arith.addi %mul3A_734, %add3A_735 : i32
          %get3A_737 = arith.constant 2 : i32
          %get3A_738 = arith.index_cast %get3A_737 : i32 to index
          %get3A_739 = arith.index_cast %add3A_736 : i32 to index
          %get3A_740 = tpu.vector_load %arg7[%get3A_738, %get3A_739] {strides = array<i32>} : memref<8x5376xf32, #tpu.memory_space<vmem>>, vector<16xf32>,
          %max3A_741 = arith.maximumf %max3A_728, %get3A_740 : vector<16xf32>
          %mul3A_742 = arith.constant 2 : i32
          %mul3A_743 = arith.muli %mul3A_742, %scan3A_201 : i32
          %add3A_744 = arith.constant 1 : i32
          %add3A_745 = arith.addi %mul3A_743, %add3A_744 : i32
          %mul3A_746 = arith.constant 128 : i32
          %mul3A_747 = arith.muli %add3A_745, %mul3A_746 : i32
          %add3A_748 = arith.constant 16 : i32
          %add3A_749 = arith.addi %mul3A_747, %add3A_748 : i32
          %get3A_750 = arith.constant 2 : i32
          %get3A_751 = arith.index_cast %get3A_750 : i32 to index
          %get3A_752 = arith.index_cast %add3A_749 : i32 to index
          %get3A_753 = tpu.vector_load %arg7[%get3A_751, %get3A_752] {strides = array<i32>} : memref<8x5376xf32, #tpu.memory_space<vmem>>, vector<16xf32>,
          %max3A_754 = arith.maximumf %max3A_741, %get3A_753 : vector<16xf32>
          %mul3A_755 = arith.constant 2 : i32
          %mul3A_756 = arith.muli %mul3A_755, %scan3A_201 : i32
          %add3A_757 = arith.constant 1 : i32
          %add3A_758 = arith.addi %mul3A_756, %add3A_757 : i32
          %mul3A_759 = arith.constant 128 : i32
          %mul3A_760 = arith.muli %add3A_758, %mul3A_759 : i32
          %add3A_761 = arith.constant 32 : i32
          %add3A_762 = arith.addi %mul3A_760, %add3A_761 : i32
          %get3A_763 = arith.constant 2 : i32
          %get3A_764 = arith.index_cast %get3A_763 : i32 to index
          %get3A_765 = arith.index_cast %add3A_762 : i32 to index
          %get3A_766 = tpu.vector_load %arg7[%get3A_764, %get3A_765] {strides = array<i32>} : memref<8x5376xf32, #tpu.memory_space<vmem>>, vector<16xf32>,
          %max3A_767 = arith.maximumf %max3A_754, %get3A_766 : vector<16xf32>
          %mul3A_768 = arith.constant 2 : i32
          %mul3A_769 = arith.muli %mul3A_768, %scan3A_201 : i32
          %add3A_770 = arith.constant 1 : i32
          %add3A_771 = arith.addi %mul3A_769, %add3A_770 : i32
          %mul3A_772 = arith.constant 128 : i32
          %mul3A_773 = arith.muli %add3A_771, %mul3A_772 : i32
          %add3A_774 = arith.constant 48 : i32
          %add3A_775 = arith.addi %mul3A_773, %add3A_774 : i32
          %get3A_776 = arith.constant 2 : i32
          %get3A_777 = arith.index_cast %get3A_776 : i32 to index
          %get3A_778 = arith.index_cast %add3A_775 : i32 to index
          %get3A_779 = tpu.vector_load %arg7[%get3A_777, %get3A_778] {strides = array<i32>} : memref<8x5376xf32, #tpu.memory_space<vmem>>, vector<16xf32>,
          %max3A_780 = arith.maximumf %max3A_767, %get3A_779 : vector<16xf32>
          %mul3A_781 = arith.constant 2 : i32
          %mul3A_782 = arith.muli %mul3A_781, %scan3A_201 : i32
          %add3A_783 = arith.constant 1 : i32
          %add3A_784 = arith.addi %mul3A_782, %add3A_783 : i32
          %mul3A_785 = arith.constant 128 : i32
          %mul3A_786 = arith.muli %add3A_784, %mul3A_785 : i32
          %add3A_787 = arith.constant 64 : i32
          %add3A_788 = arith.addi %mul3A_786, %add3A_787 : i32
          %get3A_789 = arith.constant 2 : i32
          %get3A_790 = arith.index_cast %get3A_789 : i32 to index
          %get3A_791 = arith.index_cast %add3A_788 : i32 to index
          %get3A_792 = tpu.vector_load %arg7[%get3A_790, %get3A_791] {strides = array<i32>} : memref<8x5376xf32, #tpu.memory_space<vmem>>, vector<16xf32>,
          %max3A_793 = arith.maximumf %max3A_780, %get3A_792 : vector<16xf32>
          %mul3A_794 = arith.constant 2 : i32
          %mul3A_795 = arith.muli %mul3A_794, %scan3A_201 : i32
          %add3A_796 = arith.constant 1 : i32
          %add3A_797 = arith.addi %mul3A_795, %add3A_796 : i32
          %mul3A_798 = arith.constant 128 : i32
          %mul3A_799 = arith.muli %add3A_797, %mul3A_798 : i32
          %add3A_800 = arith.constant 80 : i32
          %add3A_801 = arith.addi %mul3A_799, %add3A_800 : i32
          %get3A_802 = arith.constant 2 : i32
          %get3A_803 = arith.index_cast %get3A_802 : i32 to index
          %get3A_804 = arith.index_cast %add3A_801 : i32 to index
          %get3A_805 = tpu.vector_load %arg7[%get3A_803, %get3A_804] {strides = array<i32>} : memref<8x5376xf32, #tpu.memory_space<vmem>>, vector<16xf32>,
          %max3A_806 = arith.maximumf %max3A_793, %get3A_805 : vector<16xf32>
          %mul3A_807 = arith.constant 2 : i32
          %mul3A_808 = arith.muli %mul3A_807, %scan3A_201 : i32
          %add3A_809 = arith.constant 1 : i32
          %add3A_810 = arith.addi %mul3A_808, %add3A_809 : i32
          %mul3A_811 = arith.constant 128 : i32
          %mul3A_812 = arith.muli %add3A_810, %mul3A_811 : i32
          %add3A_813 = arith.constant 96 : i32
          %add3A_814 = arith.addi %mul3A_812, %add3A_813 : i32
          %get3A_815 = arith.constant 2 : i32
          %get3A_816 = arith.index_cast %get3A_815 : i32 to index
          %get3A_817 = arith.index_cast %add3A_814 : i32 to index
          %get3A_818 = tpu.vector_load %arg7[%get3A_816, %get3A_817] {strides = array<i32>} : memref<8x5376xf32, #tpu.memory_space<vmem>>, vector<16xf32>,
          %max3A_819 = arith.maximumf %max3A_806, %get3A_818 : vector<16xf32>
          %mul3A_820 = arith.constant 2 : i32
          %mul3A_821 = arith.muli %mul3A_820, %scan3A_201 : i32
          %add3A_822 = arith.constant 1 : i32
          %add3A_823 = arith.addi %mul3A_821, %add3A_822 : i32
          %mul3A_824 = arith.constant 128 : i32
          %mul3A_825 = arith.muli %add3A_823, %mul3A_824 : i32
          %add3A_826 = arith.constant 112 : i32
          %add3A_827 = arith.addi %mul3A_825, %add3A_826 : i32
          %get3A_828 = arith.constant 2 : i32
          %get3A_829 = arith.index_cast %get3A_828 : i32 to index
          %get3A_830 = arith.index_cast %add3A_827 : i32 to index
          %get3A_831 = tpu.vector_load %arg7[%get3A_829, %get3A_830] {strides = array<i32>} : memref<8x5376xf32, #tpu.memory_space<vmem>>, vector<16xf32>,
          %max3A_832 = arith.maximumf %max3A_819, %get3A_831 : vector<16xf32>
          %mul3A_833 = arith.constant 2 : i32
          %mul3A_834 = arith.muli %mul3A_833, %scan3A_201 : i32
          %add3A_835 = arith.constant 0 : i32
          %add3A_836 = arith.addi %mul3A_834, %add3A_835 : i32
          %mul3A_837 = arith.constant 128 : i32
          %mul3A_838 = arith.muli %add3A_836, %mul3A_837 : i32
          %add3A_839 = arith.constant 0 : i32
          %add3A_840 = arith.addi %mul3A_838, %add3A_839 : i32
          %get3A_841 = arith.constant 3 : i32
          %get3A_842 = arith.index_cast %get3A_841 : i32 to index
          %get3A_843 = arith.index_cast %add3A_840 : i32 to index
          %get3A_844 = tpu.vector_load %arg7[%get3A_842, %get3A_843] {strides = array<i32>} : memref<8x5376xf32, #tpu.memory_space<vmem>>, vector<16xf32>,
          %max3A_845 = arith.maximumf %scan3A_205, %get3A_844 : vector<16xf32>
          %mul3A_846 = arith.constant 2 : i32
          %mul3A_847 = arith.muli %mul3A_846, %scan3A_201 : i32
          %add3A_848 = arith.constant 0 : i32
          %add3A_849 = arith.addi %mul3A_847, %add3A_848 : i32
          %mul3A_850 = arith.constant 128 : i32
          %mul3A_851 = arith.muli %add3A_849, %mul3A_850 : i32
          %add3A_852 = arith.constant 16 : i32
          %add3A_853 = arith.addi %mul3A_851, %add3A_852 : i32
          %get3A_854 = arith.constant 3 : i32
          %get3A_855 = arith.index_cast %get3A_854 : i32 to index
          %get3A_856 = arith.index_cast %add3A_853 : i32 to index
          %get3A_857 = tpu.vector_load %arg7[%get3A_855, %get3A_856] {strides = array<i32>} : memref<8x5376xf32, #tpu.memory_space<vmem>>, vector<16xf32>,
          %max3A_858 = arith.maximumf %max3A_845, %get3A_857 : vector<16xf32>
          %mul3A_859 = arith.constant 2 : i32
          %mul3A_860 = arith.muli %mul3A_859, %scan3A_201 : i32
          %add3A_861 = arith.constant 0 : i32
          %add3A_862 = arith.addi %mul3A_860, %add3A_861 : i32
          %mul3A_863 = arith.constant 128 : i32
          %mul3A_864 = arith.muli %add3A_862, %mul3A_863 : i32
          %add3A_865 = arith.constant 32 : i32
          %add3A_866 = arith.addi %mul3A_864, %add3A_865 : i32
          %get3A_867 = arith.constant 3 : i32
          %get3A_868 = arith.index_cast %get3A_867 : i32 to index
          %get3A_869 = arith.index_cast %add3A_866 : i32 to index
          %get3A_870 = tpu.vector_load %arg7[%get3A_868, %get3A_869] {strides = array<i32>} : memref<8x5376xf32, #tpu.memory_space<vmem>>, vector<16xf32>,
          %max3A_871 = arith.maximumf %max3A_858, %get3A_870 : vector<16xf32>
          %mul3A_872 = arith.constant 2 : i32
          %mul3A_873 = arith.muli %mul3A_872, %scan3A_201 : i32
          %add3A_874 = arith.constant 0 : i32
          %add3A_875 = arith.addi %mul3A_873, %add3A_874 : i32
          %mul3A_876 = arith.constant 128 : i32
          %mul3A_877 = arith.muli %add3A_875, %mul3A_876 : i32
          %add3A_878 = arith.constant 48 : i32
          %add3A_879 = arith.addi %mul3A_877, %add3A_878 : i32
          %get3A_880 = arith.constant 3 : i32
          %get3A_881 = arith.index_cast %get3A_880 : i32 to index
          %get3A_882 = arith.index_cast %add3A_879 : i32 to index
          %get3A_883 = tpu.vector_load %arg7[%get3A_881, %get3A_882] {strides = array<i32>} : memref<8x5376xf32, #tpu.memory_space<vmem>>, vector<16xf32>,
          %max3A_884 = arith.maximumf %max3A_871, %get3A_883 : vector<16xf32>
          %mul3A_885 = arith.constant 2 : i32
          %mul3A_886 = arith.muli %mul3A_885, %scan3A_201 : i32
          %add3A_887 = arith.constant 0 : i32
          %add3A_888 = arith.addi %mul3A_886, %add3A_887 : i32
          %mul3A_889 = arith.constant 128 : i32
          %mul3A_890 = arith.muli %add3A_888, %mul3A_889 : i32
          %add3A_891 = arith.constant 64 : i32
          %add3A_892 = arith.addi %mul3A_890, %add3A_891 : i32
          %get3A_893 = arith.constant 3 : i32
          %get3A_894 = arith.index_cast %get3A_893 : i32 to index
          %get3A_895 = arith.index_cast %add3A_892 : i32 to index
          %get3A_896 = tpu.vector_load %arg7[%get3A_894, %get3A_895] {strides = array<i32>} : memref<8x5376xf32, #tpu.memory_space<vmem>>, vector<16xf32>,
          %max3A_897 = arith.maximumf %max3A_884, %get3A_896 : vector<16xf32>
          %mul3A_898 = arith.constant 2 : i32
          %mul3A_899 = arith.muli %mul3A_898, %scan3A_201 : i32
          %add3A_900 = arith.constant 0 : i32
          %add3A_901 = arith.addi %mul3A_899, %add3A_900 : i32
          %mul3A_902 = arith.constant 128 : i32
          %mul3A_903 = arith.muli %add3A_901, %mul3A_902 : i32
          %add3A_904 = arith.constant 80 : i32
          %add3A_905 = arith.addi %mul3A_903, %add3A_904 : i32
          %get3A_906 = arith.constant 3 : i32
          %get3A_907 = arith.index_cast %get3A_906 : i32 to index
          %get3A_908 = arith.index_cast %add3A_905 : i32 to index
          %get3A_909 = tpu.vector_load %arg7[%get3A_907, %get3A_908] {strides = array<i32>} : memref<8x5376xf32, #tpu.memory_space<vmem>>, vector<16xf32>,
          %max3A_910 = arith.maximumf %max3A_897, %get3A_909 : vector<16xf32>
          %mul3A_911 = arith.constant 2 : i32
          %mul3A_912 = arith.muli %mul3A_911, %scan3A_201 : i32
          %add3A_913 = arith.constant 0 : i32
          %add3A_914 = arith.addi %mul3A_912, %add3A_913 : i32
          %mul3A_915 = arith.constant 128 : i32
          %mul3A_916 = arith.muli %add3A_914, %mul3A_915 : i32
          %add3A_917 = arith.constant 96 : i32
          %add3A_918 = arith.addi %mul3A_916, %add3A_917 : i32
          %get3A_919 = arith.constant 3 : i32
          %get3A_920 = arith.index_cast %get3A_919 : i32 to index
          %get3A_921 = arith.index_cast %add3A_918 : i32 to index
          %get3A_922 = tpu.vector_load %arg7[%get3A_920, %get3A_921] {strides = array<i32>} : memref<8x5376xf32, #tpu.memory_space<vmem>>, vector<16xf32>,
          %max3A_923 = arith.maximumf %max3A_910, %get3A_922 : vector<16xf32>
          %mul3A_924 = arith.constant 2 : i32
          %mul3A_925 = arith.muli %mul3A_924, %scan3A_201 : i32
          %add3A_926 = arith.constant 0 : i32
          %add3A_927 = arith.addi %mul3A_925, %add3A_926 : i32
          %mul3A_928 = arith.constant 128 : i32
          %mul3A_929 = arith.muli %add3A_927, %mul3A_928 : i32
          %add3A_930 = arith.constant 112 : i32
          %add3A_931 = arith.addi %mul3A_929, %add3A_930 : i32
          %get3A_932 = arith.constant 3 : i32
          %get3A_933 = arith.index_cast %get3A_932 : i32 to index
          %get3A_934 = arith.index_cast %add3A_931 : i32 to index
          %get3A_935 = tpu.vector_load %arg7[%get3A_933, %get3A_934] {strides = array<i32>} : memref<8x5376xf32, #tpu.memory_space<vmem>>, vector<16xf32>,
          %max3A_936 = arith.maximumf %max3A_923, %get3A_935 : vector<16xf32>
          %mul3A_937 = arith.constant 2 : i32
          %mul3A_938 = arith.muli %mul3A_937, %scan3A_201 : i32
          %add3A_939 = arith.constant 1 : i32
          %add3A_940 = arith.addi %mul3A_938, %add3A_939 : i32
          %mul3A_941 = arith.constant 128 : i32
          %mul3A_942 = arith.muli %add3A_940, %mul3A_941 : i32
          %add3A_943 = arith.constant 0 : i32
          %add3A_944 = arith.addi %mul3A_942, %add3A_943 : i32
          %get3A_945 = arith.constant 3 : i32
          %get3A_946 = arith.index_cast %get3A_945 : i32 to index
          %get3A_947 = arith.index_cast %add3A_944 : i32 to index
          %get3A_948 = tpu.vector_load %arg7[%get3A_946, %get3A_947] {strides = array<i32>} : memref<8x5376xf32, #tpu.memory_space<vmem>>, vector<16xf32>,
          %max3A_949 = arith.maximumf %max3A_936, %get3A_948 : vector<16xf32>
          %mul3A_950 = arith.constant 2 : i32
          %mul3A_951 = arith.muli %mul3A_950, %scan3A_201 : i32
          %add3A_952 = arith.constant 1 : i32
          %add3A_953 = arith.addi %mul3A_951, %add3A_952 : i32
          %mul3A_954 = arith.constant 128 : i32
          %mul3A_955 = arith.muli %add3A_953, %mul3A_954 : i32
          %add3A_956 = arith.constant 16 : i32
          %add3A_957 = arith.addi %mul3A_955, %add3A_956 : i32
          %get3A_958 = arith.constant 3 : i32
          %get3A_959 = arith.index_cast %get3A_958 : i32 to index
          %get3A_960 = arith.index_cast %add3A_957 : i32 to index
          %get3A_961 = tpu.vector_load %arg7[%get3A_959, %get3A_960] {strides = array<i32>} : memref<8x5376xf32, #tpu.memory_space<vmem>>, vector<16xf32>,
          %max3A_962 = arith.maximumf %max3A_949, %get3A_961 : vector<16xf32>
          %mul3A_963 = arith.constant 2 : i32
          %mul3A_964 = arith.muli %mul3A_963, %scan3A_201 : i32
          %add3A_965 = arith.constant 1 : i32
          %add3A_966 = arith.addi %mul3A_964, %add3A_965 : i32
          %mul3A_967 = arith.constant 128 : i32
          %mul3A_968 = arith.muli %add3A_966, %mul3A_967 : i32
          %add3A_969 = arith.constant 32 : i32
          %add3A_970 = arith.addi %mul3A_968, %add3A_969 : i32
          %get3A_971 = arith.constant 3 : i32
          %get3A_972 = arith.index_cast %get3A_971 : i32 to index
          %get3A_973 = arith.index_cast %add3A_970 : i32 to index
          %get3A_974 = tpu.vector_load %arg7[%get3A_972, %get3A_973] {strides = array<i32>} : memref<8x5376xf32, #tpu.memory_space<vmem>>, vector<16xf32>,
          %max3A_975 = arith.maximumf %max3A_962, %get3A_974 : vector<16xf32>
          %mul3A_976 = arith.constant 2 : i32
          %mul3A_977 = arith.muli %mul3A_976, %scan3A_201 : i32
          %add3A_978 = arith.constant 1 : i32
          %add3A_979 = arith.addi %mul3A_977, %add3A_978 : i32
          %mul3A_980 = arith.constant 128 : i32
          %mul3A_981 = arith.muli %add3A_979, %mul3A_980 : i32
          %add3A_982 = arith.constant 48 : i32
          %add3A_983 = arith.addi %mul3A_981, %add3A_982 : i32
          %get3A_984 = arith.constant 3 : i32
          %get3A_985 = arith.index_cast %get3A_984 : i32 to index
          %get3A_986 = arith.index_cast %add3A_983 : i32 to index
          %get3A_987 = tpu.vector_load %arg7[%get3A_985, %get3A_986] {strides = array<i32>} : memref<8x5376xf32, #tpu.memory_space<vmem>>, vector<16xf32>,
          %max3A_988 = arith.maximumf %max3A_975, %get3A_987 : vector<16xf32>
          %mul3A_989 = arith.constant 2 : i32
          %mul3A_990 = arith.muli %mul3A_989, %scan3A_201 : i32
          %add3A_991 = arith.constant 1 : i32
          %add3A_992 = arith.addi %mul3A_990, %add3A_991 : i32
          %mul3A_993 = arith.constant 128 : i32
          %mul3A_994 = arith.muli %add3A_992, %mul3A_993 : i32
          %add3A_995 = arith.constant 64 : i32
          %add3A_996 = arith.addi %mul3A_994, %add3A_995 : i32
          %get3A_997 = arith.constant 3 : i32
          %get3A_998 = arith.index_cast %get3A_997 : i32 to index
          %get3A_999 = arith.index_cast %add3A_996 : i32 to index
          %get3A_1000 = tpu.vector_load %arg7[%get3A_998, %get3A_999] {strides = array<i32>} : memref<8x5376xf32, #tpu.memory_space<vmem>>, vector<16xf32>,
          %max3A_1001 = arith.maximumf %max3A_988, %get3A_1000 : vector<16xf32>
          %mul3A_1002 = arith.constant 2 : i32
          %mul3A_1003 = arith.muli %mul3A_1002, %scan3A_201 : i32
          %add3A_1004 = arith.constant 1 : i32
          %add3A_1005 = arith.addi %mul3A_1003, %add3A_1004 : i32
          %mul3A_1006 = arith.constant 128 : i32
          %mul3A_1007 = arith.muli %add3A_1005, %mul3A_1006 : i32
          %add3A_1008 = arith.constant 80 : i32
          %add3A_1009 = arith.addi %mul3A_1007, %add3A_1008 : i32
          %get3A_1010 = arith.constant 3 : i32
          %get3A_1011 = arith.index_cast %get3A_1010 : i32 to index
          %get3A_1012 = arith.index_cast %add3A_1009 : i32 to index
          %get3A_1013 = tpu.vector_load %arg7[%get3A_1011, %get3A_1012] {strides = array<i32>} : memref<8x5376xf32, #tpu.memory_space<vmem>>, vector<16xf32>,
          %max3A_1014 = arith.maximumf %max3A_1001, %get3A_1013 : vector<16xf32>
          %mul3A_1015 = arith.constant 2 : i32
          %mul3A_1016 = arith.muli %mul3A_1015, %scan3A_201 : i32
          %add3A_1017 = arith.constant 1 : i32
          %add3A_1018 = arith.addi %mul3A_1016, %add3A_1017 : i32
          %mul3A_1019 = arith.constant 128 : i32
          %mul3A_1020 = arith.muli %add3A_1018, %mul3A_1019 : i32
          %add3A_1021 = arith.constant 96 : i32
          %add3A_1022 = arith.addi %mul3A_1020, %add3A_1021 : i32
          %get3A_1023 = arith.constant 3 : i32
          %get3A_1024 = arith.index_cast %get3A_1023 : i32 to index
          %get3A_1025 = arith.index_cast %add3A_1022 : i32 to index
          %get3A_1026 = tpu.vector_load %arg7[%get3A_1024, %get3A_1025] {strides = array<i32>} : memref<8x5376xf32, #tpu.memory_space<vmem>>, vector<16xf32>,
          %max3A_1027 = arith.maximumf %max3A_1014, %get3A_1026 : vector<16xf32>
          %mul3A_1028 = arith.constant 2 : i32
          %mul3A_1029 = arith.muli %mul3A_1028, %scan3A_201 : i32
          %add3A_1030 = arith.constant 1 : i32
          %add3A_1031 = arith.addi %mul3A_1029, %add3A_1030 : i32
          %mul3A_1032 = arith.constant 128 : i32
          %mul3A_1033 = arith.muli %add3A_1031, %mul3A_1032 : i32
          %add3A_1034 = arith.constant 112 : i32
          %add3A_1035 = arith.addi %mul3A_1033, %add3A_1034 : i32
          %get3A_1036 = arith.constant 3 : i32
          %get3A_1037 = arith.index_cast %get3A_1036 : i32 to index
          %get3A_1038 = arith.index_cast %add3A_1035 : i32 to index
          %get3A_1039 = tpu.vector_load %arg7[%get3A_1037, %get3A_1038] {strides = array<i32>} : memref<8x5376xf32, #tpu.memory_space<vmem>>, vector<16xf32>,
          %max3A_1040 = arith.maximumf %max3A_1027, %get3A_1039 : vector<16xf32>
          %mul3A_1041 = arith.constant 2 : i32
          %mul3A_1042 = arith.muli %mul3A_1041, %scan3A_201 : i32
          %add3A_1043 = arith.constant 0 : i32
          %add3A_1044 = arith.addi %mul3A_1042, %add3A_1043 : i32
          %mul3A_1045 = arith.constant 128 : i32
          %mul3A_1046 = arith.muli %add3A_1044, %mul3A_1045 : i32
          %add3A_1047 = arith.constant 0 : i32
          %add3A_1048 = arith.addi %mul3A_1046, %add3A_1047 : i32
          %get3A_1049 = arith.constant 4 : i32
          %get3A_1050 = arith.index_cast %get3A_1049 : i32 to index
          %get3A_1051 = arith.index_cast %add3A_1048 : i32 to index
          %get3A_1052 = tpu.vector_load %arg7[%get3A_1050, %get3A_1051] {strides = array<i32>} : memref<8x5376xf32, #tpu.memory_space<vmem>>, vector<16xf32>,
          %max3A_1053 = arith.maximumf %scan3A_206, %get3A_1052 : vector<16xf32>
          %mul3A_1054 = arith.constant 2 : i32
          %mul3A_1055 = arith.muli %mul3A_1054, %scan3A_201 : i32
          %add3A_1056 = arith.constant 0 : i32
          %add3A_1057 = arith.addi %mul3A_1055, %add3A_1056 : i32
          %mul3A_1058 = arith.constant 128 : i32
          %mul3A_1059 = arith.muli %add3A_1057, %mul3A_1058 : i32
          %add3A_1060 = arith.constant 16 : i32
          %add3A_1061 = arith.addi %mul3A_1059, %add3A_1060 : i32
          %get3A_1062 = arith.constant 4 : i32
          %get3A_1063 = arith.index_cast %get3A_1062 : i32 to index
          %get3A_1064 = arith.index_cast %add3A_1061 : i32 to index
          %get3A_1065 = tpu.vector_load %arg7[%get3A_1063, %get3A_1064] {strides = array<i32>} : memref<8x5376xf32, #tpu.memory_space<vmem>>, vector<16xf32>,
          %max3A_1066 = arith.maximumf %max3A_1053, %get3A_1065 : vector<16xf32>
          %mul3A_1067 = arith.constant 2 : i32
          %mul3A_1068 = arith.muli %mul3A_1067, %scan3A_201 : i32
          %add3A_1069 = arith.constant 0 : i32
          %add3A_1070 = arith.addi %mul3A_1068, %add3A_1069 : i32
          %mul3A_1071 = arith.constant 128 : i32
          %mul3A_1072 = arith.muli %add3A_1070, %mul3A_1071 : i32
          %add3A_1073 = arith.constant 32 : i32
          %add3A_1074 = arith.addi %mul3A_1072, %add3A_1073 : i32
          %get3A_1075 = arith.constant 4 : i32
          %get3A_1076 = arith.index_cast %get3A_1075 : i32 to index
          %get3A_1077 = arith.index_cast %add3A_1074 : i32 to index
          %get3A_1078 = tpu.vector_load %arg7[%get3A_1076, %get3A_1077] {strides = array<i32>} : memref<8x5376xf32, #tpu.memory_space<vmem>>, vector<16xf32>,
          %max3A_1079 = arith.maximumf %max3A_1066, %get3A_1078 : vector<16xf32>
          %mul3A_1080 = arith.constant 2 : i32
          %mul3A_1081 = arith.muli %mul3A_1080, %scan3A_201 : i32
          %add3A_1082 = arith.constant 0 : i32
          %add3A_1083 = arith.addi %mul3A_1081, %add3A_1082 : i32
          %mul3A_1084 = arith.constant 128 : i32
          %mul3A_1085 = arith.muli %add3A_1083, %mul3A_1084 : i32
          %add3A_1086 = arith.constant 48 : i32
          %add3A_1087 = arith.addi %mul3A_1085, %add3A_1086 : i32
          %get3A_1088 = arith.constant 4 : i32
          %get3A_1089 = arith.index_cast %get3A_1088 : i32 to index
          %get3A_1090 = arith.index_cast %add3A_1087 : i32 to index
          %get3A_1091 = tpu.vector_load %arg7[%get3A_1089, %get3A_1090] {strides = array<i32>} : memref<8x5376xf32, #tpu.memory_space<vmem>>, vector<16xf32>,
          %max3A_1092 = arith.maximumf %max3A_1079, %get3A_1091 : vector<16xf32>
          %mul3A_1093 = arith.constant 2 : i32
          %mul3A_1094 = arith.muli %mul3A_1093, %scan3A_201 : i32
          %add3A_1095 = arith.constant 0 : i32
          %add3A_1096 = arith.addi %mul3A_1094, %add3A_1095 : i32
          %mul3A_1097 = arith.constant 128 : i32
          %mul3A_1098 = arith.muli %add3A_1096, %mul3A_1097 : i32
          %add3A_1099 = arith.constant 64 : i32
          %add3A_1100 = arith.addi %mul3A_1098, %add3A_1099 : i32
          %get3A_1101 = arith.constant 4 : i32
          %get3A_1102 = arith.index_cast %get3A_1101 : i32 to index
          %get3A_1103 = arith.index_cast %add3A_1100 : i32 to index
          %get3A_1104 = tpu.vector_load %arg7[%get3A_1102, %get3A_1103] {strides = array<i32>} : memref<8x5376xf32, #tpu.memory_space<vmem>>, vector<16xf32>,
          %max3A_1105 = arith.maximumf %max3A_1092, %get3A_1104 : vector<16xf32>
          %mul3A_1106 = arith.constant 2 : i32
          %mul3A_1107 = arith.muli %mul3A_1106, %scan3A_201 : i32
          %add3A_1108 = arith.constant 0 : i32
          %add3A_1109 = arith.addi %mul3A_1107, %add3A_1108 : i32
          %mul3A_1110 = arith.constant 128 : i32
          %mul3A_1111 = arith.muli %add3A_1109, %mul3A_1110 : i32
          %add3A_1112 = arith.constant 80 : i32
          %add3A_1113 = arith.addi %mul3A_1111, %add3A_1112 : i32
          %get3A_1114 = arith.constant 4 : i32
          %get3A_1115 = arith.index_cast %get3A_1114 : i32 to index
          %get3A_1116 = arith.index_cast %add3A_1113 : i32 to index
          %get3A_1117 = tpu.vector_load %arg7[%get3A_1115, %get3A_1116] {strides = array<i32>} : memref<8x5376xf32, #tpu.memory_space<vmem>>, vector<16xf32>,
          %max3A_1118 = arith.maximumf %max3A_1105, %get3A_1117 : vector<16xf32>
          %mul3A_1119 = arith.constant 2 : i32
          %mul3A_1120 = arith.muli %mul3A_1119, %scan3A_201 : i32
          %add3A_1121 = arith.constant 0 : i32
          %add3A_1122 = arith.addi %mul3A_1120, %add3A_1121 : i32
          %mul3A_1123 = arith.constant 128 : i32
          %mul3A_1124 = arith.muli %add3A_1122, %mul3A_1123 : i32
          %add3A_1125 = arith.constant 96 : i32
          %add3A_1126 = arith.addi %mul3A_1124, %add3A_1125 : i32
          %get3A_1127 = arith.constant 4 : i32
          %get3A_1128 = arith.index_cast %get3A_1127 : i32 to index
          %get3A_1129 = arith.index_cast %add3A_1126 : i32 to index
          %get3A_1130 = tpu.vector_load %arg7[%get3A_1128, %get3A_1129] {strides = array<i32>} : memref<8x5376xf32, #tpu.memory_space<vmem>>, vector<16xf32>,
          %max3A_1131 = arith.maximumf %max3A_1118, %get3A_1130 : vector<16xf32>
          %mul3A_1132 = arith.constant 2 : i32
          %mul3A_1133 = arith.muli %mul3A_1132, %scan3A_201 : i32
          %add3A_1134 = arith.constant 0 : i32
          %add3A_1135 = arith.addi %mul3A_1133, %add3A_1134 : i32
          %mul3A_1136 = arith.constant 128 : i32
          %mul3A_1137 = arith.muli %add3A_1135, %mul3A_1136 : i32
          %add3A_1138 = arith.constant 112 : i32
          %add3A_1139 = arith.addi %mul3A_1137, %add3A_1138 : i32
          %get3A_1140 = arith.constant 4 : i32
          %get3A_1141 = arith.index_cast %get3A_1140 : i32 to index
          %get3A_1142 = arith.index_cast %add3A_1139 : i32 to index
          %get3A_1143 = tpu.vector_load %arg7[%get3A_1141, %get3A_1142] {strides = array<i32>} : memref<8x5376xf32, #tpu.memory_space<vmem>>, vector<16xf32>,
          %max3A_1144 = arith.maximumf %max3A_1131, %get3A_1143 : vector<16xf32>
          %mul3A_1145 = arith.constant 2 : i32
          %mul3A_1146 = arith.muli %mul3A_1145, %scan3A_201 : i32
          %add3A_1147 = arith.constant 1 : i32
          %add3A_1148 = arith.addi %mul3A_1146, %add3A_1147 : i32
          %mul3A_1149 = arith.constant 128 : i32
          %mul3A_1150 = arith.muli %add3A_1148, %mul3A_1149 : i32
          %add3A_1151 = arith.constant 0 : i32
          %add3A_1152 = arith.addi %mul3A_1150, %add3A_1151 : i32
          %get3A_1153 = arith.constant 4 : i32
          %get3A_1154 = arith.index_cast %get3A_1153 : i32 to index
          %get3A_1155 = arith.index_cast %add3A_1152 : i32 to index
          %get3A_1156 = tpu.vector_load %arg7[%get3A_1154, %get3A_1155] {strides = array<i32>} : memref<8x5376xf32, #tpu.memory_space<vmem>>, vector<16xf32>,
          %max3A_1157 = arith.maximumf %max3A_1144, %get3A_1156 : vector<16xf32>
          %mul3A_1158 = arith.constant 2 : i32
          %mul3A_1159 = arith.muli %mul3A_1158, %scan3A_201 : i32
          %add3A_1160 = arith.constant 1 : i32
          %add3A_1161 = arith.addi %mul3A_1159, %add3A_1160 : i32
          %mul3A_1162 = arith.constant 128 : i32
          %mul3A_1163 = arith.muli %add3A_1161, %mul3A_1162 : i32
          %add3A_1164 = arith.constant 16 : i32
          %add3A_1165 = arith.addi %mul3A_1163, %add3A_1164 : i32
          %get3A_1166 = arith.constant 4 : i32
          %get3A_1167 = arith.index_cast %get3A_1166 : i32 to index
          %get3A_1168 = arith.index_cast %add3A_1165 : i32 to index
          %get3A_1169 = tpu.vector_load %arg7[%get3A_1167, %get3A_1168] {strides = array<i32>} : memref<8x5376xf32, #tpu.memory_space<vmem>>, vector<16xf32>,
          %max3A_1170 = arith.maximumf %max3A_1157, %get3A_1169 : vector<16xf32>
          %mul3A_1171 = arith.constant 2 : i32
          %mul3A_1172 = arith.muli %mul3A_1171, %scan3A_201 : i32
          %add3A_1173 = arith.constant 1 : i32
          %add3A_1174 = arith.addi %mul3A_1172, %add3A_1173 : i32
          %mul3A_1175 = arith.constant 128 : i32
          %mul3A_1176 = arith.muli %add3A_1174, %mul3A_1175 : i32
          %add3A_1177 = arith.constant 32 : i32
          %add3A_1178 = arith.addi %mul3A_1176, %add3A_1177 : i32
          %get3A_1179 = arith.constant 4 : i32
          %get3A_1180 = arith.index_cast %get3A_1179 : i32 to index
          %get3A_1181 = arith.index_cast %add3A_1178 : i32 to index
          %get3A_1182 = tpu.vector_load %arg7[%get3A_1180, %get3A_1181] {strides = array<i32>} : memref<8x5376xf32, #tpu.memory_space<vmem>>, vector<16xf32>,
          %max3A_1183 = arith.maximumf %max3A_1170, %get3A_1182 : vector<16xf32>
          %mul3A_1184 = arith.constant 2 : i32
          %mul3A_1185 = arith.muli %mul3A_1184, %scan3A_201 : i32
          %add3A_1186 = arith.constant 1 : i32
          %add3A_1187 = arith.addi %mul3A_1185, %add3A_1186 : i32
          %mul3A_1188 = arith.constant 128 : i32
          %mul3A_1189 = arith.muli %add3A_1187, %mul3A_1188 : i32
          %add3A_1190 = arith.constant 48 : i32
          %add3A_1191 = arith.addi %mul3A_1189, %add3A_1190 : i32
          %get3A_1192 = arith.constant 4 : i32
          %get3A_1193 = arith.index_cast %get3A_1192 : i32 to index
          %get3A_1194 = arith.index_cast %add3A_1191 : i32 to index
          %get3A_1195 = tpu.vector_load %arg7[%get3A_1193, %get3A_1194] {strides = array<i32>} : memref<8x5376xf32, #tpu.memory_space<vmem>>, vector<16xf32>,
          %max3A_1196 = arith.maximumf %max3A_1183, %get3A_1195 : vector<16xf32>
          %mul3A_1197 = arith.constant 2 : i32
          %mul3A_1198 = arith.muli %mul3A_1197, %scan3A_201 : i32
          %add3A_1199 = arith.constant 1 : i32
          %add3A_1200 = arith.addi %mul3A_1198, %add3A_1199 : i32
          %mul3A_1201 = arith.constant 128 : i32
          %mul3A_1202 = arith.muli %add3A_1200, %mul3A_1201 : i32
          %add3A_1203 = arith.constant 64 : i32
          %add3A_1204 = arith.addi %mul3A_1202, %add3A_1203 : i32
          %get3A_1205 = arith.constant 4 : i32
          %get3A_1206 = arith.index_cast %get3A_1205 : i32 to index
          %get3A_1207 = arith.index_cast %add3A_1204 : i32 to index
          %get3A_1208 = tpu.vector_load %arg7[%get3A_1206, %get3A_1207] {strides = array<i32>} : memref<8x5376xf32, #tpu.memory_space<vmem>>, vector<16xf32>,
          %max3A_1209 = arith.maximumf %max3A_1196, %get3A_1208 : vector<16xf32>
          %mul3A_1210 = arith.constant 2 : i32
          %mul3A_1211 = arith.muli %mul3A_1210, %scan3A_201 : i32
          %add3A_1212 = arith.constant 1 : i32
          %add3A_1213 = arith.addi %mul3A_1211, %add3A_1212 : i32
          %mul3A_1214 = arith.constant 128 : i32
          %mul3A_1215 = arith.muli %add3A_1213, %mul3A_1214 : i32
          %add3A_1216 = arith.constant 80 : i32
          %add3A_1217 = arith.addi %mul3A_1215, %add3A_1216 : i32
          %get3A_1218 = arith.constant 4 : i32
          %get3A_1219 = arith.index_cast %get3A_1218 : i32 to index
          %get3A_1220 = arith.index_cast %add3A_1217 : i32 to index
          %get3A_1221 = tpu.vector_load %arg7[%get3A_1219, %get3A_1220] {strides = array<i32>} : memref<8x5376xf32, #tpu.memory_space<vmem>>, vector<16xf32>,
          %max3A_1222 = arith.maximumf %max3A_1209, %get3A_1221 : vector<16xf32>
          %mul3A_1223 = arith.constant 2 : i32
          %mul3A_1224 = arith.muli %mul3A_1223, %scan3A_201 : i32
          %add3A_1225 = arith.constant 1 : i32
          %add3A_1226 = arith.addi %mul3A_1224, %add3A_1225 : i32
          %mul3A_1227 = arith.constant 128 : i32
          %mul3A_1228 = arith.muli %add3A_1226, %mul3A_1227 : i32
          %add3A_1229 = arith.constant 96 : i32
          %add3A_1230 = arith.addi %mul3A_1228, %add3A_1229 : i32
          %get3A_1231 = arith.constant 4 : i32
          %get3A_1232 = arith.index_cast %get3A_1231 : i32 to index
          %get3A_1233 = arith.index_cast %add3A_1230 : i32 to index
          %get3A_1234 = tpu.vector_load %arg7[%get3A_1232, %get3A_1233] {strides = array<i32>} : memref<8x5376xf32, #tpu.memory_space<vmem>>, vector<16xf32>,
          %max3A_1235 = arith.maximumf %max3A_1222, %get3A_1234 : vector<16xf32>
          %mul3A_1236 = arith.constant 2 : i32
          %mul3A_1237 = arith.muli %mul3A_1236, %scan3A_201 : i32
          %add3A_1238 = arith.constant 1 : i32
          %add3A_1239 = arith.addi %mul3A_1237, %add3A_1238 : i32
          %mul3A_1240 = arith.constant 128 : i32
          %mul3A_1241 = arith.muli %add3A_1239, %mul3A_1240 : i32
          %add3A_1242 = arith.constant 112 : i32
          %add3A_1243 = arith.addi %mul3A_1241, %add3A_1242 : i32
          %get3A_1244 = arith.constant 4 : i32
          %get3A_1245 = arith.index_cast %get3A_1244 : i32 to index
          %get3A_1246 = arith.index_cast %add3A_1243 : i32 to index
          %get3A_1247 = tpu.vector_load %arg7[%get3A_1245, %get3A_1246] {strides = array<i32>} : memref<8x5376xf32, #tpu.memory_space<vmem>>, vector<16xf32>,
          %max3A_1248 = arith.maximumf %max3A_1235, %get3A_1247 : vector<16xf32>
          %mul3A_1249 = arith.constant 2 : i32
          %mul3A_1250 = arith.muli %mul3A_1249, %scan3A_201 : i32
          %add3A_1251 = arith.constant 0 : i32
          %add3A_1252 = arith.addi %mul3A_1250, %add3A_1251 : i32
          %mul3A_1253 = arith.constant 128 : i32
          %mul3A_1254 = arith.muli %add3A_1252, %mul3A_1253 : i32
          %add3A_1255 = arith.constant 0 : i32
          %add3A_1256 = arith.addi %mul3A_1254, %add3A_1255 : i32
          %get3A_1257 = arith.constant 5 : i32
          %get3A_1258 = arith.index_cast %get3A_1257 : i32 to index
          %get3A_1259 = arith.index_cast %add3A_1256 : i32 to index
          %get3A_1260 = tpu.vector_load %arg7[%get3A_1258, %get3A_1259] {strides = array<i32>} : memref<8x5376xf32, #tpu.memory_space<vmem>>, vector<16xf32>,
          %max3A_1261 = arith.maximumf %scan3A_207, %get3A_1260 : vector<16xf32>
          %mul3A_1262 = arith.constant 2 : i32
          %mul3A_1263 = arith.muli %mul3A_1262, %scan3A_201 : i32
          %add3A_1264 = arith.constant 0 : i32
          %add3A_1265 = arith.addi %mul3A_1263, %add3A_1264 : i32
          %mul3A_1266 = arith.constant 128 : i32
          %mul3A_1267 = arith.muli %add3A_1265, %mul3A_1266 : i32
          %add3A_1268 = arith.constant 16 : i32
          %add3A_1269 = arith.addi %mul3A_1267, %add3A_1268 : i32
          %get3A_1270 = arith.constant 5 : i32
          %get3A_1271 = arith.index_cast %get3A_1270 : i32 to index
          %get3A_1272 = arith.index_cast %add3A_1269 : i32 to index
          %get3A_1273 = tpu.vector_load %arg7[%get3A_1271, %get3A_1272] {strides = array<i32>} : memref<8x5376xf32, #tpu.memory_space<vmem>>, vector<16xf32>,
          %max3A_1274 = arith.maximumf %max3A_1261, %get3A_1273 : vector<16xf32>
          %mul3A_1275 = arith.constant 2 : i32
          %mul3A_1276 = arith.muli %mul3A_1275, %scan3A_201 : i32
          %add3A_1277 = arith.constant 0 : i32
          %add3A_1278 = arith.addi %mul3A_1276, %add3A_1277 : i32
          %mul3A_1279 = arith.constant 128 : i32
          %mul3A_1280 = arith.muli %add3A_1278, %mul3A_1279 : i32
          %add3A_1281 = arith.constant 32 : i32
          %add3A_1282 = arith.addi %mul3A_1280, %add3A_1281 : i32
          %get3A_1283 = arith.constant 5 : i32
          %get3A_1284 = arith.index_cast %get3A_1283 : i32 to index
          %get3A_1285 = arith.index_cast %add3A_1282 : i32 to index
          %get3A_1286 = tpu.vector_load %arg7[%get3A_1284, %get3A_1285] {strides = array<i32>} : memref<8x5376xf32, #tpu.memory_space<vmem>>, vector<16xf32>,
          %max3A_1287 = arith.maximumf %max3A_1274, %get3A_1286 : vector<16xf32>
          %mul3A_1288 = arith.constant 2 : i32
          %mul3A_1289 = arith.muli %mul3A_1288, %scan3A_201 : i32
          %add3A_1290 = arith.constant 0 : i32
          %add3A_1291 = arith.addi %mul3A_1289, %add3A_1290 : i32
          %mul3A_1292 = arith.constant 128 : i32
          %mul3A_1293 = arith.muli %add3A_1291, %mul3A_1292 : i32
          %add3A_1294 = arith.constant 48 : i32
          %add3A_1295 = arith.addi %mul3A_1293, %add3A_1294 : i32
          %get3A_1296 = arith.constant 5 : i32
          %get3A_1297 = arith.index_cast %get3A_1296 : i32 to index
          %get3A_1298 = arith.index_cast %add3A_1295 : i32 to index
          %get3A_1299 = tpu.vector_load %arg7[%get3A_1297, %get3A_1298] {strides = array<i32>} : memref<8x5376xf32, #tpu.memory_space<vmem>>, vector<16xf32>,
          %max3A_1300 = arith.maximumf %max3A_1287, %get3A_1299 : vector<16xf32>
          %mul3A_1301 = arith.constant 2 : i32
          %mul3A_1302 = arith.muli %mul3A_1301, %scan3A_201 : i32
          %add3A_1303 = arith.constant 0 : i32
          %add3A_1304 = arith.addi %mul3A_1302, %add3A_1303 : i32
          %mul3A_1305 = arith.constant 128 : i32
          %mul3A_1306 = arith.muli %add3A_1304, %mul3A_1305 : i32
          %add3A_1307 = arith.constant 64 : i32
          %add3A_1308 = arith.addi %mul3A_1306, %add3A_1307 : i32
          %get3A_1309 = arith.constant 5 : i32
          %get3A_1310 = arith.index_cast %get3A_1309 : i32 to index
          %get3A_1311 = arith.index_cast %add3A_1308 : i32 to index
          %get3A_1312 = tpu.vector_load %arg7[%get3A_1310, %get3A_1311] {strides = array<i32>} : memref<8x5376xf32, #tpu.memory_space<vmem>>, vector<16xf32>,
          %max3A_1313 = arith.maximumf %max3A_1300, %get3A_1312 : vector<16xf32>
          %mul3A_1314 = arith.constant 2 : i32
          %mul3A_1315 = arith.muli %mul3A_1314, %scan3A_201 : i32
          %add3A_1316 = arith.constant 0 : i32
          %add3A_1317 = arith.addi %mul3A_1315, %add3A_1316 : i32
          %mul3A_1318 = arith.constant 128 : i32
          %mul3A_1319 = arith.muli %add3A_1317, %mul3A_1318 : i32
          %add3A_1320 = arith.constant 80 : i32
          %add3A_1321 = arith.addi %mul3A_1319, %add3A_1320 : i32
          %get3A_1322 = arith.constant 5 : i32
          %get3A_1323 = arith.index_cast %get3A_1322 : i32 to index
          %get3A_1324 = arith.index_cast %add3A_1321 : i32 to index
          %get3A_1325 = tpu.vector_load %arg7[%get3A_1323, %get3A_1324] {strides = array<i32>} : memref<8x5376xf32, #tpu.memory_space<vmem>>, vector<16xf32>,
          %max3A_1326 = arith.maximumf %max3A_1313, %get3A_1325 : vector<16xf32>
          %mul3A_1327 = arith.constant 2 : i32
          %mul3A_1328 = arith.muli %mul3A_1327, %scan3A_201 : i32
          %add3A_1329 = arith.constant 0 : i32
          %add3A_1330 = arith.addi %mul3A_1328, %add3A_1329 : i32
          %mul3A_1331 = arith.constant 128 : i32
          %mul3A_1332 = arith.muli %add3A_1330, %mul3A_1331 : i32
          %add3A_1333 = arith.constant 96 : i32
          %add3A_1334 = arith.addi %mul3A_1332, %add3A_1333 : i32
          %get3A_1335 = arith.constant 5 : i32
          %get3A_1336 = arith.index_cast %get3A_1335 : i32 to index
          %get3A_1337 = arith.index_cast %add3A_1334 : i32 to index
          %get3A_1338 = tpu.vector_load %arg7[%get3A_1336, %get3A_1337] {strides = array<i32>} : memref<8x5376xf32, #tpu.memory_space<vmem>>, vector<16xf32>,
          %max3A_1339 = arith.maximumf %max3A_1326, %get3A_1338 : vector<16xf32>
          %mul3A_1340 = arith.constant 2 : i32
          %mul3A_1341 = arith.muli %mul3A_1340, %scan3A_201 : i32
          %add3A_1342 = arith.constant 0 : i32
          %add3A_1343 = arith.addi %mul3A_1341, %add3A_1342 : i32
          %mul3A_1344 = arith.constant 128 : i32
          %mul3A_1345 = arith.muli %add3A_1343, %mul3A_1344 : i32
          %add3A_1346 = arith.constant 112 : i32
          %add3A_1347 = arith.addi %mul3A_1345, %add3A_1346 : i32
          %get3A_1348 = arith.constant 5 : i32
          %get3A_1349 = arith.index_cast %get3A_1348 : i32 to index
          %get3A_1350 = arith.index_cast %add3A_1347 : i32 to index
          %get3A_1351 = tpu.vector_load %arg7[%get3A_1349, %get3A_1350] {strides = array<i32>} : memref<8x5376xf32, #tpu.memory_space<vmem>>, vector<16xf32>,
          %max3A_1352 = arith.maximumf %max3A_1339, %get3A_1351 : vector<16xf32>
          %mul3A_1353 = arith.constant 2 : i32
          %mul3A_1354 = arith.muli %mul3A_1353, %scan3A_201 : i32
          %add3A_1355 = arith.constant 1 : i32
          %add3A_1356 = arith.addi %mul3A_1354, %add3A_1355 : i32
          %mul3A_1357 = arith.constant 128 : i32
          %mul3A_1358 = arith.muli %add3A_1356, %mul3A_1357 : i32
          %add3A_1359 = arith.constant 0 : i32
          %add3A_1360 = arith.addi %mul3A_1358, %add3A_1359 : i32
          %get3A_1361 = arith.constant 5 : i32
          %get3A_1362 = arith.index_cast %get3A_1361 : i32 to index
          %get3A_1363 = arith.index_cast %add3A_1360 : i32 to index
          %get3A_1364 = tpu.vector_load %arg7[%get3A_1362, %get3A_1363] {strides = array<i32>} : memref<8x5376xf32, #tpu.memory_space<vmem>>, vector<16xf32>,
          %max3A_1365 = arith.maximumf %max3A_1352, %get3A_1364 : vector<16xf32>
          %mul3A_1366 = arith.constant 2 : i32
          %mul3A_1367 = arith.muli %mul3A_1366, %scan3A_201 : i32
          %add3A_1368 = arith.constant 1 : i32
          %add3A_1369 = arith.addi %mul3A_1367, %add3A_1368 : i32
          %mul3A_1370 = arith.constant 128 : i32
          %mul3A_1371 = arith.muli %add3A_1369, %mul3A_1370 : i32
          %add3A_1372 = arith.constant 16 : i32
          %add3A_1373 = arith.addi %mul3A_1371, %add3A_1372 : i32
          %get3A_1374 = arith.constant 5 : i32
          %get3A_1375 = arith.index_cast %get3A_1374 : i32 to index
          %get3A_1376 = arith.index_cast %add3A_1373 : i32 to index
          %get3A_1377 = tpu.vector_load %arg7[%get3A_1375, %get3A_1376] {strides = array<i32>} : memref<8x5376xf32, #tpu.memory_space<vmem>>, vector<16xf32>,
          %max3A_1378 = arith.maximumf %max3A_1365, %get3A_1377 : vector<16xf32>
          %mul3A_1379 = arith.constant 2 : i32
          %mul3A_1380 = arith.muli %mul3A_1379, %scan3A_201 : i32
          %add3A_1381 = arith.constant 1 : i32
          %add3A_1382 = arith.addi %mul3A_1380, %add3A_1381 : i32
          %mul3A_1383 = arith.constant 128 : i32
          %mul3A_1384 = arith.muli %add3A_1382, %mul3A_1383 : i32
          %add3A_1385 = arith.constant 32 : i32
          %add3A_1386 = arith.addi %mul3A_1384, %add3A_1385 : i32
          %get3A_1387 = arith.constant 5 : i32
          %get3A_1388 = arith.index_cast %get3A_1387 : i32 to index
          %get3A_1389 = arith.index_cast %add3A_1386 : i32 to index
          %get3A_1390 = tpu.vector_load %arg7[%get3A_1388, %get3A_1389] {strides = array<i32>} : memref<8x5376xf32, #tpu.memory_space<vmem>>, vector<16xf32>,
          %max3A_1391 = arith.maximumf %max3A_1378, %get3A_1390 : vector<16xf32>
          %mul3A_1392 = arith.constant 2 : i32
          %mul3A_1393 = arith.muli %mul3A_1392, %scan3A_201 : i32
          %add3A_1394 = arith.constant 1 : i32
          %add3A_1395 = arith.addi %mul3A_1393, %add3A_1394 : i32
          %mul3A_1396 = arith.constant 128 : i32
          %mul3A_1397 = arith.muli %add3A_1395, %mul3A_1396 : i32
          %add3A_1398 = arith.constant 48 : i32
          %add3A_1399 = arith.addi %mul3A_1397, %add3A_1398 : i32
          %get3A_1400 = arith.constant 5 : i32
          %get3A_1401 = arith.index_cast %get3A_1400 : i32 to index
          %get3A_1402 = arith.index_cast %add3A_1399 : i32 to index
          %get3A_1403 = tpu.vector_load %arg7[%get3A_1401, %get3A_1402] {strides = array<i32>} : memref<8x5376xf32, #tpu.memory_space<vmem>>, vector<16xf32>,
          %max3A_1404 = arith.maximumf %max3A_1391, %get3A_1403 : vector<16xf32>
          %mul3A_1405 = arith.constant 2 : i32
          %mul3A_1406 = arith.muli %mul3A_1405, %scan3A_201 : i32
          %add3A_1407 = arith.constant 1 : i32
          %add3A_1408 = arith.addi %mul3A_1406, %add3A_1407 : i32
          %mul3A_1409 = arith.constant 128 : i32
          %mul3A_1410 = arith.muli %add3A_1408, %mul3A_1409 : i32
          %add3A_1411 = arith.constant 64 : i32
          %add3A_1412 = arith.addi %mul3A_1410, %add3A_1411 : i32
          %get3A_1413 = arith.constant 5 : i32
          %get3A_1414 = arith.index_cast %get3A_1413 : i32 to index
          %get3A_1415 = arith.index_cast %add3A_1412 : i32 to index
          %get3A_1416 = tpu.vector_load %arg7[%get3A_1414, %get3A_1415] {strides = array<i32>} : memref<8x5376xf32, #tpu.memory_space<vmem>>, vector<16xf32>,
          %max3A_1417 = arith.maximumf %max3A_1404, %get3A_1416 : vector<16xf32>
          %mul3A_1418 = arith.constant 2 : i32
          %mul3A_1419 = arith.muli %mul3A_1418, %scan3A_201 : i32
          %add3A_1420 = arith.constant 1 : i32
          %add3A_1421 = arith.addi %mul3A_1419, %add3A_1420 : i32
          %mul3A_1422 = arith.constant 128 : i32
          %mul3A_1423 = arith.muli %add3A_1421, %mul3A_1422 : i32
          %add3A_1424 = arith.constant 80 : i32
          %add3A_1425 = arith.addi %mul3A_1423, %add3A_1424 : i32
          %get3A_1426 = arith.constant 5 : i32
          %get3A_1427 = arith.index_cast %get3A_1426 : i32 to index
          %get3A_1428 = arith.index_cast %add3A_1425 : i32 to index
          %get3A_1429 = tpu.vector_load %arg7[%get3A_1427, %get3A_1428] {strides = array<i32>} : memref<8x5376xf32, #tpu.memory_space<vmem>>, vector<16xf32>,
          %max3A_1430 = arith.maximumf %max3A_1417, %get3A_1429 : vector<16xf32>
          %mul3A_1431 = arith.constant 2 : i32
          %mul3A_1432 = arith.muli %mul3A_1431, %scan3A_201 : i32
          %add3A_1433 = arith.constant 1 : i32
          %add3A_1434 = arith.addi %mul3A_1432, %add3A_1433 : i32
          %mul3A_1435 = arith.constant 128 : i32
          %mul3A_1436 = arith.muli %add3A_1434, %mul3A_1435 : i32
          %add3A_1437 = arith.constant 96 : i32
          %add3A_1438 = arith.addi %mul3A_1436, %add3A_1437 : i32
          %get3A_1439 = arith.constant 5 : i32
          %get3A_1440 = arith.index_cast %get3A_1439 : i32 to index
          %get3A_1441 = arith.index_cast %add3A_1438 : i32 to index
          %get3A_1442 = tpu.vector_load %arg7[%get3A_1440, %get3A_1441] {strides = array<i32>} : memref<8x5376xf32, #tpu.memory_space<vmem>>, vector<16xf32>,
          %max3A_1443 = arith.maximumf %max3A_1430, %get3A_1442 : vector<16xf32>
          %mul3A_1444 = arith.constant 2 : i32
          %mul3A_1445 = arith.muli %mul3A_1444, %scan3A_201 : i32
          %add3A_1446 = arith.constant 1 : i32
          %add3A_1447 = arith.addi %mul3A_1445, %add3A_1446 : i32
          %mul3A_1448 = arith.constant 128 : i32
          %mul3A_1449 = arith.muli %add3A_1447, %mul3A_1448 : i32
          %add3A_1450 = arith.constant 112 : i32
          %add3A_1451 = arith.addi %mul3A_1449, %add3A_1450 : i32
          %get3A_1452 = arith.constant 5 : i32
          %get3A_1453 = arith.index_cast %get3A_1452 : i32 to index
          %get3A_1454 = arith.index_cast %add3A_1451 : i32 to index
          %get3A_1455 = tpu.vector_load %arg7[%get3A_1453, %get3A_1454] {strides = array<i32>} : memref<8x5376xf32, #tpu.memory_space<vmem>>, vector<16xf32>,
          %max3A_1456 = arith.maximumf %max3A_1443, %get3A_1455 : vector<16xf32>
          %mul3A_1457 = arith.constant 2 : i32
          %mul3A_1458 = arith.muli %mul3A_1457, %scan3A_201 : i32
          %add3A_1459 = arith.constant 0 : i32
          %add3A_1460 = arith.addi %mul3A_1458, %add3A_1459 : i32
          %mul3A_1461 = arith.constant 128 : i32
          %mul3A_1462 = arith.muli %add3A_1460, %mul3A_1461 : i32
          %add3A_1463 = arith.constant 0 : i32
          %add3A_1464 = arith.addi %mul3A_1462, %add3A_1463 : i32
          %get3A_1465 = arith.constant 6 : i32
          %get3A_1466 = arith.index_cast %get3A_1465 : i32 to index
          %get3A_1467 = arith.index_cast %add3A_1464 : i32 to index
          %get3A_1468 = tpu.vector_load %arg7[%get3A_1466, %get3A_1467] {strides = array<i32>} : memref<8x5376xf32, #tpu.memory_space<vmem>>, vector<16xf32>,
          %max3A_1469 = arith.maximumf %scan3A_208, %get3A_1468 : vector<16xf32>
          %mul3A_1470 = arith.constant 2 : i32
          %mul3A_1471 = arith.muli %mul3A_1470, %scan3A_201 : i32
          %add3A_1472 = arith.constant 0 : i32
          %add3A_1473 = arith.addi %mul3A_1471, %add3A_1472 : i32
          %mul3A_1474 = arith.constant 128 : i32
          %mul3A_1475 = arith.muli %add3A_1473, %mul3A_1474 : i32
          %add3A_1476 = arith.constant 16 : i32
          %add3A_1477 = arith.addi %mul3A_1475, %add3A_1476 : i32
          %get3A_1478 = arith.constant 6 : i32
          %get3A_1479 = arith.index_cast %get3A_1478 : i32 to index
          %get3A_1480 = arith.index_cast %add3A_1477 : i32 to index
          %get3A_1481 = tpu.vector_load %arg7[%get3A_1479, %get3A_1480] {strides = array<i32>} : memref<8x5376xf32, #tpu.memory_space<vmem>>, vector<16xf32>,
          %max3A_1482 = arith.maximumf %max3A_1469, %get3A_1481 : vector<16xf32>
          %mul3A_1483 = arith.constant 2 : i32
          %mul3A_1484 = arith.muli %mul3A_1483, %scan3A_201 : i32
          %add3A_1485 = arith.constant 0 : i32
          %add3A_1486 = arith.addi %mul3A_1484, %add3A_1485 : i32
          %mul3A_1487 = arith.constant 128 : i32
          %mul3A_1488 = arith.muli %add3A_1486, %mul3A_1487 : i32
          %add3A_1489 = arith.constant 32 : i32
          %add3A_1490 = arith.addi %mul3A_1488, %add3A_1489 : i32
          %get3A_1491 = arith.constant 6 : i32
          %get3A_1492 = arith.index_cast %get3A_1491 : i32 to index
          %get3A_1493 = arith.index_cast %add3A_1490 : i32 to index
          %get3A_1494 = tpu.vector_load %arg7[%get3A_1492, %get3A_1493] {strides = array<i32>} : memref<8x5376xf32, #tpu.memory_space<vmem>>, vector<16xf32>,
          %max3A_1495 = arith.maximumf %max3A_1482, %get3A_1494 : vector<16xf32>
          %mul3A_1496 = arith.constant 2 : i32
          %mul3A_1497 = arith.muli %mul3A_1496, %scan3A_201 : i32
          %add3A_1498 = arith.constant 0 : i32
          %add3A_1499 = arith.addi %mul3A_1497, %add3A_1498 : i32
          %mul3A_1500 = arith.constant 128 : i32
          %mul3A_1501 = arith.muli %add3A_1499, %mul3A_1500 : i32
          %add3A_1502 = arith.constant 48 : i32
          %add3A_1503 = arith.addi %mul3A_1501, %add3A_1502 : i32
          %get3A_1504 = arith.constant 6 : i32
          %get3A_1505 = arith.index_cast %get3A_1504 : i32 to index
          %get3A_1506 = arith.index_cast %add3A_1503 : i32 to index
          %get3A_1507 = tpu.vector_load %arg7[%get3A_1505, %get3A_1506] {strides = array<i32>} : memref<8x5376xf32, #tpu.memory_space<vmem>>, vector<16xf32>,
          %max3A_1508 = arith.maximumf %max3A_1495, %get3A_1507 : vector<16xf32>
          %mul3A_1509 = arith.constant 2 : i32
          %mul3A_1510 = arith.muli %mul3A_1509, %scan3A_201 : i32
          %add3A_1511 = arith.constant 0 : i32
          %add3A_1512 = arith.addi %mul3A_1510, %add3A_1511 : i32
          %mul3A_1513 = arith.constant 128 : i32
          %mul3A_1514 = arith.muli %add3A_1512, %mul3A_1513 : i32
          %add3A_1515 = arith.constant 64 : i32
          %add3A_1516 = arith.addi %mul3A_1514, %add3A_1515 : i32
          %get3A_1517 = arith.constant 6 : i32
          %get3A_1518 = arith.index_cast %get3A_1517 : i32 to index
          %get3A_1519 = arith.index_cast %add3A_1516 : i32 to index
          %get3A_1520 = tpu.vector_load %arg7[%get3A_1518, %get3A_1519] {strides = array<i32>} : memref<8x5376xf32, #tpu.memory_space<vmem>>, vector<16xf32>,
          %max3A_1521 = arith.maximumf %max3A_1508, %get3A_1520 : vector<16xf32>
          %mul3A_1522 = arith.constant 2 : i32
          %mul3A_1523 = arith.muli %mul3A_1522, %scan3A_201 : i32
          %add3A_1524 = arith.constant 0 : i32
          %add3A_1525 = arith.addi %mul3A_1523, %add3A_1524 : i32
          %mul3A_1526 = arith.constant 128 : i32
          %mul3A_1527 = arith.muli %add3A_1525, %mul3A_1526 : i32
          %add3A_1528 = arith.constant 80 : i32
          %add3A_1529 = arith.addi %mul3A_1527, %add3A_1528 : i32
          %get3A_1530 = arith.constant 6 : i32
          %get3A_1531 = arith.index_cast %get3A_1530 : i32 to index
          %get3A_1532 = arith.index_cast %add3A_1529 : i32 to index
          %get3A_1533 = tpu.vector_load %arg7[%get3A_1531, %get3A_1532] {strides = array<i32>} : memref<8x5376xf32, #tpu.memory_space<vmem>>, vector<16xf32>,
          %max3A_1534 = arith.maximumf %max3A_1521, %get3A_1533 : vector<16xf32>
          %mul3A_1535 = arith.constant 2 : i32
          %mul3A_1536 = arith.muli %mul3A_1535, %scan3A_201 : i32
          %add3A_1537 = arith.constant 0 : i32
          %add3A_1538 = arith.addi %mul3A_1536, %add3A_1537 : i32
          %mul3A_1539 = arith.constant 128 : i32
          %mul3A_1540 = arith.muli %add3A_1538, %mul3A_1539 : i32
          %add3A_1541 = arith.constant 96 : i32
          %add3A_1542 = arith.addi %mul3A_1540, %add3A_1541 : i32
          %get3A_1543 = arith.constant 6 : i32
          %get3A_1544 = arith.index_cast %get3A_1543 : i32 to index
          %get3A_1545 = arith.index_cast %add3A_1542 : i32 to index
          %get3A_1546 = tpu.vector_load %arg7[%get3A_1544, %get3A_1545] {strides = array<i32>} : memref<8x5376xf32, #tpu.memory_space<vmem>>, vector<16xf32>,
          %max3A_1547 = arith.maximumf %max3A_1534, %get3A_1546 : vector<16xf32>
          %mul3A_1548 = arith.constant 2 : i32
          %mul3A_1549 = arith.muli %mul3A_1548, %scan3A_201 : i32
          %add3A_1550 = arith.constant 0 : i32
          %add3A_1551 = arith.addi %mul3A_1549, %add3A_1550 : i32
          %mul3A_1552 = arith.constant 128 : i32
          %mul3A_1553 = arith.muli %add3A_1551, %mul3A_1552 : i32
          %add3A_1554 = arith.constant 112 : i32
          %add3A_1555 = arith.addi %mul3A_1553, %add3A_1554 : i32
          %get3A_1556 = arith.constant 6 : i32
          %get3A_1557 = arith.index_cast %get3A_1556 : i32 to index
          %get3A_1558 = arith.index_cast %add3A_1555 : i32 to index
          %get3A_1559 = tpu.vector_load %arg7[%get3A_1557, %get3A_1558] {strides = array<i32>} : memref<8x5376xf32, #tpu.memory_space<vmem>>, vector<16xf32>,
          %max3A_1560 = arith.maximumf %max3A_1547, %get3A_1559 : vector<16xf32>
          %mul3A_1561 = arith.constant 2 : i32
          %mul3A_1562 = arith.muli %mul3A_1561, %scan3A_201 : i32
          %add3A_1563 = arith.constant 1 : i32
          %add3A_1564 = arith.addi %mul3A_1562, %add3A_1563 : i32
          %mul3A_1565 = arith.constant 128 : i32
          %mul3A_1566 = arith.muli %add3A_1564, %mul3A_1565 : i32
          %add3A_1567 = arith.constant 0 : i32
          %add3A_1568 = arith.addi %mul3A_1566, %add3A_1567 : i32
          %get3A_1569 = arith.constant 6 : i32
          %get3A_1570 = arith.index_cast %get3A_1569 : i32 to index
          %get3A_1571 = arith.index_cast %add3A_1568 : i32 to index
          %get3A_1572 = tpu.vector_load %arg7[%get3A_1570, %get3A_1571] {strides = array<i32>} : memref<8x5376xf32, #tpu.memory_space<vmem>>, vector<16xf32>,
          %max3A_1573 = arith.maximumf %max3A_1560, %get3A_1572 : vector<16xf32>
          %mul3A_1574 = arith.constant 2 : i32
          %mul3A_1575 = arith.muli %mul3A_1574, %scan3A_201 : i32
          %add3A_1576 = arith.constant 1 : i32
          %add3A_1577 = arith.addi %mul3A_1575, %add3A_1576 : i32
          %mul3A_1578 = arith.constant 128 : i32
          %mul3A_1579 = arith.muli %add3A_1577, %mul3A_1578 : i32
          %add3A_1580 = arith.constant 16 : i32
          %add3A_1581 = arith.addi %mul3A_1579, %add3A_1580 : i32
          %get3A_1582 = arith.constant 6 : i32
          %get3A_1583 = arith.index_cast %get3A_1582 : i32 to index
          %get3A_1584 = arith.index_cast %add3A_1581 : i32 to index
          %get3A_1585 = tpu.vector_load %arg7[%get3A_1583, %get3A_1584] {strides = array<i32>} : memref<8x5376xf32, #tpu.memory_space<vmem>>, vector<16xf32>,
          %max3A_1586 = arith.maximumf %max3A_1573, %get3A_1585 : vector<16xf32>
          %mul3A_1587 = arith.constant 2 : i32
          %mul3A_1588 = arith.muli %mul3A_1587, %scan3A_201 : i32
          %add3A_1589 = arith.constant 1 : i32
          %add3A_1590 = arith.addi %mul3A_1588, %add3A_1589 : i32
          %mul3A_1591 = arith.constant 128 : i32
          %mul3A_1592 = arith.muli %add3A_1590, %mul3A_1591 : i32
          %add3A_1593 = arith.constant 32 : i32
          %add3A_1594 = arith.addi %mul3A_1592, %add3A_1593 : i32
          %get3A_1595 = arith.constant 6 : i32
          %get3A_1596 = arith.index_cast %get3A_1595 : i32 to index
          %get3A_1597 = arith.index_cast %add3A_1594 : i32 to index
          %get3A_1598 = tpu.vector_load %arg7[%get3A_1596, %get3A_1597] {strides = array<i32>} : memref<8x5376xf32, #tpu.memory_space<vmem>>, vector<16xf32>,
          %max3A_1599 = arith.maximumf %max3A_1586, %get3A_1598 : vector<16xf32>
          %mul3A_1600 = arith.constant 2 : i32
          %mul3A_1601 = arith.muli %mul3A_1600, %scan3A_201 : i32
          %add3A_1602 = arith.constant 1 : i32
          %add3A_1603 = arith.addi %mul3A_1601, %add3A_1602 : i32
          %mul3A_1604 = arith.constant 128 : i32
          %mul3A_1605 = arith.muli %add3A_1603, %mul3A_1604 : i32
          %add3A_1606 = arith.constant 48 : i32
          %add3A_1607 = arith.addi %mul3A_1605, %add3A_1606 : i32
          %get3A_1608 = arith.constant 6 : i32
          %get3A_1609 = arith.index_cast %get3A_1608 : i32 to index
          %get3A_1610 = arith.index_cast %add3A_1607 : i32 to index
          %get3A_1611 = tpu.vector_load %arg7[%get3A_1609, %get3A_1610] {strides = array<i32>} : memref<8x5376xf32, #tpu.memory_space<vmem>>, vector<16xf32>,
          %max3A_1612 = arith.maximumf %max3A_1599, %get3A_1611 : vector<16xf32>
          %mul3A_1613 = arith.constant 2 : i32
          %mul3A_1614 = arith.muli %mul3A_1613, %scan3A_201 : i32
          %add3A_1615 = arith.constant 1 : i32
          %add3A_1616 = arith.addi %mul3A_1614, %add3A_1615 : i32
          %mul3A_1617 = arith.constant 128 : i32
          %mul3A_1618 = arith.muli %add3A_1616, %mul3A_1617 : i32
          %add3A_1619 = arith.constant 64 : i32
          %add3A_1620 = arith.addi %mul3A_1618, %add3A_1619 : i32
          %get3A_1621 = arith.constant 6 : i32
          %get3A_1622 = arith.index_cast %get3A_1621 : i32 to index
          %get3A_1623 = arith.index_cast %add3A_1620 : i32 to index
          %get3A_1624 = tpu.vector_load %arg7[%get3A_1622, %get3A_1623] {strides = array<i32>} : memref<8x5376xf32, #tpu.memory_space<vmem>>, vector<16xf32>,
          %max3A_1625 = arith.maximumf %max3A_1612, %get3A_1624 : vector<16xf32>
          %mul3A_1626 = arith.constant 2 : i32
          %mul3A_1627 = arith.muli %mul3A_1626, %scan3A_201 : i32
          %add3A_1628 = arith.constant 1 : i32
          %add3A_1629 = arith.addi %mul3A_1627, %add3A_1628 : i32
          %mul3A_1630 = arith.constant 128 : i32
          %mul3A_1631 = arith.muli %add3A_1629, %mul3A_1630 : i32
          %add3A_1632 = arith.constant 80 : i32
          %add3A_1633 = arith.addi %mul3A_1631, %add3A_1632 : i32
          %get3A_1634 = arith.constant 6 : i32
          %get3A_1635 = arith.index_cast %get3A_1634 : i32 to index
          %get3A_1636 = arith.index_cast %add3A_1633 : i32 to index
          %get3A_1637 = tpu.vector_load %arg7[%get3A_1635, %get3A_1636] {strides = array<i32>} : memref<8x5376xf32, #tpu.memory_space<vmem>>, vector<16xf32>,
          %max3A_1638 = arith.maximumf %max3A_1625, %get3A_1637 : vector<16xf32>
          %mul3A_1639 = arith.constant 2 : i32
          %mul3A_1640 = arith.muli %mul3A_1639, %scan3A_201 : i32
          %add3A_1641 = arith.constant 1 : i32
          %add3A_1642 = arith.addi %mul3A_1640, %add3A_1641 : i32
          %mul3A_1643 = arith.constant 128 : i32
          %mul3A_1644 = arith.muli %add3A_1642, %mul3A_1643 : i32
          %add3A_1645 = arith.constant 96 : i32
          %add3A_1646 = arith.addi %mul3A_1644, %add3A_1645 : i32
          %get3A_1647 = arith.constant 6 : i32
          %get3A_1648 = arith.index_cast %get3A_1647 : i32 to index
          %get3A_1649 = arith.index_cast %add3A_1646 : i32 to index
          %get3A_1650 = tpu.vector_load %arg7[%get3A_1648, %get3A_1649] {strides = array<i32>} : memref<8x5376xf32, #tpu.memory_space<vmem>>, vector<16xf32>,
          %max3A_1651 = arith.maximumf %max3A_1638, %get3A_1650 : vector<16xf32>
          %mul3A_1652 = arith.constant 2 : i32
          %mul3A_1653 = arith.muli %mul3A_1652, %scan3A_201 : i32
          %add3A_1654 = arith.constant 1 : i32
          %add3A_1655 = arith.addi %mul3A_1653, %add3A_1654 : i32
          %mul3A_1656 = arith.constant 128 : i32
          %mul3A_1657 = arith.muli %add3A_1655, %mul3A_1656 : i32
          %add3A_1658 = arith.constant 112 : i32
          %add3A_1659 = arith.addi %mul3A_1657, %add3A_1658 : i32
          %get3A_1660 = arith.constant 6 : i32
          %get3A_1661 = arith.index_cast %get3A_1660 : i32 to index
          %get3A_1662 = arith.index_cast %add3A_1659 : i32 to index
          %get3A_1663 = tpu.vector_load %arg7[%get3A_1661, %get3A_1662] {strides = array<i32>} : memref<8x5376xf32, #tpu.memory_space<vmem>>, vector<16xf32>,
          %max3A_1664 = arith.maximumf %max3A_1651, %get3A_1663 : vector<16xf32>
          %mul3A_1665 = arith.constant 2 : i32
          %mul3A_1666 = arith.muli %mul3A_1665, %scan3A_201 : i32
          %add3A_1667 = arith.constant 0 : i32
          %add3A_1668 = arith.addi %mul3A_1666, %add3A_1667 : i32
          %mul3A_1669 = arith.constant 128 : i32
          %mul3A_1670 = arith.muli %add3A_1668, %mul3A_1669 : i32
          %add3A_1671 = arith.constant 0 : i32
          %add3A_1672 = arith.addi %mul3A_1670, %add3A_1671 : i32
          %get3A_1673 = arith.constant 7 : i32
          %get3A_1674 = arith.index_cast %get3A_1673 : i32 to index
          %get3A_1675 = arith.index_cast %add3A_1672 : i32 to index
          %get3A_1676 = tpu.vector_load %arg7[%get3A_1674, %get3A_1675] {strides = array<i32>} : memref<8x5376xf32, #tpu.memory_space<vmem>>, vector<16xf32>,
          %max3A_1677 = arith.maximumf %scan3A_209, %get3A_1676 : vector<16xf32>
          %mul3A_1678 = arith.constant 2 : i32
          %mul3A_1679 = arith.muli %mul3A_1678, %scan3A_201 : i32
          %add3A_1680 = arith.constant 0 : i32
          %add3A_1681 = arith.addi %mul3A_1679, %add3A_1680 : i32
          %mul3A_1682 = arith.constant 128 : i32
          %mul3A_1683 = arith.muli %add3A_1681, %mul3A_1682 : i32
          %add3A_1684 = arith.constant 16 : i32
          %add3A_1685 = arith.addi %mul3A_1683, %add3A_1684 : i32
          %get3A_1686 = arith.constant 7 : i32
          %get3A_1687 = arith.index_cast %get3A_1686 : i32 to index
          %get3A_1688 = arith.index_cast %add3A_1685 : i32 to index
          %get3A_1689 = tpu.vector_load %arg7[%get3A_1687, %get3A_1688] {strides = array<i32>} : memref<8x5376xf32, #tpu.memory_space<vmem>>, vector<16xf32>,
          %max3A_1690 = arith.maximumf %max3A_1677, %get3A_1689 : vector<16xf32>
          %mul3A_1691 = arith.constant 2 : i32
          %mul3A_1692 = arith.muli %mul3A_1691, %scan3A_201 : i32
          %add3A_1693 = arith.constant 0 : i32
          %add3A_1694 = arith.addi %mul3A_1692, %add3A_1693 : i32
          %mul3A_1695 = arith.constant 128 : i32
          %mul3A_1696 = arith.muli %add3A_1694, %mul3A_1695 : i32
          %add3A_1697 = arith.constant 32 : i32
          %add3A_1698 = arith.addi %mul3A_1696, %add3A_1697 : i32
          %get3A_1699 = arith.constant 7 : i32
          %get3A_1700 = arith.index_cast %get3A_1699 : i32 to index
          %get3A_1701 = arith.index_cast %add3A_1698 : i32 to index
          %get3A_1702 = tpu.vector_load %arg7[%get3A_1700, %get3A_1701] {strides = array<i32>} : memref<8x5376xf32, #tpu.memory_space<vmem>>, vector<16xf32>,
          %max3A_1703 = arith.maximumf %max3A_1690, %get3A_1702 : vector<16xf32>
          %mul3A_1704 = arith.constant 2 : i32
          %mul3A_1705 = arith.muli %mul3A_1704, %scan3A_201 : i32
          %add3A_1706 = arith.constant 0 : i32
          %add3A_1707 = arith.addi %mul3A_1705, %add3A_1706 : i32
          %mul3A_1708 = arith.constant 128 : i32
          %mul3A_1709 = arith.muli %add3A_1707, %mul3A_1708 : i32
          %add3A_1710 = arith.constant 48 : i32
          %add3A_1711 = arith.addi %mul3A_1709, %add3A_1710 : i32
          %get3A_1712 = arith.constant 7 : i32
          %get3A_1713 = arith.index_cast %get3A_1712 : i32 to index
          %get3A_1714 = arith.index_cast %add3A_1711 : i32 to index
          %get3A_1715 = tpu.vector_load %arg7[%get3A_1713, %get3A_1714] {strides = array<i32>} : memref<8x5376xf32, #tpu.memory_space<vmem>>, vector<16xf32>,
          %max3A_1716 = arith.maximumf %max3A_1703, %get3A_1715 : vector<16xf32>
          %mul3A_1717 = arith.constant 2 : i32
          %mul3A_1718 = arith.muli %mul3A_1717, %scan3A_201 : i32
          %add3A_1719 = arith.constant 0 : i32
          %add3A_1720 = arith.addi %mul3A_1718, %add3A_1719 : i32
          %mul3A_1721 = arith.constant 128 : i32
          %mul3A_1722 = arith.muli %add3A_1720, %mul3A_1721 : i32
          %add3A_1723 = arith.constant 64 : i32
          %add3A_1724 = arith.addi %mul3A_1722, %add3A_1723 : i32
          %get3A_1725 = arith.constant 7 : i32
          %get3A_1726 = arith.index_cast %get3A_1725 : i32 to index
          %get3A_1727 = arith.index_cast %add3A_1724 : i32 to index
          %get3A_1728 = tpu.vector_load %arg7[%get3A_1726, %get3A_1727] {strides = array<i32>} : memref<8x5376xf32, #tpu.memory_space<vmem>>, vector<16xf32>,
          %max3A_1729 = arith.maximumf %max3A_1716, %get3A_1728 : vector<16xf32>
          %mul3A_1730 = arith.constant 2 : i32
          %mul3A_1731 = arith.muli %mul3A_1730, %scan3A_201 : i32
          %add3A_1732 = arith.constant 0 : i32
          %add3A_1733 = arith.addi %mul3A_1731, %add3A_1732 : i32
          %mul3A_1734 = arith.constant 128 : i32
          %mul3A_1735 = arith.muli %add3A_1733, %mul3A_1734 : i32
          %add3A_1736 = arith.constant 80 : i32
          %add3A_1737 = arith.addi %mul3A_1735, %add3A_1736 : i32
          %get3A_1738 = arith.constant 7 : i32
          %get3A_1739 = arith.index_cast %get3A_1738 : i32 to index
          %get3A_1740 = arith.index_cast %add3A_1737 : i32 to index
          %get3A_1741 = tpu.vector_load %arg7[%get3A_1739, %get3A_1740] {strides = array<i32>} : memref<8x5376xf32, #tpu.memory_space<vmem>>, vector<16xf32>,
          %max3A_1742 = arith.maximumf %max3A_1729, %get3A_1741 : vector<16xf32>
          %mul3A_1743 = arith.constant 2 : i32
          %mul3A_1744 = arith.muli %mul3A_1743, %scan3A_201 : i32
          %add3A_1745 = arith.constant 0 : i32
          %add3A_1746 = arith.addi %mul3A_1744, %add3A_1745 : i32
          %mul3A_1747 = arith.constant 128 : i32
          %mul3A_1748 = arith.muli %add3A_1746, %mul3A_1747 : i32
          %add3A_1749 = arith.constant 96 : i32
          %add3A_1750 = arith.addi %mul3A_1748, %add3A_1749 : i32
          %get3A_1751 = arith.constant 7 : i32
          %get3A_1752 = arith.index_cast %get3A_1751 : i32 to index
          %get3A_1753 = arith.index_cast %add3A_1750 : i32 to index
          %get3A_1754 = tpu.vector_load %arg7[%get3A_1752, %get3A_1753] {strides = array<i32>} : memref<8x5376xf32, #tpu.memory_space<vmem>>, vector<16xf32>,
          %max3A_1755 = arith.maximumf %max3A_1742, %get3A_1754 : vector<16xf32>
          %mul3A_1756 = arith.constant 2 : i32
          %mul3A_1757 = arith.muli %mul3A_1756, %scan3A_201 : i32
          %add3A_1758 = arith.constant 0 : i32
          %add3A_1759 = arith.addi %mul3A_1757, %add3A_1758 : i32
          %mul3A_1760 = arith.constant 128 : i32
          %mul3A_1761 = arith.muli %add3A_1759, %mul3A_1760 : i32
          %add3A_1762 = arith.constant 112 : i32
          %add3A_1763 = arith.addi %mul3A_1761, %add3A_1762 : i32
          %get3A_1764 = arith.constant 7 : i32
          %get3A_1765 = arith.index_cast %get3A_1764 : i32 to index
          %get3A_1766 = arith.index_cast %add3A_1763 : i32 to index
          %get3A_1767 = tpu.vector_load %arg7[%get3A_1765, %get3A_1766] {strides = array<i32>} : memref<8x5376xf32, #tpu.memory_space<vmem>>, vector<16xf32>,
          %max3A_1768 = arith.maximumf %max3A_1755, %get3A_1767 : vector<16xf32>
          %mul3A_1769 = arith.constant 2 : i32
          %mul3A_1770 = arith.muli %mul3A_1769, %scan3A_201 : i32
          %add3A_1771 = arith.constant 1 : i32
          %add3A_1772 = arith.addi %mul3A_1770, %add3A_1771 : i32
          %mul3A_1773 = arith.constant 128 : i32
          %mul3A_1774 = arith.muli %add3A_1772, %mul3A_1773 : i32
          %add3A_1775 = arith.constant 0 : i32
          %add3A_1776 = arith.addi %mul3A_1774, %add3A_1775 : i32
          %get3A_1777 = arith.constant 7 : i32
          %get3A_1778 = arith.index_cast %get3A_1777 : i32 to index
          %get3A_1779 = arith.index_cast %add3A_1776 : i32 to index
          %get3A_1780 = tpu.vector_load %arg7[%get3A_1778, %get3A_1779] {strides = array<i32>} : memref<8x5376xf32, #tpu.memory_space<vmem>>, vector<16xf32>,
          %max3A_1781 = arith.maximumf %max3A_1768, %get3A_1780 : vector<16xf32>
          %mul3A_1782 = arith.constant 2 : i32
          %mul3A_1783 = arith.muli %mul3A_1782, %scan3A_201 : i32
          %add3A_1784 = arith.constant 1 : i32
          %add3A_1785 = arith.addi %mul3A_1783, %add3A_1784 : i32
          %mul3A_1786 = arith.constant 128 : i32
          %mul3A_1787 = arith.muli %add3A_1785, %mul3A_1786 : i32
          %add3A_1788 = arith.constant 16 : i32
          %add3A_1789 = arith.addi %mul3A_1787, %add3A_1788 : i32
          %get3A_1790 = arith.constant 7 : i32
          %get3A_1791 = arith.index_cast %get3A_1790 : i32 to index
          %get3A_1792 = arith.index_cast %add3A_1789 : i32 to index
          %get3A_1793 = tpu.vector_load %arg7[%get3A_1791, %get3A_1792] {strides = array<i32>} : memref<8x5376xf32, #tpu.memory_space<vmem>>, vector<16xf32>,
          %max3A_1794 = arith.maximumf %max3A_1781, %get3A_1793 : vector<16xf32>
          %mul3A_1795 = arith.constant 2 : i32
          %mul3A_1796 = arith.muli %mul3A_1795, %scan3A_201 : i32
          %add3A_1797 = arith.constant 1 : i32
          %add3A_1798 = arith.addi %mul3A_1796, %add3A_1797 : i32
          %mul3A_1799 = arith.constant 128 : i32
          %mul3A_1800 = arith.muli %add3A_1798, %mul3A_1799 : i32
          %add3A_1801 = arith.constant 32 : i32
          %add3A_1802 = arith.addi %mul3A_1800, %add3A_1801 : i32
          %get3A_1803 = arith.constant 7 : i32
          %get3A_1804 = arith.index_cast %get3A_1803 : i32 to index
          %get3A_1805 = arith.index_cast %add3A_1802 : i32 to index
          %get3A_1806 = tpu.vector_load %arg7[%get3A_1804, %get3A_1805] {strides = array<i32>} : memref<8x5376xf32, #tpu.memory_space<vmem>>, vector<16xf32>,
          %max3A_1807 = arith.maximumf %max3A_1794, %get3A_1806 : vector<16xf32>
          %mul3A_1808 = arith.constant 2 : i32
          %mul3A_1809 = arith.muli %mul3A_1808, %scan3A_201 : i32
          %add3A_1810 = arith.constant 1 : i32
          %add3A_1811 = arith.addi %mul3A_1809, %add3A_1810 : i32
          %mul3A_1812 = arith.constant 128 : i32
          %mul3A_1813 = arith.muli %add3A_1811, %mul3A_1812 : i32
          %add3A_1814 = arith.constant 48 : i32
          %add3A_1815 = arith.addi %mul3A_1813, %add3A_1814 : i32
          %get3A_1816 = arith.constant 7 : i32
          %get3A_1817 = arith.index_cast %get3A_1816 : i32 to index
          %get3A_1818 = arith.index_cast %add3A_1815 : i32 to index
          %get3A_1819 = tpu.vector_load %arg7[%get3A_1817, %get3A_1818] {strides = array<i32>} : memref<8x5376xf32, #tpu.memory_space<vmem>>, vector<16xf32>,
          %max3A_1820 = arith.maximumf %max3A_1807, %get3A_1819 : vector<16xf32>
          %mul3A_1821 = arith.constant 2 : i32
          %mul3A_1822 = arith.muli %mul3A_1821, %scan3A_201 : i32
          %add3A_1823 = arith.constant 1 : i32
          %add3A_1824 = arith.addi %mul3A_1822, %add3A_1823 : i32
          %mul3A_1825 = arith.constant 128 : i32
          %mul3A_1826 = arith.muli %add3A_1824, %mul3A_1825 : i32
          %add3A_1827 = arith.constant 64 : i32
          %add3A_1828 = arith.addi %mul3A_1826, %add3A_1827 : i32
          %get3A_1829 = arith.constant 7 : i32
          %get3A_1830 = arith.index_cast %get3A_1829 : i32 to index
          %get3A_1831 = arith.index_cast %add3A_1828 : i32 to index
          %get3A_1832 = tpu.vector_load %arg7[%get3A_1830, %get3A_1831] {strides = array<i32>} : memref<8x5376xf32, #tpu.memory_space<vmem>>, vector<16xf32>,
          %max3A_1833 = arith.maximumf %max3A_1820, %get3A_1832 : vector<16xf32>
          %mul3A_1834 = arith.constant 2 : i32
          %mul3A_1835 = arith.muli %mul3A_1834, %scan3A_201 : i32
          %add3A_1836 = arith.constant 1 : i32
          %add3A_1837 = arith.addi %mul3A_1835, %add3A_1836 : i32
          %mul3A_1838 = arith.constant 128 : i32
          %mul3A_1839 = arith.muli %add3A_1837, %mul3A_1838 : i32
          %add3A_1840 = arith.constant 80 : i32
          %add3A_1841 = arith.addi %mul3A_1839, %add3A_1840 : i32
          %get3A_1842 = arith.constant 7 : i32
          %get3A_1843 = arith.index_cast %get3A_1842 : i32 to index
          %get3A_1844 = arith.index_cast %add3A_1841 : i32 to index
          %get3A_1845 = tpu.vector_load %arg7[%get3A_1843, %get3A_1844] {strides = array<i32>} : memref<8x5376xf32, #tpu.memory_space<vmem>>, vector<16xf32>,
          %max3A_1846 = arith.maximumf %max3A_1833, %get3A_1845 : vector<16xf32>
          %mul3A_1847 = arith.constant 2 : i32
          %mul3A_1848 = arith.muli %mul3A_1847, %scan3A_201 : i32
          %add3A_1849 = arith.constant 1 : i32
          %add3A_1850 = arith.addi %mul3A_1848, %add3A_1849 : i32
          %mul3A_1851 = arith.constant 128 : i32
          %mul3A_1852 = arith.muli %add3A_1850, %mul3A_1851 : i32
          %add3A_1853 = arith.constant 96 : i32
          %add3A_1854 = arith.addi %mul3A_1852, %add3A_1853 : i32
          %get3A_1855 = arith.constant 7 : i32
          %get3A_1856 = arith.index_cast %get3A_1855 : i32 to index
          %get3A_1857 = arith.index_cast %add3A_1854 : i32 to index
          %get3A_1858 = tpu.vector_load %arg7[%get3A_1856, %get3A_1857] {strides = array<i32>} : memref<8x5376xf32, #tpu.memory_space<vmem>>, vector<16xf32>,
          %max3A_1859 = arith.maximumf %max3A_1846, %get3A_1858 : vector<16xf32>
          %mul3A_1860 = arith.constant 2 : i32
          %mul3A_1861 = arith.muli %mul3A_1860, %scan3A_201 : i32
          %add3A_1862 = arith.constant 1 : i32
          %add3A_1863 = arith.addi %mul3A_1861, %add3A_1862 : i32
          %mul3A_1864 = arith.constant 128 : i32
          %mul3A_1865 = arith.muli %add3A_1863, %mul3A_1864 : i32
          %add3A_1866 = arith.constant 112 : i32
          %add3A_1867 = arith.addi %mul3A_1865, %add3A_1866 : i32
          %get3A_1868 = arith.constant 7 : i32
          %get3A_1869 = arith.index_cast %get3A_1868 : i32 to index
          %get3A_1870 = arith.index_cast %add3A_1867 : i32 to index
          %get3A_1871 = tpu.vector_load %arg7[%get3A_1869, %get3A_1870] {strides = array<i32>} : memref<8x5376xf32, #tpu.memory_space<vmem>>, vector<16xf32>,
          %max3A_1872 = arith.maximumf %max3A_1859, %get3A_1871 : vector<16xf32>
          scf.yield %max3A_416, %max3A_624, %max3A_832, %max3A_1040, %max3A_1248, %max3A_1456, %max3A_1664, %max3A_1872 : vector<16xf32>, vector<16xf32>, vector<16xf32>, vector<16xf32>, vector<16xf32>, vector<16xf32>, vector<16xf32>, vector<16xf32>
        }
        %scan3A_200 = arith.constant 21 : i32
        scf.yield %scan3A_199#0, %scan3A_199#1, %scan3A_199#2, %scan3A_199#3, %scan3A_199#4, %scan3A_199#5, %scan3A_199#6, %scan3A_199#7, %max3A_194 : vector<16xf32>, vector<16xf32>, vector<16xf32>, vector<16xf32>, vector<16xf32>, vector<16xf32>, vector<16xf32>, vector<16xf32>, vector<16xf32>
      }
      %scan3A_31 = arith.constant 4 : i32
      %reduce_max3A = arith.constant true
      %reduce_max3A_32 = vector.broadcast %reduce_max3A : i1 to vector<16xi1>
      %reduce_max3A_33 = tpu.scan <max>, %scan3A_30#0 masked %reduce_max3A_32 : vector<16xf32>, vector<16xi1> -> vector<16xf32>
      %reduce_max3A_34 = vector.extract %reduce_max3A_33[15] : f32 from vector<16xf32>
      %eq3A = arith.constant 0 : i32
      %eq3A_35 = vector.broadcast %eq3A : i32 to vector<16xi32>
      %eq3A_36 = arith.cmpi eq, %iota3A, %eq3A_35 : vector<16xi32>
      %broadcast_in_dim3A_37 = vector.broadcast %reduce_max3A_34 : f32 to vector<16xf32>
      %select_n3A = arith.select %eq3A_36, %broadcast_in_dim3A_37, %broadcast_in_dim3A_7 : vector<16xi1>, vector<16xf32>
      %reduce_max3A_38 = arith.constant true
      %reduce_max3A_39 = vector.broadcast %reduce_max3A_38 : i1 to vector<16xi1>
      %reduce_max3A_40 = tpu.scan <max>, %scan3A_30#1 masked %reduce_max3A_39 : vector<16xf32>, vector<16xi1> -> vector<16xf32>
      %reduce_max3A_41 = vector.extract %reduce_max3A_40[15] : f32 from vector<16xf32>
      %eq3A_42 = arith.constant 1 : i32
      %eq3A_43 = vector.broadcast %eq3A_42 : i32 to vector<16xi32>
      %eq3A_44 = arith.cmpi eq, %iota3A, %eq3A_43 : vector<16xi32>
      %broadcast_in_dim3A_45 = vector.broadcast %reduce_max3A_41 : f32 to vector<16xf32>
      %select_n3A_46 = arith.select %eq3A_44, %broadcast_in_dim3A_45, %select_n3A : vector<16xi1>, vector<16xf32>
      %reduce_max3A_47 = arith.constant true
      %reduce_max3A_48 = vector.broadcast %reduce_max3A_47 : i1 to vector<16xi1>
      %reduce_max3A_49 = tpu.scan <max>, %scan3A_30#2 masked %reduce_max3A_48 : vector<16xf32>, vector<16xi1> -> vector<16xf32>
      %reduce_max3A_50 = vector.extract %reduce_max3A_49[15] : f32 from vector<16xf32>
      %eq3A_51 = arith.constant 2 : i32
      %eq3A_52 = vector.broadcast %eq3A_51 : i32 to vector<16xi32>
      %eq3A_53 = arith.cmpi eq, %iota3A, %eq3A_52 : vector<16xi32>
      %broadcast_in_dim3A_54 = vector.broadcast %reduce_max3A_50 : f32 to vector<16xf32>
      %select_n3A_55 = arith.select %eq3A_53, %broadcast_in_dim3A_54, %select_n3A_46 : vector<16xi1>, vector<16xf32>
      %reduce_max3A_56 = arith.constant true
      %reduce_max3A_57 = vector.broadcast %reduce_max3A_56 : i1 to vector<16xi1>
      %reduce_max3A_58 = tpu.scan <max>, %scan3A_30#3 masked %reduce_max3A_57 : vector<16xf32>, vector<16xi1> -> vector<16xf32>
      %reduce_max3A_59 = vector.extract %reduce_max3A_58[15] : f32 from vector<16xf32>
      %eq3A_60 = arith.constant 3 : i32
      %eq3A_61 = vector.broadcast %eq3A_60 : i32 to vector<16xi32>
      %eq3A_62 = arith.cmpi eq, %iota3A, %eq3A_61 : vector<16xi32>
      %broadcast_in_dim3A_63 = vector.broadcast %reduce_max3A_59 : f32 to vector<16xf32>
      %select_n3A_64 = arith.select %eq3A_62, %broadcast_in_dim3A_63, %select_n3A_55 : vector<16xi1>, vector<16xf32>
      %reduce_max3A_65 = arith.constant true
      %reduce_max3A_66 = vector.broadcast %reduce_max3A_65 : i1 to vector<16xi1>
      %reduce_max3A_67 = tpu.scan <max>, %scan3A_30#4 masked %reduce_max3A_66 : vector<16xf32>, vector<16xi1> -> vector<16xf32>
      %reduce_max3A_68 = vector.extract %reduce_max3A_67[15] : f32 from vector<16xf32>
      %eq3A_69 = arith.constant 4 : i32
      %eq3A_70 = vector.broadcast %eq3A_69 : i32 to vector<16xi32>
      %eq3A_71 = arith.cmpi eq, %iota3A, %eq3A_70 : vector<16xi32>
      %broadcast_in_dim3A_72 = vector.broadcast %reduce_max3A_68 : f32 to vector<16xf32>
      %select_n3A_73 = arith.select %eq3A_71, %broadcast_in_dim3A_72, %select_n3A_64 : vector<16xi1>, vector<16xf32>
      %reduce_max3A_74 = arith.constant true
      %reduce_max3A_75 = vector.broadcast %reduce_max3A_74 : i1 to vector<16xi1>
      %reduce_max3A_76 = tpu.scan <max>, %scan3A_30#5 masked %reduce_max3A_75 : vector<16xf32>, vector<16xi1> -> vector<16xf32>
      %reduce_max3A_77 = vector.extract %reduce_max3A_76[15] : f32 from vector<16xf32>
      %eq3A_78 = arith.constant 5 : i32
      %eq3A_79 = vector.broadcast %eq3A_78 : i32 to vector<16xi32>
      %eq3A_80 = arith.cmpi eq, %iota3A, %eq3A_79 : vector<16xi32>
      %broadcast_in_dim3A_81 = vector.broadcast %reduce_max3A_77 : f32 to vector<16xf32>
      %select_n3A_82 = arith.select %eq3A_80, %broadcast_in_dim3A_81, %select_n3A_73 : vector<16xi1>, vector<16xf32>
      %reduce_max3A_83 = arith.constant true
      %reduce_max3A_84 = vector.broadcast %reduce_max3A_83 : i1 to vector<16xi1>
      %reduce_max3A_85 = tpu.scan <max>, %scan3A_30#6 masked %reduce_max3A_84 : vector<16xf32>, vector<16xi1> -> vector<16xf32>
      %reduce_max3A_86 = vector.extract %reduce_max3A_85[15] : f32 from vector<16xf32>
      %eq3A_87 = arith.constant 6 : i32
      %eq3A_88 = vector.broadcast %eq3A_87 : i32 to vector<16xi32>
      %eq3A_89 = arith.cmpi eq, %iota3A, %eq3A_88 : vector<16xi32>
      %broadcast_in_dim3A_90 = vector.broadcast %reduce_max3A_86 : f32 to vector<16xf32>
      %select_n3A_91 = arith.select %eq3A_89, %broadcast_in_dim3A_90, %select_n3A_82 : vector<16xi1>, vector<16xf32>
      %reduce_max3A_92 = arith.constant true
      %reduce_max3A_93 = vector.broadcast %reduce_max3A_92 : i1 to vector<16xi1>
      %reduce_max3A_94 = tpu.scan <max>, %scan3A_30#7 masked %reduce_max3A_93 : vector<16xf32>, vector<16xi1> -> vector<16xf32>
      %reduce_max3A_95 = vector.extract %reduce_max3A_94[15] : f32 from vector<16xf32>
      %eq3A_96 = arith.constant 7 : i32
      %eq3A_97 = vector.broadcast %eq3A_96 : i32 to vector<16xi32>
      %eq3A_98 = arith.cmpi eq, %iota3A, %eq3A_97 : vector<16xi32>
      %broadcast_in_dim3A_99 = vector.broadcast %reduce_max3A_95 : f32 to vector<16xf32>
      %select_n3A_100 = arith.select %eq3A_98, %broadcast_in_dim3A_99, %select_n3A_91 : vector<16xi1>, vector<16xf32>
      %mul3A_101 = arith.constant 8 : i32
      %mul3A_102 = arith.muli %scan3A_13, %mul3A_101 : i32
      %add3A_103 = vector.broadcast %mul3A_102 : i32 to vector<16xi32>
      %add3A_104 = arith.addi %add3A_103, %and3A_6 : vector<16xi32>
      tpu.vector_store_idx %arg9[%add3A_104], %select_n3A_100 masked %lt3A_4 : memref<32xf32, #tpu.memory_space<vmem>>[vector<16xi32>], vector<16xf32>, vector<16xi1>
      %mul3A_105 = arith.constant 8 : i32
      %mul3A_106 = arith.muli %scan3A_13, %mul3A_105 : i32
      %add3A_107 = vector.broadcast %mul3A_106 : i32 to vector<16xi32>
      %add3A_108 = arith.addi %add3A_107, %and3A_6 : vector<16xi32>
      tpu.vector_store_idx %arg10[%add3A_108], %scan3A_30#8 masked %lt3A_4 : memref<32xf32, #tpu.memory_space<vmem>>[vector<16xi32>], vector<16xf32>, vector<16xi1>
    }
    %scan3A_12 = arith.constant 4 : i32
    "tpu.region"() ({
      %run_scoped3A = tpu.sem_alloc : memref<!tpu.dma_semaphore, #tpu.memory_space<semaphore_mem>>
      %dma_start3A = tpu.memref_slice %arg4[%mul3A_2] : memref<1024xf32, #tpu.memory_space<hbm>> -> memref<32xf32, #tpu.memory_space<hbm>>
      %dma_start3A_13 = tpu.memref_slice %arg4[%mul3A_2] : memref<1024xf32, #tpu.memory_space<hbm>> -> memref<32xf32, #tpu.memory_space<hbm>>
      tpu.enqueue_dma source(%arg9 : memref<32xf32, #tpu.memory_space<vmem>>) target(%dma_start3A_13 : memref<32xf32, #tpu.memory_space<hbm>>) target_semaphore(%run_scoped3A : memref<!tpu.dma_semaphore, #tpu.memory_space<semaphore_mem>>)
      %dma_wait3A = tpu.memref_slice %arg4[%mul3A_2] : memref<1024xf32, #tpu.memory_space<hbm>> -> memref<32xf32, #tpu.memory_space<hbm>>
      %dma_wait3A_14 = tpu.memref_slice %arg4[%mul3A_2] : memref<1024xf32, #tpu.memory_space<hbm>> -> memref<32xf32, #tpu.memory_space<hbm>>
      tpu.wait_dma2 semaphore(%run_scoped3A : memref<!tpu.dma_semaphore, #tpu.memory_space<semaphore_mem>>) src(%arg9 : memref<32xf32, #tpu.memory_space<vmem>>) dst(%dma_wait3A_14 : memref<32xf32, #tpu.memory_space<hbm>>)
      tpu.yield
    }) : () -> ()
    "tpu.region"() ({
      %run_scoped3A = tpu.sem_alloc : memref<!tpu.dma_semaphore, #tpu.memory_space<semaphore_mem>>
      %dma_start3A = tpu.memref_slice %arg5[%mul3A_2] : memref<1024xf32, #tpu.memory_space<hbm>> -> memref<32xf32, #tpu.memory_space<hbm>>
      %dma_start3A_13 = tpu.memref_slice %arg5[%mul3A_2] : memref<1024xf32, #tpu.memory_space<hbm>> -> memref<32xf32, #tpu.memory_space<hbm>>
      tpu.enqueue_dma source(%arg10 : memref<32xf32, #tpu.memory_space<vmem>>) target(%dma_start3A_13 : memref<32xf32, #tpu.memory_space<hbm>>) target_semaphore(%run_scoped3A : memref<!tpu.dma_semaphore, #tpu.memory_space<semaphore_mem>>)
      %dma_wait3A = tpu.memref_slice %arg5[%mul3A_2] : memref<1024xf32, #tpu.memory_space<hbm>> -> memref<32xf32, #tpu.memory_space<hbm>>
      %dma_wait3A_14 = tpu.memref_slice %arg5[%mul3A_2] : memref<1024xf32, #tpu.memory_space<hbm>> -> memref<32xf32, #tpu.memory_space<hbm>>
      tpu.wait_dma2 semaphore(%run_scoped3A : memref<!tpu.dma_semaphore, #tpu.memory_space<semaphore_mem>>) src(%arg10 : memref<32xf32, #tpu.memory_space<vmem>>) dst(%dma_wait3A_14 : memref<32xf32, #tpu.memory_space<hbm>>)
      tpu.yield
    }) : () -> ()
    return
  }
}

module attributes {stable_mosaic.version = 14 : i64} {
  func.func @body(%arg0: memref<8x128xf32, #tpu.memory_space<vmem>>, %arg1: memref<8x128xf32, #tpu.memory_space<vmem>>, %arg2: memref<8x128xf32, #tpu.memory_space<vmem>>, %arg3: memref<8x128xf32, #tpu.memory_space<vmem>>, %arg4: memref<1x1xf32, #tpu.memory_space<vmem>>) attributes {dimension_semantics = [], scalar_prefetch = 0 : i64, scratch_operands = 0 : i64, tpu.core_type = #tpu.core_type<tc>} {
    %get3A = arith.constant 0 : index
    %get3A_0 = arith.constant 0 : index
    %get3A_1 = vector.load %arg0[%get3A, %get3A_0] : memref<8x128xf32, #tpu.memory_space<vmem>>, vector<8x128xf32>
    %get3A_2 = arith.constant 0 : index
    %get3A_3 = arith.constant 0 : index
    %get3A_4 = vector.load %arg2[%get3A_2, %get3A_3] : memref<8x128xf32, #tpu.memory_space<vmem>>, vector<8x128xf32>
    %max3A = arith.maximumf %get3A_1, %get3A_4 : vector<8x128xf32>
    %get3A_5 = arith.constant 0 : index
    %get3A_6 = arith.constant 0 : index
    %get3A_7 = vector.load %arg1[%get3A_5, %get3A_6] : memref<8x128xf32, #tpu.memory_space<vmem>>, vector<8x128xf32>
    %get3A_8 = arith.constant 0 : index
    %get3A_9 = arith.constant 0 : index
    %get3A_10 = vector.load %arg3[%get3A_8, %get3A_9] : memref<8x128xf32, #tpu.memory_space<vmem>>, vector<8x128xf32>
    %max3A_11 = arith.maximumf %get3A_7, %get3A_10 : vector<8x128xf32>
    %sub3A = arith.subf %max3A_11, %max3A : vector<8x128xf32>
    %div3A = arith.constant 1.000000e+00 : f32
    %div3A_12 = vector.broadcast %div3A : f32 to vector<8x128xf32>
    %div3A_13 = arith.divf %sub3A, %div3A_12 : vector<8x128xf32>
    %neg3A = arith.constant 0.000000e+00 : f32
    %neg3A_14 = vector.broadcast %neg3A : f32 to vector<8x128xf32>
    %neg3A_15 = arith.subf %neg3A_14, %div3A_13 : vector<8x128xf32>
    %custom_jvp_call3A = arith.constant 0.000000e+00 : f32
    %max3A_16 = vector.broadcast %custom_jvp_call3A : f32 to vector<8x128xf32>
    %max3A_17 = arith.maximumf %neg3A_15, %max3A_16 : vector<8x128xf32>
    %sub3A_18 = vector.broadcast %custom_jvp_call3A : f32 to vector<8x128xf32>
    %sub3A_19 = arith.subf %neg3A_15, %sub3A_18 : vector<8x128xf32>
    %ne3A = arith.cmpf one, %sub3A_19, %sub3A_19 : vector<8x128xf32>
    %add3A = vector.broadcast %custom_jvp_call3A : f32 to vector<8x128xf32>
    %add3A_20 = arith.addf %neg3A_15, %add3A : vector<8x128xf32>
    %abs3A = math.absf %sub3A_19 : vector<8x128xf32>
    %neg3A_21 = arith.constant 0.000000e+00 : f32
    %neg3A_22 = vector.broadcast %neg3A_21 : f32 to vector<8x128xf32>
    %neg3A_23 = arith.subf %neg3A_22, %abs3A : vector<8x128xf32>
    %exp3A = math.exp %neg3A_23 : vector<8x128xf32>
    %log1p3A = math.log1p %exp3A : vector<8x128xf32>
    %add3A_24 = arith.addf %max3A_17, %log1p3A : vector<8x128xf32>
    %select_n3A = arith.select %ne3A, %add3A_20, %add3A_24 : vector<8x128xi1>, vector<8x128xf32>
    %neg3A_25 = arith.constant 0.000000e+00 : f32
    %neg3A_26 = vector.broadcast %neg3A_25 : f32 to vector<8x128xf32>
    %neg3A_27 = arith.subf %neg3A_26, %select_n3A : vector<8x128xf32>
    %reduce_sum3A = vector.shape_cast %neg3A_27 : vector<8x128xf32> to vector<1x8x128xf32>
    %reduce_sum3A_28 = arith.constant dense<0.000000e+00> : vector<1xf32>
    %reduce_sum3A_29 = vector.multi_reduction <add>, %reduce_sum3A, %reduce_sum3A_28 [1, 2] : vector<1x8x128xf32> to vector<1xf32>
    %reduce_sum3A_30 = vector.shape_cast %reduce_sum3A_29 : vector<1xf32> to vector<1x1x1xf32>
    %reduce_sum3A_31 = vector.extract %reduce_sum3A_30[0, 0, 0] : f32 from vector<1x1x1xf32>
    %div3A_32 = arith.constant 1.024000e+03 : f32
    %div3A_33 = arith.divf %reduce_sum3A_31, %div3A_32 : f32
    %neg3A_34 = arith.constant 0.000000e+00 : f32
    %neg3A_35 = arith.subf %neg3A_34, %div3A_33 : f32
    %broadcast_in_dim3A = vector.broadcast %neg3A_35 : f32 to vector<1x1xf32>
    %swap3A = arith.constant 0 : index
    %swap3A_36 = arith.constant 0 : index
    %swap3A_37 = vector.load %arg4[%swap3A, %swap3A_36] : memref<1x1xf32, #tpu.memory_space<vmem>>, vector<1x1xf32>
    tpu.vector_store %arg4[%swap3A, %swap3A_36], %broadcast_in_dim3A {strides = array<i32>} : memref<1x1xf32, #tpu.memory_space<vmem>>, vector<1x1xf32>,
    return
  }
}

module attributes {stable_mosaic.version = 14 : i64} {
  func.func @body(%arg0: i32, %arg1: memref<1024x2048xf32, #tpu.memory_space<vmem>>, %arg2: memref<1024x1xi32, #tpu.memory_space<vmem>>, %arg3: memref<8x128xf32, #tpu.memory_space<vmem>>, %arg4: memref<8x128xf32, #tpu.memory_space<vmem>>, %arg5: memref<1024x1xf32, #tpu.memory_space<vmem>>, %arg6: memref<1024x1xf32, #tpu.memory_space<vmem>>) attributes {dimension_semantics = [#tpu.dimension_semantics<arbitrary>], iteration_bounds = array<i64: 28>, scalar_prefetch = 0 : i64, scratch_operands = 2 : i64, tpu.core_type = #tpu.core_type<tc>, window_params = [{transform_indices = @transform_0, window_bounds = array<i64: 1024, 2048>}, {pipeline_mode = #tpu.pipeline_mode<synchronous>, transform_indices = @transform_1, window_bounds = array<i64: 1024, 1>}, {pipeline_mode = #tpu.pipeline_mode<synchronous>, transform_indices = @transform_2, window_bounds = array<i64: 8, 128>}, {pipeline_mode = #tpu.pipeline_mode<synchronous>, transform_indices = @transform_3, window_bounds = array<i64: 8, 128>}]} {
    %eq3A = arith.constant 0 : i32
    %eq3A_0 = arith.cmpi eq, %arg0, %eq3A : i32
    %convert_element_type3A = arith.extui %eq3A_0 : i1 to i32
    %cond3A = arith.constant 0 : i32
    %cond3A_1 = arith.cmpi ne, %convert_element_type3A, %cond3A : i32
    scf.if %cond3A_1 {
      %broadcast_in_dim3A_41 = arith.constant 0xFF800000 : f32
      %broadcast_in_dim3A_42 = vector.broadcast %broadcast_in_dim3A_41 : f32 to vector<1024x1xf32>
      %swap3A_43 = arith.constant 0 : index
      %swap3A_44 = arith.constant 0 : index
      %swap3A_45 = vector.load %arg5[%swap3A_43, %swap3A_44] : memref<1024x1xf32, #tpu.memory_space<vmem>>, vector<1024x1xf32>
      tpu.vector_store %arg5[%swap3A_43, %swap3A_44], %broadcast_in_dim3A_42 {strides = array<i32>} : memref<1024x1xf32, #tpu.memory_space<vmem>>, vector<1024x1xf32>,
      %broadcast_in_dim3A_46 = arith.constant 0xFF800000 : f32
      %broadcast_in_dim3A_47 = vector.broadcast %broadcast_in_dim3A_46 : f32 to vector<1024x1xf32>
      %swap3A_48 = arith.constant 0 : index
      %swap3A_49 = arith.constant 0 : index
      %swap3A_50 = vector.load %arg6[%swap3A_48, %swap3A_49] : memref<1024x1xf32, #tpu.memory_space<vmem>>, vector<1024x1xf32>
      tpu.vector_store %arg6[%swap3A_48, %swap3A_49], %broadcast_in_dim3A_47 {strides = array<i32>} : memref<1024x1xf32, #tpu.memory_space<vmem>>, vector<1024x1xf32>,
    } else {
    }
    %get3A = arith.constant 0 : index
    %get3A_2 = arith.constant 0 : index
    %get3A_3 = vector.load %arg1[%get3A, %get3A_2] : memref<1024x2048xf32, #tpu.memory_space<vmem>>, vector<1024x2048xf32>
    %mul3A = arith.constant 2048 : i32
    %mul3A_4 = arith.muli %arg0, %mul3A : i32
    %add3A = arith.constant 43008 : i32
    %add3A_5 = arith.addi %add3A, %mul3A_4 : i32
    %iota3A = tpu.iota {dimensions = array<i32: 1>} : vector<1024x2048xi32>
    %add3A_6 = vector.broadcast %add3A_5 : i32 to vector<1024x2048xi32>
    %add3A_7 = arith.addi %add3A_6, %iota3A : vector<1024x2048xi32>
    %get3A_8 = arith.constant 0 : index
    %get3A_9 = arith.constant 0 : index
    %get3A_10 = vector.load %arg2[%get3A_8, %get3A_9] : memref<1024x1xi32, #tpu.memory_space<vmem>>, vector<1024x1xi32>
    %eq3A_11 = vector.broadcast %get3A_10 : vector<1024x1xi32> to vector<1024x2048xi32>
    %eq3A_12 = arith.cmpi eq, %add3A_7, %eq3A_11 : vector<1024x2048xi32>
    %ge3A = arith.constant 100000 : i32
    %ge3A_13 = vector.broadcast %ge3A : i32 to vector<1024x2048xi32>
    %ge3A_14 = arith.cmpi sge, %add3A_7, %ge3A_13 : vector<1024x2048xi32>
    %or3A = arith.ori %eq3A_12, %ge3A_14 : vector<1024x2048xi1>
    %jit3A = arith.constant 0xFF800000 : f32
    %broadcast_in_dim3A = vector.broadcast %jit3A : f32 to vector<1024x2048xf32>
    %select_n3A = arith.select %or3A, %broadcast_in_dim3A, %get3A_3 : vector<1024x2048xi1>, vector<1024x2048xf32>
    %reduce_max3A = arith.constant dense<0xFF800000> : vector<1024xf32>
    %reduce_max3A_15 = vector.multi_reduction <maximumf>, %select_n3A, %reduce_max3A [1] : vector<1024x2048xf32> to vector<1024xf32>
    %broadcast_in_dim3A_16 = vector.shape_cast %reduce_max3A_15 : vector<1024xf32> to vector<1024x1xf32>
    %not3A = arith.constant dense<true> : vector<1024x2048xi1>
    %not3A_17 = arith.xori %ge3A_14, %not3A : vector<1024x2048xi1>
    %and3A = arith.andi %eq3A_12, %not3A_17 : vector<1024x2048xi1>
    %jit3A_18 = arith.constant 0xFF800000 : f32
    %broadcast_in_dim3A_19 = vector.broadcast %jit3A_18 : f32 to vector<1024x2048xf32>
    %select_n3A_20 = arith.select %and3A, %get3A_3, %broadcast_in_dim3A_19 : vector<1024x2048xi1>, vector<1024x2048xf32>
    %reduce_max3A_21 = arith.constant dense<0xFF800000> : vector<1024xf32>
    %reduce_max3A_22 = vector.multi_reduction <maximumf>, %select_n3A_20, %reduce_max3A_21 [1] : vector<1024x2048xf32> to vector<1024xf32>
    %broadcast_in_dim3A_23 = vector.shape_cast %reduce_max3A_22 : vector<1024xf32> to vector<1024x1xf32>
    %get3A_24 = arith.constant 0 : index
    %get3A_25 = arith.constant 0 : index
    %get3A_26 = vector.load %arg5[%get3A_24, %get3A_25] : memref<1024x1xf32, #tpu.memory_space<vmem>>, vector<1024x1xf32>
    %max3A = arith.maximumf %get3A_26, %broadcast_in_dim3A_16 : vector<1024x1xf32>
    %swap3A = arith.constant 0 : index
    %swap3A_27 = arith.constant 0 : index
    %swap3A_28 = vector.load %arg5[%swap3A, %swap3A_27] : memref<1024x1xf32, #tpu.memory_space<vmem>>, vector<1024x1xf32>
    tpu.vector_store %arg5[%swap3A, %swap3A_27], %max3A {strides = array<i32>} : memref<1024x1xf32, #tpu.memory_space<vmem>>, vector<1024x1xf32>,
    %get3A_29 = arith.constant 0 : index
    %get3A_30 = arith.constant 0 : index
    %get3A_31 = vector.load %arg6[%get3A_29, %get3A_30] : memref<1024x1xf32, #tpu.memory_space<vmem>>, vector<1024x1xf32>
    %max3A_32 = arith.maximumf %get3A_31, %broadcast_in_dim3A_23 : vector<1024x1xf32>
    %swap3A_33 = arith.constant 0 : index
    %swap3A_34 = arith.constant 0 : index
    %swap3A_35 = vector.load %arg6[%swap3A_33, %swap3A_34] : memref<1024x1xf32, #tpu.memory_space<vmem>>, vector<1024x1xf32>
    tpu.vector_store %arg6[%swap3A_33, %swap3A_34], %max3A_32 {strides = array<i32>} : memref<1024x1xf32, #tpu.memory_space<vmem>>, vector<1024x1xf32>,
    %eq3A_36 = arith.constant 27 : i32
    %eq3A_37 = arith.cmpi eq, %arg0, %eq3A_36 : i32
    %convert_element_type3A_38 = arith.extui %eq3A_37 : i1 to i32
    %cond3A_39 = arith.constant 0 : i32
    %cond3A_40 = arith.cmpi ne, %convert_element_type3A_38, %cond3A_39 : i32
    scf.if %cond3A_40 {
      %get3A_41 = arith.constant 0 : index
      %get3A_42 = arith.constant 0 : index
      %get3A_43 = vector.load %arg5[%get3A_41, %get3A_42] : memref<1024x1xf32, #tpu.memory_space<vmem>>, vector<1024x1xf32>
      %reshape3A = vector.shape_cast %get3A_43 : vector<1024x1xf32> to vector<8x128xf32>
      %swap3A_44 = arith.constant 0 : index
      %swap3A_45 = arith.constant 0 : index
      %swap3A_46 = vector.load %arg3[%swap3A_44, %swap3A_45] : memref<8x128xf32, #tpu.memory_space<vmem>>, vector<8x128xf32>
      tpu.vector_store %arg3[%swap3A_44, %swap3A_45], %reshape3A {strides = array<i32>} : memref<8x128xf32, #tpu.memory_space<vmem>>, vector<8x128xf32>,
      %get3A_47 = arith.constant 0 : index
      %get3A_48 = arith.constant 0 : index
      %get3A_49 = vector.load %arg6[%get3A_47, %get3A_48] : memref<1024x1xf32, #tpu.memory_space<vmem>>, vector<1024x1xf32>
      %reshape3A_50 = vector.shape_cast %get3A_49 : vector<1024x1xf32> to vector<8x128xf32>
      %swap3A_51 = arith.constant 0 : index
      %swap3A_52 = arith.constant 0 : index
      %swap3A_53 = vector.load %arg4[%swap3A_51, %swap3A_52] : memref<8x128xf32, #tpu.memory_space<vmem>>, vector<8x128xf32>
      tpu.vector_store %arg4[%swap3A_51, %swap3A_52], %reshape3A_50 {strides = array<i32>} : memref<8x128xf32, #tpu.memory_space<vmem>>, vector<8x128xf32>,
    } else {
    }
    return
  }
  func.func @transform_0(%arg0: i32) -> (i32, i32) {
    %add3A = arith.constant 21 : i32
    %add3A_0 = arith.addi %add3A, %arg0 : i32
    %c0_i32 = arith.constant 0 : i32
    %c0_i32_1 = arith.constant 0 : i32
    return %c0_i32, %add3A_0 : i32, i32
  }
  func.func @transform_1(%arg0: i32) -> (i32, i32) {
    %c0_i32 = arith.constant 0 : i32
    %c0_i32_0 = arith.constant 0 : i32
    %c0_i32_1 = arith.constant 0 : i32
    return %c0_i32, %c0_i32_0 : i32, i32
  }
  func.func @transform_2(%arg0: i32) -> (i32, i32) {
    %c0_i32 = arith.constant 0 : i32
    %c0_i32_0 = arith.constant 0 : i32
    %c0_i32_1 = arith.constant 0 : i32
    return %c0_i32, %c0_i32_0 : i32, i32
  }
  func.func @transform_3(%arg0: i32) -> (i32, i32) {
    %c0_i32 = arith.constant 0 : i32
    %c0_i32_0 = arith.constant 0 : i32
    %c0_i32_1 = arith.constant 0 : i32
    return %c0_i32, %c0_i32_0 : i32, i32
  }
}

</mosaic_0001>

<sc_bundles>
// kernel: kernel.5.cloned.1.call-start
scs
__scs_entry_jumppad:
0x0: {  	(pc) =	sbr.rel $0x88, $3  }
0x1: {  	(tag) =	ssettag $0x0;
	lr =	simm.s32 $0x1  }
0x2: {  	[smem:$0x3F9F] =	sst lr;
	_ =	strace $0xD0000000  }
0x3: {  	_ = 	snop  }
0x4: {  	_ = 	snop  }
0x5: {  	_ = 	snop  }
0x6: {  	_ = 	snop  }
0x7: {  	_ = 	snop  }
__scs_overlays_trampoline_lowered:
0x8: {  	[smem:$0x3FAE] =	sst s0  }
0x9: {  	[smem:$0x3FAF] =	sst s1  }
0xa: {  	[smem:$0x3FB0] =	sst s2  }
0xb: {  	[smem:$0x3FB1] =	sst s3  }
0xc: {  	[smem:$0x3FB2] =	sst s4  }
0xd: {  	[smem:$0x3FB3] =	sst s5  }
0xe: {  	[smem:$0x3FB4] =	sst s6  }
0xf: {  	[smem:$0x3FB5] =	sst s7  }
0x10: {  	[smem:$0x3FB6] =	sst s8  }
0x11: {  	[smem:$0x3FB7] =	sst s9;
	s0 =	simm.s32 @!p0 $0x0  }
0x12: {  	s1 =	sld [smem:$0x3F9D];
	s0 =	simm.s32 @p0 $0x1  }
0x13: {  	[smem:$0x3FB8] =	sst s0;
	s0 =	simm.s32 @!p1 $0x0  }
0x14: {  	s2 =	sld [smem:$0x3F9C];
	s0 =	simm.s32 @p1 $0x1  }
0x15: {  	[smem:$0x3FB9] =	sst s0;
	s0 =	simm.s32 @!p2 $0x0  }
0x16: {  	s3 =	sld [smem:$0x3FDB];
	s0 =	simm.s32 @p2 $0x1  }
0x17: {  	s4 =	simm.s32 $0x1BF5;
	[smem:$0x3FBB] =	sst s0  }
0x18: {  	s0 =	sld [smem:$0x3F9E];
	_ =	swait.ge [sflag:s4], $0x0  }
0x19: {  	s7 =	sld [smem:$0x3F9F]  }
0x1a: {  	s8 =	sadd.s32 $0xFFFFE003, lr  }
0x1b: {  	s9 =	sadd.s32 $0xFFFFFEF7, lr;
	s5 =	simm.s32 $0xFFFFFFFF;
	p2 =	slt.u32 s8, $0xFFFFF086  }
0x1c: {  	p1 =	slt.u32 s9, $0xF7A;
	s5 =	simm.s32 @!p2 $0x0  }
0x1d: {  	s5 =	simm.s32 @p1 $0x1;
	p0 =	seq.s32 s7, s2  }
0x1e: {  	s7 =	smul.u32 @!p0 $0xF7A, s2;
	p2 =	seq.s32 @!p0 s5, $0x0  }
0x1f: {  	s9 =	smul.u32 $0xF7A, s1;
	s8 =	simm.s32 @!p0 $0x1BF5;
	p2 =	por !p2, p0  }
0x20: {  	[sflag:s8] =	ssyncset.s32 @!p0 $0xFFFFF086;
	s6 =	sadd.s32 @!p0 s3, s7;
	s7 =	simm.s32 @!p0 $0x108  }
0x21: {  	s3 =	sadd.s32 s3, s9;
	s6 =	sadd.s32 @!p0 $0x88, s6;
	s7 =	simm.s32 @p2 $0x1082  }
0x22: {  	[simem:s7], [sflag:s8] =	dma.local @!p0 [hbm:s6], $0xF7A  }
0x23: {  	s9 =	sor.u32 $0xD0000000, s2;
	s6 =	simm.s32 $0x108;
	_ =	swait.ge @!p0 [sflag:s8], $0x0  }
0x24: {  	s3 =	sadd.s32 $0x88, s3;
	s6 =	simm.s32 @!p1 $0x1082;
	[sflag:s4] =	ssyncset.s32 $0xFFFFF086  }
0x25: {  	[simem:s6], [sflag:s4] =	dma.local [hbm:s3], $0xF7A  }
0x26: {  	[smem:$0x3F9F] =	sst s1;
	(tag) =	ssettag s2;
	_ =	strace s9  }
0x27: {  	s1 =	sld [smem:$0x3FAF]  }
0x28: {  	s2 =	sld [smem:$0x3FB0]  }
0x29: {  	s4 =	sld [smem:$0x3FB2]  }
0x2a: {  	p0 =	seq.s32 s5, $0x0;
	s5 =	sld [smem:$0x3FB3]  }
0x2b: {  	s6 =	sld [smem:$0x3FB4]  }
0x2c: {  	s7 =	sld [smem:$0x3FB5]  }
0x2d: {  	s3 =	simm.s32 $0x108;
	s8 =	sld [smem:$0x3FB6]  }
0x2e: {  	s3 =	simm.s32 @!p0 $0x1082;
	s9 =	sld [smem:$0x3FB7]  }
0x2f: {  	lr =	sadd.s32 s0, s3;
	s0 =	sld [smem:$0x3FAE]  }
0x30: {  	s3 =	sld [smem:$0x3FB1]  }
0x31: {  	[smem:$0x3FBA] =	sst s10  }
0x32: {  	s10 =	sld [smem:$0x3FB8];
	_ =	sdelay $0x3  }
0x33: {  	p0 =	seq.s32 s10, $0x1;
	s10 =	sld [smem:$0x3FBA];
	_ =	sdelay $0x3  }
0x34: {  	[smem:$0x3FBA] =	sst s10  }
0x35: {  	s10 =	sld [smem:$0x3FB9];
	_ =	sdelay $0x3  }
0x36: {  	p1 =	seq.s32 s10, $0x1;
	s10 =	sld [smem:$0x3FBA];
	_ =	sdelay $0x3  }
0x37: {  	[smem:$0x3FBA] =	sst s10  }
0x38: {  	s10 =	sld [smem:$0x3FBB]  }
0x39: {  	_ = 	snop;
	(pc) =	sbr.ind lr, $3  }
0x3a: {  	_ = 	snop  }
0x3b: {  	_ = 	snop  }
0x3c: {  	p2 =	seq.s32 s10, $0x1;
	s10 =	sld [smem:$0x3FBA]  }
0x3d: {  	_ =	shalt  }
0x3e: {  	_ =	shalt  }
0x3f: {  	_ =	shalt  }
0x40: {  	_ =	shalt  }
0x41: {  	_ =	shalt  }
0x42: {  	_ =	shalt  }
0x43: {  	_ =	shalt  }
0x44: {  	_ =	shalt  }
0x45: {  	_ =	shalt  }
0x46: {  	_ =	shalt  }
0x47: {  	_ =	shalt  }
0x48: {  	_ =	shalt  }
0x49: {  	_ =	shalt  }
0x4a: {  	_ =	shalt  }
0x4b: {  	_ =	shalt  }
0x4c: {  	_ =	shalt  }
0x4d: {  	_ =	shalt  }
0x4e: {  	_ =	shalt  }
0x4f: {  	_ =	shalt  }
0x50: {  	_ =	shalt  }
0x51: {  	_ =	shalt  }
0x52: {  	_ =	shalt  }
0x53: {  	_ =	shalt  }
0x54: {  	_ =	shalt  }
0x55: {  	_ =	shalt  }
0x56: {  	_ =	shalt  }
0x57: {  	_ =	shalt  }
0x58: {  	_ =	shalt  }
0x59: {  	_ =	shalt  }
0x5a: {  	_ =	shalt  }
0x5b: {  	_ =	shalt  }
0x5c: {  	_ =	shalt  }
0x5d: {  	_ =	shalt  }
0x5e: {  	_ =	shalt  }
0x5f: {  	_ =	shalt  }
0x60: {  	_ =	shalt  }
0x61: {  	_ =	shalt  }
0x62: {  	_ =	shalt  }
0x63: {  	_ =	shalt  }
0x64: {  	_ =	shalt  }
0x65: {  	_ =	shalt  }
0x66: {  	_ =	shalt  }
0x67: {  	_ =	shalt  }
0x68: {  	_ =	shalt  }
0x69: {  	_ =	shalt  }
0x6a: {  	_ =	shalt  }
0x6b: {  	_ =	shalt  }
0x6c: {  	_ =	shalt  }
0x6d: {  	_ =	shalt  }
0x6e: {  	_ =	shalt  }
0x6f: {  	_ =	shalt  }
0x70: {  	_ =	shalt  }
0x71: {  	_ =	shalt  }
0x72: {  	_ =	shalt  }
0x73: {  	_ =	shalt  }
0x74: {  	_ =	shalt  }
0x75: {  	_ =	shalt  }
0x76: {  	_ =	shalt  }
0x77: {  	_ =	shalt  }
0x78: {  	_ =	shalt  }
0x79: {  	_ =	shalt  }
0x7a: {  	_ =	shalt  }
0x7b: {  	_ =	shalt  }
0x7c: {  	_ =	shalt  }
0x7d: {  	_ =	shalt  }
0x7e: {  	_ =	shalt  }
0x7f: {  	_ =	shalt  }
0x80: {  	_ =	shalt  }
0x81: {  	_ =	shalt  }
0x82: {  	_ =	shalt  }
0x83: {  	_ =	shalt  }
0x84: {  	_ =	shalt  }
0x85: {  	_ =	shalt  }
0x86: {  	_ =	shalt  }
0x87: {  	_ =	shalt  }
.Lfunc_end0:
.L_simem_size_0:
called_computation_lowered:
.L_overlay_start_0:
0x88: {  	s2 =	sld [smem:$0x3FD9]  }
0x89: {  	s3 =	sld [smem:$0x3FFE];
	_ =	sdelay $0x1  }
0x8a: {  	s1 =	srdreg.scid  }
0x8b: {  	s0 =	sand.u32 $0x1, s1  }
0x8c: {  	s17 =	sshll.u32 s0, $0xA;
	s2 =	sadd.s32 s3, s2  }
0x8d: {  	s2 =	sadd.s32 s2, s17  }
0x8e: {  	[smem:$0x3FC6] =	sst s2  }
0x8f: {  	_ = 	snop  }
0x90: {  	s2 =	sld [smem:$0x3FC9];
	(tm) =	ssettm $0x1  }
0x91: {  	s18 =	sld [smem:$0x3FFB];
	_ =	sdelay $0x3  }
0x92: {  	_ =	strace s18  }
0x93: {  	s3 =	sld [smem:$0x3FFC];
	_ =	sdelay $0x3  }
0x94: {  	_ =	strace s3  }
0x95: {  	s3 =	sld [smem:$0x3FFD];
	_ =	sdelay $0x3  }
0x96: {  	_ =	strace s3  }
0x97: {  	_ =	strace $0x8FFFFFFF  }
0x98: {  	s19 =	sld [smem:$0x3FDB];
	_ =	sdelay $0x1  }
0x99: {  	s4 =	simm.s32 $_scs_section_size  }
0x9a: {  	s5 =	simm.s32 $_size__tile_overlayer_lowered;
	s6 =	simm.s32 $_tile_overlayer_lowered  }
0x9b: {  	s22 =	simm.s32 $0x1BFF;
	s21 =	sshll.u32 s6, $0x1;
	s3 =	sadd.s32 s4, s19  }
0x9c: {  	s7 =	simm.s32 $0x0;
	s20 =	sshll.u32 s5, $0x1;
	s5 =	sadd.s32 s21, s3  }
0x9d: {  	[timem:s7], [sflag:s22] =	dma.local [hbm:s5], s20  }
0x9e: {  	_ =	swait.ge [sflag:s22], s20  }
0x9f: {  	s4 =	ssub.s32 $0x0, s20;
	[sflag:s22] =	ssyncset.done $0x0  }
0xa0: {  	[sflag:s22] =	ssyncadd.s32 s4;
	_ =	sdelay $0x1  }
0xa1: {  	s23 =	simm.s32 $0x1B8B  }
0xa2: {  	_ =	swait.ge [sflag:s23], $0x1  }
0xa3: {  	[sflag:s23] =	ssyncset.done $0x0  }
0xa4: {  	s25 =	simm.s32 $0x1B8E;
	s24 =	sld [smem:$0x3FFE];
	[sflag:s23] =	ssyncadd.s32 $0xFFFFFFFF  }
0xa5: {  	s26 =	simm.s32 $execute0_lowered;
	[smem:$0x3FD2] =	sst s25  }
0xa6: {  	s5 =	sshll.u32 s26, $0x1;
	_ =	strace $0x80000046;
	[dreg:$0x1] =	wrdreg $0xFFFFFFFF  }
0xa7: {  	s28 =	simm.s32 $_size_execute0_lowered;
	s3 =	sadd.s32 s3, s5;
	[dreg:$0x0] =	wrdreg $0x0  }
0xa8: {  	s5 =	sshll.u32 s28, $0x1;
	[dreg:$0x2] =	wrdreg s3  }
0xa9: {  	[dreg:$0x3] =	wrdreg s5  }
0xaa: {  	[dreg:$0x4] =	wrdreg $0xC0  }
0xab: {  	_ =	task [dreg:s7], $0x5FFFF  }
0xac: {  	[dreg:$0x1] =	wrdreg $0xFFFFFFFF  }
0xad: {  	[dreg:$0x0] =	wrdreg $0x60  }
0xae: {  	[dreg:$0x2] =	wrdreg s2  }
0xaf: {  	[dreg:$0x3] =	wrdreg s24  }
0xb0: {  	[dreg:$0x4] =	wrdreg $0x9  }
0xb1: {  	_ =	task.clear_ibuf [dreg:s7], $0x5FFFF;
	_ =	strace $0x90000046  }
0xb2: {  	s29 =	simm.s32 $0x9;
	_ =	strace $0x80000048  }
0xb3: {  	_ =	swait.ge [sflag:s29], $0x1  }
0xb4: {  	[sflag:s29] =	ssyncadd.s32 $0xFFFFFFFF  }
0xb5: {  	_ =	strace $0x90000048  }
0xb6: {  	_ =	sfence  }
0xb7: {  	s30 =	sld [smem:$0x0];
	_ =	sdelay $0x2  }
0xb8: {  	s31 =	sshll.u32 s1, $0xD;
	s1 =	sshrl.u32 s1, $0x2  }
0xb9: {  	s3 =	sand.u32 $0x4000, s31;
	s1 =	sadd.s32 s1, s30  }
0xba: {  	s0 =	sor.u32 s3, s0;
	s1 =	sshll.u32 s1, $0x11  }
0xbb: {  	s0 =	sor.u32 s1, s0  }
0xbc: {  	s0 =	sadd.s32 $0x8F2B, s0  }
0xbd: {  	[sflag:s0] =	ssyncadd.remote.s32 $0x1  }
0xbe: {  	_ =	sfence.sel $0xFFFF  }
0xbf: {  	[dreg:$0x0] =	wrdreg $0xFFFFFFFF;
	(pc) =	sbr.abs _section_cstart, $3  }
0xc0: {  	[dreg:$0x1] =	wrdreg $0xFFFFFFFF  }
0xc1: {  	_ =	task.clear_ibuf [dreg:s7], $0x2FFFF;
	_ =	strace $0x9FFFFFFF  }
0xc2: {  	(tm) =	ssettm $0x7FFFFFFF  }
0xc3: {  	_ =	shalt  }
tec
execute0_lowered:
.L_overlay_start_1:
0x0: {  	(tag) =	ssettag $0x1  }
0x1: {  	s1 =	rddreg [dreg:$0x0]  }
0x2: {  	s5 =	rddreg [dreg:$0x1]  }
0x3: {  	s0 =	rddreg [dreg:$0x2];
	s4 =	srdreg.scid  }
0x4: {  	s3 =	simm.s32 $0x0;
	s2 =	stileid.u32;
	s9 =	simm.s32 $0x15000  }
0x5: {  	s10 =	simm.s32 $0x3;
	s11 =	simm.s32 $0xA800;
	s12 =	simm.s32 $0x1  }
0x6: {  	s13 =	simm.s32 $0x2;
	s14 =	simm.s32 $0x15080;
	s4 =	sand.u32 $0x1, s4  }
0x7: {  	v0 =	vlaneseq.u32;
	s15 =	simm.s32 $0x15100;
	s6 =	sshll.u32 s2, $0x3;
	s7 =	sshll.u32 s4, $0x2  }
0x8: {  	vm0 =	vmmov $0xff;
	[smem:$0x7FF] =	sst s3;
	v0 =	vand.u32 $0x7, v0;
	s8 =	ssub.s32 $0x2, s4;
	s4 =	sor.u32 s7, s6  }
0x9: {  	vm1 =	vmmov $0x1;
	vm2 =	vcmask $0x320;
	_ =	strace $0x80000047;
	[tilespmem:$0x1FFE0] =	vst v0;
	v0 =	vmul.u32 $0x80, v0;
	s31 =	sshrl.u32 s8, $0x1;
	s7 =	sadd.s32 s4, s5  }
0xa: {  	vm3 =	vcmask $0x720;
	vm4 =	vcmask $0xB20;
	vm5 =	vcmask $0xF20;
	s16 =	simm.s32 $0x0;
	s8 =	ssub.s32 s8, s31;
	s5 =	sadd.s32 $0x1000, s7  }
0xb: {  	vm6 =	vcmask $0x1320;
	vm7 =	vcmask $0x1720;
	vm8 =	vcmask $0x1B20;
	[tilespmem:$0x1FFF0] =	vst v0;
	s6 =	sadd.s32 $0x1200, s7;
	s7 =	sadd.s32 $0x1400, s7;
	s8 =	smax.u32 s8, $0x1  }
.LBB2_1:
0xc: {  	[tilespmem:s9], [sflag:$0x3] =	stream.linear.gather [hbm4b:s5+s3], $0x20, $0x38;
	[tilespmem:$0x15180] =	vst v63  }
0xd: {  	_ =	swait.ge [sflag:s10], $0x20  }
0xe: {  	[sflag:s10] =	ssyncset.done $0x0  }
0xf: {  	s17 =	simm.s32 $0x0;
	[sflag:s10] =	ssyncadd.s32 $0xFFFFFFE0  }
.LBB2_2:
0x10: {  	v0 =	vld [tilespmem:$0x1FFE0];
	_ =	sdelay $0x3  }
0x11: {  	s18 =	sshll.u32 s17, $0x3  }
0x12: {  	v0 =	vor.u32 s18, v0;
	_ =	sdelay $0x3  }
0x13: {  	s31 =	sor.u32 s4, s17  }
0x14: {  	s18 =	smul.u32 $0xC3800, s31;
	[tilespmem:$0x1FFC0] =	vst v0;
	v0 =	vld.idx.msk [tilespmem:v0+s9+$0x0], $0xffff;
	_ =	sdelay $0x1  }
0x15: {  	s19 =	sshrl.u32 s18, $0x3  }
0x16: {  	v5 =	vimm.f32 $-Inf;
	v46 =	vimm.f32 $-Inf;
	v59 =	vimm.f32 $-Inf;
	s20 =	sadd.s32 s1, s19;
	s19 =	simm.s32 $0x0  }
0x17: {  	v61 =	vimm.f32 $-Inf;
	v37 =	vimm.f32 $-Inf;
	v38 =	vimm.f32 $-Inf;
	[tilespmem:s19], [sflag:$0x1] =	stream.linear.gather [hbm4b:s20+s19], $0xA800, $0x38;
	[tilespmem:$0x15180] =	vst v63  }
0x18: {  	v39 =	vimm.f32 $-Inf;
	v8 =	vimm.f32 $-Inf;
	v11 =	vimm.f32 $-Inf;
	s21 =	simm.s32 $0x0;
	s20 =	sadd.s32 $0xA800, s18;
	[tilespmem:$0x1FFD0] =	vst v0  }
.LBB2_3:
0x19: {  	v0 =	vld [tilespmem:$0x1FFD0];
	_ =	sdelay $0x1  }
0x1a: {  	s22 =	smul.u32 $0x2A00, s21;
	_ =	sdelay $0x1  }
0x1b: {  	s23 =	sadd.s32 $0x1500, s22  }
0x1c: {  	vm9 =	vge.s32 v0, s22;
	vm10 =	vlt.s32 v0, s23  }
0x1d: {  	v1 =	vmov s22;
	vm9 =	vmand vm9, vm10  }
0x1e: {  	s24 =	sshllo.u32 s21, $0x1;
	v55 =	vld [tilespmem:$0x1FFF0];
	v1 =	vsub.s32 v0, v1;
	vm9 =	vmand vm9, vm0  }
0x1f: {  	s22 =	smul.u32 $0xA800, s24;
	v1 =	vnsel vm9, $0x0, v1  }
0x20: {  	v2 =	vshll.u32 v1, $0x3  }
0x21: {  	s31 =	sadd.s32 s18, s22;
	v1 =	vand.u32 $0x7F, v1;
	v2 =	vand.u32 $0xFFFFFC00, v2  }
0x22: {  	s23 =	sshrl.u32 s31, $0x3;
	v1 =	vor.u32 v2, v1  }
0x23: {  	[tilespmem:$0x1FDB0] =	vst v5;
	s23 =	sadd.s32 s1, s23;
	v1 =	vor.u32 v55, v1  }
0x24: {  	[tilespmem:s11], [sflag:$0x2] =	stream.linear.gather [hbm4b:s23+s19], $0xA800, $0x38;
	[tilespmem:$0x15180] =	vst v63  }
0x25: {  	_ =	swait.ge [sflag:s12], $0xA800  }
0x26: {  	[sflag:s12] =	ssyncset.done $0x0  }
0x27: {  	v56 =	vimm.f32 $-Inf;
	[sflag:s12] =	ssyncadd.s32 $0xFFFF5800  }
0x28: {  	s23 =	simm.s32 $0x0;
	v0 =	vld.idx.msk [tilespmem:v1+s19+$0x0], $0xffff;
	[tilespmem:v1+s19+$0x0] =	vst.idx.msk vm9, v56  }
0x29: {  	v57 =	vld [tilespmem:s23+$0x4F0]  }
0x2a: {  	v36 =	vld [tilespmem:s23+$0x570]  }
0x2b: {  	v45 =	vld [tilespmem:s23+$0x5F0]  }
0x2c: {  	v58 =	vld [tilespmem:s23+$0x670]  }
0x2d: {  	v49 =	vld [tilespmem:s23+$0x6F0]  }
0x2e: {  	v47 =	vld [tilespmem:s23+$0x770]  }
0x2f: {  	v60 =	vld [tilespmem:s23+$0x460]  }
0x30: {  	v62 =	vld [tilespmem:s23+$0x4E0]  }
0x31: {  	v44 =	vld [tilespmem:s23+$0x560]  }
0x32: {  	v63 =	vld [tilespmem:s23+$0x5E0]  }
0x33: {  	v9 =	vld [tilespmem:s23+$0x660]  }
0x34: {  	v52 =	vld [tilespmem:s23+$0x6E0]  }
0x35: {  	v51 =	vld [tilespmem:s23+$0x760]  }
0x36: {  	v29 =	vld [tilespmem:s23+$0x450]  }
0x37: {  	v13 =	vld [tilespmem:s23+$0x4D0]  }
0x38: {  	v10 =	vld [tilespmem:s23+$0x550]  }
0x39: {  	v12 =	vld [tilespmem:s23+$0x5D0]  }
0x3a: {  	v14 =	vld [tilespmem:s23+$0x650]  }
0x3b: {  	v56 =	vld [tilespmem:s23+$0x750]  }
0x3c: {  	v18 =	vld [tilespmem:s23+$0x440]  }
0x3d: {  	v19 =	vld [tilespmem:s23+$0x4C0]  }
0x3e: {  	v32 =	vld [tilespmem:s23+$0x540]  }
0x3f: {  	v33 =	vld [tilespmem:s23+$0x5C0]  }
0x40: {  	v34 =	vld [tilespmem:s23+$0x640]  }
0x41: {  	v35 =	vld [tilespmem:s23+$0x6C0]  }
0x42: {  	v20 =	vld [tilespmem:s23+$0x430]  }
0x43: {  	v21 =	vld [tilespmem:s23+$0x4B0]  }
0x44: {  	v40 =	vld [tilespmem:s23+$0x530]  }
0x45: {  	v41 =	vld [tilespmem:s23+$0x5B0]  }
0x46: {  	v42 =	vld [tilespmem:s23+$0x630]  }
0x47: {  	v43 =	vld [tilespmem:s23+$0x6B0]  }
0x48: {  	v48 =	vld [tilespmem:s23+$0x730]  }
0x49: {  	v22 =	vld [tilespmem:s23+$0x420]  }
0x4a: {  	v23 =	vld [tilespmem:s23+$0x4A0]  }
0x4b: {  	v1 =	vld [tilespmem:s23+$0x520]  }
0x4c: {  	v50 =	vld [tilespmem:s23+$0x6A0]  }
0x4d: {  	v53 =	vld [tilespmem:s23+$0x720]  }
0x4e: {  	v24 =	vld [tilespmem:s23+$0x410]  }
0x4f: {  	v25 =	vld [tilespmem:s23+$0x490]  }
0x50: {  	v54 =	vld [tilespmem:s23+$0x510]  }
0x51: {  	v55 =	vld [tilespmem:s23+$0x590]  }
0x52: {  	v26 =	vld [tilespmem:s23+$0x400]  }
0x53: {  	v30 =	vld [tilespmem:s23+$0x480]  }
0x54: {  	v31 =	vld [tilespmem:s23+$0x500]  }
0x55: {  	v5 =	vld [tilespmem:s23+$0x2E0]  }
0x56: {  	v7 =	vld [tilespmem:s23+$0x360]  }
0x57: {  	v27 =	vld [tilespmem:s23+$0x250]  }
0x58: {  	v28 =	vld [tilespmem:s23+$0x40]  }
0x59: {  	v15 =	vld [tilespmem:s23+$0x20]  }
0x5a: {  	v16 =	vld [tilespmem:s23+$0x10]  }
0x5b: {  	v17 =	vld [tilespmem:s23+$0x0]  }
0x5c: {  	v3 =	vld [tilespmem:s23+$0x80]  }
0x5d: {  	v2 =	vld [tilespmem:s23+$0x90]  }
0x5e: {  	v4 =	vld [tilespmem:s23+$0xB0]  }
0x5f: {  	v6 =	vld [tilespmem:s23+$0xC0]  }
0x60: {  	[tilespmem:$0x1FDC0] =	vst v0;
	v0 =	vld [tilespmem:s23+$0x470]  }
0x61: {  	[tilespmem:$0x1FF70] =	vst v57;
	v57 =	vld [tilespmem:s23+$0x6D0]  }
0x62: {  	[tilespmem:$0x1FF50] =	vst v62;
	v62 =	vld [tilespmem:s23+$0x740]  }
0x63: {  	[tilespmem:$0x1FE30] =	vst v32;
	v32 =	vld [tilespmem:s23+$0x5A0]  }
0x64: {  	[tilespmem:$0x1FE40] =	vst v33;
	v33 =	vld [tilespmem:s23+$0x620]  }
0x65: {  	[tilespmem:$0x1FDD0] =	vst v58;
	v58 =	vld [tilespmem:s23+$0x610]  }
0x66: {  	[tilespmem:$0x1FF40] =	vst v60;
	v60 =	vld [tilespmem:s23+$0x690]  }
0x67: {  	[tilespmem:$0x1FDE0] =	vst v63;
	v63 =	vld [tilespmem:s23+$0x710]  }
0x68: {  	[tilespmem:$0x1FE50] =	vst v34;
	v34 =	vld [tilespmem:s23+$0x580]  }
0x69: {  	[tilespmem:$0x1FE60] =	vst v35;
	v35 =	vld [tilespmem:s23+$0x600]  }
0x6a: {  	[tilespmem:$0x1FDF0] =	vst v9;
	v9 =	vld [tilespmem:s23+$0x680]  }
0x6b: {  	[tilespmem:$0x1FE00] =	vst v10;
	v10 =	vld [tilespmem:s23+$0x700]  }
0x6c: {  	[tilespmem:$0x1FE80] =	vst v41;
	v41 =	vld [tilespmem:s23+$0x70]  }
0x6d: {  	[tilespmem:$0x1FE90] =	vst v42;
	v42 =	vld [tilespmem:s23+$0xF0]  }
0x6e: {  	[tilespmem:$0x1FEA0] =	vst v43;
	v43 =	vld [tilespmem:s23+$0x170]  }
0x6f: {  	[tilespmem:$0x1FEB0] =	vst v48;
	v48 =	vld [tilespmem:s23+$0x1F0]  }
0x70: {  	[tilespmem:$0x1FEC0] =	vst v50;
	v50 =	vld [tilespmem:s23+$0x270]  }
0x71: {  	[tilespmem:$0x1FE10] =	vst v12;
	v12 =	vld [tilespmem:s23+$0x2F0]  }
0x72: {  	[tilespmem:$0x1FE20] =	vst v14;
	v14 =	vld [tilespmem:s23+$0x370]  }
0x73: {  	[tilespmem:$0x1FED0] =	vst v53;
	v53 =	vld [tilespmem:s23+$0x60]  }
0x74: {  	[tilespmem:$0x1FF90] =	vst v54;
	v54 =	vld [tilespmem:s23+$0xE0]  }
0x75: {  	[tilespmem:$0x1FFA0] =	vst v55;
	v55 =	vld [tilespmem:s23+$0x160]  }
0x76: {  	[tilespmem:$0x1FE70] =	vst v40;
	v40 =	vmax.f32 v11, v17;
	v17 =	vld [tilespmem:s23+$0x2D0]  }
0x77: {  	v3 =	vmax.f32 v8, v3;
	[tilespmem:$0x1FF30] =	vst v14;
	v14 =	vld [tilespmem:s23+$0x30]  }
0x78: {  	v3 =	vmax.f32 v3, v2;
	v2 =	vld [tilespmem:s23+$0x140]  }
0x79: {  	[tilespmem:$0x1FEF0] =	vst v63;
	v63 =	vld [tilespmem:s23+$0x50]  }
0x7a: {  	v16 =	vmax.f32 v40, v16;
	v40 =	vld [tilespmem:s23+$0x220]  }
0x7b: {  	v15 =	vmax.f32 v16, v15;
	[tilespmem:$0x1FF60] =	vst v0;
	v0 =	vld [tilespmem:s23+$0xA0]  }
0x7c: {  	v8 =	vld [tilespmem:$0x1FF40];
	v14 =	vmax.f32 v15, v14  }
0x7d: {  	v16 =	vld [tilespmem:s23+$0x110];
	v14 =	vmax.f32 v14, v28  }
0x7e: {  	[tilespmem:$0x1FF00] =	vst v9;
	v9 =	vld [tilespmem:s23+$0xD0];
	v14 =	vmax.f32 v14, v63  }
0x7f: {  	[tilespmem:$0x1FFB0] =	vst v58;
	v58 =	vld [tilespmem:s23+$0x1E0];
	v14 =	vmax.f32 v14, v53  }
0x80: {  	[tilespmem:$0x1FEE0] =	vst v60;
	v60 =	vld [tilespmem:s23+$0x260];
	v0 =	vmax.f32 v3, v0;
	v14 =	vmax.f32 v14, v41  }
0x81: {  	[tilespmem:$0x1FF20] =	vst v12;
	v12 =	vld [tilespmem:s23+$0x150];
	v0 =	vmax.f32 v0, v4;
	v14 =	vmax.f32 v14, v26  }
0x82: {  	[tilespmem:$0x1FF10] =	vst v10;
	v10 =	vld [tilespmem:s23+$0x1D0];
	v0 =	vmax.f32 v0, v6;
	v14 =	vmax.f32 v14, v24  }
0x83: {  	v3 =	vld [tilespmem:s23+$0x1C0];
	v0 =	vmax.f32 v0, v9;
	v14 =	vmax.f32 v14, v22  }
0x84: {  	v4 =	vld [tilespmem:s23+$0x130];
	v0 =	vmax.f32 v0, v54;
	v14 =	vmax.f32 v14, v20  }
0x85: {  	v15 =	vld [tilespmem:s23+$0x1A0];
	v0 =	vmax.f32 v0, v42;
	v14 =	vmax.f32 v14, v18  }
0x86: {  	v6 =	vld [tilespmem:s23+$0x1B0];
	v0 =	vmax.f32 v0, v30;
	v14 =	vmax.f32 v14, v29  }
0x87: {  	v0 =	vmax.f32 v0, v25;
	v14 =	vmax.f32 v14, v8;
	v8 =	vld [tilespmem:$0x1FF50]  }
0x88: {  	v9 =	vld [tilespmem:s23+$0x120];
	v0 =	vmax.f32 v0, v23  }
0x89: {  	v26 =	vld [tilespmem:s23+$0x190];
	v0 =	vmax.f32 v0, v21  }
0x8a: {  	v24 =	vld [tilespmem:s23+$0x100];
	v0 =	vmax.f32 v0, v19  }
0x8b: {  	v22 =	vld [tilespmem:s23+$0x180];
	v0 =	vmax.f32 v0, v13  }
0x8c: {  	v0 =	vmax.f32 v0, v8;
	v8 =	vld [tilespmem:$0x1FF60]  }
0x8d: {  	v20 =	vld [tilespmem:s23+$0x200]  }
0x8e: {  	v19 =	vld [tilespmem:s23+$0x210]  }
0x8f: {  	v28 =	vld [tilespmem:s23+$0x300]  }
0x90: {  	v21 =	vld [tilespmem:s23+$0x230]  }
0x91: {  	v42 =	vmax.f32 v39, v24;
	v63 =	vmax.f32 v14, v8;
	v8 =	vld [tilespmem:$0x1FF70]  }
0x92: {  	v41 =	vld [tilespmem:s23+$0x240];
	v22 =	vmax.f32 v38, v22;
	v20 =	vmax.f32 v37, v20;
	v14 =	vmax.f32 v42, v16  }
0x93: {  	v25 =	vld [tilespmem:s23+$0x290];
	v19 =	vmax.f32 v20, v19;
	v16 =	vmax.f32 v22, v26;
	v9 =	vmax.f32 v14, v9  }
0x94: {  	v23 =	vld [tilespmem:s23+$0x2A0];
	v13 =	vmax.f32 v19, v40;
	v53 =	vmax.f32 v16, v15;
	v4 =	vmax.f32 v9, v4  }
0x95: {  	v18 =	vld [tilespmem:s23+$0x350];
	v54 =	vmax.f32 v13, v21;
	v6 =	vmax.f32 v53, v6;
	v4 =	vmax.f32 v4, v2  }
0x96: {  	v24 =	vld [tilespmem:s23+$0x320];
	v3 =	vmax.f32 v6, v3;
	v4 =	vmax.f32 v4, v12;
	v0 =	vmax.f32 v0, v8  }
0x97: {  	v3 =	vmax.f32 v3, v10;
	v4 =	vmax.f32 v4, v55;
	v55 =	vld [tilespmem:$0x1FF90];
	[tilespmem:$0x1FF80] =	vst v0;
	v0 =	vmax.f32 v54, v41  }
0x98: {  	v3 =	vmax.f32 v3, v58;
	v58 =	vld [tilespmem:$0x1FFA0];
	v0 =	vmax.f32 v0, v27  }
0x99: {  	v0 =	vmax.f32 v0, v60;
	v60 =	vld [tilespmem:$0x1FFB0]  }
0x9a: {  	v20 =	vld [tilespmem:s23+$0x2C0]  }
0x9b: {  	v19 =	vld [tilespmem:s23+$0x340]  }
0x9c: {  	v21 =	vld [tilespmem:s23+$0x2B0];
	v4 =	vmax.f32 v4, v43;
	v3 =	vmax.f32 v3, v48;
	v0 =	vmax.f32 v0, v50  }
0x9d: {  	v22 =	vld [tilespmem:s23+$0x330];
	v4 =	vmax.f32 v4, v31;
	v3 =	vmax.f32 v3, v34;
	v0 =	vmax.f32 v0, v35  }
0x9e: {  	v26 =	vld [tilespmem:s23+$0x310];
	v4 =	vmax.f32 v4, v55;
	v3 =	vmax.f32 v3, v58;
	v0 =	vmax.f32 v0, v60  }
0x9f: {  	s25 =	simm.s32 $0x2000;
	v27 =	vld [tilespmem:s23+$0x280];
	v31 =	vmax.f32 v4, v1;
	v30 =	vmax.f32 v3, v32;
	v29 =	vmax.f32 v0, v33  }
.LBB2_4:
0xa0: {  	v0 =	vld [tilespmem:$0x1FE70]  }
0xa1: {  	v3 =	vld [tilespmem:$0x1FE30];
	_ =	sdelay $0x3  }
0xa2: {  	v1 =	vld [tilespmem:$0x1FE80];
	v0 =	vmax.f32 v31, v0  }
0xa3: {  	v0 =	vmax.f32 v0, v3;
	v3 =	vld [tilespmem:$0x1FE40];
	_ =	sdelay $0x3  }
0xa4: {  	v2 =	vld [tilespmem:$0x1FE90];
	v1 =	vmax.f32 v30, v1  }
0xa5: {  	v1 =	vmax.f32 v1, v3;
	v3 =	vld [tilespmem:$0x1FE50];
	_ =	sdelay $0x3  }
0xa6: {  	v6 =	vld [tilespmem:s23+$0x380];
	v2 =	vmax.f32 v29, v2  }
0xa7: {  	v2 =	vmax.f32 v2, v3;
	v3 =	vld [tilespmem:$0x1FE00]  }
0xa8: {  	v8 =	vld [tilespmem:s23+$0x390]  }
0xa9: {  	v9 =	vld [tilespmem:s23+$0x3A0]  }
0xaa: {  	v10 =	vld [tilespmem:s23+$0x3B0]  }
0xab: {  	v58 =	vld [tilespmem:$0x1FDD0]  }
0xac: {  	v0 =	vmax.f32 v0, v3;
	v3 =	vld [tilespmem:$0x1FE10]  }
0xad: {  	v60 =	vld [tilespmem:s23+$0x3C0]  }
0xae: {  	v12 =	vld [tilespmem:s23+$0x3D0]  }
0xaf: {  	v32 =	vld [tilespmem:s23+$0x3F0]  }
0xb0: {  	v33 =	vld [tilespmem:s23+$0x780]  }
0xb1: {  	v1 =	vmax.f32 v1, v3;
	v3 =	vld [tilespmem:$0x1FE20]  }
0xb2: {  	v34 =	vld [tilespmem:s23+$0x7A0]  }
0xb3: {  	v35 =	vld [tilespmem:$0x1FF20]  }
0xb4: {  	v37 =	vld [tilespmem:s23+$0x7C0]  }
0xb5: {  	v38 =	vld [tilespmem:$0x1FF00]  }
0xb6: {  	v2 =	vmax.f32 v2, v3;
	v3 =	vld [tilespmem:$0x1FDE0]  }
0xb7: {  	v39 =	vld [tilespmem:$0x1FF10]  }
0xb8: {  	v40 =	vld [tilespmem:s23+$0x7D0]  }
0xb9: {  	v41 =	vld [tilespmem:$0x1FEE0]  }
0xba: {  	v42 =	vld [tilespmem:$0x1FEF0]  }
0xbb: {  	v1 =	vmax.f32 v1, v3;
	v3 =	vld [tilespmem:$0x1FDF0]  }
0xbc: {  	v43 =	vld [tilespmem:s23+$0x7E0]  }
0xbd: {  	v48 =	vld [tilespmem:$0x1FEA0];
	v11 =	vmax.f32 v59, v28;
	v6 =	vmax.f32 v46, v6  }
0xbe: {  	v50 =	vld [tilespmem:$0x1FEB0];
	v11 =	vmax.f32 v11, v26;
	v6 =	vmax.f32 v6, v8  }
0xbf: {  	v61 =	vmax.f32 v61, v27;
	v8 =	vld [tilespmem:s23+$0x3E0];
	v11 =	vmax.f32 v11, v24;
	v6 =	vmax.f32 v6, v9  }
0xc0: {  	v53 =	vld [tilespmem:$0x1FE60];
	v11 =	vmax.f32 v11, v22;
	v6 =	vmax.f32 v6, v10;
	v2 =	vmax.f32 v2, v3  }
0xc1: {  	v46 =	vld [tilespmem:s23+$0x7F0];
	v11 =	vmax.f32 v11, v19;
	v4 =	vmax.f32 v2, v58;
	v2 =	vmax.f32 v61, v25  }
0xc2: {  	v55 =	vmax.f32 v1, v45;
	v1 =	vmax.f32 v6, v60;
	v6 =	vld [tilespmem:s23+$0x790];
	v2 =	vmax.f32 v2, v23  }
0xc3: {  	v0 =	vmax.f32 v0, v44;
	v44 =	vld [tilespmem:$0x1FEC0];
	v1 =	vmax.f32 v1, v12;
	v2 =	vmax.f32 v2, v21  }
0xc4: {  	v0 =	vmax.f32 v0, v36;
	v36 =	vld [tilespmem:$0x1FF30];
	v1 =	vmax.f32 v1, v8;
	v2 =	vmax.f32 v2, v20  }
0xc5: {  	v11 =	vmax.f32 v11, v18;
	v45 =	vld [tilespmem:$0x1FED0];
	v1 =	vmax.f32 v1, v32;
	v2 =	vmax.f32 v2, v17  }
0xc6: {  	v1 =	vmax.f32 v1, v33;
	v2 =	vmax.f32 v2, v5;
	v5 =	vmax.f32 v11, v7;
	v7 =	vld [tilespmem:s23+$0x7B0];
	s23 =	sshra.s32 s25, $0x2  }
0xc7: {  	v1 =	vmax.f32 v1, v6;
	v6 =	vld [tilespmem:s23+$0x470]  }
0xc8: {  	v3 =	vld [tilespmem:s23+$0x4F0]  }
0xc9: {  	v54 =	vld [tilespmem:s23+$0x570]  }
0xca: {  	[tilespmem:$0x1FD70] =	vst v55;
	v55 =	vld [tilespmem:s23+$0x5F0]  }
0xcb: {  	v61 =	vld [tilespmem:s23+$0x6F0]  }
0xcc: {  	v59 =	vld [tilespmem:s23+$0x770]  }
0xcd: {  	v9 =	vld [tilespmem:s23+$0x460]  }
0xce: {  	v10 =	vld [tilespmem:s23+$0x4E0]  }
0xcf: {  	v11 =	vld [tilespmem:s23+$0x560]  }
0xd0: {  	v58 =	vld [tilespmem:s23+$0x5E0]  }
0xd1: {  	v60 =	vld [tilespmem:s23+$0x660]  }
0xd2: {  	v15 =	vld [tilespmem:s23+$0x450]  }
0xd3: {  	v16 =	vld [tilespmem:s23+$0x4D0]  }
0xd4: {  	v12 =	vld [tilespmem:s23+$0x5D0]  }
0xd5: {  	v13 =	vld [tilespmem:s23+$0x650]  }
0xd6: {  	v18 =	vld [tilespmem:s23+$0x440]  }
0xd7: {  	v19 =	vld [tilespmem:s23+$0x4C0]  }
0xd8: {  	v14 =	vld [tilespmem:s23+$0x540]  }
0xd9: {  	v32 =	vld [tilespmem:s23+$0x5C0]  }
0xda: {  	v33 =	vld [tilespmem:s23+$0x640]  }
0xdb: {  	v1 =	vmax.f32 v1, v34;
	v34 =	vld [tilespmem:s23+$0x6C0]  }
0xdc: {  	v20 =	vld [tilespmem:s23+$0x430]  }
0xdd: {  	v21 =	vld [tilespmem:s23+$0x4B0]  }
0xde: {  	v2 =	vmax.f32 v2, v35;
	v35 =	vld [tilespmem:s23+$0x530]  }
0xdf: {  	v5 =	vmax.f32 v5, v36;
	v36 =	vld [tilespmem:s23+$0x5B0]  }
0xe0: {  	v22 =	vld [tilespmem:s23+$0x420]  }
0xe1: {  	v23 =	vld [tilespmem:s23+$0x4A0]  }
0xe2: {  	v29 =	vld [tilespmem:s23+$0x410]  }
0xe3: {  	v30 =	vld [tilespmem:s23+$0x510]  }
0xe4: {  	v31 =	vld [tilespmem:s23+$0x590]  }
0xe5: {  	v26 =	vld [tilespmem:s23+$0x500]  }
0xe6: {  	v27 =	vld [tilespmem:s23+$0x580]  }
0xe7: {  	v25 =	vld [tilespmem:s23+$0x170]  }
0xe8: {  	v28 =	vld [tilespmem:s23+$0x1F0]  }
0xe9: {  	v24 =	vld [tilespmem:s23+$0x160]  }
0xea: {  	[tilespmem:$0x1FD60] =	vst v0;
	v0 =	vld [tilespmem:s23+$0xD0]  }
0xeb: {  	v17 =	vld [tilespmem:s23+$0x0]  }
0xec: {  	v2 =	vmax.f32 v2, v38;
	v38 =	vld [tilespmem:s23+$0x6B0]  }
0xed: {  	v5 =	vmax.f32 v5, v39;
	v39 =	vld [tilespmem:s23+$0x730]  }
0xee: {  	v2 =	vmax.f32 v2, v41;
	v41 =	vld [tilespmem:s23+$0x720]  }
0xef: {  	v5 =	vmax.f32 v5, v42;
	v42 =	vld [tilespmem:s23+$0x690]  }
0xf0: {  	v2 =	vmax.f32 v2, v44;
	v44 =	vld [tilespmem:s23+$0x680]  }
0xf1: {  	v5 =	vmax.f32 v5, v45;
	v45 =	vld [tilespmem:s23+$0x700]  }
0xf2: {  	v2 =	vmax.f32 v2, v48;
	v48 =	vld [tilespmem:s23+$0x490]  }
0xf3: {  	v5 =	vmax.f32 v5, v50;
	v50 =	vld [tilespmem:s23+$0x400]  }
0xf4: {  	v1 =	vmax.f32 v1, v7;
	v7 =	vld [tilespmem:s23+$0x360]  }
0xf5: {  	v5 =	vmax.f32 v5, v62;
	v62 =	vld [tilespmem:s23+$0x550]  }
0xf6: {  	v1 =	vmax.f32 v1, v37;
	v37 =	vld [tilespmem:s23+$0x630]  }
0xf7: {  	[tilespmem:$0x1FE10] =	vst v12;
	v12 =	vld [tilespmem:s23+$0x520]  }
0xf8: {  	[tilespmem:$0x1FE20] =	vst v13;
	v13 =	vld [tilespmem:s23+$0x5A0]  }
0xf9: {  	[tilespmem:$0x1FE30] =	vst v14;
	v14 =	vld [tilespmem:s23+$0x620]  }
0xfa: {  	[tilespmem:$0x1FE60] =	vst v34;
	v34 =	vld [tilespmem:s23+$0x610]  }
0xfb: {  	v2 =	vmax.f32 v2, v53;
	v53 =	vld [tilespmem:s23+$0x480]  }
0xfc: {  	[tilespmem:$0x1FE70] =	vst v35;
	v35 =	vld [tilespmem:s23+$0x600]  }
0xfd: {  	[tilespmem:$0x1FDA0] =	vst v54;
	v54 =	vld [tilespmem:s23+$0x70]  }
0xfe: {  	[tilespmem:$0x1FD90] =	vst v55;
	v55 =	vld [tilespmem:s23+$0xF0]  }
0xff: {  	[tilespmem:$0x1FDE0] =	vst v58;
	v58 =	vld [tilespmem:s23+$0x60]  }
0x100: {  	[tilespmem:$0x1FDF0] =	vst v60;
	v60 =	vld [tilespmem:s23+$0xE0]  }
0x101: {  	[tilespmem:$0x1FE40] =	vst v32;
	v32 =	vld [tilespmem:s23+$0x150]  }
0x102: {  	[tilespmem:$0x1FE50] =	vst v33;
	v33 =	vld [tilespmem:s23+$0x1D0]  }
0x103: {  	[tilespmem:$0x1FE80] =	vst v36;
	v36 =	vld [tilespmem:s23+$0x250]  }
0x104: {  	v5 =	vmax.f32 v5, v56;
	v56 =	vld [tilespmem:s23+$0x670]  }
0x105: {  	v1 =	vmax.f32 v1, v40;
	v40 =	vld [tilespmem:s23+$0x6A0]  }
0x106: {  	[tilespmem:$0x1FEA0] =	vst v38;
	v38 =	vld [tilespmem:s23+$0x30]  }
0x107: {  	v2 =	vmax.f32 v2, v57;
	[tilespmem:$0x1FEB0] =	vst v39;
	v39 =	vld [tilespmem:s23+$0x80]  }
0x108: {  	v2 =	vmax.f32 v2, v52;
	v52 =	vld [tilespmem:s23+$0x6E0]  }
0x109: {  	v1 =	vmax.f32 v1, v43;
	v43 =	vld [tilespmem:s23+$0x710]  }
0x10a: {  	[tilespmem:$0x1FED0] =	vst v41;
	v41 =	vld [tilespmem:s23+$0x270]  }
0x10b: {  	[tilespmem:$0x1FEE0] =	vst v42;
	v42 =	vld [tilespmem:s23+$0x1E0]  }
0x10c: {  	v5 =	vmax.f32 v5, v51;
	v51 =	vmov v63;
	v63 =	vld [tilespmem:s23+$0x50]  }
0x10d: {  	v57 =	vmax.f32 v1, v46;
	v1 =	vld [tilespmem:s23+$0x760]  }
0x10e: {  	v46 =	vld [tilespmem:s23+$0x2F0]  }
0x10f: {  	v8 =	vmax.f32 v2, v49;
	v2 =	vmax.f32 v5, v47;
	v47 =	vld [tilespmem:s23+$0x370]  }
0x110: {  	v5 =	vld [tilespmem:s23+$0x2E0]  }
0x111: {  	[tilespmem:$0x1FF00] =	vst v44;
	v44 =	vld [tilespmem:s23+$0x20]  }
0x112: {  	[tilespmem:$0x1FF10] =	vst v45;
	v45 =	vld [tilespmem:s23+$0x10]  }
0x113: {  	v49 =	vld [tilespmem:s23+$0xC0]  }
0x114: {  	v51 =	vmax.f32 v51, v17;
	v17 =	vld [tilespmem:$0x1FF80]  }
0x115: {  	[tilespmem:$0x1FD80] =	vst v57;
	v57 =	vld [tilespmem:s23+$0x6D0]  }
0x116: {  	[tilespmem:$0x1FE00] =	vst v62;
	v62 =	vld [tilespmem:s23+$0x740]  }
0x117: {  	[tilespmem:$0x1FE90] =	vst v37;
	v37 =	vld [tilespmem:s23+$0x40]  }
0x118: {  	[tilespmem:$0x1FDD0] =	vst v56;
	v56 =	vld [tilespmem:s23+$0x750]  }
0x119: {  	[tilespmem:$0x1FEC0] =	vst v40;
	v40 =	vld [tilespmem:s23+$0x90]  }
0x11a: {  	[tilespmem:$0x1FEF0] =	vst v43;
	v43 =	vld [tilespmem:s23+$0x260]  }
0x11b: {  	[tilespmem:$0x1FF20] =	vst v46;
	v46 =	vld [tilespmem:s23+$0xA0]  }
0x11c: {  	[tilespmem:$0x1FF30] =	vst v47;
	v47 =	vld [tilespmem:s23+$0xB0]  }
0x11d: {  	v39 =	vmax.f32 v17, v39;
	v17 =	vld [tilespmem:s23+$0x2D0];
	v45 =	vmax.f32 v51, v45  }
0x11e: {  	v44 =	vmax.f32 v45, v44;
	v45 =	vld [tilespmem:s23+$0x1C0]  }
0x11f: {  	v38 =	vmax.f32 v44, v38;
	v44 =	vld [tilespmem:s23+$0x130]  }
0x120: {  	v39 =	vmax.f32 v39, v40;
	v40 =	vld [tilespmem:s23+$0x140]  }
0x121: {  	v37 =	vmax.f32 v38, v37;
	v38 =	vld [tilespmem:s23+$0x120]  }
0x122: {  	v37 =	vmax.f32 v37, v63;
	v39 =	vmax.f32 v39, v46;
	v46 =	vld [tilespmem:s23+$0x1A0]  }
0x123: {  	v37 =	vmax.f32 v37, v58;
	v58 =	vld [tilespmem:$0x1FD60]  }
0x124: {  	v39 =	vmax.f32 v39, v47;
	v47 =	vld [tilespmem:s23+$0x110]  }
0x125: {  	v37 =	vmax.f32 v37, v54;
	v54 =	vld [tilespmem:s23+$0x230]  }
0x126: {  	v49 =	vmax.f32 v39, v49;
	v39 =	vld [tilespmem:s23+$0x1B0]  }
0x127: {  	v37 =	vmax.f32 v37, v50;
	v0 =	vmax.f32 v49, v0;
	v49 =	vld [tilespmem:s23+$0x190]  }
0x128: {  	v29 =	vmax.f32 v37, v29;
	v0 =	vmax.f32 v0, v60;
	v60 =	vld [tilespmem:$0x1FD70]  }
0x129: {  	v22 =	vmax.f32 v29, v22;
	v0 =	vmax.f32 v0, v55;
	v55 =	vld [tilespmem:s23+$0x240]  }
0x12a: {  	v20 =	vmax.f32 v22, v20;
	v22 =	vld [tilespmem:s23+$0x330];
	v0 =	vmax.f32 v0, v53  }
0x12b: {  	v53 =	vld [tilespmem:s23+$0x100];
	v0 =	vmax.f32 v0, v48  }
0x12c: {  	v0 =	vmax.f32 v0, v23;
	v23 =	vld [tilespmem:s23+$0x180]  }
0x12d: {  	v0 =	vmax.f32 v0, v21;
	v21 =	vld [tilespmem:s23+$0x200]  }
0x12e: {  	v18 =	vmax.f32 v20, v18;
	v0 =	vmax.f32 v0, v19;
	v19 =	vld [tilespmem:s23+$0x210]  }
0x12f: {  	v15 =	vmax.f32 v18, v15;
	v0 =	vmax.f32 v0, v16;
	v16 =	vld [tilespmem:s23+$0x220]  }
0x130: {  	v20 =	vld [tilespmem:s23+$0x2C0];
	v9 =	vmax.f32 v15, v9  }
0x131: {  	v18 =	vld [tilespmem:s23+$0x350];
	v63 =	vmax.f32 v9, v6;
	v6 =	vmax.f32 v58, v53;
	v0 =	vmax.f32 v0, v10  }
0x132: {  	v0 =	vmax.f32 v0, v3;
	v3 =	vmax.f32 v60, v23;
	v23 =	vld [tilespmem:s23+$0x2A0];
	v4 =	vmax.f32 v4, v21  }
0x133: {  	v6 =	vmax.f32 v6, v47;
	v3 =	vmax.f32 v3, v49;
	v21 =	vld [tilespmem:s23+$0x2B0];
	v4 =	vmax.f32 v4, v19  }
0x134: {  	v6 =	vmax.f32 v6, v38;
	v3 =	vmax.f32 v3, v46;
	v46 =	vld [tilespmem:$0x1FD80];
	v4 =	vmax.f32 v4, v16  }
0x135: {  	v6 =	vmax.f32 v6, v44;
	v19 =	vld [tilespmem:s23+$0x340];
	v3 =	vmax.f32 v3, v39;
	v4 =	vmax.f32 v4, v54  }
0x136: {  	[tilespmem:$0x1FF80] =	vst v0;
	v6 =	vmax.f32 v6, v40;
	v3 =	vmax.f32 v3, v45;
	v45 =	vld [tilespmem:$0x1FD90];
	v0 =	vmax.f32 v4, v55  }
0x137: {  	p0 =	sne.s32 s25, $0x28000;
	v51 =	vmovc v1;
	v4 =	vmax.f32 v6, v32;
	v3 =	vmax.f32 v3, v33;
	v0 =	vmax.f32 v0, v36;
	v36 =	vld [tilespmem:$0x1FDA0]  }
.Ltmp0:
0x138: {  	v47 =	vmovc v59;
	v4 =	vmax.f32 v4, v24;
	v3 =	vmax.f32 v3, v42;
	v24 =	vld [tilespmem:s23+$0x320];
	v0 =	vmax.f32 v0, v43;
	(pc) =	sbr.rel @p0 .LBB2_4-.Ltmp0, $4  }
0x139: {  	v59 =	vmovc v2;
	v4 =	vmax.f32 v4, v25;
	v3 =	vmax.f32 v3, v28;
	v25 =	vld [tilespmem:s23+$0x290];
	v0 =	vmax.f32 v0, v41  }
0x13a: {  	v49 =	vmovc v61;
	v28 =	vld [tilespmem:s23+$0x300];
	v4 =	vmax.f32 v4, v26;
	v3 =	vmax.f32 v3, v27;
	v0 =	vmax.f32 v0, v35  }
0x13b: {  	v61 =	vmovc v8;
	v26 =	vld [tilespmem:s23+$0x310];
	v4 =	vmax.f32 v4, v30;
	v3 =	vmax.f32 v3, v31;
	v0 =	vmax.f32 v0, v34  }
0x13c: {  	s25 =	sadd.s32 $0x2000, s25;
	v44 =	vmovc v11;
	v27 =	vld [tilespmem:s23+$0x280];
	v31 =	vmax.f32 v4, v12;
	v30 =	vmax.f32 v3, v13;
	v29 =	vmax.f32 v0, v14  }
0x13d: {  	v0 =	vld [tilespmem:s23+$0x380];
	_ =	sdelay $0x4  }
0x13e: {  	[tilespmem:$0x1FAC0] =	vst v0;
	v0 =	vld [tilespmem:s23+$0x390];
	_ =	sdelay $0x4  }
0x13f: {  	[tilespmem:$0x1FAD0] =	vst v0;
	v0 =	vld [tilespmem:s23+$0x3A0];
	_ =	sdelay $0x4  }
0x140: {  	[tilespmem:$0x1FAE0] =	vst v0;
	v0 =	vld [tilespmem:s23+$0x3B0];
	_ =	sdelay $0x4  }
0x141: {  	[tilespmem:$0x1FAF0] =	vst v0;
	v0 =	vld [tilespmem:s23+$0x3C0];
	_ =	sdelay $0x4  }
0x142: {  	[tilespmem:$0x1FB00] =	vst v0;
	v0 =	vld [tilespmem:s23+$0x3D0];
	_ =	sdelay $0x4  }
0x143: {  	[tilespmem:$0x1FB10] =	vst v0;
	v0 =	vld [tilespmem:s23+$0x3E0];
	_ =	sdelay $0x4  }
0x144: {  	[tilespmem:$0x1FB20] =	vst v0;
	v0 =	vld [tilespmem:s23+$0x3F0]  }
0x145: {  	v1 =	vld [tilespmem:s23+$0x7A0];
	_ =	sdelay $0x3  }
0x146: {  	[tilespmem:$0x1FB30] =	vst v0;
	v0 =	vld [tilespmem:s23+$0x780]  }
0x147: {  	[tilespmem:$0x1FB60] =	vst v1;
	v1 =	vld [tilespmem:s23+$0x7B0];
	_ =	sdelay $0x2  }
0x148: {  	v3 =	vld [tilespmem:$0x1FFD0]  }
0x149: {  	[tilespmem:$0x1FB40] =	vst v0;
	v0 =	vld [tilespmem:s23+$0x790]  }
0x14a: {  	s24 =	smul.u32 $0x1500, s24;
	[tilespmem:$0x1FB70] =	vst v1;
	v1 =	vld [tilespmem:s23+$0x7C0];
	_ =	sdelay $0x1  }
0x14b: {  	s25 =	sadd.s32 $0x1500, s24  }
0x14c: {  	vm10 =	vlt.s32 v3, s25;
	vm11 =	vge.s32 v3, s24  }
0x14d: {  	vm10 =	vmand vm11, vm10;
	[tilespmem:$0x1FB50] =	vst v0;
	v0 =	vmov s24  }
0x14e: {  	vm10 =	vmand vm10, vm0;
	[tilespmem:$0x1FB80] =	vst v1;
	v1 =	vld [tilespmem:s23+$0x7E0];
	v0 =	vsub.s32 v3, v0  }
0x14f: {  	v0 =	vnsel vm10, $0x0, v0  }
0x150: {  	v3 =	vshll.u32 v0, $0x3  }
0x151: {  	v0 =	vand.u32 $0x7F, v0;
	v3 =	vand.u32 $0xFFFFFC00, v3  }
0x152: {  	v0 =	vor.u32 v3, v0;
	v3 =	vld [tilespmem:$0x1FFF0]  }
0x153: {  	[tilespmem:$0x1FBB0] =	vst v1;
	v1 =	vld [tilespmem:s23+$0x7F0]  }
0x154: {  	p0 =	seq.s32 s21, $0x3  }
0x155: {  	s22 =	sadd.s32 @!p0 s22, s20  }
0x156: {  	s22 =	sshrl.u32 @!p0 s22, $0x3  }
0x157: {  	s22 =	sadd.s32 @!p0 s1, s22;
	s24 =	simm.s32 @!p0 $0x0;
	v0 =	vor.u32 v3, v0  }
0x158: {  	[tilespmem:$0x1FC20] =	vst v1;
	v4 =	vld [tilespmem:s23+$0x7D0];
	[tilespmem:s24], [sflag:$0x1] =	stream.linear.gather @!p0 [hbm4b:s22+s24], $0xA800, $0x38  }
0x159: {  	_ =	swait.ge [sflag:s13], $0xA800  }
0x15a: {  	[sflag:s13] =	ssyncset.done $0x0  }
0x15b: {  	[sflag:s13] =	ssyncadd.s32 $0xFFFF5800  }
0x15c: {  	v3 =	vld.idx.msk [tilespmem:v0+s11+$0x0], $0xffff;
	_ =	sdelay $0x4  }
0x15d: {  	[tilespmem:$0x1F9C0] =	vst v3;
	v3 =	vimm.f32 $-Inf  }
0x15e: {  	s22 =	simm.s32 $0x0;
	[tilespmem:v0+s11+$0x0] =	vst.idx.msk vm10, v3  }
0x15f: {  	v0 =	vld [tilespmem:s22+$0xACE0];
	_ =	sdelay $0x4  }
0x160: {  	[tilespmem:$0x1FC50] =	vst v0;
	v0 =	vld [tilespmem:s22+$0xADE0];
	_ =	sdelay $0x4  }
0x161: {  	[tilespmem:$0x1F9D0] =	vst v0;
	v0 =	vld [tilespmem:s22+$0xAE60];
	_ =	sdelay $0x4  }
0x162: {  	[tilespmem:$0x1F9E0] =	vst v0;
	v0 =	vld [tilespmem:s22+$0xAC50];
	_ =	sdelay $0x4  }
0x163: {  	[tilespmem:$0x1FC30] =	vst v0;
	v0 =	vld [tilespmem:s22+$0xACD0];
	_ =	sdelay $0x4  }
0x164: {  	[tilespmem:$0x1FC40] =	vst v0;
	v0 =	vld [tilespmem:s22+$0xAD50];
	_ =	sdelay $0x4  }
0x165: {  	[tilespmem:$0x1F9F0] =	vst v0;
	v0 =	vld [tilespmem:s22+$0xADD0];
	_ =	sdelay $0x4  }
0x166: {  	[tilespmem:$0x1FA00] =	vst v0;
	v0 =	vld [tilespmem:s22+$0xAE50];
	_ =	sdelay $0x4  }
0x167: {  	[tilespmem:$0x1FA10] =	vst v0;
	v0 =	vld [tilespmem:s22+$0xAC40];
	_ =	sdelay $0x4  }
0x168: {  	[tilespmem:$0x1FC00] =	vst v0;
	v0 =	vld [tilespmem:s22+$0xACC0];
	_ =	sdelay $0x4  }
0x169: {  	[tilespmem:$0x1FC10] =	vst v0;
	v0 =	vld [tilespmem:s22+$0xAC30];
	_ =	sdelay $0x4  }
0x16a: {  	[tilespmem:$0x1FBE0] =	vst v0;
	v0 =	vld [tilespmem:s22+$0xACB0];
	_ =	sdelay $0x4  }
0x16b: {  	[tilespmem:$0x1FBF0] =	vst v0;
	v0 =	vld [tilespmem:s22+$0xADB0];
	_ =	sdelay $0x4  }
0x16c: {  	[tilespmem:$0x1FA20] =	vst v0;
	v0 =	vld [tilespmem:s22+$0xAE30];
	_ =	sdelay $0x4  }
0x16d: {  	[tilespmem:$0x1FA30] =	vst v0;
	v0 =	vld [tilespmem:s22+$0xAC20];
	_ =	sdelay $0x4  }
0x16e: {  	[tilespmem:$0x1FBC0] =	vst v0;
	v0 =	vld [tilespmem:s22+$0xACA0];
	_ =	sdelay $0x4  }
0x16f: {  	[tilespmem:$0x1FBD0] =	vst v0;
	v0 =	vld [tilespmem:s22+$0xAD20];
	_ =	sdelay $0x4  }
0x170: {  	[tilespmem:$0x1FD30] =	vst v0;
	v0 =	vld [tilespmem:s22+$0xADA0];
	_ =	sdelay $0x4  }
0x171: {  	[tilespmem:$0x1FD40] =	vst v0;
	v0 =	vld [tilespmem:s22+$0xAE20];
	_ =	sdelay $0x4  }
0x172: {  	[tilespmem:$0x1FD50] =	vst v0;
	v0 =	vld [tilespmem:s22+$0xAC10];
	_ =	sdelay $0x4  }
0x173: {  	[tilespmem:$0x1FB90] =	vst v0;
	v0 =	vld [tilespmem:s22+$0xAC90];
	_ =	sdelay $0x4  }
0x174: {  	[tilespmem:$0x1FBA0] =	vst v0;
	v0 =	vld [tilespmem:s22+$0xAD10];
	_ =	sdelay $0x4  }
0x175: {  	[tilespmem:$0x1FD00] =	vst v0;
	v0 =	vld [tilespmem:s22+$0xAD90];
	_ =	sdelay $0x4  }
0x176: {  	[tilespmem:$0x1FD10] =	vst v0;
	v0 =	vld [tilespmem:s22+$0xAE10];
	_ =	sdelay $0x4  }
0x177: {  	[tilespmem:$0x1FD20] =	vst v0;
	v0 =	vld [tilespmem:s22+$0xAE90];
	_ =	sdelay $0x4  }
0x178: {  	[tilespmem:$0x1FA40] =	vst v0;
	v0 =	vld [tilespmem:s22+$0xAF10];
	_ =	sdelay $0x4  }
0x179: {  	[tilespmem:$0x1FA50] =	vst v0;
	v0 =	vld [tilespmem:s22+$0xAD00];
	_ =	sdelay $0x4  }
0x17a: {  	[tilespmem:$0x1FCD0] =	vst v0;
	v0 =	vld [tilespmem:s22+$0xAD80];
	_ =	sdelay $0x4  }
0x17b: {  	[tilespmem:$0x1FCE0] =	vst v0;
	v0 =	vld [tilespmem:s22+$0xAE00];
	_ =	sdelay $0x4  }
0x17c: {  	[tilespmem:$0x1FCF0] =	vst v0;
	v0 =	vld [tilespmem:s22+$0xAE80];
	_ =	sdelay $0x4  }
0x17d: {  	[tilespmem:$0x1FA60] =	vst v0;
	v0 =	vld [tilespmem:s22+$0xAF00];
	_ =	sdelay $0x4  }
0x17e: {  	[tilespmem:$0x1FA70] =	vst v0;
	v0 =	vld [tilespmem:s22+$0xA970];
	_ =	sdelay $0x4  }
0x17f: {  	[tilespmem:$0x1FCA0] =	vst v0;
	v0 =	vld [tilespmem:s22+$0xA9F0];
	_ =	sdelay $0x4  }
0x180: {  	[tilespmem:$0x1FCB0] =	vst v0;
	v0 =	vld [tilespmem:s22+$0xAA70];
	_ =	sdelay $0x4  }
0x181: {  	[tilespmem:$0x1FCC0] =	vst v0;
	v0 =	vld [tilespmem:s22+$0xAAF0];
	_ =	sdelay $0x4  }
0x182: {  	[tilespmem:$0x1FA80] =	vst v0;
	v0 =	vld [tilespmem:s22+$0xAB70];
	_ =	sdelay $0x4  }
0x183: {  	[tilespmem:$0x1FA90] =	vst v0;
	v0 =	vld [tilespmem:s22+$0xA960];
	_ =	sdelay $0x4  }
0x184: {  	[tilespmem:$0x1FC70] =	vst v0;
	v0 =	vld [tilespmem:s22+$0xA9E0];
	_ =	sdelay $0x4  }
0x185: {  	[tilespmem:$0x1FC80] =	vst v0;
	v0 =	vld [tilespmem:s22+$0xAA60];
	_ =	sdelay $0x4  }
0x186: {  	[tilespmem:$0x1FC90] =	vst v0;
	v0 =	vld [tilespmem:$0x1FE70];
	_ =	sdelay $0x4  }
0x187: {  	v31 =	vmax.f32 v31, v0;
	v0 =	vld [tilespmem:s22+$0xAAE0];
	_ =	sdelay $0x4  }
0x188: {  	[tilespmem:$0x1FAA0] =	vst v0;
	v0 =	vld [tilespmem:$0x1FE80];
	_ =	sdelay $0x4  }
0x189: {  	v30 =	vmax.f32 v30, v0;
	v0 =	vld [tilespmem:$0x1FE90];
	_ =	sdelay $0x4  }
0x18a: {  	v11 =	vmax.f32 v29, v0;
	v0 =	vld [tilespmem:$0x1FE30];
	_ =	sdelay $0x4  }
0x18b: {  	v29 =	vmax.f32 v31, v0;
	v0 =	vld [tilespmem:s22+$0xAB60];
	_ =	sdelay $0x4  }
0x18c: {  	[tilespmem:$0x1FAB0] =	vst v0;
	v0 =	vld [tilespmem:$0x1FE40];
	_ =	sdelay $0x4  }
0x18d: {  	v30 =	vmax.f32 v30, v0;
	v0 =	vld [tilespmem:$0x1FE50];
	_ =	sdelay $0x4  }
0x18e: {  	v11 =	vmax.f32 v11, v0;
	v0 =	vld [tilespmem:$0x1FE00];
	_ =	sdelay $0x4  }
0x18f: {  	v29 =	vmax.f32 v29, v0;
	v0 =	vld [tilespmem:$0x1FE10];
	_ =	sdelay $0x4  }
0x190: {  	v30 =	vmax.f32 v30, v0;
	v0 =	vld [tilespmem:$0x1FE20];
	_ =	sdelay $0x4  }
0x191: {  	v11 =	vmax.f32 v11, v0;
	v0 =	vld [tilespmem:$0x1FDE0];
	_ =	sdelay $0x4  }
0x192: {  	v30 =	vmax.f32 v30, v0;
	v0 =	vld [tilespmem:$0x1FDF0];
	_ =	sdelay $0x4  }
0x193: {  	v11 =	vmax.f32 v11, v0;
	v0 =	vld [tilespmem:$0x1FDD0];
	_ =	sdelay $0x4  }
0x194: {  	v30 =	vmax.f32 v30, v45;
	v45 =	vmax.f32 v11, v0;
	v0 =	vld [tilespmem:$0x1FAC0];
	_ =	sdelay $0x4  }
0x195: {  	v46 =	vmax.f32 v46, v0;
	v0 =	vld [tilespmem:$0x1FAD0];
	_ =	sdelay $0x3  }
0x196: {  	v28 =	vmax.f32 v59, v28  }
0x197: {  	v26 =	vmax.f32 v28, v26;
	v28 =	vmax.f32 v46, v0;
	v0 =	vld [tilespmem:$0x1FAE0];
	_ =	sdelay $0x4  }
0x198: {  	v24 =	vmax.f32 v26, v24;
	v26 =	vmax.f32 v28, v0;
	v0 =	vld [tilespmem:$0x1FAF0];
	_ =	sdelay $0x4  }
0x199: {  	v22 =	vmax.f32 v24, v22;
	v24 =	vmax.f32 v26, v0;
	v0 =	vld [tilespmem:$0x1FB00];
	_ =	sdelay $0x4  }
0x19a: {  	v19 =	vmax.f32 v22, v19;
	v22 =	vmax.f32 v24, v0;
	v0 =	vld [tilespmem:$0x1FB10];
	_ =	sdelay $0x4  }
0x19b: {  	v18 =	vmax.f32 v19, v18;
	v19 =	vmax.f32 v22, v0;
	v0 =	vld [tilespmem:$0x1FB20];
	_ =	sdelay $0x2  }
0x19c: {  	v11 =	vmax.f32 v61, v27  }
0x19d: {  	v11 =	vmax.f32 v11, v25  }
0x19e: {  	v7 =	vmax.f32 v18, v7;
	v11 =	vmax.f32 v11, v23;
	v18 =	vmax.f32 v19, v0;
	v0 =	vld [tilespmem:$0x1FF20]  }
0x19f: {  	v11 =	vmax.f32 v11, v21  }
0x1a0: {  	v11 =	vmax.f32 v11, v20  }
0x1a1: {  	v11 =	vmax.f32 v11, v17  }
0x1a2: {  	v5 =	vmax.f32 v11, v5  }
0x1a3: {  	v5 =	vmax.f32 v5, v0;
	v0 =	vld [tilespmem:$0x1FF30];
	_ =	sdelay $0x4  }
0x1a4: {  	v7 =	vmax.f32 v7, v0;
	v0 =	vld [tilespmem:$0x1FB30];
	_ =	sdelay $0x4  }
0x1a5: {  	v18 =	vmax.f32 v18, v0;
	v0 =	vld [tilespmem:$0x1FF00];
	_ =	sdelay $0x4  }
0x1a6: {  	v5 =	vmax.f32 v5, v0;
	v0 =	vld [tilespmem:$0x1FF10];
	_ =	sdelay $0x4  }
0x1a7: {  	v7 =	vmax.f32 v7, v0;
	v0 =	vld [tilespmem:$0x1FB40];
	_ =	sdelay $0x4  }
0x1a8: {  	v18 =	vmax.f32 v18, v0;
	v0 =	vld [tilespmem:$0x1FEE0];
	_ =	sdelay $0x4  }
0x1a9: {  	v5 =	vmax.f32 v5, v0;
	v0 =	vld [tilespmem:$0x1FEF0];
	_ =	sdelay $0x4  }
0x1aa: {  	v7 =	vmax.f32 v7, v0;
	v0 =	vld [tilespmem:$0x1FB50];
	_ =	sdelay $0x4  }
0x1ab: {  	v18 =	vmax.f32 v18, v0;
	v0 =	vld [tilespmem:$0x1FEC0];
	_ =	sdelay $0x4  }
0x1ac: {  	v5 =	vmax.f32 v5, v0;
	v0 =	vld [tilespmem:$0x1FED0];
	_ =	sdelay $0x4  }
0x1ad: {  	v7 =	vmax.f32 v7, v0;
	v0 =	vld [tilespmem:$0x1FB60];
	_ =	sdelay $0x4  }
0x1ae: {  	v18 =	vmax.f32 v18, v0;
	v0 =	vld [tilespmem:$0x1FEA0];
	_ =	sdelay $0x4  }
0x1af: {  	v5 =	vmax.f32 v5, v0;
	v0 =	vld [tilespmem:$0x1FEB0];
	_ =	sdelay $0x3  }
0x1b0: {  	v19 =	vld [tilespmem:s22+$0xA880]  }
0x1b1: {  	v7 =	vmax.f32 v7, v0;
	v0 =	vld [tilespmem:$0x1FF80];
	_ =	sdelay $0x3  }
0x1b2: {  	v32 =	vld [tilespmem:s22+$0xAC00];
	v29 =	vmax.f32 v29, v44  }
0x1b3: {  	v29 =	vmax.f32 v29, v36;
	v36 =	vmax.f32 v0, v19;
	v0 =	vld [tilespmem:$0x1FB70]  }
0x1b4: {  	v37 =	vld [tilespmem:s22+$0xA870]  }
0x1b5: {  	v39 =	vld [tilespmem:s22+$0xA860]  }
0x1b6: {  	v31 =	vld [tilespmem:s22+$0xA850]  }
0x1b7: {  	v23 =	vld [tilespmem:s22+$0xA840]  }
0x1b8: {  	v18 =	vmax.f32 v18, v0;
	v0 =	vld [tilespmem:$0x1FE60]  }
0x1b9: {  	v11 =	vld [tilespmem:s22+$0xA800]  }
0x1ba: {  	v17 =	vld [tilespmem:s22+$0xA810]  }
0x1bb: {  	v20 =	vld [tilespmem:s22+$0xA820]  }
0x1bc: {  	v21 =	vld [tilespmem:s22+$0xA830]  }
0x1bd: {  	v5 =	vmax.f32 v5, v0;
	v0 =	vld [tilespmem:$0x1FB80]  }
0x1be: {  	v11 =	vmax.f32 v63, v11;
	v28 =	vld [tilespmem:s22+$0xA8C0]  }
0x1bf: {  	v11 =	vmax.f32 v11, v17;
	v22 =	vld [tilespmem:s22+$0xA890]  }
0x1c0: {  	v11 =	vmax.f32 v11, v20;
	v24 =	vld [tilespmem:s22+$0xA8A0]  }
0x1c1: {  	v11 =	vmax.f32 v11, v21;
	v26 =	vld [tilespmem:s22+$0xA8B0]  }
0x1c2: {  	v11 =	vmax.f32 v11, v23;
	v18 =	vmax.f32 v18, v0;
	v0 =	vld [tilespmem:$0x1FB90]  }
0x1c3: {  	v44 =	vld [tilespmem:s22+$0xA8D0];
	v11 =	vmax.f32 v11, v31  }
0x1c4: {  	v40 =	vld [tilespmem:s22+$0xA8E0];
	v11 =	vmax.f32 v11, v39;
	v17 =	vmax.f32 v36, v22  }
0x1c5: {  	v38 =	vld [tilespmem:s22+$0xA8F0];
	v11 =	vmax.f32 v11, v37;
	v7 =	vmax.f32 v7, v62;
	v17 =	vmax.f32 v17, v24  }
0x1c6: {  	v33 =	vld [tilespmem:s22+$0xAC80];
	v11 =	vmax.f32 v11, v32;
	v7 =	vmax.f32 v7, v56;
	v17 =	vmax.f32 v17, v26  }
0x1c7: {  	v31 =	vmax.f32 v7, v51;
	v17 =	vmax.f32 v17, v28;
	v7 =	vmax.f32 v11, v0;
	v0 =	vld [tilespmem:$0x1FBA0]  }
0x1c8: {  	v17 =	vmax.f32 v17, v44  }
0x1c9: {  	v17 =	vmax.f32 v17, v40  }
0x1ca: {  	v17 =	vmax.f32 v17, v38  }
0x1cb: {  	v17 =	vmax.f32 v17, v33  }
0x1cc: {  	v11 =	vmax.f32 v17, v0;
	v0 =	vld [tilespmem:$0x1FBB0];
	_ =	sdelay $0x3  }
0x1cd: {  	v18 =	vmax.f32 v18, v4  }
0x1ce: {  	v17 =	vmax.f32 v18, v0;
	v0 =	vld [tilespmem:$0x1FBC0];
	_ =	sdelay $0x4  }
0x1cf: {  	v18 =	vmax.f32 v7, v0;
	v0 =	vld [tilespmem:$0x1FBD0];
	_ =	sdelay $0x4  }
0x1d0: {  	v11 =	vmax.f32 v11, v0;
	v0 =	vld [tilespmem:$0x1FBE0];
	_ =	sdelay $0x2  }
0x1d1: {  	v5 =	vmax.f32 v5, v57  }
0x1d2: {  	v5 =	vmax.f32 v5, v52  }
0x1d3: {  	v28 =	vmax.f32 v5, v49;
	v5 =	vmax.f32 v18, v0;
	v0 =	vld [tilespmem:$0x1FBF0];
	_ =	sdelay $0x4  }
0x1d4: {  	v18 =	vmax.f32 v11, v0;
	v0 =	vld [tilespmem:$0x1FC00];
	_ =	sdelay $0x4  }
0x1d5: {  	v5 =	vmax.f32 v5, v0;
	v0 =	vld [tilespmem:$0x1FC10];
	_ =	sdelay $0x4  }
0x1d6: {  	v18 =	vmax.f32 v18, v0;
	v0 =	vld [tilespmem:$0x1FC20];
	_ =	sdelay $0x4  }
0x1d7: {  	v17 =	vmax.f32 v17, v0;
	v0 =	vld [tilespmem:$0x1FC30];
	_ =	sdelay $0x4  }
0x1d8: {  	v5 =	vmax.f32 v5, v0;
	v0 =	vld [tilespmem:$0x1FC40]  }
0x1d9: {  	v14 =	vld [tilespmem:s22+$0xAC70]  }
0x1da: {  	v3 =	vld [tilespmem:s22+$0xAC60]  }
0x1db: {  	v59 =	vld [tilespmem:s22+$0xAA20]  }
0x1dc: {  	v20 =	vld [tilespmem:s22+$0xA910]  }
0x1dd: {  	v18 =	vmax.f32 v18, v0;
	v0 =	vld [tilespmem:$0x1FC50]  }
0x1de: {  	v62 =	vld [tilespmem:s22+$0xAA30]  }
0x1df: {  	v57 =	vld [tilespmem:s22+$0xA980]  }
0x1e0: {  	v4 =	vld [tilespmem:s22+$0xA990]  }
0x1e1: {  	v5 =	vmax.f32 v5, v3;
	v3 =	vld [tilespmem:$0x1FDC0]  }
0x1e2: {  	v18 =	vmax.f32 v18, v0;
	v0 =	vld [tilespmem:$0x1FDB0]  }
0x1e3: {  	v7 =	vld [tilespmem:s22+$0xAA00]  }
0x1e4: {  	v11 =	vmax.f32 v31, v47;
	v31 =	vld [tilespmem:s22+$0xAA10]  }
0x1e5: {  	v26 =	vld [tilespmem:s22+$0xA9A0]  }
0x1e6: {  	v56 =	vld [tilespmem:s22+$0xA900]  }
0x1e7: {  	v14 =	vmax.f32 v5, v14;
	v5 =	vld [tilespmem:s22+$0xAA40];
	v61 =	vmax.f32 v0, v3  }
0x1e8: {  	v23 =	vld [tilespmem:s22+$0xA920];
	v30 =	vmax.f32 v30, v57;
	v63 =	vmax.f32 v45, v7;
	v0 =	vsel vm9, v61, v0  }
0x1e9: {  	v21 =	vld [tilespmem:s22+$0xA930];
	[tilespmem:$0x1FC60] =	vst v0;
	v0 =	vmax.f32 v30, v4;
	v30 =	vmax.f32 v63, v31  }
0x1ea: {  	v22 =	vld [tilespmem:s22+$0xA940];
	v26 =	vmax.f32 v0, v26;
	v0 =	vmax.f32 v30, v59  }
0x1eb: {  	v6 =	vld [tilespmem:s22+$0xA950];
	v29 =	vmax.f32 v29, v56;
	v0 =	vmax.f32 v0, v62  }
0x1ec: {  	v29 =	vmax.f32 v29, v20;
	v5 =	vmax.f32 v0, v5;
	v0 =	vld [tilespmem:$0x1FC70]  }
0x1ed: {  	v29 =	vmax.f32 v29, v23  }
0x1ee: {  	v24 =	vld [tilespmem:s22+$0xA9B0];
	v21 =	vmax.f32 v29, v21  }
0x1ef: {  	v46 =	vld [tilespmem:s22+$0xA9C0];
	v21 =	vmax.f32 v21, v22  }
0x1f0: {  	v27 =	vld [tilespmem:s22+$0xA9D0];
	v21 =	vmax.f32 v21, v6  }
0x1f1: {  	v21 =	vmax.f32 v21, v0;
	v0 =	vld [tilespmem:$0x1FC80];
	_ =	sdelay $0x1  }
0x1f2: {  	v26 =	vmax.f32 v26, v24  }
0x1f3: {  	v22 =	vmax.f32 v26, v46  }
0x1f4: {  	v25 =	vld [tilespmem:s22+$0xAA50];
	v22 =	vmax.f32 v22, v27  }
0x1f5: {  	v22 =	vmax.f32 v22, v0;
	v0 =	vld [tilespmem:$0x1FC90];
	_ =	sdelay $0x3  }
0x1f6: {  	v5 =	vmax.f32 v5, v25  }
0x1f7: {  	v25 =	vmax.f32 v5, v0;
	v0 =	vld [tilespmem:$0x1FCA0];
	_ =	sdelay $0x4  }
0x1f8: {  	v21 =	vmax.f32 v21, v0;
	v0 =	vld [tilespmem:$0x1FCB0];
	_ =	sdelay $0x4  }
0x1f9: {  	v22 =	vmax.f32 v22, v0;
	v0 =	vld [tilespmem:$0x1FCC0];
	_ =	sdelay $0x4  }
0x1fa: {  	v25 =	vmax.f32 v25, v0;
	v0 =	vld [tilespmem:$0x1FCD0];
	_ =	sdelay $0x4  }
0x1fb: {  	v21 =	vmax.f32 v21, v0;
	v0 =	vld [tilespmem:$0x1FCE0]  }
0x1fc: {  	v15 =	vld [tilespmem:s22+$0xACF0]  }
0x1fd: {  	v1 =	vld [tilespmem:s22+$0xAD70]  }
0x1fe: {  	v2 =	vld [tilespmem:s22+$0xADF0]  }
0x1ff: {  	v54 =	vld [tilespmem:s22+$0xAE70]  }
0x200: {  	v22 =	vmax.f32 v22, v0;
	v0 =	vld [tilespmem:$0x1FCF0]  }
0x201: {  	v35 =	vld [tilespmem:s22+$0xAEF0]  }
0x202: {  	v34 =	vld [tilespmem:s22+$0xAF70]  }
0x203: {  	v60 =	vld [tilespmem:s22+$0xAD60]  }
0x204: {  	v41 =	vld [tilespmem:s22+$0xAEE0]  }
0x205: {  	v25 =	vmax.f32 v25, v0;
	v0 =	vld [tilespmem:$0x1FD00]  }
0x206: {  	v12 =	vld [tilespmem:s22+$0xAF60]  }
0x207: {  	v13 =	vld [tilespmem:s22+$0xAED0]  }
0x208: {  	v42 =	vld [tilespmem:s22+$0xAF50]  }
0x209: {  	v8 =	vld [tilespmem:s22+$0xAD40]  }
0x20a: {  	v21 =	vmax.f32 v21, v0;
	v0 =	vld [tilespmem:$0x1FD10]  }
0x20b: {  	v9 =	vld [tilespmem:s22+$0xADC0]  }
0x20c: {  	v10 =	vld [tilespmem:s22+$0xAE40]  }
0x20d: {  	v43 =	vld [tilespmem:s22+$0xAEC0]  }
0x20e: {  	v48 =	vld [tilespmem:s22+$0xAF40]  }
0x20f: {  	v22 =	vmax.f32 v22, v0;
	v0 =	vld [tilespmem:$0x1FD20]  }
0x210: {  	v16 =	vld [tilespmem:s22+$0xAD30]  }
0x211: {  	v50 =	vld [tilespmem:s22+$0xAEB0]  }
0x212: {  	v53 =	vld [tilespmem:s22+$0xAF30]  }
0x213: {  	v55 =	vld [tilespmem:s22+$0xAEA0]  }
0x214: {  	v25 =	vmax.f32 v25, v0;
	v0 =	vld [tilespmem:$0x1FD30]  }
0x215: {  	v58 =	vld [tilespmem:s22+$0xAF20]  }
0x216: {  	v32 =	vld [tilespmem:s22+$0xAB10]  }
0x217: {  	v19 =	vld [tilespmem:s22+$0xAAD0]  }
0x218: {  	v20 =	vld [tilespmem:s22+$0xAAC0]  }
0x219: {  	v21 =	vmax.f32 v21, v0;
	v0 =	vld [tilespmem:$0x1FD40]  }
0x21a: {  	v23 =	vld [tilespmem:s22+$0xAB40]  }
0x21b: {  	v29 =	vld [tilespmem:s22+$0xAB30]  }
0x21c: {  	v33 =	vld [tilespmem:s22+$0xAA80]  }
0x21d: {  	v15 =	vmax.f32 v18, v15;
	v18 =	vld [tilespmem:s22+$0xAB50]  }
0x21e: {  	v22 =	vmax.f32 v22, v0;
	v0 =	vld [tilespmem:$0x1FD50]  }
0x21f: {  	v31 =	vld [tilespmem:s22+$0xAAA0]  }
0x220: {  	v30 =	vld [tilespmem:s22+$0xAA90]  }
0x221: {  	v24 =	vld [tilespmem:s22+$0xAAB0]  }
0x222: {  	v26 =	vld [tilespmem:s22+$0xAB00]  }
0x223: {  	s23 =	simm.s32 $0x2000;
	v5 =	vld [tilespmem:s22+$0xAB20];
	v25 =	vmax.f32 v25, v0  }
.LBB2_6:
0x224: {  	v0 =	vld [tilespmem:$0x1FA20];
	_ =	sdelay $0x4  }
0x225: {  	[tilespmem:$0x1F8E0] =	vst v15;
	v15 =	vmax.f32 v22, v0;
	v0 =	vld [tilespmem:$0x1FA30];
	_ =	sdelay $0x4  }
0x226: {  	[tilespmem:$0x1F8D0] =	vst v14;
	v14 =	vmax.f32 v21, v16;
	v16 =	vmax.f32 v25, v0;
	v0 =	vld [tilespmem:$0x1F9F0];
	_ =	sdelay $0x3  }
0x227: {  	v8 =	vmax.f32 v14, v8  }
0x228: {  	v8 =	vmax.f32 v8, v0;
	v0 =	vld [tilespmem:$0x1FA00]  }
0x229: {  	v4 =	vld [tilespmem:$0x1F9D0];
	_ =	sdelay $0x2  }
0x22a: {  	v9 =	vmax.f32 v15, v9  }
0x22b: {  	v3 =	vld [tilespmem:$0x1FA10];
	v0 =	vmax.f32 v9, v0  }
0x22c: {  	v0 =	vmax.f32 v0, v4;
	v4 =	vld [tilespmem:$0x1F9E0];
	_ =	sdelay $0x2  }
0x22d: {  	v10 =	vmax.f32 v16, v10  }
0x22e: {  	v3 =	vmax.f32 v10, v3  }
0x22f: {  	v8 =	vmax.f32 v8, v60;
	v0 =	vmax.f32 v0, v2;
	v3 =	vmax.f32 v3, v4  }
0x230: {  	v1 =	vmax.f32 v8, v1;
	[tilespmem:$0x1F910] =	vst v0;
	v0 =	vmax.f32 v3, v54;
	v3 =	vmax.f32 v28, v33  }
0x231: {  	[tilespmem:$0x1F900] =	vst v1;
	v1 =	vld [tilespmem:$0x1FAA0];
	v3 =	vmax.f32 v3, v30  }
0x232: {  	v4 =	vld [tilespmem:$0x1FA80];
	v3 =	vmax.f32 v3, v31  }
0x233: {  	v27 =	vld [tilespmem:s22+$0xAB80];
	v3 =	vmax.f32 v3, v24  }
0x234: {  	v6 =	vld [tilespmem:$0x1FA40];
	v3 =	vmax.f32 v3, v20  }
0x235: {  	v7 =	vmax.f32 v11, v26;
	v11 =	vld [tilespmem:s22+$0xABD0];
	v3 =	vmax.f32 v3, v19  }
0x236: {  	v7 =	vmax.f32 v7, v32;
	v2 =	vmax.f32 v3, v1;
	v1 =	vld [tilespmem:$0x1FAB0]  }
0x237: {  	v5 =	vmax.f32 v7, v5;
	v2 =	vmax.f32 v2, v4;
	v4 =	vld [tilespmem:$0x1FA90]  }
0x238: {  	v14 =	vld [tilespmem:s22+$0xAB90];
	v5 =	vmax.f32 v5, v29  }
0x239: {  	v5 =	vmax.f32 v5, v23;
	v9 =	vld [tilespmem:s22+$0xABA0]  }
0x23a: {  	v5 =	vmax.f32 v5, v18;
	v10 =	vld [tilespmem:s22+$0xABB0]  }
0x23b: {  	[tilespmem:$0x1F920] =	vst v0;
	v0 =	vld [tilespmem:s22+$0xABC0];
	v1 =	vmax.f32 v5, v1  }
0x23c: {  	v8 =	vmax.f32 v17, v27;
	v1 =	vmax.f32 v1, v4;
	v4 =	vld [tilespmem:$0x1FA60]  }
0x23d: {  	v8 =	vmax.f32 v8, v14;
	v14 =	vld [tilespmem:s22+$0xABE0]  }
0x23e: {  	v7 =	vmax.f32 v8, v9;
	v8 =	vld [tilespmem:s22+$0xABF0]  }
0x23f: {  	v9 =	vld [tilespmem:s22+$0xAF80];
	v7 =	vmax.f32 v7, v10  }
0x240: {  	v0 =	vmax.f32 v7, v0;
	v7 =	vld [tilespmem:s22+$0xAF90]  }
0x241: {  	v2 =	vmax.f32 v2, v4;
	v4 =	vld [tilespmem:$0x1FA70]  }
0x242: {  	v2 =	vmax.f32 v2, v6;
	v6 =	vld [tilespmem:$0x1FA50]  }
0x243: {  	v10 =	vld [tilespmem:s22+$0xAFA0];
	v0 =	vmax.f32 v0, v11  }
0x244: {  	v3 =	vld [tilespmem:s22+$0xAFB0];
	v0 =	vmax.f32 v0, v14  }
0x245: {  	v0 =	vmax.f32 v0, v8;
	v5 =	vld [tilespmem:s22+$0xAFC0]  }
0x246: {  	v0 =	vmax.f32 v0, v9;
	v1 =	vmax.f32 v1, v4;
	v4 =	vld [tilespmem:s22+$0xAFD0]  }
0x247: {  	v0 =	vmax.f32 v0, v7;
	v1 =	vmax.f32 v1, v6;
	v6 =	vld [tilespmem:s22+$0xAFE0]  }
0x248: {  	v8 =	vld [tilespmem:s22+$0xAFF0];
	v0 =	vmax.f32 v0, v10  }
0x249: {  	v0 =	vmax.f32 v0, v3  }
0x24a: {  	v0 =	vmax.f32 v0, v5  }
0x24b: {  	v0 =	vmax.f32 v0, v4  }
0x24c: {  	s22 =	sshra.s32 s23, $0x2;
	v0 =	vmax.f32 v0, v6  }
0x24d: {  	v17 =	vmax.f32 v0, v8;
	v0 =	vld [tilespmem:s22+$0xAEF0];
	_ =	sdelay $0x4  }
0x24e: {  	[tilespmem:$0x1F930] =	vst v0;
	v0 =	vld [tilespmem:s22+$0xADE0];
	_ =	sdelay $0x4  }
0x24f: {  	[tilespmem:$0x1F9D0] =	vst v0;
	v0 =	vld [tilespmem:s22+$0xAE60];
	_ =	sdelay $0x4  }
0x250: {  	[tilespmem:$0x1F9E0] =	vst v0;
	v0 =	vld [tilespmem:s22+$0xAD50];
	_ =	sdelay $0x4  }
0x251: {  	[tilespmem:$0x1F9F0] =	vst v0;
	v0 =	vld [tilespmem:s22+$0xADD0];
	_ =	sdelay $0x4  }
0x252: {  	[tilespmem:$0x1FA00] =	vst v0;
	v0 =	vld [tilespmem:s22+$0xAE50];
	_ =	sdelay $0x4  }
0x253: {  	[tilespmem:$0x1FA10] =	vst v0;
	v0 =	vld [tilespmem:s22+$0xAD40];
	_ =	sdelay $0x4  }
0x254: {  	[tilespmem:$0x1F950] =	vst v0;
	v0 =	vld [tilespmem:s22+$0xADC0];
	_ =	sdelay $0x3  }
0x255: {  	v10 =	vld [tilespmem:$0x1F8D0]  }
0x256: {  	[tilespmem:$0x1F960] =	vst v0;
	v0 =	vld [tilespmem:s22+$0xAE40]  }
0x257: {  	v7 =	vld [tilespmem:s22+$0xAC70]  }
0x258: {  	v22 =	vld [tilespmem:s22+$0xACF0]  }
0x259: {  	v18 =	vld [tilespmem:s22+$0xAD70]  }
0x25a: {  	v15 =	vld [tilespmem:s22+$0xADF0]  }
0x25b: {  	[tilespmem:$0x1F940] =	vst v0;
	v0 =	vld [tilespmem:s22+$0xADB0]  }
0x25c: {  	v3 =	vld [tilespmem:s22+$0xAE70]  }
0x25d: {  	v21 =	vld [tilespmem:s22+$0xAF70]  }
0x25e: {  	v20 =	vld [tilespmem:s22+$0xAC60]  }
0x25f: {  	v24 =	vld [tilespmem:s22+$0xACE0]  }
0x260: {  	[tilespmem:$0x1FA20] =	vst v0;
	v0 =	vld [tilespmem:s22+$0xAE30]  }
0x261: {  	v36 =	vld [tilespmem:s22+$0xAD60]  }
0x262: {  	v14 =	vld [tilespmem:s22+$0xAEE0]  }
0x263: {  	v2 =	vmax.f32 v2, v55;
	v29 =	vld [tilespmem:s22+$0xAC50]  }
0x264: {  	v2 =	vmax.f32 v2, v50;
	v32 =	vld [tilespmem:s22+$0xACD0]  }
0x265: {  	v2 =	vmax.f32 v2, v43;
	[tilespmem:$0x1FA30] =	vst v0;
	v0 =	vld [tilespmem:s22+$0xAD20]  }
0x266: {  	v2 =	vmax.f32 v2, v13;
	v13 =	vld [tilespmem:s22+$0xAED0]  }
0x267: {  	v23 =	vld [tilespmem:s22+$0xAF50]  }
0x268: {  	v38 =	vld [tilespmem:s22+$0xAC40]  }
0x269: {  	v44 =	vld [tilespmem:s22+$0xACC0]  }
0x26a: {  	[tilespmem:$0x1F990] =	vst v0;
	v0 =	vld [tilespmem:s22+$0xADA0]  }
0x26b: {  	v37 =	vld [tilespmem:s22+$0xAEC0]  }
0x26c: {  	v49 =	vld [tilespmem:s22+$0xAC30]  }
0x26d: {  	v51 =	vld [tilespmem:s22+$0xACB0]  }
0x26e: {  	v16 =	vld [tilespmem:s22+$0xAD30]  }
0x26f: {  	[tilespmem:$0x1F9A0] =	vst v0;
	v0 =	vld [tilespmem:s22+$0xAE20]  }
0x270: {  	v27 =	vld [tilespmem:s22+$0xAF30]  }
0x271: {  	v59 =	vld [tilespmem:s22+$0xAC20]  }
0x272: {  	v61 =	vld [tilespmem:s22+$0xACA0]  }
0x273: {  	v25 =	vld [tilespmem:s22+$0xAEA0]  }
0x274: {  	[tilespmem:$0x1F9B0] =	vst v0;
	v0 =	vld [tilespmem:s22+$0xAD10]  }
0x275: {  	v28 =	vld [tilespmem:s22+$0xAF20]  }
0x276: {  	v31 =	vld [tilespmem:s22+$0xAC10]  }
0x277: {  	v33 =	vld [tilespmem:s22+$0xAD90]  }
0x278: {  	v26 =	vld [tilespmem:s22+$0xAE10]  }
0x279: {  	[tilespmem:$0x1F980] =	vst v0;
	v0 =	vld [tilespmem:s22+$0xAE90]  }
0x27a: {  	v39 =	vld [tilespmem:s22+$0xAC80]  }
0x27b: {  	v45 =	vld [tilespmem:s22+$0xAD00]  }
0x27c: {  	v46 =	vld [tilespmem:s22+$0xAD80]  }
0x27d: {  	v47 =	vld [tilespmem:s22+$0xAE00]  }
0x27e: {  	[tilespmem:$0x1FA40] =	vst v0;
	v0 =	vld [tilespmem:s22+$0xAF10]  }
0x27f: {  	v40 =	vld [tilespmem:s22+$0xA870]  }
0x280: {  	v2 =	vmax.f32 v2, v41;
	v41 =	vld [tilespmem:s22+$0xA8F0]  }
0x281: {  	v52 =	vld [tilespmem:s22+$0xA970]  }
0x282: {  	v56 =	vld [tilespmem:s22+$0xA9F0]  }
0x283: {  	[tilespmem:$0x1FA50] =	vst v0;
	v0 =	vld [tilespmem:s22+$0xAE80]  }
0x284: {  	v57 =	vld [tilespmem:s22+$0xAA70]  }
0x285: {  	v43 =	vld [tilespmem:s22+$0xA8E0]  }
0x286: {  	v62 =	vld [tilespmem:s22+$0xA960]  }
0x287: {  	v5 =	vld [tilespmem:s22+$0xA9E0]  }
0x288: {  	[tilespmem:$0x1FA60] =	vst v0;
	v0 =	vld [tilespmem:s22+$0xAF00]  }
0x289: {  	v30 =	vld [tilespmem:s22+$0xAA60]  }
0x28a: {  	v50 =	vld [tilespmem:s22+$0xA8D0]  }
0x28b: {  	v54 =	vld [tilespmem:s22+$0xA9D0]  }
0x28c: {  	v55 =	vld [tilespmem:s22+$0xAA50]  }
0x28d: {  	[tilespmem:$0x1FA70] =	vst v0;
	v0 =	vld [tilespmem:s22+$0xAAF0]  }
0x28e: {  	v1 =	vmax.f32 v1, v58;
	v58 =	vld [tilespmem:s22+$0xA840]  }
0x28f: {  	v60 =	vld [tilespmem:s22+$0xA830]  }
0x290: {  	v63 =	vld [tilespmem:s22+$0xA820]  }
0x291: {  	v19 =	vld [tilespmem:s22+$0xA800]  }
0x292: {  	[tilespmem:$0x1FA80] =	vst v0;
	v0 =	vld [tilespmem:s22+$0xAB70]  }
0x293: {  	v9 =	vld [tilespmem:s22+$0xA8C0]  }
0x294: {  	v1 =	vmax.f32 v1, v53;
	v53 =	vld [tilespmem:s22+$0xA950]  }
0x295: {  	v1 =	vmax.f32 v1, v48;
	v48 =	vld [tilespmem:s22+$0xA850]  }
0x296: {  	v4 =	vld [tilespmem:s22+$0xA8A0]  }
0x297: {  	[tilespmem:$0x1FA90] =	vst v0;
	v0 =	vld [tilespmem:s22+$0xAAE0]  }
0x298: {  	[tilespmem:$0x1F970] =	vst v3;
	v3 =	vld [tilespmem:s22+$0xA880]  }
0x299: {  	v10 =	vmax.f32 v10, v19;
	v19 =	vld [tilespmem:$0x1F8E0]  }
0x29a: {  	v6 =	vld [tilespmem:s22+$0xA890]  }
0x29b: {  	v8 =	vld [tilespmem:s22+$0xA8B0]  }
0x29c: {  	[tilespmem:$0x1FAA0] =	vst v0;
	v0 =	vld [tilespmem:s22+$0xAB60]  }
0x29d: {  	v1 =	vmax.f32 v1, v42;
	v42 =	vld [tilespmem:s22+$0xA860]  }
0x29e: {  	v1 =	vmax.f32 v1, v12;
	v12 =	vld [tilespmem:s22+$0xAF60];
	v3 =	vmax.f32 v19, v3  }
0x29f: {  	[tilespmem:$0x1F8F0] =	vst v7;
	v7 =	vmax.f32 v2, v35;
	v2 =	vld [tilespmem:s22+$0xAF40];
	v3 =	vmax.f32 v3, v6  }
0x2a0: {  	v11 =	vmax.f32 v1, v34;
	v1 =	vld [tilespmem:s22+$0xAEB0];
	v3 =	vmax.f32 v3, v4  }
0x2a1: {  	v3 =	vmax.f32 v3, v8;
	[tilespmem:$0x1FAB0] =	vst v0;
	v0 =	vld [tilespmem:s22+$0xA810]  }
0x2a2: {  	v34 =	vld [tilespmem:s22+$0xAC90];
	v3 =	vmax.f32 v3, v9  }
0x2a3: {  	v35 =	vld [tilespmem:s22+$0xAC00];
	v3 =	vmax.f32 v3, v50  }
0x2a4: {  	v19 =	vld [tilespmem:s22+$0xAAD0];
	v3 =	vmax.f32 v3, v43  }
0x2a5: {  	v6 =	vld [tilespmem:s22+$0xA940];
	v3 =	vmax.f32 v3, v41  }
0x2a6: {  	v4 =	vld [tilespmem:s22+$0xA9C0];
	v3 =	vmax.f32 v3, v39;
	v0 =	vmax.f32 v10, v0  }
0x2a7: {  	v8 =	vld [tilespmem:s22+$0xA930];
	v3 =	vmax.f32 v3, v34;
	v0 =	vmax.f32 v0, v63  }
0x2a8: {  	v9 =	vld [tilespmem:s22+$0xA9B0];
	v3 =	vmax.f32 v3, v61;
	v0 =	vmax.f32 v0, v60  }
0x2a9: {  	v50 =	vmovc v1;
	v1 =	vmov v18;
	v18 =	vld [tilespmem:s22+$0xAB50];
	v3 =	vmax.f32 v3, v51;
	v0 =	vmax.f32 v0, v58  }
0x2aa: {  	v61 =	vld [tilespmem:s22+$0xAA00];
	v3 =	vmax.f32 v3, v44;
	v0 =	vmax.f32 v0, v48  }
0x2ab: {  	v3 =	vmax.f32 v3, v32;
	v32 =	vld [tilespmem:s22+$0xAB10];
	v0 =	vmax.f32 v0, v42  }
0x2ac: {  	v3 =	vmax.f32 v3, v24;
	v58 =	vmovc v28;
	v28 =	vmov v7;
	v7 =	vld [tilespmem:$0x1F8F0];
	v0 =	vmax.f32 v0, v40  }
0x2ad: {  	v48 =	vmovc v2;
	v2 =	vmov v15;
	v15 =	vmax.f32 v3, v22;
	v3 =	vld [tilespmem:$0x1F900];
	v0 =	vmax.f32 v0, v35  }
0x2ae: {  	v0 =	vmax.f32 v0, v31;
	v31 =	vld [tilespmem:s22+$0xA900]  }
0x2af: {  	v40 =	vld [tilespmem:s22+$0xA910];
	v0 =	vmax.f32 v0, v59  }
0x2b0: {  	v10 =	vld [tilespmem:s22+$0xA920];
	v0 =	vmax.f32 v0, v49  }
0x2b1: {  	v24 =	vld [tilespmem:s22+$0xAA30];
	v0 =	vmax.f32 v0, v38  }
0x2b2: {  	v63 =	vld [tilespmem:s22+$0xAA10];
	v0 =	vmax.f32 v0, v29  }
0x2b3: {  	v59 =	vld [tilespmem:s22+$0xA980];
	v0 =	vmax.f32 v0, v20;
	v3 =	vmax.f32 v3, v31  }
0x2b4: {  	v41 =	vmov v14;
	v14 =	vmax.f32 v0, v7;
	v7 =	vld [tilespmem:$0x1F910];
	v3 =	vmax.f32 v3, v40  }
0x2b5: {  	v42 =	vld [tilespmem:s22+$0xA9A0];
	v3 =	vmax.f32 v3, v10  }
0x2b6: {  	v35 =	vld [tilespmem:s22+$0xA990];
	v3 =	vmax.f32 v3, v8  }
0x2b7: {  	v3 =	vmax.f32 v3, v6;
	v6 =	vld [tilespmem:$0x1F980]  }
0x2b8: {  	v29 =	vld [tilespmem:s22+$0xAA20];
	v3 =	vmax.f32 v3, v53  }
0x2b9: {  	v20 =	vmax.f32 v7, v59;
	v7 =	vld [tilespmem:$0x1F920];
	v3 =	vmax.f32 v3, v62  }
0x2ba: {  	v31 =	vld [tilespmem:s22+$0xAAA0];
	v3 =	vmax.f32 v3, v52  }
0x2bb: {  	v0 =	vld [tilespmem:s22+$0xAA40];
	v3 =	vmax.f32 v3, v45  }
0x2bc: {  	v3 =	vmax.f32 v3, v6;
	v6 =	vld [tilespmem:$0x1F990]  }
0x2bd: {  	v22 =	vmax.f32 v20, v35;
	v35 =	vld [tilespmem:$0x1F930]  }
0x2be: {  	v34 =	vmov v21;
	v20 =	vld [tilespmem:s22+$0xAAC0];
	v10 =	vmax.f32 v22, v42;
	v21 =	vmax.f32 v7, v61  }
0x2bf: {  	v42 =	vmov v23;
	v23 =	vld [tilespmem:s22+$0xAB40];
	v8 =	vmax.f32 v10, v9;
	v21 =	vmax.f32 v21, v63  }
0x2c0: {  	v10 =	vld [tilespmem:$0x1F940];
	v4 =	vmax.f32 v8, v4;
	v21 =	vmax.f32 v21, v29  }
0x2c1: {  	v4 =	vmax.f32 v4, v54;
	v9 =	vmax.f32 v21, v24;
	v21 =	vmax.f32 v3, v6;
	v3 =	vld [tilespmem:$0x1F9A0]  }
0x2c2: {  	v8 =	vld [tilespmem:$0x1F950];
	v4 =	vmax.f32 v4, v5  }
0x2c3: {  	v54 =	vld [tilespmem:$0x1F970];
	v4 =	vmax.f32 v4, v56  }
0x2c4: {  	v5 =	vld [tilespmem:s22+$0xAB20];
	v4 =	vmax.f32 v4, v46  }
0x2c5: {  	v29 =	vld [tilespmem:s22+$0xAB30];
	v0 =	vmax.f32 v9, v0;
	v4 =	vmax.f32 v4, v33  }
0x2c6: {  	p0 =	sne.s32 s23, $0x28000;
	v0 =	vmax.f32 v0, v55;
	v22 =	vmax.f32 v4, v3;
	v3 =	vld [tilespmem:$0x1F9B0]  }
.Ltmp1:
0x2c7: {  	v24 =	vld [tilespmem:s22+$0xAAB0];
	v0 =	vmax.f32 v0, v30;
	(pc) =	sbr.rel @p0 .LBB2_6-.Ltmp1, $4  }
0x2c8: {  	v9 =	vld [tilespmem:$0x1F960];
	v0 =	vmax.f32 v0, v57  }
0x2c9: {  	v33 =	vld [tilespmem:s22+$0xAA80];
	v0 =	vmax.f32 v0, v47  }
0x2ca: {  	v30 =	vld [tilespmem:s22+$0xAA90];
	v0 =	vmax.f32 v0, v26  }
0x2cb: {  	s23 =	sadd.s32 $0x2000, s23;
	v43 =	vmovc v37;
	v60 =	vmovc v36;
	v53 =	vmov v27;
	v55 =	vmov v25;
	v26 =	vld [tilespmem:s22+$0xAB00];
	v25 =	vmax.f32 v0, v3  }
0x2cc: {  	v7 =	vld [tilespmem:$0x1F9F0];
	_ =	sdelay $0x2  }
0x2cd: {  	v0 =	vmax.f32 v21, v16;
	v3 =	vld [tilespmem:$0x1FA20]  }
0x2ce: {  	v0 =	vmax.f32 v0, v8  }
0x2cf: {  	v0 =	vmax.f32 v0, v7;
	v7 =	vld [tilespmem:$0x1FA00];
	_ =	sdelay $0x2  }
0x2d0: {  	v4 =	vld [tilespmem:$0x1FA30];
	v3 =	vmax.f32 v22, v3  }
0x2d1: {  	v3 =	vmax.f32 v3, v9  }
0x2d2: {  	v3 =	vmax.f32 v3, v7;
	v7 =	vld [tilespmem:$0x1FA10];
	_ =	sdelay $0x2  }
0x2d3: {  	v4 =	vmax.f32 v25, v4  }
0x2d4: {  	v4 =	vmax.f32 v4, v10  }
0x2d5: {  	v4 =	vmax.f32 v4, v7;
	v7 =	vld [tilespmem:$0x1F9D0];
	_ =	sdelay $0x2  }
0x2d6: {  	v6 =	vld [tilespmem:s22+$0xAB80]  }
0x2d7: {  	v8 =	vld [tilespmem:s22+$0xAB90]  }
0x2d8: {  	v3 =	vmax.f32 v3, v7;
	v7 =	vld [tilespmem:$0x1F9E0]  }
0x2d9: {  	v59 =	vld [tilespmem:s22+$0xABC0]  }
0x2da: {  	v62 =	vld [tilespmem:$0x1FAB0]  }
0x2db: {  	v6 =	vmax.f32 v17, v6;
	v9 =	vld [tilespmem:s22+$0xABA0]  }
0x2dc: {  	v0 =	vmax.f32 v0, v60;
	v10 =	vld [tilespmem:s22+$0xABB0];
	v38 =	vmax.f32 v3, v2;
	v3 =	vmax.f32 v28, v33  }
0x2dd: {  	v6 =	vmax.f32 v6, v8;
	v60 =	vld [tilespmem:$0x1FAA0];
	v3 =	vmax.f32 v3, v30;
	v4 =	vmax.f32 v4, v7  }
0x2de: {  	v3 =	vmax.f32 v3, v31;
	v7 =	vld [tilespmem:s22+$0xABD0];
	v37 =	vmax.f32 v4, v54;
	v4 =	vmax.f32 v11, v26  }
0x2df: {  	v8 =	vld [tilespmem:s22+$0xABE0];
	v39 =	vmax.f32 v0, v1;
	v3 =	vmax.f32 v3, v24;
	v4 =	vmax.f32 v4, v32  }
0x2e0: {  	v3 =	vmax.f32 v3, v20;
	v4 =	vmax.f32 v4, v5;
	v5 =	vmax.f32 v6, v9;
	v6 =	vld [tilespmem:s22+$0xABF0]  }
0x2e1: {  	v3 =	vmax.f32 v3, v19;
	v4 =	vmax.f32 v4, v29;
	v5 =	vmax.f32 v5, v10  }
0x2e2: {  	v61 =	vmax.f32 v3, v60;
	v3 =	vld [tilespmem:s22+$0xAFB0];
	v4 =	vmax.f32 v4, v23;
	v0 =	vmax.f32 v5, v59  }
0x2e3: {  	v9 =	vld [tilespmem:s22+$0xAF80];
	v4 =	vmax.f32 v4, v18;
	v0 =	vmax.f32 v0, v7  }
0x2e4: {  	v1 =	vmax.f32 v4, v62;
	v0 =	vmax.f32 v0, v8;
	v4 =	vld [tilespmem:$0x1FA80]  }
0x2e5: {  	v0 =	vmax.f32 v0, v6;
	v6 =	vld [tilespmem:$0x1FA60]  }
0x2e6: {  	v8 =	vld [tilespmem:$0x1FA40]  }
0x2e7: {  	v5 =	vld [tilespmem:s22+$0xAF90]  }
0x2e8: {  	v7 =	vld [tilespmem:s22+$0xAFA0]  }
0x2e9: {  	v2 =	vmax.f32 v61, v4;
	v4 =	vld [tilespmem:$0x1FA90]  }
0x2ea: {  	v2 =	vmax.f32 v2, v6;
	v6 =	vld [tilespmem:$0x1FA70]  }
0x2eb: {  	v2 =	vmax.f32 v2, v8;
	v8 =	vld [tilespmem:$0x1FA50]  }
0x2ec: {  	v63 =	vld [tilespmem:$0x1F9C0];
	v0 =	vmax.f32 v0, v9  }
0x2ed: {  	v0 =	vmax.f32 v0, v5;
	v5 =	vld [tilespmem:s22+$0xAFE0]  }
0x2ee: {  	v1 =	vmax.f32 v1, v4;
	v4 =	vld [tilespmem:s22+$0xAFC0]  }
0x2ef: {  	v0 =	vmax.f32 v0, v7;
	v2 =	vmax.f32 v2, v55;
	v1 =	vmax.f32 v1, v6;
	v6 =	vld [tilespmem:s22+$0xAFD0]  }
0x2f0: {  	s21 =	sadd.s32 $0x1, s21;
	v0 =	vmax.f32 v0, v3;
	v3 =	vld [tilespmem:$0x1FC60];
	v2 =	vmax.f32 v2, v50;
	v1 =	vmax.f32 v1, v8  }
0x2f1: {  	p0 =	sne.s32 s21, $0x4;
	v7 =	vld [tilespmem:s22+$0xAFF0];
	v2 =	vmax.f32 v2, v43;
	v1 =	vmax.f32 v1, v58  }
.Ltmp2:
0x2f2: {  	v2 =	vmax.f32 v2, v13;
	v1 =	vmax.f32 v1, v53;
	(pc) =	sbr.rel @p0 .LBB2_3-.Ltmp2, $4  }
0x2f3: {  	v2 =	vmax.f32 v2, v41;
	v1 =	vmax.f32 v1, v48;
	v0 =	vmax.f32 v0, v4  }
0x2f4: {  	v61 =	vmax.f32 v2, v35;
	v1 =	vmax.f32 v1, v42;
	v0 =	vmax.f32 v0, v6  }
0x2f5: {  	v11 =	vmovc v14;
	v2 =	vmax.f32 v3, v63;
	v1 =	vmax.f32 v1, v12;
	v0 =	vmax.f32 v0, v5  }
0x2f6: {  	v8 =	vmovc v15;
	v5 =	vsel vm10, v2, v3;
	v59 =	vmax.f32 v1, v34;
	v46 =	vmax.f32 v0, v7  }
0x2f7: {  	(xrf0) =	vmax.scan.msk.f32 $0xffff, v11  }
0x2f8: {  	(xrf0) =	vmax.scan.msk.f32 $0xffff, v8  }
0x2f9: {  	(xrf0) =	vmax.scan.msk.f32 $0xffff, v39  }
0x2fa: {  	(xrf0) =	vmax.scan.msk.f32 $0xffff, v38  }
0x2fb: {  	(xrf0) =	vmax.scan.msk.f32 $0xffff, v37  }
0x2fc: {  	(xrf0) =	vmax.scan.msk.f32 $0xffff, v61  }
0x2fd: {  	v0, _, _ =	vpop (xrf0);
	(xrf0) =	vmax.scan.msk.f32 $0xffff, v59  }
0x2fe: {  	v0 =	vbroadcast v0, $0xF;
	v1, _, _ =	vpop (xrf0);
	(xrf0) =	vmax.scan.msk.f32 $0xffff, v46  }
0x2ff: {  	v2, _, _ =	vpop (xrf0);
	v1 =	vbroadcast v1, $0xF  }
0x300: {  	v63 =	vld [tilespmem:$0x1FFC0];
	v3, _, _ =	vpop (xrf0);
	v0 =	vnsel vm1, $0xFF800000, v0;
	v2 =	vbroadcast v2, $0xF  }
0x301: {  	v4, _, _ =	vpop (xrf0);
	v0 =	vsel vm2, v0, v1;
	v55 =	vbroadcast v3, $0xF  }
0x302: {  	v56, _, _ =	vpop (xrf0);
	v0 =	vsel vm3, v0, v2;
	v57 =	vbroadcast v4, $0xF  }
0x303: {  	s17 =	sadd.s32 $0x1, s17;
	v58, _, _ =	vpop (xrf0);
	v0 =	vsel vm4, v0, v55;
	v59 =	vbroadcast v56, $0xF  }
0x304: {  	p0 =	sne.s32 s17, $0x4;
	v0 =	vsel vm5, v0, v57;
	v60 =	vbroadcast v58, $0xF;
	v61, _, _ =	vpop (xrf0)  }
.Ltmp3:
0x305: {  	v0 =	vsel vm6, v0, v59;
	v62 =	vbroadcast v61, $0xF;
	(pc) =	sbr.rel @p0 .LBB2_2-.Ltmp3, $4  }
0x306: {  	v0 =	vsel vm7, v0, v60  }
0x307: {  	v0 =	vsel vm8, v0, v62  }
0x308: {  	[tilespmem:v63+s14+$0x0] =	vst.idx.msk $0xff, v0  }
0x309: {  	[tilespmem:v63+s15+$0x0] =	vst.idx.msk $0xff, v5  }
0x30a: {  	[hbm4b:s6+s3] =	stream.linear.scatter [tilespmem:s14], [sflag:$0x3], $0x20, $0x38;
	[tilespmem:$0x15180] =	vst v63  }
0x30b: {  	s16 =	sadd.s32 $0x1, s16;
	_ =	swait.ge [sflag:s10], $0x20  }
0x30c: {  	p0 =	sne.s32 s16, s8;
	[sflag:s10] =	ssyncset.done $0x0  }
.Ltmp4:
0x30d: {  	[sflag:s10] =	ssyncadd.s32 $0xFFFFFFE0;
	(pc) =	sbr.rel @p0 .LBB2_1-.Ltmp4, $4  }
0x30e: {  	[hbm4b:s7+s3] =	stream.linear.scatter [tilespmem:s15], [sflag:$0x3], $0x20, $0x38;
	[tilespmem:$0x15180] =	vst v63  }
0x30f: {  	_ =	swait.ge [sflag:s10], $0x20  }
0x310: {  	[sflag:s10] =	ssyncset.done $0x0  }
0x311: {  	[sflag:s10] =	ssyncadd.s32 $0xFFFFFFE0  }
0x312: {  	_ =	sfence.sel $0x180000  }
0x313: {  	[bflag:$0x0] =	sbarrier.arrive $0xFFFF  }
0x314: {  	p0 =	sne.s32 s2, $0x0;
	_ =	strace $0x90000047  }
0x315: {  	s0 =	sadd.s32 @!p0 $0x100000, s0;
	[bflag:$0x2] =	sbarrier.arrive $0xFFFF  }
0x316: {  	[sflag:s0] =	ssyncadd.tile.s32 @!p0 $0x1;
	_ =	shalt  }
.Lfunc_end2:
_tile_overlayer_lowered:
.L_overlay_start_2:
0x317: {  	(tag) =	ssettag $0x2  }
0x318: {  	s0 =	rddreg [dreg:$0x0];
	s2 =	stileid.u32  }
0x319: {  	s1 =	rddreg [dreg:$0x1];
	p0 =	sne.s32 s2, $0x0  }
0x31a: {  	s3 =	rddreg [dreg:$0x2];
	[bflag:$0x3] =	sbarrier.arrive $0xFFFF;
	s2 =	simm.s32 @!p0 $0x1C03  }
0x31b: {  	[timem:s3], [sflag:s2] =	dma.local @!p0 [hbm:s0], s1  }
0x31c: {  	s0 =	simm.s32 @!p0 $0x3  }
0x31d: {  	_ =	swait.ge @!p0 [sflag:s0], s1  }
0x31e: {  	s1 =	ssub.s32 @!p0 $0x0, s1;
	[sflag:s0] =	ssyncset.done @!p0 $0x0  }
0x31f: {  	[sflag:s0] =	ssyncadd.s32 @!p0 s1  }
0x320: {  	[bflag:$0x3] =	sbarrier.arrive $0xFFFF  }
0x321: {  	_ =	shalt  }

</sc_bundles>
